<compile_context>
chip_gen: v7x
topology: tpu7x:2x2x1
jax: 0.10.2.dev20260603
libtpu: 0.0.44.dev20260713+nightly
codegen_flags: <defaults>
</compile_context>

<pallas_src>
import functools

import jax
import jax.numpy as jnp
from jax import lax
from jax.experimental import pallas as pl
from jax.experimental.pallas import tpu as pltpu
from jax.experimental.pallas import tpu_sc as plsc

N = 10000
E = 320000
D = 128

NC = 2
NS = 16
NW = NC * NS

CH = 64
GB = 5
GRP = GB * CH
EPAD = ((E + NW * GRP - 1) // (NW * GRP)) * (NW * GRP)
EPW = EPAD // NW
NGTOT = EPAD // GRP
NG0 = NGTOT // NS
NP = NG0 // 2
NPAD = 10240
RPT = NPAD // NS

DGB = 8
DNG = EPW // (DGB * CH)

_mesh = plsc.VectorSubcoreMesh(core_axis_name="c", subcore_axis_name="s")


@functools.partial(
    pl.kernel,
    out_type=jax.ShapeDtypeStruct((NC, NPAD), jnp.float32),
    mesh=_mesh,
    scratch_types=[
        pltpu.VMEM((DNG, DGB, CH), jnp.int32),
        pltpu.VMEM((CH,), jnp.float32),
        pltpu.VMEM((RPT,), jnp.float32),
        pltpu.VMEM_SHARED((NPAD,), jnp.float32),
        pltpu.SemaphoreType.DMA,
    ],
)
def _sc_degree(dst_hbm, out_hbm, idx_v, ones_v, zeros_v, deg_sh, sem):
    c = lax.axis_index("c")
    s = lax.axis_index("s")
    wid = c * NS + s
    pltpu.sync_copy(dst_hbm.at[wid], idx_v)
    for i in range(CH // 16):
        ones_v[pl.ds(16 * i, 16)] = jnp.ones((16,), jnp.float32)
    for i in range(RPT // 16):
        zeros_v[pl.ds(16 * i, 16)] = jnp.zeros((16,), jnp.float32)
    pltpu.sync_copy(zeros_v, deg_sh.at[pl.ds(s * RPT, RPT)])
    plsc.subcore_barrier()

    def body(g, carry):
        cps = [
            pltpu.async_copy(ones_v, deg_sh.at[idx_v.at[g, b]], sem, add=True)
            for b in range(DGB)
        ]
        for cp in cps:
            cp.wait()
        return carry

    lax.fori_loop(0, DNG, body, 0)
    plsc.subcore_barrier()
    pltpu.sync_copy(deg_sh.at[pl.ds(s * RPT, RPT)], out_hbm.at[c, pl.ds(s * RPT, RPT)])


@functools.partial(
    pl.kernel,
    out_type=jax.ShapeDtypeStruct((NPAD, D), jnp.float32),
    mesh=_mesh,
    scratch_types=[
        pltpu.VMEM((2, 2, GB, CH), jnp.int32),
        pltpu.VMEM((GB, CH, D), jnp.float32),
        pltpu.VMEM_SHARED((NPAD, D), jnp.float32),
        pltpu.SemaphoreType.DMA,
        pltpu.SemaphoreType.DMA,
        pltpu.SemaphoreType.DMA,
    ],
)
def _sc_edge_sum(ei_hbm, g_hbm, out_hbm, idx_v, rows_v, acc_sh, semg, sems, semi):
    c = lax.axis_index("c")
    s = lax.axis_index("s")
    gbase = s * NG0

    @pl.when(c == 0)
    def _sc0_only():
        def zero_row(i, carry):
            for k in range(D // 16):
                rows_v[0, i, pl.ds(16 * k, 16)] = jnp.zeros((16,), jnp.float32)
            return carry

        lax.fori_loop(0, CH, zero_row, 0)
        for t in range(RPT // CH):
            pltpu.sync_copy(rows_v.at[0], acc_sh.at[pl.ds(s * RPT + t * CH, CH)])
        plsc.subcore_barrier()

        def process(slot):
            gcps = [
                pltpu.async_copy(g_hbm.at[idx_v.at[slot, 0, b]], rows_v.at[b], semg)
                for b in range(GB)
            ]
            scps = []
            for b in range(GB):
                gcps[b].wait()
                scps.append(
                    pltpu.async_copy(
                        rows_v.at[b], acc_sh.at[idx_v.at[slot, 1, b]], sems, add=True
                    )
                )
            for cp in scps:
                cp.wait()

        def wait_idx(slot):
            pltpu.make_async_copy(ei_hbm.at[:, 0], idx_v.at[slot], semi).wait()

        pltpu.sync_copy(ei_hbm.at[:, gbase], idx_v.at[0])
        pltpu.async_copy(ei_hbm.at[:, gbase + 1], idx_v.at[1], semi)

        def body(p, carry):
            process(0)
            wait_idx(1)

            @pl.when(p < NP - 1)
            def _():
                pltpu.async_copy(ei_hbm.at[:, gbase + 2 * p + 2], idx_v.at[0], semi)

            process(1)

            @pl.when(p < NP - 1)
            def _():
                wait_idx(0)
                pltpu.async_copy(ei_hbm.at[:, gbase + 2 * p + 3], idx_v.at[1], semi)

            return carry

        lax.fori_loop(0, NP, body, 0)
        plsc.subcore_barrier()
        pltpu.sync_copy(acc_sh.at[pl.ds(s * RPT, RPT)], out_hbm.at[pl.ds(s * RPT, RPT)])


BR = 1280


def _tc1_body(x_ref, w_ref, deg_ref, g_ref):
    dis = lax.rsqrt(deg_ref[0, :] + deg_ref[1, :] + 1.0)
    h = jnp.dot(x_ref[...], w_ref[...], preferred_element_type=jnp.float32)
    g_ref[...] = h * dis[:, None]


def _tc2_body(acc_ref, g1_ref, deg_ref, b_ref, w_ref, g2_ref):
    dis = lax.rsqrt(deg_ref[0, :] + deg_ref[1, :] + 1.0)
    tot = acc_ref[...] + g1_ref[...]
    h = jnp.maximum(tot * dis[:, None] + b_ref[...][None, :], 0.0)
    h2 = jnp.dot(h, w_ref[...], preferred_element_type=jnp.float32)
    g2_ref[...] = h2 * dis[:, None]


def _tc3_body(acc_ref, g2_ref, deg_ref, b_ref, out_ref):
    dis = lax.rsqrt(deg_ref[0, :] + deg_ref[1, :] + 1.0)
    tot = acc_ref[...] + g2_ref[...]
    out_ref[...] = jax.nn.sigmoid(tot * dis[:, None] + b_ref[...][None, :])


_GRID = NPAD // BR

_tc1 = pl.pallas_call(
    _tc1_body,
    grid=(_GRID,),
    in_specs=[
        pl.BlockSpec((BR, D), lambda i: (i, 0)),
        pl.BlockSpec((D, D), lambda i: (0, 0)),
        pl.BlockSpec((NC, BR), lambda i: (0, i)),
    ],
    out_specs=pl.BlockSpec((BR, D), lambda i: (i, 0)),
    out_shape=jax.ShapeDtypeStruct((NPAD, D), jnp.float32),
)

_tc2 = pl.pallas_call(
    _tc2_body,
    grid=(_GRID,),
    in_specs=[
        pl.BlockSpec((BR, D), lambda i: (i, 0)),
        pl.BlockSpec((BR, D), lambda i: (i, 0)),
        pl.BlockSpec((NC, BR), lambda i: (0, i)),
        pl.BlockSpec((D,), lambda i: (0,)),
        pl.BlockSpec((D, D), lambda i: (0, 0)),
    ],
    out_specs=pl.BlockSpec((BR, D), lambda i: (i, 0)),
    out_shape=jax.ShapeDtypeStruct((NPAD, D), jnp.float32),
)

_tc3 = pl.pallas_call(
    _tc3_body,
    grid=(_GRID,),
    in_specs=[
        pl.BlockSpec((BR, D), lambda i: (i, 0)),
        pl.BlockSpec((BR, D), lambda i: (i, 0)),
        pl.BlockSpec((NC, BR), lambda i: (0, i)),
        pl.BlockSpec((D,), lambda i: (0,)),
    ],
    out_specs=pl.BlockSpec((BR, D), lambda i: (i, 0)),
    out_shape=jax.ShapeDtypeStruct((NPAD, D), jnp.float32),
)


@jax.jit
def kernel(x, edge_index, W1, b1, W2, b2):
    padi = N + jnp.arange(EPAD - E, dtype=edge_index.dtype) % (NPAD - N)
    ei = jnp.concatenate([edge_index, jnp.stack([padi, padi])], axis=1)
    ei_g = ei.reshape(2, NGTOT, GB, CH)
    dst_g = ei[1].reshape(NW, DNG, DGB, CH)
    xp = jnp.pad(x, ((0, NPAD - N), (0, 0)))

    degp = _sc_degree(dst_g)
    g1 = _tc1(xp, W1, degp)
    acc1 = _sc_edge_sum(ei_g, g1)
    g2 = _tc2(acc1, g1, degp, b1, W2)
    acc2 = _sc_edge_sum(ei_g, g2)
    out = _tc3(acc2, g2, degp, b2)
    return out[:N]

# --- scband reference (transcript-rebuilt; emitter-appended) ---
"""Pipeline reference for scband-generator-v1-26405458936016 (READ-ONLY COPY).

The authoritative reference and input builder live on the scoring server;
editing this copy changes nothing except your own understanding.
"""

import jax, jax.numpy as jnp
import numpy as np

N = 10000
E = 320000
D_IN = 128
D_HID = 128
D_OUT = 128


def setup_inputs(seed: int = 0) -> dict:
    key = jax.random.key(seed)
    k1, k2, k3, k4, k5, k6 = jax.random.split(key, 6)
    x = jax.random.normal(k1, (N, D_IN), dtype=jnp.float32)
    edge_index = jax.random.randint(k2, (2, E), 0, N, dtype=jnp.int32)
    W1 = jax.random.normal(k3, (D_IN, D_HID), dtype=jnp.float32) * 0.05
    b1 = jnp.zeros((D_HID,), dtype=jnp.float32)
    W2 = jax.random.normal(k4, (D_HID, D_OUT), dtype=jnp.float32) * 0.05
    b2 = jnp.zeros((D_OUT,), dtype=jnp.float32)
    return {"x": x, "edge_index": edge_index, "W1": W1, "b1": b1, "W2": W2, "b2": b2}


def _gcn_conv(x, edge_index, W, b):
    # GCNConv with symmetric normalization and added self-loops:
    # out = D^{-1/2} (A + I) D^{-1/2} (x W) + b
    src = edge_index[0]
    dst = edge_index[1]
    loop = jnp.arange(N, dtype=src.dtype)
    src = jnp.concatenate([src, loop])
    dst = jnp.concatenate([dst, loop])
    ones = jnp.ones(src.shape[0], dtype=x.dtype)
    deg = jax.ops.segment_sum(ones, dst, num_segments=N)
    deg_inv_sqrt = jnp.where(deg > 0, jax.lax.rsqrt(deg), 0.0)
    norm = deg_inv_sqrt[src] * deg_inv_sqrt[dst]
    h = x @ W
    msg = h[src] * norm[:, None]
    out = jax.ops.segment_sum(msg, dst, num_segments=N)
    return out + b


def reference(x, edge_index, W1, b1, W2, b2):
    h = jax.nn.relu(_gcn_conv(x, edge_index, W1, b1))
    out = jax.nn.sigmoid(_gcn_conv(h, edge_index, W2, b2))
    return out

if __name__ == "__main__":
    import jax
    _d = setup_inputs()
    print(jax.jit(kernel)(*tuple(_d.values())))

</pallas_src>

<mosaic_0001>
#map = affine_map<(d0, d1) -> (0, 0, 0, 0)>
#map1 = affine_map<(d0, d1) -> (0, 0)>
module attributes {stable_mosaic.version = 14 : i64} {
  func.func @_sc_degree(%arg0: i32, %arg1: i32, %arg2: memref<32x20x8x64xi32, #tpu.memory_space<hbm>>, %arg3: memref<2x10240xf32, #tpu.memory_space<hbm>>, %arg4: memref<20x8x64xi32, #tpu.memory_space<vmem>>, %arg5: memref<64xf32, #tpu.memory_space<vmem>>, %arg6: memref<640xf32, #tpu.memory_space<vmem>>, %arg7: memref<10240xf32, #tpu.memory_space<vmem_shared>>, %arg8: memref<!tpu.dma_semaphore, #tpu.memory_space<semaphore_mem>>) attributes {dimension_semantics = [#tpu.dimension_semantics<core_parallel>, #tpu.dimension_semantics<subcore_parallel>], iteration_bounds = array<i64: 2, 16>, scalar_prefetch = 0 : i64, scratch_operands = 5 : i64, tpu.core_type = #tpu.core_type<sc_vector_subcore>, window_params = [{transform_indices = #map}, {transform_indices = #map1}]} {
    %mul3A = arith.constant 16 : i32
    %mul3A_0 = arith.muli %arg0, %mul3A : i32
    %add3A = arith.addi %mul3A_0, %arg1 : i32
    "tpu.region"() ({
      %run_scoped3A = tpu.sem_alloc : memref<!tpu.dma_semaphore, #tpu.memory_space<semaphore_mem>>
      %dma_start3A = arith.constant 0 : i32
      %dma_start3A_275 = arith.constant 0 : i32
      %dma_start3A_276 = arith.constant 0 : i32
      %dma_start3A_277 = tpu.memref_slice %arg2[%add3A, %dma_start3A, %dma_start3A_275, %dma_start3A_276] : memref<32x20x8x64xi32, #tpu.memory_space<hbm>> -> memref<1x20x8x64xi32, #tpu.memory_space<hbm>>
      %dma_start3A_278 = tpu.memref_squeeze %dma_start3A_277 : memref<1x20x8x64xi32, #tpu.memory_space<hbm>> -> memref<20x8x64xi32, #tpu.memory_space<hbm>>
      %dma_start3A_279 = arith.constant 0 : i32
      %dma_start3A_280 = arith.constant 0 : i32
      %dma_start3A_281 = arith.constant 0 : i32
      %dma_start3A_282 = tpu.memref_slice %arg2[%add3A, %dma_start3A_279, %dma_start3A_280, %dma_start3A_281] : memref<32x20x8x64xi32, #tpu.memory_space<hbm>> -> memref<1x20x8x64xi32, #tpu.memory_space<hbm>>
      %dma_start3A_283 = tpu.memref_squeeze %dma_start3A_282 : memref<1x20x8x64xi32, #tpu.memory_space<hbm>> -> memref<20x8x64xi32, #tpu.memory_space<hbm>>
      tpu.enqueue_dma source(%dma_start3A_283 : memref<20x8x64xi32, #tpu.memory_space<hbm>>) target(%arg4 : memref<20x8x64xi32, #tpu.memory_space<vmem>>) target_semaphore(%run_scoped3A : memref<!tpu.dma_semaphore, #tpu.memory_space<semaphore_mem>>)
      %dma_wait3A = arith.constant 0 : i32
      %dma_wait3A_284 = arith.constant 0 : i32
      %dma_wait3A_285 = arith.constant 0 : i32
      %dma_wait3A_286 = tpu.memref_slice %arg2[%add3A, %dma_wait3A, %dma_wait3A_284, %dma_wait3A_285] : memref<32x20x8x64xi32, #tpu.memory_space<hbm>> -> memref<1x20x8x64xi32, #tpu.memory_space<hbm>>
      %dma_wait3A_287 = tpu.memref_squeeze %dma_wait3A_286 : memref<1x20x8x64xi32, #tpu.memory_space<hbm>> -> memref<20x8x64xi32, #tpu.memory_space<hbm>>
      %dma_wait3A_288 = arith.constant 0 : i32
      %dma_wait3A_289 = arith.constant 0 : i32
      %dma_wait3A_290 = arith.constant 0 : i32
      %dma_wait3A_291 = tpu.memref_slice %arg2[%add3A, %dma_wait3A_288, %dma_wait3A_289, %dma_wait3A_290] : memref<32x20x8x64xi32, #tpu.memory_space<hbm>> -> memref<1x20x8x64xi32, #tpu.memory_space<hbm>>
      %dma_wait3A_292 = tpu.memref_squeeze %dma_wait3A_291 : memref<1x20x8x64xi32, #tpu.memory_space<hbm>> -> memref<20x8x64xi32, #tpu.memory_space<hbm>>
      tpu.wait_dma2 semaphore(%run_scoped3A : memref<!tpu.dma_semaphore, #tpu.memory_space<semaphore_mem>>) src(%dma_wait3A_292 : memref<20x8x64xi32, #tpu.memory_space<hbm>>) dst(%arg4 : memref<20x8x64xi32, #tpu.memory_space<vmem>>)
      tpu.yield
    }) : () -> ()
    %broadcast_in_dim3A = arith.constant 1.000000e+00 : f32
    %broadcast_in_dim3A_1 = vector.broadcast %broadcast_in_dim3A : f32 to vector<16xf32>
    %swap3A = arith.constant 0 : index
    %swap3A_2 = tpu.vector_load %arg5[%swap3A] {strides = array<i32>} : memref<64xf32, #tpu.memory_space<vmem>>, vector<16xf32>,
    %swap3A_3 = vector.shape_cast %swap3A_2 : vector<16xf32> to vector<16xf32>
    %swap3A_4 = vector.shape_cast %broadcast_in_dim3A_1 : vector<16xf32> to vector<16xf32>
    tpu.vector_store %arg5[%swap3A], %swap3A_4 {strides = array<i32>} : memref<64xf32, #tpu.memory_space<vmem>>, vector<16xf32>,
    %broadcast_in_dim3A_5 = arith.constant 1.000000e+00 : f32
    %broadcast_in_dim3A_6 = vector.broadcast %broadcast_in_dim3A_5 : f32 to vector<16xf32>
    %swap3A_7 = arith.constant 16 : index
    %swap3A_8 = tpu.vector_load %arg5[%swap3A_7] {strides = array<i32>} : memref<64xf32, #tpu.memory_space<vmem>>, vector<16xf32>,
    %swap3A_9 = vector.shape_cast %swap3A_8 : vector<16xf32> to vector<16xf32>
    %swap3A_10 = vector.shape_cast %broadcast_in_dim3A_6 : vector<16xf32> to vector<16xf32>
    tpu.vector_store %arg5[%swap3A_7], %swap3A_10 {strides = array<i32>} : memref<64xf32, #tpu.memory_space<vmem>>, vector<16xf32>,
    %broadcast_in_dim3A_11 = arith.constant 1.000000e+00 : f32
    %broadcast_in_dim3A_12 = vector.broadcast %broadcast_in_dim3A_11 : f32 to vector<16xf32>
    %swap3A_13 = arith.constant 32 : index
    %swap3A_14 = tpu.vector_load %arg5[%swap3A_13] {strides = array<i32>} : memref<64xf32, #tpu.memory_space<vmem>>, vector<16xf32>,
    %swap3A_15 = vector.shape_cast %swap3A_14 : vector<16xf32> to vector<16xf32>
    %swap3A_16 = vector.shape_cast %broadcast_in_dim3A_12 : vector<16xf32> to vector<16xf32>
    tpu.vector_store %arg5[%swap3A_13], %swap3A_16 {strides = array<i32>} : memref<64xf32, #tpu.memory_space<vmem>>, vector<16xf32>,
    %broadcast_in_dim3A_17 = arith.constant 1.000000e+00 : f32
    %broadcast_in_dim3A_18 = vector.broadcast %broadcast_in_dim3A_17 : f32 to vector<16xf32>
    %swap3A_19 = arith.constant 48 : index
    %swap3A_20 = tpu.vector_load %arg5[%swap3A_19] {strides = array<i32>} : memref<64xf32, #tpu.memory_space<vmem>>, vector<16xf32>,
    %swap3A_21 = vector.shape_cast %swap3A_20 : vector<16xf32> to vector<16xf32>
    %swap3A_22 = vector.shape_cast %broadcast_in_dim3A_18 : vector<16xf32> to vector<16xf32>
    tpu.vector_store %arg5[%swap3A_19], %swap3A_22 {strides = array<i32>} : memref<64xf32, #tpu.memory_space<vmem>>, vector<16xf32>,
    %broadcast_in_dim3A_23 = arith.constant 0.000000e+00 : f32
    %broadcast_in_dim3A_24 = vector.broadcast %broadcast_in_dim3A_23 : f32 to vector<16xf32>
    %swap3A_25 = arith.constant 0 : index
    %swap3A_26 = tpu.vector_load %arg6[%swap3A_25] {strides = array<i32>} : memref<640xf32, #tpu.memory_space<vmem>>, vector<16xf32>,
    %swap3A_27 = vector.shape_cast %swap3A_26 : vector<16xf32> to vector<16xf32>
    %swap3A_28 = vector.shape_cast %broadcast_in_dim3A_24 : vector<16xf32> to vector<16xf32>
    tpu.vector_store %arg6[%swap3A_25], %swap3A_28 {strides = array<i32>} : memref<640xf32, #tpu.memory_space<vmem>>, vector<16xf32>,
    %broadcast_in_dim3A_29 = arith.constant 0.000000e+00 : f32
    %broadcast_in_dim3A_30 = vector.broadcast %broadcast_in_dim3A_29 : f32 to vector<16xf32>
    %swap3A_31 = arith.constant 16 : index
    %swap3A_32 = tpu.vector_load %arg6[%swap3A_31] {strides = array<i32>} : memref<640xf32, #tpu.memory_space<vmem>>, vector<16xf32>,
    %swap3A_33 = vector.shape_cast %swap3A_32 : vector<16xf32> to vector<16xf32>
    %swap3A_34 = vector.shape_cast %broadcast_in_dim3A_30 : vector<16xf32> to vector<16xf32>
    tpu.vector_store %arg6[%swap3A_31], %swap3A_34 {strides = array<i32>} : memref<640xf32, #tpu.memory_space<vmem>>, vector<16xf32>,
    %broadcast_in_dim3A_35 = arith.constant 0.000000e+00 : f32
    %broadcast_in_dim3A_36 = vector.broadcast %broadcast_in_dim3A_35 : f32 to vector<16xf32>
    %swap3A_37 = arith.constant 32 : index
    %swap3A_38 = tpu.vector_load %arg6[%swap3A_37] {strides = array<i32>} : memref<640xf32, #tpu.memory_space<vmem>>, vector<16xf32>,
    %swap3A_39 = vector.shape_cast %swap3A_38 : vector<16xf32> to vector<16xf32>
    %swap3A_40 = vector.shape_cast %broadcast_in_dim3A_36 : vector<16xf32> to vector<16xf32>
    tpu.vector_store %arg6[%swap3A_37], %swap3A_40 {strides = array<i32>} : memref<640xf32, #tpu.memory_space<vmem>>, vector<16xf32>,
    %broadcast_in_dim3A_41 = arith.constant 0.000000e+00 : f32
    %broadcast_in_dim3A_42 = vector.broadcast %broadcast_in_dim3A_41 : f32 to vector<16xf32>
    %swap3A_43 = arith.constant 48 : index
    %swap3A_44 = tpu.vector_load %arg6[%swap3A_43] {strides = array<i32>} : memref<640xf32, #tpu.memory_space<vmem>>, vector<16xf32>,
    %swap3A_45 = vector.shape_cast %swap3A_44 : vector<16xf32> to vector<16xf32>
    %swap3A_46 = vector.shape_cast %broadcast_in_dim3A_42 : vector<16xf32> to vector<16xf32>
    tpu.vector_store %arg6[%swap3A_43], %swap3A_46 {strides = array<i32>} : memref<640xf32, #tpu.memory_space<vmem>>, vector<16xf32>,
    %broadcast_in_dim3A_47 = arith.constant 0.000000e+00 : f32
    %broadcast_in_dim3A_48 = vector.broadcast %broadcast_in_dim3A_47 : f32 to vector<16xf32>
    %swap3A_49 = arith.constant 64 : index
    %swap3A_50 = tpu.vector_load %arg6[%swap3A_49] {strides = array<i32>} : memref<640xf32, #tpu.memory_space<vmem>>, vector<16xf32>,
    %swap3A_51 = vector.shape_cast %swap3A_50 : vector<16xf32> to vector<16xf32>
    %swap3A_52 = vector.shape_cast %broadcast_in_dim3A_48 : vector<16xf32> to vector<16xf32>
    tpu.vector_store %arg6[%swap3A_49], %swap3A_52 {strides = array<i32>} : memref<640xf32, #tpu.memory_space<vmem>>, vector<16xf32>,
    %broadcast_in_dim3A_53 = arith.constant 0.000000e+00 : f32
    %broadcast_in_dim3A_54 = vector.broadcast %broadcast_in_dim3A_53 : f32 to vector<16xf32>
    %swap3A_55 = arith.constant 80 : index
    %swap3A_56 = tpu.vector_load %arg6[%swap3A_55] {strides = array<i32>} : memref<640xf32, #tpu.memory_space<vmem>>, vector<16xf32>,
    %swap3A_57 = vector.shape_cast %swap3A_56 : vector<16xf32> to vector<16xf32>
    %swap3A_58 = vector.shape_cast %broadcast_in_dim3A_54 : vector<16xf32> to vector<16xf32>
    tpu.vector_store %arg6[%swap3A_55], %swap3A_58 {strides = array<i32>} : memref<640xf32, #tpu.memory_space<vmem>>, vector<16xf32>,
    %broadcast_in_dim3A_59 = arith.constant 0.000000e+00 : f32
    %broadcast_in_dim3A_60 = vector.broadcast %broadcast_in_dim3A_59 : f32 to vector<16xf32>
    %swap3A_61 = arith.constant 96 : index
    %swap3A_62 = tpu.vector_load %arg6[%swap3A_61] {strides = array<i32>} : memref<640xf32, #tpu.memory_space<vmem>>, vector<16xf32>,
    %swap3A_63 = vector.shape_cast %swap3A_62 : vector<16xf32> to vector<16xf32>
    %swap3A_64 = vector.shape_cast %broadcast_in_dim3A_60 : vector<16xf32> to vector<16xf32>
    tpu.vector_store %arg6[%swap3A_61], %swap3A_64 {strides = array<i32>} : memref<640xf32, #tpu.memory_space<vmem>>, vector<16xf32>,
    %broadcast_in_dim3A_65 = arith.constant 0.000000e+00 : f32
    %broadcast_in_dim3A_66 = vector.broadcast %broadcast_in_dim3A_65 : f32 to vector<16xf32>
    %swap3A_67 = arith.constant 112 : index
    %swap3A_68 = tpu.vector_load %arg6[%swap3A_67] {strides = array<i32>} : memref<640xf32, #tpu.memory_space<vmem>>, vector<16xf32>,
    %swap3A_69 = vector.shape_cast %swap3A_68 : vector<16xf32> to vector<16xf32>
    %swap3A_70 = vector.shape_cast %broadcast_in_dim3A_66 : vector<16xf32> to vector<16xf32>
    tpu.vector_store %arg6[%swap3A_67], %swap3A_70 {strides = array<i32>} : memref<640xf32, #tpu.memory_space<vmem>>, vector<16xf32>,
    %broadcast_in_dim3A_71 = arith.constant 0.000000e+00 : f32
    %broadcast_in_dim3A_72 = vector.broadcast %broadcast_in_dim3A_71 : f32 to vector<16xf32>
    %swap3A_73 = arith.constant 128 : index
    %swap3A_74 = tpu.vector_load %arg6[%swap3A_73] {strides = array<i32>} : memref<640xf32, #tpu.memory_space<vmem>>, vector<16xf32>,
    %swap3A_75 = vector.shape_cast %swap3A_74 : vector<16xf32> to vector<16xf32>
    %swap3A_76 = vector.shape_cast %broadcast_in_dim3A_72 : vector<16xf32> to vector<16xf32>
    tpu.vector_store %arg6[%swap3A_73], %swap3A_76 {strides = array<i32>} : memref<640xf32, #tpu.memory_space<vmem>>, vector<16xf32>,
    %broadcast_in_dim3A_77 = arith.constant 0.000000e+00 : f32
    %broadcast_in_dim3A_78 = vector.broadcast %broadcast_in_dim3A_77 : f32 to vector<16xf32>
    %swap3A_79 = arith.constant 144 : index
    %swap3A_80 = tpu.vector_load %arg6[%swap3A_79] {strides = array<i32>} : memref<640xf32, #tpu.memory_space<vmem>>, vector<16xf32>,
    %swap3A_81 = vector.shape_cast %swap3A_80 : vector<16xf32> to vector<16xf32>
    %swap3A_82 = vector.shape_cast %broadcast_in_dim3A_78 : vector<16xf32> to vector<16xf32>
    tpu.vector_store %arg6[%swap3A_79], %swap3A_82 {strides = array<i32>} : memref<640xf32, #tpu.memory_space<vmem>>, vector<16xf32>,
    %broadcast_in_dim3A_83 = arith.constant 0.000000e+00 : f32
    %broadcast_in_dim3A_84 = vector.broadcast %broadcast_in_dim3A_83 : f32 to vector<16xf32>
    %swap3A_85 = arith.constant 160 : index
    %swap3A_86 = tpu.vector_load %arg6[%swap3A_85] {strides = array<i32>} : memref<640xf32, #tpu.memory_space<vmem>>, vector<16xf32>,
    %swap3A_87 = vector.shape_cast %swap3A_86 : vector<16xf32> to vector<16xf32>
    %swap3A_88 = vector.shape_cast %broadcast_in_dim3A_84 : vector<16xf32> to vector<16xf32>
    tpu.vector_store %arg6[%swap3A_85], %swap3A_88 {strides = array<i32>} : memref<640xf32, #tpu.memory_space<vmem>>, vector<16xf32>,
    %broadcast_in_dim3A_89 = arith.constant 0.000000e+00 : f32
    %broadcast_in_dim3A_90 = vector.broadcast %broadcast_in_dim3A_89 : f32 to vector<16xf32>
    %swap3A_91 = arith.constant 176 : index
    %swap3A_92 = tpu.vector_load %arg6[%swap3A_91] {strides = array<i32>} : memref<640xf32, #tpu.memory_space<vmem>>, vector<16xf32>,
    %swap3A_93 = vector.shape_cast %swap3A_92 : vector<16xf32> to vector<16xf32>
    %swap3A_94 = vector.shape_cast %broadcast_in_dim3A_90 : vector<16xf32> to vector<16xf32>
    tpu.vector_store %arg6[%swap3A_91], %swap3A_94 {strides = array<i32>} : memref<640xf32, #tpu.memory_space<vmem>>, vector<16xf32>,
    %broadcast_in_dim3A_95 = arith.constant 0.000000e+00 : f32
    %broadcast_in_dim3A_96 = vector.broadcast %broadcast_in_dim3A_95 : f32 to vector<16xf32>
    %swap3A_97 = arith.constant 192 : index
    %swap3A_98 = tpu.vector_load %arg6[%swap3A_97] {strides = array<i32>} : memref<640xf32, #tpu.memory_space<vmem>>, vector<16xf32>,
    %swap3A_99 = vector.shape_cast %swap3A_98 : vector<16xf32> to vector<16xf32>
    %swap3A_100 = vector.shape_cast %broadcast_in_dim3A_96 : vector<16xf32> to vector<16xf32>
    tpu.vector_store %arg6[%swap3A_97], %swap3A_100 {strides = array<i32>} : memref<640xf32, #tpu.memory_space<vmem>>, vector<16xf32>,
    %broadcast_in_dim3A_101 = arith.constant 0.000000e+00 : f32
    %broadcast_in_dim3A_102 = vector.broadcast %broadcast_in_dim3A_101 : f32 to vector<16xf32>
    %swap3A_103 = arith.constant 208 : index
    %swap3A_104 = tpu.vector_load %arg6[%swap3A_103] {strides = array<i32>} : memref<640xf32, #tpu.memory_space<vmem>>, vector<16xf32>,
    %swap3A_105 = vector.shape_cast %swap3A_104 : vector<16xf32> to vector<16xf32>
    %swap3A_106 = vector.shape_cast %broadcast_in_dim3A_102 : vector<16xf32> to vector<16xf32>
    tpu.vector_store %arg6[%swap3A_103], %swap3A_106 {strides = array<i32>} : memref<640xf32, #tpu.memory_space<vmem>>, vector<16xf32>,
    %broadcast_in_dim3A_107 = arith.constant 0.000000e+00 : f32
    %broadcast_in_dim3A_108 = vector.broadcast %broadcast_in_dim3A_107 : f32 to vector<16xf32>
    %swap3A_109 = arith.constant 224 : index
    %swap3A_110 = tpu.vector_load %arg6[%swap3A_109] {strides = array<i32>} : memref<640xf32, #tpu.memory_space<vmem>>, vector<16xf32>,
    %swap3A_111 = vector.shape_cast %swap3A_110 : vector<16xf32> to vector<16xf32>
    %swap3A_112 = vector.shape_cast %broadcast_in_dim3A_108 : vector<16xf32> to vector<16xf32>
    tpu.vector_store %arg6[%swap3A_109], %swap3A_112 {strides = array<i32>} : memref<640xf32, #tpu.memory_space<vmem>>, vector<16xf32>,
    %broadcast_in_dim3A_113 = arith.constant 0.000000e+00 : f32
    %broadcast_in_dim3A_114 = vector.broadcast %broadcast_in_dim3A_113 : f32 to vector<16xf32>
    %swap3A_115 = arith.constant 240 : index
    %swap3A_116 = tpu.vector_load %arg6[%swap3A_115] {strides = array<i32>} : memref<640xf32, #tpu.memory_space<vmem>>, vector<16xf32>,
    %swap3A_117 = vector.shape_cast %swap3A_116 : vector<16xf32> to vector<16xf32>
    %swap3A_118 = vector.shape_cast %broadcast_in_dim3A_114 : vector<16xf32> to vector<16xf32>
    tpu.vector_store %arg6[%swap3A_115], %swap3A_118 {strides = array<i32>} : memref<640xf32, #tpu.memory_space<vmem>>, vector<16xf32>,
    %broadcast_in_dim3A_119 = arith.constant 0.000000e+00 : f32
    %broadcast_in_dim3A_120 = vector.broadcast %broadcast_in_dim3A_119 : f32 to vector<16xf32>
    %swap3A_121 = arith.constant 256 : index
    %swap3A_122 = tpu.vector_load %arg6[%swap3A_121] {strides = array<i32>} : memref<640xf32, #tpu.memory_space<vmem>>, vector<16xf32>,
    %swap3A_123 = vector.shape_cast %swap3A_122 : vector<16xf32> to vector<16xf32>
    %swap3A_124 = vector.shape_cast %broadcast_in_dim3A_120 : vector<16xf32> to vector<16xf32>
    tpu.vector_store %arg6[%swap3A_121], %swap3A_124 {strides = array<i32>} : memref<640xf32, #tpu.memory_space<vmem>>, vector<16xf32>,
    %broadcast_in_dim3A_125 = arith.constant 0.000000e+00 : f32
    %broadcast_in_dim3A_126 = vector.broadcast %broadcast_in_dim3A_125 : f32 to vector<16xf32>
    %swap3A_127 = arith.constant 272 : index
    %swap3A_128 = tpu.vector_load %arg6[%swap3A_127] {strides = array<i32>} : memref<640xf32, #tpu.memory_space<vmem>>, vector<16xf32>,
    %swap3A_129 = vector.shape_cast %swap3A_128 : vector<16xf32> to vector<16xf32>
    %swap3A_130 = vector.shape_cast %broadcast_in_dim3A_126 : vector<16xf32> to vector<16xf32>
    tpu.vector_store %arg6[%swap3A_127], %swap3A_130 {strides = array<i32>} : memref<640xf32, #tpu.memory_space<vmem>>, vector<16xf32>,
    %broadcast_in_dim3A_131 = arith.constant 0.000000e+00 : f32
    %broadcast_in_dim3A_132 = vector.broadcast %broadcast_in_dim3A_131 : f32 to vector<16xf32>
    %swap3A_133 = arith.constant 288 : index
    %swap3A_134 = tpu.vector_load %arg6[%swap3A_133] {strides = array<i32>} : memref<640xf32, #tpu.memory_space<vmem>>, vector<16xf32>,
    %swap3A_135 = vector.shape_cast %swap3A_134 : vector<16xf32> to vector<16xf32>
    %swap3A_136 = vector.shape_cast %broadcast_in_dim3A_132 : vector<16xf32> to vector<16xf32>
    tpu.vector_store %arg6[%swap3A_133], %swap3A_136 {strides = array<i32>} : memref<640xf32, #tpu.memory_space<vmem>>, vector<16xf32>,
    %broadcast_in_dim3A_137 = arith.constant 0.000000e+00 : f32
    %broadcast_in_dim3A_138 = vector.broadcast %broadcast_in_dim3A_137 : f32 to vector<16xf32>
    %swap3A_139 = arith.constant 304 : index
    %swap3A_140 = tpu.vector_load %arg6[%swap3A_139] {strides = array<i32>} : memref<640xf32, #tpu.memory_space<vmem>>, vector<16xf32>,
    %swap3A_141 = vector.shape_cast %swap3A_140 : vector<16xf32> to vector<16xf32>
    %swap3A_142 = vector.shape_cast %broadcast_in_dim3A_138 : vector<16xf32> to vector<16xf32>
    tpu.vector_store %arg6[%swap3A_139], %swap3A_142 {strides = array<i32>} : memref<640xf32, #tpu.memory_space<vmem>>, vector<16xf32>,
    %broadcast_in_dim3A_143 = arith.constant 0.000000e+00 : f32
    %broadcast_in_dim3A_144 = vector.broadcast %broadcast_in_dim3A_143 : f32 to vector<16xf32>
    %swap3A_145 = arith.constant 320 : index
    %swap3A_146 = tpu.vector_load %arg6[%swap3A_145] {strides = array<i32>} : memref<640xf32, #tpu.memory_space<vmem>>, vector<16xf32>,
    %swap3A_147 = vector.shape_cast %swap3A_146 : vector<16xf32> to vector<16xf32>
    %swap3A_148 = vector.shape_cast %broadcast_in_dim3A_144 : vector<16xf32> to vector<16xf32>
    tpu.vector_store %arg6[%swap3A_145], %swap3A_148 {strides = array<i32>} : memref<640xf32, #tpu.memory_space<vmem>>, vector<16xf32>,
    %broadcast_in_dim3A_149 = arith.constant 0.000000e+00 : f32
    %broadcast_in_dim3A_150 = vector.broadcast %broadcast_in_dim3A_149 : f32 to vector<16xf32>
    %swap3A_151 = arith.constant 336 : index
    %swap3A_152 = tpu.vector_load %arg6[%swap3A_151] {strides = array<i32>} : memref<640xf32, #tpu.memory_space<vmem>>, vector<16xf32>,
    %swap3A_153 = vector.shape_cast %swap3A_152 : vector<16xf32> to vector<16xf32>
    %swap3A_154 = vector.shape_cast %broadcast_in_dim3A_150 : vector<16xf32> to vector<16xf32>
    tpu.vector_store %arg6[%swap3A_151], %swap3A_154 {strides = array<i32>} : memref<640xf32, #tpu.memory_space<vmem>>, vector<16xf32>,
    %broadcast_in_dim3A_155 = arith.constant 0.000000e+00 : f32
    %broadcast_in_dim3A_156 = vector.broadcast %broadcast_in_dim3A_155 : f32 to vector<16xf32>
    %swap3A_157 = arith.constant 352 : index
    %swap3A_158 = tpu.vector_load %arg6[%swap3A_157] {strides = array<i32>} : memref<640xf32, #tpu.memory_space<vmem>>, vector<16xf32>,
    %swap3A_159 = vector.shape_cast %swap3A_158 : vector<16xf32> to vector<16xf32>
    %swap3A_160 = vector.shape_cast %broadcast_in_dim3A_156 : vector<16xf32> to vector<16xf32>
    tpu.vector_store %arg6[%swap3A_157], %swap3A_160 {strides = array<i32>} : memref<640xf32, #tpu.memory_space<vmem>>, vector<16xf32>,
    %broadcast_in_dim3A_161 = arith.constant 0.000000e+00 : f32
    %broadcast_in_dim3A_162 = vector.broadcast %broadcast_in_dim3A_161 : f32 to vector<16xf32>
    %swap3A_163 = arith.constant 368 : index
    %swap3A_164 = tpu.vector_load %arg6[%swap3A_163] {strides = array<i32>} : memref<640xf32, #tpu.memory_space<vmem>>, vector<16xf32>,
    %swap3A_165 = vector.shape_cast %swap3A_164 : vector<16xf32> to vector<16xf32>
    %swap3A_166 = vector.shape_cast %broadcast_in_dim3A_162 : vector<16xf32> to vector<16xf32>
    tpu.vector_store %arg6[%swap3A_163], %swap3A_166 {strides = array<i32>} : memref<640xf32, #tpu.memory_space<vmem>>, vector<16xf32>,
    %broadcast_in_dim3A_167 = arith.constant 0.000000e+00 : f32
    %broadcast_in_dim3A_168 = vector.broadcast %broadcast_in_dim3A_167 : f32 to vector<16xf32>
    %swap3A_169 = arith.constant 384 : index
    %swap3A_170 = tpu.vector_load %arg6[%swap3A_169] {strides = array<i32>} : memref<640xf32, #tpu.memory_space<vmem>>, vector<16xf32>,
    %swap3A_171 = vector.shape_cast %swap3A_170 : vector<16xf32> to vector<16xf32>
    %swap3A_172 = vector.shape_cast %broadcast_in_dim3A_168 : vector<16xf32> to vector<16xf32>
    tpu.vector_store %arg6[%swap3A_169], %swap3A_172 {strides = array<i32>} : memref<640xf32, #tpu.memory_space<vmem>>, vector<16xf32>,
    %broadcast_in_dim3A_173 = arith.constant 0.000000e+00 : f32
    %broadcast_in_dim3A_174 = vector.broadcast %broadcast_in_dim3A_173 : f32 to vector<16xf32>
    %swap3A_175 = arith.constant 400 : index
    %swap3A_176 = tpu.vector_load %arg6[%swap3A_175] {strides = array<i32>} : memref<640xf32, #tpu.memory_space<vmem>>, vector<16xf32>,
    %swap3A_177 = vector.shape_cast %swap3A_176 : vector<16xf32> to vector<16xf32>
    %swap3A_178 = vector.shape_cast %broadcast_in_dim3A_174 : vector<16xf32> to vector<16xf32>
    tpu.vector_store %arg6[%swap3A_175], %swap3A_178 {strides = array<i32>} : memref<640xf32, #tpu.memory_space<vmem>>, vector<16xf32>,
    %broadcast_in_dim3A_179 = arith.constant 0.000000e+00 : f32
    %broadcast_in_dim3A_180 = vector.broadcast %broadcast_in_dim3A_179 : f32 to vector<16xf32>
    %swap3A_181 = arith.constant 416 : index
    %swap3A_182 = tpu.vector_load %arg6[%swap3A_181] {strides = array<i32>} : memref<640xf32, #tpu.memory_space<vmem>>, vector<16xf32>,
    %swap3A_183 = vector.shape_cast %swap3A_182 : vector<16xf32> to vector<16xf32>
    %swap3A_184 = vector.shape_cast %broadcast_in_dim3A_180 : vector<16xf32> to vector<16xf32>
    tpu.vector_store %arg6[%swap3A_181], %swap3A_184 {strides = array<i32>} : memref<640xf32, #tpu.memory_space<vmem>>, vector<16xf32>,
    %broadcast_in_dim3A_185 = arith.constant 0.000000e+00 : f32
    %broadcast_in_dim3A_186 = vector.broadcast %broadcast_in_dim3A_185 : f32 to vector<16xf32>
    %swap3A_187 = arith.constant 432 : index
    %swap3A_188 = tpu.vector_load %arg6[%swap3A_187] {strides = array<i32>} : memref<640xf32, #tpu.memory_space<vmem>>, vector<16xf32>,
    %swap3A_189 = vector.shape_cast %swap3A_188 : vector<16xf32> to vector<16xf32>
    %swap3A_190 = vector.shape_cast %broadcast_in_dim3A_186 : vector<16xf32> to vector<16xf32>
    tpu.vector_store %arg6[%swap3A_187], %swap3A_190 {strides = array<i32>} : memref<640xf32, #tpu.memory_space<vmem>>, vector<16xf32>,
    %broadcast_in_dim3A_191 = arith.constant 0.000000e+00 : f32
    %broadcast_in_dim3A_192 = vector.broadcast %broadcast_in_dim3A_191 : f32 to vector<16xf32>
    %swap3A_193 = arith.constant 448 : index
    %swap3A_194 = tpu.vector_load %arg6[%swap3A_193] {strides = array<i32>} : memref<640xf32, #tpu.memory_space<vmem>>, vector<16xf32>,
    %swap3A_195 = vector.shape_cast %swap3A_194 : vector<16xf32> to vector<16xf32>
    %swap3A_196 = vector.shape_cast %broadcast_in_dim3A_192 : vector<16xf32> to vector<16xf32>
    tpu.vector_store %arg6[%swap3A_193], %swap3A_196 {strides = array<i32>} : memref<640xf32, #tpu.memory_space<vmem>>, vector<16xf32>,
    %broadcast_in_dim3A_197 = arith.constant 0.000000e+00 : f32
    %broadcast_in_dim3A_198 = vector.broadcast %broadcast_in_dim3A_197 : f32 to vector<16xf32>
    %swap3A_199 = arith.constant 464 : index
    %swap3A_200 = tpu.vector_load %arg6[%swap3A_199] {strides = array<i32>} : memref<640xf32, #tpu.memory_space<vmem>>, vector<16xf32>,
    %swap3A_201 = vector.shape_cast %swap3A_200 : vector<16xf32> to vector<16xf32>
    %swap3A_202 = vector.shape_cast %broadcast_in_dim3A_198 : vector<16xf32> to vector<16xf32>
    tpu.vector_store %arg6[%swap3A_199], %swap3A_202 {strides = array<i32>} : memref<640xf32, #tpu.memory_space<vmem>>, vector<16xf32>,
    %broadcast_in_dim3A_203 = arith.constant 0.000000e+00 : f32
    %broadcast_in_dim3A_204 = vector.broadcast %broadcast_in_dim3A_203 : f32 to vector<16xf32>
    %swap3A_205 = arith.constant 480 : index
    %swap3A_206 = tpu.vector_load %arg6[%swap3A_205] {strides = array<i32>} : memref<640xf32, #tpu.memory_space<vmem>>, vector<16xf32>,
    %swap3A_207 = vector.shape_cast %swap3A_206 : vector<16xf32> to vector<16xf32>
    %swap3A_208 = vector.shape_cast %broadcast_in_dim3A_204 : vector<16xf32> to vector<16xf32>
    tpu.vector_store %arg6[%swap3A_205], %swap3A_208 {strides = array<i32>} : memref<640xf32, #tpu.memory_space<vmem>>, vector<16xf32>,
    %broadcast_in_dim3A_209 = arith.constant 0.000000e+00 : f32
    %broadcast_in_dim3A_210 = vector.broadcast %broadcast_in_dim3A_209 : f32 to vector<16xf32>
    %swap3A_211 = arith.constant 496 : index
    %swap3A_212 = tpu.vector_load %arg6[%swap3A_211] {strides = array<i32>} : memref<640xf32, #tpu.memory_space<vmem>>, vector<16xf32>,
    %swap3A_213 = vector.shape_cast %swap3A_212 : vector<16xf32> to vector<16xf32>
    %swap3A_214 = vector.shape_cast %broadcast_in_dim3A_210 : vector<16xf32> to vector<16xf32>
    tpu.vector_store %arg6[%swap3A_211], %swap3A_214 {strides = array<i32>} : memref<640xf32, #tpu.memory_space<vmem>>, vector<16xf32>,
    %broadcast_in_dim3A_215 = arith.constant 0.000000e+00 : f32
    %broadcast_in_dim3A_216 = vector.broadcast %broadcast_in_dim3A_215 : f32 to vector<16xf32>
    %swap3A_217 = arith.constant 512 : index
    %swap3A_218 = tpu.vector_load %arg6[%swap3A_217] {strides = array<i32>} : memref<640xf32, #tpu.memory_space<vmem>>, vector<16xf32>,
    %swap3A_219 = vector.shape_cast %swap3A_218 : vector<16xf32> to vector<16xf32>
    %swap3A_220 = vector.shape_cast %broadcast_in_dim3A_216 : vector<16xf32> to vector<16xf32>
    tpu.vector_store %arg6[%swap3A_217], %swap3A_220 {strides = array<i32>} : memref<640xf32, #tpu.memory_space<vmem>>, vector<16xf32>,
    %broadcast_in_dim3A_221 = arith.constant 0.000000e+00 : f32
    %broadcast_in_dim3A_222 = vector.broadcast %broadcast_in_dim3A_221 : f32 to vector<16xf32>
    %swap3A_223 = arith.constant 528 : index
    %swap3A_224 = tpu.vector_load %arg6[%swap3A_223] {strides = array<i32>} : memref<640xf32, #tpu.memory_space<vmem>>, vector<16xf32>,
    %swap3A_225 = vector.shape_cast %swap3A_224 : vector<16xf32> to vector<16xf32>
    %swap3A_226 = vector.shape_cast %broadcast_in_dim3A_222 : vector<16xf32> to vector<16xf32>
    tpu.vector_store %arg6[%swap3A_223], %swap3A_226 {strides = array<i32>} : memref<640xf32, #tpu.memory_space<vmem>>, vector<16xf32>,
    %broadcast_in_dim3A_227 = arith.constant 0.000000e+00 : f32
    %broadcast_in_dim3A_228 = vector.broadcast %broadcast_in_dim3A_227 : f32 to vector<16xf32>
    %swap3A_229 = arith.constant 544 : index
    %swap3A_230 = tpu.vector_load %arg6[%swap3A_229] {strides = array<i32>} : memref<640xf32, #tpu.memory_space<vmem>>, vector<16xf32>,
    %swap3A_231 = vector.shape_cast %swap3A_230 : vector<16xf32> to vector<16xf32>
    %swap3A_232 = vector.shape_cast %broadcast_in_dim3A_228 : vector<16xf32> to vector<16xf32>
    tpu.vector_store %arg6[%swap3A_229], %swap3A_232 {strides = array<i32>} : memref<640xf32, #tpu.memory_space<vmem>>, vector<16xf32>,
    %broadcast_in_dim3A_233 = arith.constant 0.000000e+00 : f32
    %broadcast_in_dim3A_234 = vector.broadcast %broadcast_in_dim3A_233 : f32 to vector<16xf32>
    %swap3A_235 = arith.constant 560 : index
    %swap3A_236 = tpu.vector_load %arg6[%swap3A_235] {strides = array<i32>} : memref<640xf32, #tpu.memory_space<vmem>>, vector<16xf32>,
    %swap3A_237 = vector.shape_cast %swap3A_236 : vector<16xf32> to vector<16xf32>
    %swap3A_238 = vector.shape_cast %broadcast_in_dim3A_234 : vector<16xf32> to vector<16xf32>
    tpu.vector_store %arg6[%swap3A_235], %swap3A_238 {strides = array<i32>} : memref<640xf32, #tpu.memory_space<vmem>>, vector<16xf32>,
    %broadcast_in_dim3A_239 = arith.constant 0.000000e+00 : f32
    %broadcast_in_dim3A_240 = vector.broadcast %broadcast_in_dim3A_239 : f32 to vector<16xf32>
    %swap3A_241 = arith.constant 576 : index
    %swap3A_242 = tpu.vector_load %arg6[%swap3A_241] {strides = array<i32>} : memref<640xf32, #tpu.memory_space<vmem>>, vector<16xf32>,
    %swap3A_243 = vector.shape_cast %swap3A_242 : vector<16xf32> to vector<16xf32>
    %swap3A_244 = vector.shape_cast %broadcast_in_dim3A_240 : vector<16xf32> to vector<16xf32>
    tpu.vector_store %arg6[%swap3A_241], %swap3A_244 {strides = array<i32>} : memref<640xf32, #tpu.memory_space<vmem>>, vector<16xf32>,
    %broadcast_in_dim3A_245 = arith.constant 0.000000e+00 : f32
    %broadcast_in_dim3A_246 = vector.broadcast %broadcast_in_dim3A_245 : f32 to vector<16xf32>
    %swap3A_247 = arith.constant 592 : index
    %swap3A_248 = tpu.vector_load %arg6[%swap3A_247] {strides = array<i32>} : memref<640xf32, #tpu.memory_space<vmem>>, vector<16xf32>,
    %swap3A_249 = vector.shape_cast %swap3A_248 : vector<16xf32> to vector<16xf32>
    %swap3A_250 = vector.shape_cast %broadcast_in_dim3A_246 : vector<16xf32> to vector<16xf32>
    tpu.vector_store %arg6[%swap3A_247], %swap3A_250 {strides = array<i32>} : memref<640xf32, #tpu.memory_space<vmem>>, vector<16xf32>,
    %broadcast_in_dim3A_251 = arith.constant 0.000000e+00 : f32
    %broadcast_in_dim3A_252 = vector.broadcast %broadcast_in_dim3A_251 : f32 to vector<16xf32>
    %swap3A_253 = arith.constant 608 : index
    %swap3A_254 = tpu.vector_load %arg6[%swap3A_253] {strides = array<i32>} : memref<640xf32, #tpu.memory_space<vmem>>, vector<16xf32>,
    %swap3A_255 = vector.shape_cast %swap3A_254 : vector<16xf32> to vector<16xf32>
    %swap3A_256 = vector.shape_cast %broadcast_in_dim3A_252 : vector<16xf32> to vector<16xf32>
    tpu.vector_store %arg6[%swap3A_253], %swap3A_256 {strides = array<i32>} : memref<640xf32, #tpu.memory_space<vmem>>, vector<16xf32>,
    %broadcast_in_dim3A_257 = arith.constant 0.000000e+00 : f32
    %broadcast_in_dim3A_258 = vector.broadcast %broadcast_in_dim3A_257 : f32 to vector<16xf32>
    %swap3A_259 = arith.constant 624 : index
    %swap3A_260 = tpu.vector_load %arg6[%swap3A_259] {strides = array<i32>} : memref<640xf32, #tpu.memory_space<vmem>>, vector<16xf32>,
    %swap3A_261 = vector.shape_cast %swap3A_260 : vector<16xf32> to vector<16xf32>
    %swap3A_262 = vector.shape_cast %broadcast_in_dim3A_258 : vector<16xf32> to vector<16xf32>
    tpu.vector_store %arg6[%swap3A_259], %swap3A_262 {strides = array<i32>} : memref<640xf32, #tpu.memory_space<vmem>>, vector<16xf32>,
    %mul3A_263 = arith.constant 640 : i32
    %mul3A_264 = arith.muli %arg1, %mul3A_263 : i32
    "tpu.region"() ({
      %run_scoped3A = tpu.sem_alloc : memref<!tpu.dma_semaphore, #tpu.memory_space<semaphore_mem>>
      %dma_start3A = tpu.memref_slice %arg7[%mul3A_264] : memref<10240xf32, #tpu.memory_space<vmem_shared>> -> memref<640xf32, #tpu.memory_space<vmem_shared>>
      %dma_start3A_275 = tpu.memref_slice %arg7[%mul3A_264] : memref<10240xf32, #tpu.memory_space<vmem_shared>> -> memref<640xf32, #tpu.memory_space<vmem_shared>>
      tpu.enqueue_dma source(%arg6 : memref<640xf32, #tpu.memory_space<vmem>>) target(%dma_start3A_275 : memref<640xf32, #tpu.memory_space<vmem_shared>>) target_semaphore(%run_scoped3A : memref<!tpu.dma_semaphore, #tpu.memory_space<semaphore_mem>>)
      %dma_wait3A = tpu.memref_slice %arg7[%mul3A_264] : memref<10240xf32, #tpu.memory_space<vmem_shared>> -> memref<640xf32, #tpu.memory_space<vmem_shared>>
      %dma_wait3A_276 = tpu.memref_slice %arg7[%mul3A_264] : memref<10240xf32, #tpu.memory_space<vmem_shared>> -> memref<640xf32, #tpu.memory_space<vmem_shared>>
      tpu.wait_dma2 semaphore(%run_scoped3A : memref<!tpu.dma_semaphore, #tpu.memory_space<semaphore_mem>>) src(%arg6 : memref<640xf32, #tpu.memory_space<vmem>>) dst(%dma_wait3A_276 : memref<640xf32, #tpu.memory_space<vmem_shared>>)
      tpu.yield
    }) : () -> ()
    %barrier3A = arith.constant 0 : index
    tpu.barrier barrier_id(%barrier3A)
    %scan3A = arith.constant 0 : i32
    %scan3A_265 = arith.constant 0 : i32
    %scan3A_266 = arith.constant 20 : i32
    %scan3A_267 = arith.addi %scan3A_265, %scan3A_266 : i32
    %scan3A_268 = arith.constant 1 : i32
    scf.for %scan3A_275 = %scan3A_265 to %scan3A_267 step %scan3A_268  : i32 {
      %dma_start3A = arith.constant 0 : i32
      %dma_start3A_276 = arith.constant 0 : i32
      %dma_start3A_277 = tpu.memref_slice %arg4[%scan3A_275, %dma_start3A, %dma_start3A_276] : memref<20x8x64xi32, #tpu.memory_space<vmem>> -> memref<1x1x64xi32, #tpu.memory_space<vmem>>
      %dma_start3A_278 = tpu.memref_squeeze %dma_start3A_277 : memref<1x1x64xi32, #tpu.memory_space<vmem>> -> memref<64xi32, #tpu.memory_space<vmem>>
      %dma_start3A_279 = arith.constant 0 : i32
      %dma_start3A_280 = tpu.memref_slice %arg7[%dma_start3A_279] : memref<10240xf32, #tpu.memory_space<vmem_shared>> -> memref<10240xf32, #tpu.memory_space<vmem_shared>>
      tpu.enqueue_indirect_dma source(%arg5 : memref<64xf32, #tpu.memory_space<vmem>>) target(%dma_start3A_280 : memref<10240xf32, #tpu.memory_space<vmem_shared>>) offsets(%dma_start3A_278 : memref<64xi32, #tpu.memory_space<vmem>>) semaphore(%arg8 : memref<!tpu.dma_semaphore, #tpu.memory_space<semaphore_mem>>) {add = true}
      %dma_start3A_281 = arith.constant 1 : i32
      %dma_start3A_282 = arith.constant 0 : i32
      %dma_start3A_283 = tpu.memref_slice %arg4[%scan3A_275, %dma_start3A_281, %dma_start3A_282] : memref<20x8x64xi32, #tpu.memory_space<vmem>> -> memref<1x1x64xi32, #tpu.memory_space<vmem>>
      %dma_start3A_284 = tpu.memref_squeeze %dma_start3A_283 : memref<1x1x64xi32, #tpu.memory_space<vmem>> -> memref<64xi32, #tpu.memory_space<vmem>>
      %dma_start3A_285 = arith.constant 0 : i32
      %dma_start3A_286 = tpu.memref_slice %arg7[%dma_start3A_285] : memref<10240xf32, #tpu.memory_space<vmem_shared>> -> memref<10240xf32, #tpu.memory_space<vmem_shared>>
      tpu.enqueue_indirect_dma source(%arg5 : memref<64xf32, #tpu.memory_space<vmem>>) target(%dma_start3A_286 : memref<10240xf32, #tpu.memory_space<vmem_shared>>) offsets(%dma_start3A_284 : memref<64xi32, #tpu.memory_space<vmem>>) semaphore(%arg8 : memref<!tpu.dma_semaphore, #tpu.memory_space<semaphore_mem>>) {add = true}
      %dma_start3A_287 = arith.constant 2 : i32
      %dma_start3A_288 = arith.constant 0 : i32
      %dma_start3A_289 = tpu.memref_slice %arg4[%scan3A_275, %dma_start3A_287, %dma_start3A_288] : memref<20x8x64xi32, #tpu.memory_space<vmem>> -> memref<1x1x64xi32, #tpu.memory_space<vmem>>
      %dma_start3A_290 = tpu.memref_squeeze %dma_start3A_289 : memref<1x1x64xi32, #tpu.memory_space<vmem>> -> memref<64xi32, #tpu.memory_space<vmem>>
      %dma_start3A_291 = arith.constant 0 : i32
      %dma_start3A_292 = tpu.memref_slice %arg7[%dma_start3A_291] : memref<10240xf32, #tpu.memory_space<vmem_shared>> -> memref<10240xf32, #tpu.memory_space<vmem_shared>>
      tpu.enqueue_indirect_dma source(%arg5 : memref<64xf32, #tpu.memory_space<vmem>>) target(%dma_start3A_292 : memref<10240xf32, #tpu.memory_space<vmem_shared>>) offsets(%dma_start3A_290 : memref<64xi32, #tpu.memory_space<vmem>>) semaphore(%arg8 : memref<!tpu.dma_semaphore, #tpu.memory_space<semaphore_mem>>) {add = true}
      %dma_start3A_293 = arith.constant 3 : i32
      %dma_start3A_294 = arith.constant 0 : i32
      %dma_start3A_295 = tpu.memref_slice %arg4[%scan3A_275, %dma_start3A_293, %dma_start3A_294] : memref<20x8x64xi32, #tpu.memory_space<vmem>> -> memref<1x1x64xi32, #tpu.memory_space<vmem>>
      %dma_start3A_296 = tpu.memref_squeeze %dma_start3A_295 : memref<1x1x64xi32, #tpu.memory_space<vmem>> -> memref<64xi32, #tpu.memory_space<vmem>>
      %dma_start3A_297 = arith.constant 0 : i32
      %dma_start3A_298 = tpu.memref_slice %arg7[%dma_start3A_297] : memref<10240xf32, #tpu.memory_space<vmem_shared>> -> memref<10240xf32, #tpu.memory_space<vmem_shared>>
      tpu.enqueue_indirect_dma source(%arg5 : memref<64xf32, #tpu.memory_space<vmem>>) target(%dma_start3A_298 : memref<10240xf32, #tpu.memory_space<vmem_shared>>) offsets(%dma_start3A_296 : memref<64xi32, #tpu.memory_space<vmem>>) semaphore(%arg8 : memref<!tpu.dma_semaphore, #tpu.memory_space<semaphore_mem>>) {add = true}
      %dma_start3A_299 = arith.constant 4 : i32
      %dma_start3A_300 = arith.constant 0 : i32
      %dma_start3A_301 = tpu.memref_slice %arg4[%scan3A_275, %dma_start3A_299, %dma_start3A_300] : memref<20x8x64xi32, #tpu.memory_space<vmem>> -> memref<1x1x64xi32, #tpu.memory_space<vmem>>
      %dma_start3A_302 = tpu.memref_squeeze %dma_start3A_301 : memref<1x1x64xi32, #tpu.memory_space<vmem>> -> memref<64xi32, #tpu.memory_space<vmem>>
      %dma_start3A_303 = arith.constant 0 : i32
      %dma_start3A_304 = tpu.memref_slice %arg7[%dma_start3A_303] : memref<10240xf32, #tpu.memory_space<vmem_shared>> -> memref<10240xf32, #tpu.memory_space<vmem_shared>>
      tpu.enqueue_indirect_dma source(%arg5 : memref<64xf32, #tpu.memory_space<vmem>>) target(%dma_start3A_304 : memref<10240xf32, #tpu.memory_space<vmem_shared>>) offsets(%dma_start3A_302 : memref<64xi32, #tpu.memory_space<vmem>>) semaphore(%arg8 : memref<!tpu.dma_semaphore, #tpu.memory_space<semaphore_mem>>) {add = true}
      %dma_start3A_305 = arith.constant 5 : i32
      %dma_start3A_306 = arith.constant 0 : i32
      %dma_start3A_307 = tpu.memref_slice %arg4[%scan3A_275, %dma_start3A_305, %dma_start3A_306] : memref<20x8x64xi32, #tpu.memory_space<vmem>> -> memref<1x1x64xi32, #tpu.memory_space<vmem>>
      %dma_start3A_308 = tpu.memref_squeeze %dma_start3A_307 : memref<1x1x64xi32, #tpu.memory_space<vmem>> -> memref<64xi32, #tpu.memory_space<vmem>>
      %dma_start3A_309 = arith.constant 0 : i32
      %dma_start3A_310 = tpu.memref_slice %arg7[%dma_start3A_309] : memref<10240xf32, #tpu.memory_space<vmem_shared>> -> memref<10240xf32, #tpu.memory_space<vmem_shared>>
      tpu.enqueue_indirect_dma source(%arg5 : memref<64xf32, #tpu.memory_space<vmem>>) target(%dma_start3A_310 : memref<10240xf32, #tpu.memory_space<vmem_shared>>) offsets(%dma_start3A_308 : memref<64xi32, #tpu.memory_space<vmem>>) semaphore(%arg8 : memref<!tpu.dma_semaphore, #tpu.memory_space<semaphore_mem>>) {add = true}
      %dma_start3A_311 = arith.constant 6 : i32
      %dma_start3A_312 = arith.constant 0 : i32
      %dma_start3A_313 = tpu.memref_slice %arg4[%scan3A_275, %dma_start3A_311, %dma_start3A_312] : memref<20x8x64xi32, #tpu.memory_space<vmem>> -> memref<1x1x64xi32, #tpu.memory_space<vmem>>
      %dma_start3A_314 = tpu.memref_squeeze %dma_start3A_313 : memref<1x1x64xi32, #tpu.memory_space<vmem>> -> memref<64xi32, #tpu.memory_space<vmem>>
      %dma_start3A_315 = arith.constant 0 : i32
      %dma_start3A_316 = tpu.memref_slice %arg7[%dma_start3A_315] : memref<10240xf32, #tpu.memory_space<vmem_shared>> -> memref<10240xf32, #tpu.memory_space<vmem_shared>>
      tpu.enqueue_indirect_dma source(%arg5 : memref<64xf32, #tpu.memory_space<vmem>>) target(%dma_start3A_316 : memref<10240xf32, #tpu.memory_space<vmem_shared>>) offsets(%dma_start3A_314 : memref<64xi32, #tpu.memory_space<vmem>>) semaphore(%arg8 : memref<!tpu.dma_semaphore, #tpu.memory_space<semaphore_mem>>) {add = true}
      %dma_start3A_317 = arith.constant 7 : i32
      %dma_start3A_318 = arith.constant 0 : i32
      %dma_start3A_319 = tpu.memref_slice %arg4[%scan3A_275, %dma_start3A_317, %dma_start3A_318] : memref<20x8x64xi32, #tpu.memory_space<vmem>> -> memref<1x1x64xi32, #tpu.memory_space<vmem>>
      %dma_start3A_320 = tpu.memref_squeeze %dma_start3A_319 : memref<1x1x64xi32, #tpu.memory_space<vmem>> -> memref<64xi32, #tpu.memory_space<vmem>>
      %dma_start3A_321 = arith.constant 0 : i32
      %dma_start3A_322 = tpu.memref_slice %arg7[%dma_start3A_321] : memref<10240xf32, #tpu.memory_space<vmem_shared>> -> memref<10240xf32, #tpu.memory_space<vmem_shared>>
      tpu.enqueue_indirect_dma source(%arg5 : memref<64xf32, #tpu.memory_space<vmem>>) target(%dma_start3A_322 : memref<10240xf32, #tpu.memory_space<vmem_shared>>) offsets(%dma_start3A_320 : memref<64xi32, #tpu.memory_space<vmem>>) semaphore(%arg8 : memref<!tpu.dma_semaphore, #tpu.memory_space<semaphore_mem>>) {add = true}
      %dma_wait3A = arith.constant 0 : i32
      %dma_wait3A_323 = arith.constant 0 : i32
      %dma_wait3A_324 = tpu.memref_slice %arg4[%scan3A_275, %dma_wait3A, %dma_wait3A_323] : memref<20x8x64xi32, #tpu.memory_space<vmem>> -> memref<1x1x64xi32, #tpu.memory_space<vmem>>
      %dma_wait3A_325 = tpu.memref_squeeze %dma_wait3A_324 : memref<1x1x64xi32, #tpu.memory_space<vmem>> -> memref<64xi32, #tpu.memory_space<vmem>>
      %dma_wait3A_326 = arith.constant 0 : i32
      %dma_wait3A_327 = tpu.memref_slice %arg7[%dma_wait3A_326] : memref<10240xf32, #tpu.memory_space<vmem_shared>> -> memref<10240xf32, #tpu.memory_space<vmem_shared>>
      tpu.wait_indirect_dma semaphore(%arg8 : memref<!tpu.dma_semaphore, #tpu.memory_space<semaphore_mem>>) src(%arg5 : memref<64xf32, #tpu.memory_space<vmem>>) dst(%dma_wait3A_327 : memref<10240xf32, #tpu.memory_space<vmem_shared>>)
      %dma_wait3A_328 = arith.constant 1 : i32
      %dma_wait3A_329 = arith.constant 0 : i32
      %dma_wait3A_330 = tpu.memref_slice %arg4[%scan3A_275, %dma_wait3A_328, %dma_wait3A_329] : memref<20x8x64xi32, #tpu.memory_space<vmem>> -> memref<1x1x64xi32, #tpu.memory_space<vmem>>
      %dma_wait3A_331 = tpu.memref_squeeze %dma_wait3A_330 : memref<1x1x64xi32, #tpu.memory_space<vmem>> -> memref<64xi32, #tpu.memory_space<vmem>>
      %dma_wait3A_332 = arith.constant 0 : i32
      %dma_wait3A_333 = tpu.memref_slice %arg7[%dma_wait3A_332] : memref<10240xf32, #tpu.memory_space<vmem_shared>> -> memref<10240xf32, #tpu.memory_space<vmem_shared>>
      tpu.wait_indirect_dma semaphore(%arg8 : memref<!tpu.dma_semaphore, #tpu.memory_space<semaphore_mem>>) src(%arg5 : memref<64xf32, #tpu.memory_space<vmem>>) dst(%dma_wait3A_333 : memref<10240xf32, #tpu.memory_space<vmem_shared>>)
      %dma_wait3A_334 = arith.constant 2 : i32
      %dma_wait3A_335 = arith.constant 0 : i32
      %dma_wait3A_336 = tpu.memref_slice %arg4[%scan3A_275, %dma_wait3A_334, %dma_wait3A_335] : memref<20x8x64xi32, #tpu.memory_space<vmem>> -> memref<1x1x64xi32, #tpu.memory_space<vmem>>
      %dma_wait3A_337 = tpu.memref_squeeze %dma_wait3A_336 : memref<1x1x64xi32, #tpu.memory_space<vmem>> -> memref<64xi32, #tpu.memory_space<vmem>>
      %dma_wait3A_338 = arith.constant 0 : i32
      %dma_wait3A_339 = tpu.memref_slice %arg7[%dma_wait3A_338] : memref<10240xf32, #tpu.memory_space<vmem_shared>> -> memref<10240xf32, #tpu.memory_space<vmem_shared>>
      tpu.wait_indirect_dma semaphore(%arg8 : memref<!tpu.dma_semaphore, #tpu.memory_space<semaphore_mem>>) src(%arg5 : memref<64xf32, #tpu.memory_space<vmem>>) dst(%dma_wait3A_339 : memref<10240xf32, #tpu.memory_space<vmem_shared>>)
      %dma_wait3A_340 = arith.constant 3 : i32
      %dma_wait3A_341 = arith.constant 0 : i32
      %dma_wait3A_342 = tpu.memref_slice %arg4[%scan3A_275, %dma_wait3A_340, %dma_wait3A_341] : memref<20x8x64xi32, #tpu.memory_space<vmem>> -> memref<1x1x64xi32, #tpu.memory_space<vmem>>
      %dma_wait3A_343 = tpu.memref_squeeze %dma_wait3A_342 : memref<1x1x64xi32, #tpu.memory_space<vmem>> -> memref<64xi32, #tpu.memory_space<vmem>>
      %dma_wait3A_344 = arith.constant 0 : i32
      %dma_wait3A_345 = tpu.memref_slice %arg7[%dma_wait3A_344] : memref<10240xf32, #tpu.memory_space<vmem_shared>> -> memref<10240xf32, #tpu.memory_space<vmem_shared>>
      tpu.wait_indirect_dma semaphore(%arg8 : memref<!tpu.dma_semaphore, #tpu.memory_space<semaphore_mem>>) src(%arg5 : memref<64xf32, #tpu.memory_space<vmem>>) dst(%dma_wait3A_345 : memref<10240xf32, #tpu.memory_space<vmem_shared>>)
      %dma_wait3A_346 = arith.constant 4 : i32
      %dma_wait3A_347 = arith.constant 0 : i32
      %dma_wait3A_348 = tpu.memref_slice %arg4[%scan3A_275, %dma_wait3A_346, %dma_wait3A_347] : memref<20x8x64xi32, #tpu.memory_space<vmem>> -> memref<1x1x64xi32, #tpu.memory_space<vmem>>
      %dma_wait3A_349 = tpu.memref_squeeze %dma_wait3A_348 : memref<1x1x64xi32, #tpu.memory_space<vmem>> -> memref<64xi32, #tpu.memory_space<vmem>>
      %dma_wait3A_350 = arith.constant 0 : i32
      %dma_wait3A_351 = tpu.memref_slice %arg7[%dma_wait3A_350] : memref<10240xf32, #tpu.memory_space<vmem_shared>> -> memref<10240xf32, #tpu.memory_space<vmem_shared>>
      tpu.wait_indirect_dma semaphore(%arg8 : memref<!tpu.dma_semaphore, #tpu.memory_space<semaphore_mem>>) src(%arg5 : memref<64xf32, #tpu.memory_space<vmem>>) dst(%dma_wait3A_351 : memref<10240xf32, #tpu.memory_space<vmem_shared>>)
      %dma_wait3A_352 = arith.constant 5 : i32
      %dma_wait3A_353 = arith.constant 0 : i32
      %dma_wait3A_354 = tpu.memref_slice %arg4[%scan3A_275, %dma_wait3A_352, %dma_wait3A_353] : memref<20x8x64xi32, #tpu.memory_space<vmem>> -> memref<1x1x64xi32, #tpu.memory_space<vmem>>
      %dma_wait3A_355 = tpu.memref_squeeze %dma_wait3A_354 : memref<1x1x64xi32, #tpu.memory_space<vmem>> -> memref<64xi32, #tpu.memory_space<vmem>>
      %dma_wait3A_356 = arith.constant 0 : i32
      %dma_wait3A_357 = tpu.memref_slice %arg7[%dma_wait3A_356] : memref<10240xf32, #tpu.memory_space<vmem_shared>> -> memref<10240xf32, #tpu.memory_space<vmem_shared>>
      tpu.wait_indirect_dma semaphore(%arg8 : memref<!tpu.dma_semaphore, #tpu.memory_space<semaphore_mem>>) src(%arg5 : memref<64xf32, #tpu.memory_space<vmem>>) dst(%dma_wait3A_357 : memref<10240xf32, #tpu.memory_space<vmem_shared>>)
      %dma_wait3A_358 = arith.constant 6 : i32
      %dma_wait3A_359 = arith.constant 0 : i32
      %dma_wait3A_360 = tpu.memref_slice %arg4[%scan3A_275, %dma_wait3A_358, %dma_wait3A_359] : memref<20x8x64xi32, #tpu.memory_space<vmem>> -> memref<1x1x64xi32, #tpu.memory_space<vmem>>
      %dma_wait3A_361 = tpu.memref_squeeze %dma_wait3A_360 : memref<1x1x64xi32, #tpu.memory_space<vmem>> -> memref<64xi32, #tpu.memory_space<vmem>>
      %dma_wait3A_362 = arith.constant 0 : i32
      %dma_wait3A_363 = tpu.memref_slice %arg7[%dma_wait3A_362] : memref<10240xf32, #tpu.memory_space<vmem_shared>> -> memref<10240xf32, #tpu.memory_space<vmem_shared>>
      tpu.wait_indirect_dma semaphore(%arg8 : memref<!tpu.dma_semaphore, #tpu.memory_space<semaphore_mem>>) src(%arg5 : memref<64xf32, #tpu.memory_space<vmem>>) dst(%dma_wait3A_363 : memref<10240xf32, #tpu.memory_space<vmem_shared>>)
      %dma_wait3A_364 = arith.constant 7 : i32
      %dma_wait3A_365 = arith.constant 0 : i32
      %dma_wait3A_366 = tpu.memref_slice %arg4[%scan3A_275, %dma_wait3A_364, %dma_wait3A_365] : memref<20x8x64xi32, #tpu.memory_space<vmem>> -> memref<1x1x64xi32, #tpu.memory_space<vmem>>
      %dma_wait3A_367 = tpu.memref_squeeze %dma_wait3A_366 : memref<1x1x64xi32, #tpu.memory_space<vmem>> -> memref<64xi32, #tpu.memory_space<vmem>>
      %dma_wait3A_368 = arith.constant 0 : i32
      %dma_wait3A_369 = tpu.memref_slice %arg7[%dma_wait3A_368] : memref<10240xf32, #tpu.memory_space<vmem_shared>> -> memref<10240xf32, #tpu.memory_space<vmem_shared>>
      tpu.wait_indirect_dma semaphore(%arg8 : memref<!tpu.dma_semaphore, #tpu.memory_space<semaphore_mem>>) src(%arg5 : memref<64xf32, #tpu.memory_space<vmem>>) dst(%dma_wait3A_369 : memref<10240xf32, #tpu.memory_space<vmem_shared>>)
    }
    %scan3A_269 = arith.constant 20 : i32
    %barrier3A_270 = arith.constant 0 : index
    tpu.barrier barrier_id(%barrier3A_270)
    %mul3A_271 = arith.constant 640 : i32
    %mul3A_272 = arith.muli %arg1, %mul3A_271 : i32
    %mul3A_273 = arith.constant 640 : i32
    %mul3A_274 = arith.muli %arg1, %mul3A_273 : i32
    "tpu.region"() ({
      %run_scoped3A = tpu.sem_alloc : memref<!tpu.dma_semaphore, #tpu.memory_space<semaphore_mem>>
      %dma_start3A = tpu.memref_slice %arg3[%arg0, %mul3A_274] : memref<2x10240xf32, #tpu.memory_space<hbm>> -> memref<1x640xf32, #tpu.memory_space<hbm>>
      %dma_start3A_275 = tpu.memref_squeeze %dma_start3A : memref<1x640xf32, #tpu.memory_space<hbm>> -> memref<640xf32, #tpu.memory_space<hbm>>
      %dma_start3A_276 = tpu.memref_slice %arg7[%mul3A_272] : memref<10240xf32, #tpu.memory_space<vmem_shared>> -> memref<640xf32, #tpu.memory_space<vmem_shared>>
      tpu.enqueue_dma source(%dma_start3A_276 : memref<640xf32, #tpu.memory_space<vmem_shared>>) target(%dma_start3A_275 : memref<640xf32, #tpu.memory_space<hbm>>) target_semaphore(%run_scoped3A : memref<!tpu.dma_semaphore, #tpu.memory_space<semaphore_mem>>)
      %dma_wait3A = tpu.memref_slice %arg3[%arg0, %mul3A_274] : memref<2x10240xf32, #tpu.memory_space<hbm>> -> memref<1x640xf32, #tpu.memory_space<hbm>>
      %dma_wait3A_277 = tpu.memref_squeeze %dma_wait3A : memref<1x640xf32, #tpu.memory_space<hbm>> -> memref<640xf32, #tpu.memory_space<hbm>>
      %dma_wait3A_278 = tpu.memref_slice %arg7[%mul3A_272] : memref<10240xf32, #tpu.memory_space<vmem_shared>> -> memref<640xf32, #tpu.memory_space<vmem_shared>>
      tpu.wait_dma2 semaphore(%run_scoped3A : memref<!tpu.dma_semaphore, #tpu.memory_space<semaphore_mem>>) src(%dma_wait3A_278 : memref<640xf32, #tpu.memory_space<vmem_shared>>) dst(%dma_wait3A_277 : memref<640xf32, #tpu.memory_space<hbm>>)
      tpu.yield
    }) : () -> ()
    return
  }
}

#map = affine_map<(d0, d1) -> (0, 0, 0, 0)>
#map1 = affine_map<(d0, d1) -> (0, 0)>
module attributes {stable_mosaic.version = 14 : i64} {
  func.func @_sc_edge_sum(%arg0: i32, %arg1: i32, %arg2: memref<2x1024x5x64xi32, #tpu.memory_space<hbm>>, %arg3: memref<10240x128xf32, #tpu.memory_space<hbm>>, %arg4: memref<10240x128xf32, #tpu.memory_space<hbm>>, %arg5: memref<2x2x5x64xi32, #tpu.memory_space<vmem>>, %arg6: memref<5x64x128xf32, #tpu.memory_space<vmem>>, %arg7: memref<10240x128xf32, #tpu.memory_space<vmem_shared>>, %arg8: memref<!tpu.dma_semaphore, #tpu.memory_space<semaphore_mem>>, %arg9: memref<!tpu.dma_semaphore, #tpu.memory_space<semaphore_mem>>, %arg10: memref<!tpu.dma_semaphore, #tpu.memory_space<semaphore_mem>>) attributes {dimension_semantics = [#tpu.dimension_semantics<core_parallel>, #tpu.dimension_semantics<subcore_parallel>], iteration_bounds = array<i64: 2, 16>, scalar_prefetch = 0 : i64, scratch_operands = 6 : i64, tpu.core_type = #tpu.core_type<sc_vector_subcore>, window_params = [{transform_indices = #map}, {transform_indices = #map1}, {transform_indices = #map1}]} {
    %mul3A = arith.constant 64 : i32
    %mul3A_0 = arith.muli %arg1, %mul3A : i32
    %eq3A = arith.constant 0 : i32
    %eq3A_1 = arith.cmpi eq, %arg0, %eq3A : i32
    %convert_element_type3A = arith.extui %eq3A_1 : i1 to i32
    %cond3A = arith.constant 0 : i32
    %cond3A_2 = arith.cmpi ne, %convert_element_type3A, %cond3A : i32
    scf.if %cond3A_2 {
      %scan3A = arith.constant 0 : i32
      %scan3A_3 = arith.constant 0 : i32
      %scan3A_4 = arith.constant 64 : i32
      %scan3A_5 = arith.addi %scan3A_3, %scan3A_4 : i32
      %scan3A_6 = arith.constant 1 : i32
      scf.for %scan3A_90 = %scan3A_3 to %scan3A_5 step %scan3A_6  : i32 {
        %broadcast_in_dim3A = arith.constant 0.000000e+00 : f32
        %broadcast_in_dim3A_91 = vector.broadcast %broadcast_in_dim3A : f32 to vector<16xf32>
        %swap3A = arith.constant 0 : i32
        %swap3A_92 = arith.index_cast %swap3A : i32 to index
        %swap3A_93 = arith.index_cast %scan3A_90 : i32 to index
        %swap3A_94 = arith.constant 0 : index
        %swap3A_95 = tpu.vector_load %arg6[%swap3A_92, %swap3A_93, %swap3A_94] {strides = array<i32>} : memref<5x64x128xf32, #tpu.memory_space<vmem>>, vector<1x1x16xf32>,
        %swap3A_96 = vector.shape_cast %swap3A_95 : vector<1x1x16xf32> to vector<16xf32>
        %swap3A_97 = vector.shape_cast %broadcast_in_dim3A_91 : vector<16xf32> to vector<1x1x16xf32>
        tpu.vector_store %arg6[%swap3A_92, %swap3A_93, %swap3A_94], %swap3A_97 {strides = array<i32>} : memref<5x64x128xf32, #tpu.memory_space<vmem>>, vector<1x1x16xf32>,
        %broadcast_in_dim3A_98 = arith.constant 0.000000e+00 : f32
        %broadcast_in_dim3A_99 = vector.broadcast %broadcast_in_dim3A_98 : f32 to vector<16xf32>
        %swap3A_100 = arith.constant 0 : i32
        %swap3A_101 = arith.index_cast %swap3A_100 : i32 to index
        %swap3A_102 = arith.index_cast %scan3A_90 : i32 to index
        %swap3A_103 = arith.constant 16 : index
        %swap3A_104 = tpu.vector_load %arg6[%swap3A_101, %swap3A_102, %swap3A_103] {strides = array<i32>} : memref<5x64x128xf32, #tpu.memory_space<vmem>>, vector<1x1x16xf32>,
        %swap3A_105 = vector.shape_cast %swap3A_104 : vector<1x1x16xf32> to vector<16xf32>
        %swap3A_106 = vector.shape_cast %broadcast_in_dim3A_99 : vector<16xf32> to vector<1x1x16xf32>
        tpu.vector_store %arg6[%swap3A_101, %swap3A_102, %swap3A_103], %swap3A_106 {strides = array<i32>} : memref<5x64x128xf32, #tpu.memory_space<vmem>>, vector<1x1x16xf32>,
        %broadcast_in_dim3A_107 = arith.constant 0.000000e+00 : f32
        %broadcast_in_dim3A_108 = vector.broadcast %broadcast_in_dim3A_107 : f32 to vector<16xf32>
        %swap3A_109 = arith.constant 0 : i32
        %swap3A_110 = arith.index_cast %swap3A_109 : i32 to index
        %swap3A_111 = arith.index_cast %scan3A_90 : i32 to index
        %swap3A_112 = arith.constant 32 : index
        %swap3A_113 = tpu.vector_load %arg6[%swap3A_110, %swap3A_111, %swap3A_112] {strides = array<i32>} : memref<5x64x128xf32, #tpu.memory_space<vmem>>, vector<1x1x16xf32>,
        %swap3A_114 = vector.shape_cast %swap3A_113 : vector<1x1x16xf32> to vector<16xf32>
        %swap3A_115 = vector.shape_cast %broadcast_in_dim3A_108 : vector<16xf32> to vector<1x1x16xf32>
        tpu.vector_store %arg6[%swap3A_110, %swap3A_111, %swap3A_112], %swap3A_115 {strides = array<i32>} : memref<5x64x128xf32, #tpu.memory_space<vmem>>, vector<1x1x16xf32>,
        %broadcast_in_dim3A_116 = arith.constant 0.000000e+00 : f32
        %broadcast_in_dim3A_117 = vector.broadcast %broadcast_in_dim3A_116 : f32 to vector<16xf32>
        %swap3A_118 = arith.constant 0 : i32
        %swap3A_119 = arith.index_cast %swap3A_118 : i32 to index
        %swap3A_120 = arith.index_cast %scan3A_90 : i32 to index
        %swap3A_121 = arith.constant 48 : index
        %swap3A_122 = tpu.vector_load %arg6[%swap3A_119, %swap3A_120, %swap3A_121] {strides = array<i32>} : memref<5x64x128xf32, #tpu.memory_space<vmem>>, vector<1x1x16xf32>,
        %swap3A_123 = vector.shape_cast %swap3A_122 : vector<1x1x16xf32> to vector<16xf32>
        %swap3A_124 = vector.shape_cast %broadcast_in_dim3A_117 : vector<16xf32> to vector<1x1x16xf32>
        tpu.vector_store %arg6[%swap3A_119, %swap3A_120, %swap3A_121], %swap3A_124 {strides = array<i32>} : memref<5x64x128xf32, #tpu.memory_space<vmem>>, vector<1x1x16xf32>,
        %broadcast_in_dim3A_125 = arith.constant 0.000000e+00 : f32
        %broadcast_in_dim3A_126 = vector.broadcast %broadcast_in_dim3A_125 : f32 to vector<16xf32>
        %swap3A_127 = arith.constant 0 : i32
        %swap3A_128 = arith.index_cast %swap3A_127 : i32 to index
        %swap3A_129 = arith.index_cast %scan3A_90 : i32 to index
        %swap3A_130 = arith.constant 64 : index
        %swap3A_131 = tpu.vector_load %arg6[%swap3A_128, %swap3A_129, %swap3A_130] {strides = array<i32>} : memref<5x64x128xf32, #tpu.memory_space<vmem>>, vector<1x1x16xf32>,
        %swap3A_132 = vector.shape_cast %swap3A_131 : vector<1x1x16xf32> to vector<16xf32>
        %swap3A_133 = vector.shape_cast %broadcast_in_dim3A_126 : vector<16xf32> to vector<1x1x16xf32>
        tpu.vector_store %arg6[%swap3A_128, %swap3A_129, %swap3A_130], %swap3A_133 {strides = array<i32>} : memref<5x64x128xf32, #tpu.memory_space<vmem>>, vector<1x1x16xf32>,
        %broadcast_in_dim3A_134 = arith.constant 0.000000e+00 : f32
        %broadcast_in_dim3A_135 = vector.broadcast %broadcast_in_dim3A_134 : f32 to vector<16xf32>
        %swap3A_136 = arith.constant 0 : i32
        %swap3A_137 = arith.index_cast %swap3A_136 : i32 to index
        %swap3A_138 = arith.index_cast %scan3A_90 : i32 to index
        %swap3A_139 = arith.constant 80 : index
        %swap3A_140 = tpu.vector_load %arg6[%swap3A_137, %swap3A_138, %swap3A_139] {strides = array<i32>} : memref<5x64x128xf32, #tpu.memory_space<vmem>>, vector<1x1x16xf32>,
        %swap3A_141 = vector.shape_cast %swap3A_140 : vector<1x1x16xf32> to vector<16xf32>
        %swap3A_142 = vector.shape_cast %broadcast_in_dim3A_135 : vector<16xf32> to vector<1x1x16xf32>
        tpu.vector_store %arg6[%swap3A_137, %swap3A_138, %swap3A_139], %swap3A_142 {strides = array<i32>} : memref<5x64x128xf32, #tpu.memory_space<vmem>>, vector<1x1x16xf32>,
        %broadcast_in_dim3A_143 = arith.constant 0.000000e+00 : f32
        %broadcast_in_dim3A_144 = vector.broadcast %broadcast_in_dim3A_143 : f32 to vector<16xf32>
        %swap3A_145 = arith.constant 0 : i32
        %swap3A_146 = arith.index_cast %swap3A_145 : i32 to index
        %swap3A_147 = arith.index_cast %scan3A_90 : i32 to index
        %swap3A_148 = arith.constant 96 : index
        %swap3A_149 = tpu.vector_load %arg6[%swap3A_146, %swap3A_147, %swap3A_148] {strides = array<i32>} : memref<5x64x128xf32, #tpu.memory_space<vmem>>, vector<1x1x16xf32>,
        %swap3A_150 = vector.shape_cast %swap3A_149 : vector<1x1x16xf32> to vector<16xf32>
        %swap3A_151 = vector.shape_cast %broadcast_in_dim3A_144 : vector<16xf32> to vector<1x1x16xf32>
        tpu.vector_store %arg6[%swap3A_146, %swap3A_147, %swap3A_148], %swap3A_151 {strides = array<i32>} : memref<5x64x128xf32, #tpu.memory_space<vmem>>, vector<1x1x16xf32>,
        %broadcast_in_dim3A_152 = arith.constant 0.000000e+00 : f32
        %broadcast_in_dim3A_153 = vector.broadcast %broadcast_in_dim3A_152 : f32 to vector<16xf32>
        %swap3A_154 = arith.constant 0 : i32
        %swap3A_155 = arith.index_cast %swap3A_154 : i32 to index
        %swap3A_156 = arith.index_cast %scan3A_90 : i32 to index
        %swap3A_157 = arith.constant 112 : index
        %swap3A_158 = tpu.vector_load %arg6[%swap3A_155, %swap3A_156, %swap3A_157] {strides = array<i32>} : memref<5x64x128xf32, #tpu.memory_space<vmem>>, vector<1x1x16xf32>,
        %swap3A_159 = vector.shape_cast %swap3A_158 : vector<1x1x16xf32> to vector<16xf32>
        %swap3A_160 = vector.shape_cast %broadcast_in_dim3A_153 : vector<16xf32> to vector<1x1x16xf32>
        tpu.vector_store %arg6[%swap3A_155, %swap3A_156, %swap3A_157], %swap3A_160 {strides = array<i32>} : memref<5x64x128xf32, #tpu.memory_space<vmem>>, vector<1x1x16xf32>,
      }
      %scan3A_7 = arith.constant 64 : i32
      %mul3A_8 = arith.constant 640 : i32
      %mul3A_9 = arith.muli %arg1, %mul3A_8 : i32
      %add3A = arith.constant 0 : i32
      %add3A_10 = arith.addi %mul3A_9, %add3A : i32
      %run_scoped3A = arith.constant 0 : i32
      "tpu.region"() ({
        %run_scoped3A_90 = tpu.sem_alloc : memref<!tpu.dma_semaphore, #tpu.memory_space<semaphore_mem>>
        %dma_start3A_91 = arith.constant 0 : i32
        %dma_start3A_92 = arith.constant 0 : i32
        %dma_start3A_93 = tpu.memref_slice %arg6[%run_scoped3A, %dma_start3A_91, %dma_start3A_92] : memref<5x64x128xf32, #tpu.memory_space<vmem>> -> memref<1x64x128xf32, #tpu.memory_space<vmem>>
        %dma_start3A_94 = tpu.memref_squeeze %dma_start3A_93 : memref<1x64x128xf32, #tpu.memory_space<vmem>> -> memref<64x128xf32, #tpu.memory_space<vmem>>
        %dma_start3A_95 = arith.constant 0 : i32
        %dma_start3A_96 = tpu.memref_slice %arg7[%add3A_10, %dma_start3A_95] : memref<10240x128xf32, #tpu.memory_space<vmem_shared>> -> memref<64x128xf32, #tpu.memory_space<vmem_shared>>
        %dma_start3A_97 = arith.constant 0 : i32
        %dma_start3A_98 = tpu.memref_slice %arg7[%add3A_10, %dma_start3A_97] : memref<10240x128xf32, #tpu.memory_space<vmem_shared>> -> memref<64x128xf32, #tpu.memory_space<vmem_shared>>
        %dma_start3A_99 = arith.constant 0 : i32
        %dma_start3A_100 = arith.constant 0 : i32
        %dma_start3A_101 = tpu.memref_slice %arg6[%run_scoped3A, %dma_start3A_99, %dma_start3A_100] : memref<5x64x128xf32, #tpu.memory_space<vmem>> -> memref<1x64x128xf32, #tpu.memory_space<vmem>>
        %dma_start3A_102 = tpu.memref_squeeze %dma_start3A_101 : memref<1x64x128xf32, #tpu.memory_space<vmem>> -> memref<64x128xf32, #tpu.memory_space<vmem>>
        tpu.enqueue_dma source(%dma_start3A_102 : memref<64x128xf32, #tpu.memory_space<vmem>>) target(%dma_start3A_98 : memref<64x128xf32, #tpu.memory_space<vmem_shared>>) target_semaphore(%run_scoped3A_90 : memref<!tpu.dma_semaphore, #tpu.memory_space<semaphore_mem>>)
        %dma_wait3A = arith.constant 0 : i32
        %dma_wait3A_103 = arith.constant 0 : i32
        %dma_wait3A_104 = tpu.memref_slice %arg6[%run_scoped3A, %dma_wait3A, %dma_wait3A_103] : memref<5x64x128xf32, #tpu.memory_space<vmem>> -> memref<1x64x128xf32, #tpu.memory_space<vmem>>
        %dma_wait3A_105 = tpu.memref_squeeze %dma_wait3A_104 : memref<1x64x128xf32, #tpu.memory_space<vmem>> -> memref<64x128xf32, #tpu.memory_space<vmem>>
        %dma_wait3A_106 = arith.constant 0 : i32
        %dma_wait3A_107 = tpu.memref_slice %arg7[%add3A_10, %dma_wait3A_106] : memref<10240x128xf32, #tpu.memory_space<vmem_shared>> -> memref<64x128xf32, #tpu.memory_space<vmem_shared>>
        %dma_wait3A_108 = arith.constant 0 : i32
        %dma_wait3A_109 = tpu.memref_slice %arg7[%add3A_10, %dma_wait3A_108] : memref<10240x128xf32, #tpu.memory_space<vmem_shared>> -> memref<64x128xf32, #tpu.memory_space<vmem_shared>>
        %dma_wait3A_110 = arith.constant 0 : i32
        %dma_wait3A_111 = arith.constant 0 : i32
        %dma_wait3A_112 = tpu.memref_slice %arg6[%run_scoped3A, %dma_wait3A_110, %dma_wait3A_111] : memref<5x64x128xf32, #tpu.memory_space<vmem>> -> memref<1x64x128xf32, #tpu.memory_space<vmem>>
        %dma_wait3A_113 = tpu.memref_squeeze %dma_wait3A_112 : memref<1x64x128xf32, #tpu.memory_space<vmem>> -> memref<64x128xf32, #tpu.memory_space<vmem>>
        tpu.wait_dma2 semaphore(%run_scoped3A_90 : memref<!tpu.dma_semaphore, #tpu.memory_space<semaphore_mem>>) src(%dma_wait3A_113 : memref<64x128xf32, #tpu.memory_space<vmem>>) dst(%dma_wait3A_109 : memref<64x128xf32, #tpu.memory_space<vmem_shared>>)
        tpu.yield
      }) : () -> ()
      %mul3A_11 = arith.constant 640 : i32
      %mul3A_12 = arith.muli %arg1, %mul3A_11 : i32
      %add3A_13 = arith.constant 64 : i32
      %add3A_14 = arith.addi %mul3A_12, %add3A_13 : i32
      %run_scoped3A_15 = arith.constant 0 : i32
      "tpu.region"() ({
        %run_scoped3A_90 = tpu.sem_alloc : memref<!tpu.dma_semaphore, #tpu.memory_space<semaphore_mem>>
        %dma_start3A_91 = arith.constant 0 : i32
        %dma_start3A_92 = arith.constant 0 : i32
        %dma_start3A_93 = tpu.memref_slice %arg6[%run_scoped3A_15, %dma_start3A_91, %dma_start3A_92] : memref<5x64x128xf32, #tpu.memory_space<vmem>> -> memref<1x64x128xf32, #tpu.memory_space<vmem>>
        %dma_start3A_94 = tpu.memref_squeeze %dma_start3A_93 : memref<1x64x128xf32, #tpu.memory_space<vmem>> -> memref<64x128xf32, #tpu.memory_space<vmem>>
        %dma_start3A_95 = arith.constant 0 : i32
        %dma_start3A_96 = tpu.memref_slice %arg7[%add3A_14, %dma_start3A_95] : memref<10240x128xf32, #tpu.memory_space<vmem_shared>> -> memref<64x128xf32, #tpu.memory_space<vmem_shared>>
        %dma_start3A_97 = arith.constant 0 : i32
        %dma_start3A_98 = tpu.memref_slice %arg7[%add3A_14, %dma_start3A_97] : memref<10240x128xf32, #tpu.memory_space<vmem_shared>> -> memref<64x128xf32, #tpu.memory_space<vmem_shared>>
        %dma_start3A_99 = arith.constant 0 : i32
        %dma_start3A_100 = arith.constant 0 : i32
        %dma_start3A_101 = tpu.memref_slice %arg6[%run_scoped3A_15, %dma_start3A_99, %dma_start3A_100] : memref<5x64x128xf32, #tpu.memory_space<vmem>> -> memref<1x64x128xf32, #tpu.memory_space<vmem>>
        %dma_start3A_102 = tpu.memref_squeeze %dma_start3A_101 : memref<1x64x128xf32, #tpu.memory_space<vmem>> -> memref<64x128xf32, #tpu.memory_space<vmem>>
        tpu.enqueue_dma source(%dma_start3A_102 : memref<64x128xf32, #tpu.memory_space<vmem>>) target(%dma_start3A_98 : memref<64x128xf32, #tpu.memory_space<vmem_shared>>) target_semaphore(%run_scoped3A_90 : memref<!tpu.dma_semaphore, #tpu.memory_space<semaphore_mem>>)
        %dma_wait3A = arith.constant 0 : i32
        %dma_wait3A_103 = arith.constant 0 : i32
        %dma_wait3A_104 = tpu.memref_slice %arg6[%run_scoped3A_15, %dma_wait3A, %dma_wait3A_103] : memref<5x64x128xf32, #tpu.memory_space<vmem>> -> memref<1x64x128xf32, #tpu.memory_space<vmem>>
        %dma_wait3A_105 = tpu.memref_squeeze %dma_wait3A_104 : memref<1x64x128xf32, #tpu.memory_space<vmem>> -> memref<64x128xf32, #tpu.memory_space<vmem>>
        %dma_wait3A_106 = arith.constant 0 : i32
        %dma_wait3A_107 = tpu.memref_slice %arg7[%add3A_14, %dma_wait3A_106] : memref<10240x128xf32, #tpu.memory_space<vmem_shared>> -> memref<64x128xf32, #tpu.memory_space<vmem_shared>>
        %dma_wait3A_108 = arith.constant 0 : i32
        %dma_wait3A_109 = tpu.memref_slice %arg7[%add3A_14, %dma_wait3A_108] : memref<10240x128xf32, #tpu.memory_space<vmem_shared>> -> memref<64x128xf32, #tpu.memory_space<vmem_shared>>
        %dma_wait3A_110 = arith.constant 0 : i32
        %dma_wait3A_111 = arith.constant 0 : i32
        %dma_wait3A_112 = tpu.memref_slice %arg6[%run_scoped3A_15, %dma_wait3A_110, %dma_wait3A_111] : memref<5x64x128xf32, #tpu.memory_space<vmem>> -> memref<1x64x128xf32, #tpu.memory_space<vmem>>
        %dma_wait3A_113 = tpu.memref_squeeze %dma_wait3A_112 : memref<1x64x128xf32, #tpu.memory_space<vmem>> -> memref<64x128xf32, #tpu.memory_space<vmem>>
        tpu.wait_dma2 semaphore(%run_scoped3A_90 : memref<!tpu.dma_semaphore, #tpu.memory_space<semaphore_mem>>) src(%dma_wait3A_113 : memref<64x128xf32, #tpu.memory_space<vmem>>) dst(%dma_wait3A_109 : memref<64x128xf32, #tpu.memory_space<vmem_shared>>)
        tpu.yield
      }) : () -> ()
      %mul3A_16 = arith.constant 640 : i32
      %mul3A_17 = arith.muli %arg1, %mul3A_16 : i32
      %add3A_18 = arith.constant 128 : i32
      %add3A_19 = arith.addi %mul3A_17, %add3A_18 : i32
      %run_scoped3A_20 = arith.constant 0 : i32
      "tpu.region"() ({
        %run_scoped3A_90 = tpu.sem_alloc : memref<!tpu.dma_semaphore, #tpu.memory_space<semaphore_mem>>
        %dma_start3A_91 = arith.constant 0 : i32
        %dma_start3A_92 = arith.constant 0 : i32
        %dma_start3A_93 = tpu.memref_slice %arg6[%run_scoped3A_20, %dma_start3A_91, %dma_start3A_92] : memref<5x64x128xf32, #tpu.memory_space<vmem>> -> memref<1x64x128xf32, #tpu.memory_space<vmem>>
        %dma_start3A_94 = tpu.memref_squeeze %dma_start3A_93 : memref<1x64x128xf32, #tpu.memory_space<vmem>> -> memref<64x128xf32, #tpu.memory_space<vmem>>
        %dma_start3A_95 = arith.constant 0 : i32
        %dma_start3A_96 = tpu.memref_slice %arg7[%add3A_19, %dma_start3A_95] : memref<10240x128xf32, #tpu.memory_space<vmem_shared>> -> memref<64x128xf32, #tpu.memory_space<vmem_shared>>
        %dma_start3A_97 = arith.constant 0 : i32
        %dma_start3A_98 = tpu.memref_slice %arg7[%add3A_19, %dma_start3A_97] : memref<10240x128xf32, #tpu.memory_space<vmem_shared>> -> memref<64x128xf32, #tpu.memory_space<vmem_shared>>
        %dma_start3A_99 = arith.constant 0 : i32
        %dma_start3A_100 = arith.constant 0 : i32
        %dma_start3A_101 = tpu.memref_slice %arg6[%run_scoped3A_20, %dma_start3A_99, %dma_start3A_100] : memref<5x64x128xf32, #tpu.memory_space<vmem>> -> memref<1x64x128xf32, #tpu.memory_space<vmem>>
        %dma_start3A_102 = tpu.memref_squeeze %dma_start3A_101 : memref<1x64x128xf32, #tpu.memory_space<vmem>> -> memref<64x128xf32, #tpu.memory_space<vmem>>
        tpu.enqueue_dma source(%dma_start3A_102 : memref<64x128xf32, #tpu.memory_space<vmem>>) target(%dma_start3A_98 : memref<64x128xf32, #tpu.memory_space<vmem_shared>>) target_semaphore(%run_scoped3A_90 : memref<!tpu.dma_semaphore, #tpu.memory_space<semaphore_mem>>)
        %dma_wait3A = arith.constant 0 : i32
        %dma_wait3A_103 = arith.constant 0 : i32
        %dma_wait3A_104 = tpu.memref_slice %arg6[%run_scoped3A_20, %dma_wait3A, %dma_wait3A_103] : memref<5x64x128xf32, #tpu.memory_space<vmem>> -> memref<1x64x128xf32, #tpu.memory_space<vmem>>
        %dma_wait3A_105 = tpu.memref_squeeze %dma_wait3A_104 : memref<1x64x128xf32, #tpu.memory_space<vmem>> -> memref<64x128xf32, #tpu.memory_space<vmem>>
        %dma_wait3A_106 = arith.constant 0 : i32
        %dma_wait3A_107 = tpu.memref_slice %arg7[%add3A_19, %dma_wait3A_106] : memref<10240x128xf32, #tpu.memory_space<vmem_shared>> -> memref<64x128xf32, #tpu.memory_space<vmem_shared>>
        %dma_wait3A_108 = arith.constant 0 : i32
        %dma_wait3A_109 = tpu.memref_slice %arg7[%add3A_19, %dma_wait3A_108] : memref<10240x128xf32, #tpu.memory_space<vmem_shared>> -> memref<64x128xf32, #tpu.memory_space<vmem_shared>>
        %dma_wait3A_110 = arith.constant 0 : i32
        %dma_wait3A_111 = arith.constant 0 : i32
        %dma_wait3A_112 = tpu.memref_slice %arg6[%run_scoped3A_20, %dma_wait3A_110, %dma_wait3A_111] : memref<5x64x128xf32, #tpu.memory_space<vmem>> -> memref<1x64x128xf32, #tpu.memory_space<vmem>>
        %dma_wait3A_113 = tpu.memref_squeeze %dma_wait3A_112 : memref<1x64x128xf32, #tpu.memory_space<vmem>> -> memref<64x128xf32, #tpu.memory_space<vmem>>
        tpu.wait_dma2 semaphore(%run_scoped3A_90 : memref<!tpu.dma_semaphore, #tpu.memory_space<semaphore_mem>>) src(%dma_wait3A_113 : memref<64x128xf32, #tpu.memory_space<vmem>>) dst(%dma_wait3A_109 : memref<64x128xf32, #tpu.memory_space<vmem_shared>>)
        tpu.yield
      }) : () -> ()
      %mul3A_21 = arith.constant 640 : i32
      %mul3A_22 = arith.muli %arg1, %mul3A_21 : i32
      %add3A_23 = arith.constant 192 : i32
      %add3A_24 = arith.addi %mul3A_22, %add3A_23 : i32
      %run_scoped3A_25 = arith.constant 0 : i32
      "tpu.region"() ({
        %run_scoped3A_90 = tpu.sem_alloc : memref<!tpu.dma_semaphore, #tpu.memory_space<semaphore_mem>>
        %dma_start3A_91 = arith.constant 0 : i32
        %dma_start3A_92 = arith.constant 0 : i32
        %dma_start3A_93 = tpu.memref_slice %arg6[%run_scoped3A_25, %dma_start3A_91, %dma_start3A_92] : memref<5x64x128xf32, #tpu.memory_space<vmem>> -> memref<1x64x128xf32, #tpu.memory_space<vmem>>
        %dma_start3A_94 = tpu.memref_squeeze %dma_start3A_93 : memref<1x64x128xf32, #tpu.memory_space<vmem>> -> memref<64x128xf32, #tpu.memory_space<vmem>>
        %dma_start3A_95 = arith.constant 0 : i32
        %dma_start3A_96 = tpu.memref_slice %arg7[%add3A_24, %dma_start3A_95] : memref<10240x128xf32, #tpu.memory_space<vmem_shared>> -> memref<64x128xf32, #tpu.memory_space<vmem_shared>>
        %dma_start3A_97 = arith.constant 0 : i32
        %dma_start3A_98 = tpu.memref_slice %arg7[%add3A_24, %dma_start3A_97] : memref<10240x128xf32, #tpu.memory_space<vmem_shared>> -> memref<64x128xf32, #tpu.memory_space<vmem_shared>>
        %dma_start3A_99 = arith.constant 0 : i32
        %dma_start3A_100 = arith.constant 0 : i32
        %dma_start3A_101 = tpu.memref_slice %arg6[%run_scoped3A_25, %dma_start3A_99, %dma_start3A_100] : memref<5x64x128xf32, #tpu.memory_space<vmem>> -> memref<1x64x128xf32, #tpu.memory_space<vmem>>
        %dma_start3A_102 = tpu.memref_squeeze %dma_start3A_101 : memref<1x64x128xf32, #tpu.memory_space<vmem>> -> memref<64x128xf32, #tpu.memory_space<vmem>>
        tpu.enqueue_dma source(%dma_start3A_102 : memref<64x128xf32, #tpu.memory_space<vmem>>) target(%dma_start3A_98 : memref<64x128xf32, #tpu.memory_space<vmem_shared>>) target_semaphore(%run_scoped3A_90 : memref<!tpu.dma_semaphore, #tpu.memory_space<semaphore_mem>>)
        %dma_wait3A = arith.constant 0 : i32
        %dma_wait3A_103 = arith.constant 0 : i32
        %dma_wait3A_104 = tpu.memref_slice %arg6[%run_scoped3A_25, %dma_wait3A, %dma_wait3A_103] : memref<5x64x128xf32, #tpu.memory_space<vmem>> -> memref<1x64x128xf32, #tpu.memory_space<vmem>>
        %dma_wait3A_105 = tpu.memref_squeeze %dma_wait3A_104 : memref<1x64x128xf32, #tpu.memory_space<vmem>> -> memref<64x128xf32, #tpu.memory_space<vmem>>
        %dma_wait3A_106 = arith.constant 0 : i32
        %dma_wait3A_107 = tpu.memref_slice %arg7[%add3A_24, %dma_wait3A_106] : memref<10240x128xf32, #tpu.memory_space<vmem_shared>> -> memref<64x128xf32, #tpu.memory_space<vmem_shared>>
        %dma_wait3A_108 = arith.constant 0 : i32
        %dma_wait3A_109 = tpu.memref_slice %arg7[%add3A_24, %dma_wait3A_108] : memref<10240x128xf32, #tpu.memory_space<vmem_shared>> -> memref<64x128xf32, #tpu.memory_space<vmem_shared>>
        %dma_wait3A_110 = arith.constant 0 : i32
        %dma_wait3A_111 = arith.constant 0 : i32
        %dma_wait3A_112 = tpu.memref_slice %arg6[%run_scoped3A_25, %dma_wait3A_110, %dma_wait3A_111] : memref<5x64x128xf32, #tpu.memory_space<vmem>> -> memref<1x64x128xf32, #tpu.memory_space<vmem>>
        %dma_wait3A_113 = tpu.memref_squeeze %dma_wait3A_112 : memref<1x64x128xf32, #tpu.memory_space<vmem>> -> memref<64x128xf32, #tpu.memory_space<vmem>>
        tpu.wait_dma2 semaphore(%run_scoped3A_90 : memref<!tpu.dma_semaphore, #tpu.memory_space<semaphore_mem>>) src(%dma_wait3A_113 : memref<64x128xf32, #tpu.memory_space<vmem>>) dst(%dma_wait3A_109 : memref<64x128xf32, #tpu.memory_space<vmem_shared>>)
        tpu.yield
      }) : () -> ()
      %mul3A_26 = arith.constant 640 : i32
      %mul3A_27 = arith.muli %arg1, %mul3A_26 : i32
      %add3A_28 = arith.constant 256 : i32
      %add3A_29 = arith.addi %mul3A_27, %add3A_28 : i32
      %run_scoped3A_30 = arith.constant 0 : i32
      "tpu.region"() ({
        %run_scoped3A_90 = tpu.sem_alloc : memref<!tpu.dma_semaphore, #tpu.memory_space<semaphore_mem>>
        %dma_start3A_91 = arith.constant 0 : i32
        %dma_start3A_92 = arith.constant 0 : i32
        %dma_start3A_93 = tpu.memref_slice %arg6[%run_scoped3A_30, %dma_start3A_91, %dma_start3A_92] : memref<5x64x128xf32, #tpu.memory_space<vmem>> -> memref<1x64x128xf32, #tpu.memory_space<vmem>>
        %dma_start3A_94 = tpu.memref_squeeze %dma_start3A_93 : memref<1x64x128xf32, #tpu.memory_space<vmem>> -> memref<64x128xf32, #tpu.memory_space<vmem>>
        %dma_start3A_95 = arith.constant 0 : i32
        %dma_start3A_96 = tpu.memref_slice %arg7[%add3A_29, %dma_start3A_95] : memref<10240x128xf32, #tpu.memory_space<vmem_shared>> -> memref<64x128xf32, #tpu.memory_space<vmem_shared>>
        %dma_start3A_97 = arith.constant 0 : i32
        %dma_start3A_98 = tpu.memref_slice %arg7[%add3A_29, %dma_start3A_97] : memref<10240x128xf32, #tpu.memory_space<vmem_shared>> -> memref<64x128xf32, #tpu.memory_space<vmem_shared>>
        %dma_start3A_99 = arith.constant 0 : i32
        %dma_start3A_100 = arith.constant 0 : i32
        %dma_start3A_101 = tpu.memref_slice %arg6[%run_scoped3A_30, %dma_start3A_99, %dma_start3A_100] : memref<5x64x128xf32, #tpu.memory_space<vmem>> -> memref<1x64x128xf32, #tpu.memory_space<vmem>>
        %dma_start3A_102 = tpu.memref_squeeze %dma_start3A_101 : memref<1x64x128xf32, #tpu.memory_space<vmem>> -> memref<64x128xf32, #tpu.memory_space<vmem>>
        tpu.enqueue_dma source(%dma_start3A_102 : memref<64x128xf32, #tpu.memory_space<vmem>>) target(%dma_start3A_98 : memref<64x128xf32, #tpu.memory_space<vmem_shared>>) target_semaphore(%run_scoped3A_90 : memref<!tpu.dma_semaphore, #tpu.memory_space<semaphore_mem>>)
        %dma_wait3A = arith.constant 0 : i32
        %dma_wait3A_103 = arith.constant 0 : i32
        %dma_wait3A_104 = tpu.memref_slice %arg6[%run_scoped3A_30, %dma_wait3A, %dma_wait3A_103] : memref<5x64x128xf32, #tpu.memory_space<vmem>> -> memref<1x64x128xf32, #tpu.memory_space<vmem>>
        %dma_wait3A_105 = tpu.memref_squeeze %dma_wait3A_104 : memref<1x64x128xf32, #tpu.memory_space<vmem>> -> memref<64x128xf32, #tpu.memory_space<vmem>>
        %dma_wait3A_106 = arith.constant 0 : i32
        %dma_wait3A_107 = tpu.memref_slice %arg7[%add3A_29, %dma_wait3A_106] : memref<10240x128xf32, #tpu.memory_space<vmem_shared>> -> memref<64x128xf32, #tpu.memory_space<vmem_shared>>
        %dma_wait3A_108 = arith.constant 0 : i32
        %dma_wait3A_109 = tpu.memref_slice %arg7[%add3A_29, %dma_wait3A_108] : memref<10240x128xf32, #tpu.memory_space<vmem_shared>> -> memref<64x128xf32, #tpu.memory_space<vmem_shared>>
        %dma_wait3A_110 = arith.constant 0 : i32
        %dma_wait3A_111 = arith.constant 0 : i32
        %dma_wait3A_112 = tpu.memref_slice %arg6[%run_scoped3A_30, %dma_wait3A_110, %dma_wait3A_111] : memref<5x64x128xf32, #tpu.memory_space<vmem>> -> memref<1x64x128xf32, #tpu.memory_space<vmem>>
        %dma_wait3A_113 = tpu.memref_squeeze %dma_wait3A_112 : memref<1x64x128xf32, #tpu.memory_space<vmem>> -> memref<64x128xf32, #tpu.memory_space<vmem>>
        tpu.wait_dma2 semaphore(%run_scoped3A_90 : memref<!tpu.dma_semaphore, #tpu.memory_space<semaphore_mem>>) src(%dma_wait3A_113 : memref<64x128xf32, #tpu.memory_space<vmem>>) dst(%dma_wait3A_109 : memref<64x128xf32, #tpu.memory_space<vmem_shared>>)
        tpu.yield
      }) : () -> ()
      %mul3A_31 = arith.constant 640 : i32
      %mul3A_32 = arith.muli %arg1, %mul3A_31 : i32
      %add3A_33 = arith.constant 320 : i32
      %add3A_34 = arith.addi %mul3A_32, %add3A_33 : i32
      %run_scoped3A_35 = arith.constant 0 : i32
      "tpu.region"() ({
        %run_scoped3A_90 = tpu.sem_alloc : memref<!tpu.dma_semaphore, #tpu.memory_space<semaphore_mem>>
        %dma_start3A_91 = arith.constant 0 : i32
        %dma_start3A_92 = arith.constant 0 : i32
        %dma_start3A_93 = tpu.memref_slice %arg6[%run_scoped3A_35, %dma_start3A_91, %dma_start3A_92] : memref<5x64x128xf32, #tpu.memory_space<vmem>> -> memref<1x64x128xf32, #tpu.memory_space<vmem>>
        %dma_start3A_94 = tpu.memref_squeeze %dma_start3A_93 : memref<1x64x128xf32, #tpu.memory_space<vmem>> -> memref<64x128xf32, #tpu.memory_space<vmem>>
        %dma_start3A_95 = arith.constant 0 : i32
        %dma_start3A_96 = tpu.memref_slice %arg7[%add3A_34, %dma_start3A_95] : memref<10240x128xf32, #tpu.memory_space<vmem_shared>> -> memref<64x128xf32, #tpu.memory_space<vmem_shared>>
        %dma_start3A_97 = arith.constant 0 : i32
        %dma_start3A_98 = tpu.memref_slice %arg7[%add3A_34, %dma_start3A_97] : memref<10240x128xf32, #tpu.memory_space<vmem_shared>> -> memref<64x128xf32, #tpu.memory_space<vmem_shared>>
        %dma_start3A_99 = arith.constant 0 : i32
        %dma_start3A_100 = arith.constant 0 : i32
        %dma_start3A_101 = tpu.memref_slice %arg6[%run_scoped3A_35, %dma_start3A_99, %dma_start3A_100] : memref<5x64x128xf32, #tpu.memory_space<vmem>> -> memref<1x64x128xf32, #tpu.memory_space<vmem>>
        %dma_start3A_102 = tpu.memref_squeeze %dma_start3A_101 : memref<1x64x128xf32, #tpu.memory_space<vmem>> -> memref<64x128xf32, #tpu.memory_space<vmem>>
        tpu.enqueue_dma source(%dma_start3A_102 : memref<64x128xf32, #tpu.memory_space<vmem>>) target(%dma_start3A_98 : memref<64x128xf32, #tpu.memory_space<vmem_shared>>) target_semaphore(%run_scoped3A_90 : memref<!tpu.dma_semaphore, #tpu.memory_space<semaphore_mem>>)
        %dma_wait3A = arith.constant 0 : i32
        %dma_wait3A_103 = arith.constant 0 : i32
        %dma_wait3A_104 = tpu.memref_slice %arg6[%run_scoped3A_35, %dma_wait3A, %dma_wait3A_103] : memref<5x64x128xf32, #tpu.memory_space<vmem>> -> memref<1x64x128xf32, #tpu.memory_space<vmem>>
        %dma_wait3A_105 = tpu.memref_squeeze %dma_wait3A_104 : memref<1x64x128xf32, #tpu.memory_space<vmem>> -> memref<64x128xf32, #tpu.memory_space<vmem>>
        %dma_wait3A_106 = arith.constant 0 : i32
        %dma_wait3A_107 = tpu.memref_slice %arg7[%add3A_34, %dma_wait3A_106] : memref<10240x128xf32, #tpu.memory_space<vmem_shared>> -> memref<64x128xf32, #tpu.memory_space<vmem_shared>>
        %dma_wait3A_108 = arith.constant 0 : i32
        %dma_wait3A_109 = tpu.memref_slice %arg7[%add3A_34, %dma_wait3A_108] : memref<10240x128xf32, #tpu.memory_space<vmem_shared>> -> memref<64x128xf32, #tpu.memory_space<vmem_shared>>
        %dma_wait3A_110 = arith.constant 0 : i32
        %dma_wait3A_111 = arith.constant 0 : i32
        %dma_wait3A_112 = tpu.memref_slice %arg6[%run_scoped3A_35, %dma_wait3A_110, %dma_wait3A_111] : memref<5x64x128xf32, #tpu.memory_space<vmem>> -> memref<1x64x128xf32, #tpu.memory_space<vmem>>
        %dma_wait3A_113 = tpu.memref_squeeze %dma_wait3A_112 : memref<1x64x128xf32, #tpu.memory_space<vmem>> -> memref<64x128xf32, #tpu.memory_space<vmem>>
        tpu.wait_dma2 semaphore(%run_scoped3A_90 : memref<!tpu.dma_semaphore, #tpu.memory_space<semaphore_mem>>) src(%dma_wait3A_113 : memref<64x128xf32, #tpu.memory_space<vmem>>) dst(%dma_wait3A_109 : memref<64x128xf32, #tpu.memory_space<vmem_shared>>)
        tpu.yield
      }) : () -> ()
      %mul3A_36 = arith.constant 640 : i32
      %mul3A_37 = arith.muli %arg1, %mul3A_36 : i32
      %add3A_38 = arith.constant 384 : i32
      %add3A_39 = arith.addi %mul3A_37, %add3A_38 : i32
      %run_scoped3A_40 = arith.constant 0 : i32
      "tpu.region"() ({
        %run_scoped3A_90 = tpu.sem_alloc : memref<!tpu.dma_semaphore, #tpu.memory_space<semaphore_mem>>
        %dma_start3A_91 = arith.constant 0 : i32
        %dma_start3A_92 = arith.constant 0 : i32
        %dma_start3A_93 = tpu.memref_slice %arg6[%run_scoped3A_40, %dma_start3A_91, %dma_start3A_92] : memref<5x64x128xf32, #tpu.memory_space<vmem>> -> memref<1x64x128xf32, #tpu.memory_space<vmem>>
        %dma_start3A_94 = tpu.memref_squeeze %dma_start3A_93 : memref<1x64x128xf32, #tpu.memory_space<vmem>> -> memref<64x128xf32, #tpu.memory_space<vmem>>
        %dma_start3A_95 = arith.constant 0 : i32
        %dma_start3A_96 = tpu.memref_slice %arg7[%add3A_39, %dma_start3A_95] : memref<10240x128xf32, #tpu.memory_space<vmem_shared>> -> memref<64x128xf32, #tpu.memory_space<vmem_shared>>
        %dma_start3A_97 = arith.constant 0 : i32
        %dma_start3A_98 = tpu.memref_slice %arg7[%add3A_39, %dma_start3A_97] : memref<10240x128xf32, #tpu.memory_space<vmem_shared>> -> memref<64x128xf32, #tpu.memory_space<vmem_shared>>
        %dma_start3A_99 = arith.constant 0 : i32
        %dma_start3A_100 = arith.constant 0 : i32
        %dma_start3A_101 = tpu.memref_slice %arg6[%run_scoped3A_40, %dma_start3A_99, %dma_start3A_100] : memref<5x64x128xf32, #tpu.memory_space<vmem>> -> memref<1x64x128xf32, #tpu.memory_space<vmem>>
        %dma_start3A_102 = tpu.memref_squeeze %dma_start3A_101 : memref<1x64x128xf32, #tpu.memory_space<vmem>> -> memref<64x128xf32, #tpu.memory_space<vmem>>
        tpu.enqueue_dma source(%dma_start3A_102 : memref<64x128xf32, #tpu.memory_space<vmem>>) target(%dma_start3A_98 : memref<64x128xf32, #tpu.memory_space<vmem_shared>>) target_semaphore(%run_scoped3A_90 : memref<!tpu.dma_semaphore, #tpu.memory_space<semaphore_mem>>)
        %dma_wait3A = arith.constant 0 : i32
        %dma_wait3A_103 = arith.constant 0 : i32
        %dma_wait3A_104 = tpu.memref_slice %arg6[%run_scoped3A_40, %dma_wait3A, %dma_wait3A_103] : memref<5x64x128xf32, #tpu.memory_space<vmem>> -> memref<1x64x128xf32, #tpu.memory_space<vmem>>
        %dma_wait3A_105 = tpu.memref_squeeze %dma_wait3A_104 : memref<1x64x128xf32, #tpu.memory_space<vmem>> -> memref<64x128xf32, #tpu.memory_space<vmem>>
        %dma_wait3A_106 = arith.constant 0 : i32
        %dma_wait3A_107 = tpu.memref_slice %arg7[%add3A_39, %dma_wait3A_106] : memref<10240x128xf32, #tpu.memory_space<vmem_shared>> -> memref<64x128xf32, #tpu.memory_space<vmem_shared>>
        %dma_wait3A_108 = arith.constant 0 : i32
        %dma_wait3A_109 = tpu.memref_slice %arg7[%add3A_39, %dma_wait3A_108] : memref<10240x128xf32, #tpu.memory_space<vmem_shared>> -> memref<64x128xf32, #tpu.memory_space<vmem_shared>>
        %dma_wait3A_110 = arith.constant 0 : i32
        %dma_wait3A_111 = arith.constant 0 : i32
        %dma_wait3A_112 = tpu.memref_slice %arg6[%run_scoped3A_40, %dma_wait3A_110, %dma_wait3A_111] : memref<5x64x128xf32, #tpu.memory_space<vmem>> -> memref<1x64x128xf32, #tpu.memory_space<vmem>>
        %dma_wait3A_113 = tpu.memref_squeeze %dma_wait3A_112 : memref<1x64x128xf32, #tpu.memory_space<vmem>> -> memref<64x128xf32, #tpu.memory_space<vmem>>
        tpu.wait_dma2 semaphore(%run_scoped3A_90 : memref<!tpu.dma_semaphore, #tpu.memory_space<semaphore_mem>>) src(%dma_wait3A_113 : memref<64x128xf32, #tpu.memory_space<vmem>>) dst(%dma_wait3A_109 : memref<64x128xf32, #tpu.memory_space<vmem_shared>>)
        tpu.yield
      }) : () -> ()
      %mul3A_41 = arith.constant 640 : i32
      %mul3A_42 = arith.muli %arg1, %mul3A_41 : i32
      %add3A_43 = arith.constant 448 : i32
      %add3A_44 = arith.addi %mul3A_42, %add3A_43 : i32
      %run_scoped3A_45 = arith.constant 0 : i32
      "tpu.region"() ({
        %run_scoped3A_90 = tpu.sem_alloc : memref<!tpu.dma_semaphore, #tpu.memory_space<semaphore_mem>>
        %dma_start3A_91 = arith.constant 0 : i32
        %dma_start3A_92 = arith.constant 0 : i32
        %dma_start3A_93 = tpu.memref_slice %arg6[%run_scoped3A_45, %dma_start3A_91, %dma_start3A_92] : memref<5x64x128xf32, #tpu.memory_space<vmem>> -> memref<1x64x128xf32, #tpu.memory_space<vmem>>
        %dma_start3A_94 = tpu.memref_squeeze %dma_start3A_93 : memref<1x64x128xf32, #tpu.memory_space<vmem>> -> memref<64x128xf32, #tpu.memory_space<vmem>>
        %dma_start3A_95 = arith.constant 0 : i32
        %dma_start3A_96 = tpu.memref_slice %arg7[%add3A_44, %dma_start3A_95] : memref<10240x128xf32, #tpu.memory_space<vmem_shared>> -> memref<64x128xf32, #tpu.memory_space<vmem_shared>>
        %dma_start3A_97 = arith.constant 0 : i32
        %dma_start3A_98 = tpu.memref_slice %arg7[%add3A_44, %dma_start3A_97] : memref<10240x128xf32, #tpu.memory_space<vmem_shared>> -> memref<64x128xf32, #tpu.memory_space<vmem_shared>>
        %dma_start3A_99 = arith.constant 0 : i32
        %dma_start3A_100 = arith.constant 0 : i32
        %dma_start3A_101 = tpu.memref_slice %arg6[%run_scoped3A_45, %dma_start3A_99, %dma_start3A_100] : memref<5x64x128xf32, #tpu.memory_space<vmem>> -> memref<1x64x128xf32, #tpu.memory_space<vmem>>
        %dma_start3A_102 = tpu.memref_squeeze %dma_start3A_101 : memref<1x64x128xf32, #tpu.memory_space<vmem>> -> memref<64x128xf32, #tpu.memory_space<vmem>>
        tpu.enqueue_dma source(%dma_start3A_102 : memref<64x128xf32, #tpu.memory_space<vmem>>) target(%dma_start3A_98 : memref<64x128xf32, #tpu.memory_space<vmem_shared>>) target_semaphore(%run_scoped3A_90 : memref<!tpu.dma_semaphore, #tpu.memory_space<semaphore_mem>>)
        %dma_wait3A = arith.constant 0 : i32
        %dma_wait3A_103 = arith.constant 0 : i32
        %dma_wait3A_104 = tpu.memref_slice %arg6[%run_scoped3A_45, %dma_wait3A, %dma_wait3A_103] : memref<5x64x128xf32, #tpu.memory_space<vmem>> -> memref<1x64x128xf32, #tpu.memory_space<vmem>>
        %dma_wait3A_105 = tpu.memref_squeeze %dma_wait3A_104 : memref<1x64x128xf32, #tpu.memory_space<vmem>> -> memref<64x128xf32, #tpu.memory_space<vmem>>
        %dma_wait3A_106 = arith.constant 0 : i32
        %dma_wait3A_107 = tpu.memref_slice %arg7[%add3A_44, %dma_wait3A_106] : memref<10240x128xf32, #tpu.memory_space<vmem_shared>> -> memref<64x128xf32, #tpu.memory_space<vmem_shared>>
        %dma_wait3A_108 = arith.constant 0 : i32
        %dma_wait3A_109 = tpu.memref_slice %arg7[%add3A_44, %dma_wait3A_108] : memref<10240x128xf32, #tpu.memory_space<vmem_shared>> -> memref<64x128xf32, #tpu.memory_space<vmem_shared>>
        %dma_wait3A_110 = arith.constant 0 : i32
        %dma_wait3A_111 = arith.constant 0 : i32
        %dma_wait3A_112 = tpu.memref_slice %arg6[%run_scoped3A_45, %dma_wait3A_110, %dma_wait3A_111] : memref<5x64x128xf32, #tpu.memory_space<vmem>> -> memref<1x64x128xf32, #tpu.memory_space<vmem>>
        %dma_wait3A_113 = tpu.memref_squeeze %dma_wait3A_112 : memref<1x64x128xf32, #tpu.memory_space<vmem>> -> memref<64x128xf32, #tpu.memory_space<vmem>>
        tpu.wait_dma2 semaphore(%run_scoped3A_90 : memref<!tpu.dma_semaphore, #tpu.memory_space<semaphore_mem>>) src(%dma_wait3A_113 : memref<64x128xf32, #tpu.memory_space<vmem>>) dst(%dma_wait3A_109 : memref<64x128xf32, #tpu.memory_space<vmem_shared>>)
        tpu.yield
      }) : () -> ()
      %mul3A_46 = arith.constant 640 : i32
      %mul3A_47 = arith.muli %arg1, %mul3A_46 : i32
      %add3A_48 = arith.constant 512 : i32
      %add3A_49 = arith.addi %mul3A_47, %add3A_48 : i32
      %run_scoped3A_50 = arith.constant 0 : i32
      "tpu.region"() ({
        %run_scoped3A_90 = tpu.sem_alloc : memref<!tpu.dma_semaphore, #tpu.memory_space<semaphore_mem>>
        %dma_start3A_91 = arith.constant 0 : i32
        %dma_start3A_92 = arith.constant 0 : i32
        %dma_start3A_93 = tpu.memref_slice %arg6[%run_scoped3A_50, %dma_start3A_91, %dma_start3A_92] : memref<5x64x128xf32, #tpu.memory_space<vmem>> -> memref<1x64x128xf32, #tpu.memory_space<vmem>>
        %dma_start3A_94 = tpu.memref_squeeze %dma_start3A_93 : memref<1x64x128xf32, #tpu.memory_space<vmem>> -> memref<64x128xf32, #tpu.memory_space<vmem>>
        %dma_start3A_95 = arith.constant 0 : i32
        %dma_start3A_96 = tpu.memref_slice %arg7[%add3A_49, %dma_start3A_95] : memref<10240x128xf32, #tpu.memory_space<vmem_shared>> -> memref<64x128xf32, #tpu.memory_space<vmem_shared>>
        %dma_start3A_97 = arith.constant 0 : i32
        %dma_start3A_98 = tpu.memref_slice %arg7[%add3A_49, %dma_start3A_97] : memref<10240x128xf32, #tpu.memory_space<vmem_shared>> -> memref<64x128xf32, #tpu.memory_space<vmem_shared>>
        %dma_start3A_99 = arith.constant 0 : i32
        %dma_start3A_100 = arith.constant 0 : i32
        %dma_start3A_101 = tpu.memref_slice %arg6[%run_scoped3A_50, %dma_start3A_99, %dma_start3A_100] : memref<5x64x128xf32, #tpu.memory_space<vmem>> -> memref<1x64x128xf32, #tpu.memory_space<vmem>>
        %dma_start3A_102 = tpu.memref_squeeze %dma_start3A_101 : memref<1x64x128xf32, #tpu.memory_space<vmem>> -> memref<64x128xf32, #tpu.memory_space<vmem>>
        tpu.enqueue_dma source(%dma_start3A_102 : memref<64x128xf32, #tpu.memory_space<vmem>>) target(%dma_start3A_98 : memref<64x128xf32, #tpu.memory_space<vmem_shared>>) target_semaphore(%run_scoped3A_90 : memref<!tpu.dma_semaphore, #tpu.memory_space<semaphore_mem>>)
        %dma_wait3A = arith.constant 0 : i32
        %dma_wait3A_103 = arith.constant 0 : i32
        %dma_wait3A_104 = tpu.memref_slice %arg6[%run_scoped3A_50, %dma_wait3A, %dma_wait3A_103] : memref<5x64x128xf32, #tpu.memory_space<vmem>> -> memref<1x64x128xf32, #tpu.memory_space<vmem>>
        %dma_wait3A_105 = tpu.memref_squeeze %dma_wait3A_104 : memref<1x64x128xf32, #tpu.memory_space<vmem>> -> memref<64x128xf32, #tpu.memory_space<vmem>>
        %dma_wait3A_106 = arith.constant 0 : i32
        %dma_wait3A_107 = tpu.memref_slice %arg7[%add3A_49, %dma_wait3A_106] : memref<10240x128xf32, #tpu.memory_space<vmem_shared>> -> memref<64x128xf32, #tpu.memory_space<vmem_shared>>
        %dma_wait3A_108 = arith.constant 0 : i32
        %dma_wait3A_109 = tpu.memref_slice %arg7[%add3A_49, %dma_wait3A_108] : memref<10240x128xf32, #tpu.memory_space<vmem_shared>> -> memref<64x128xf32, #tpu.memory_space<vmem_shared>>
        %dma_wait3A_110 = arith.constant 0 : i32
        %dma_wait3A_111 = arith.constant 0 : i32
        %dma_wait3A_112 = tpu.memref_slice %arg6[%run_scoped3A_50, %dma_wait3A_110, %dma_wait3A_111] : memref<5x64x128xf32, #tpu.memory_space<vmem>> -> memref<1x64x128xf32, #tpu.memory_space<vmem>>
        %dma_wait3A_113 = tpu.memref_squeeze %dma_wait3A_112 : memref<1x64x128xf32, #tpu.memory_space<vmem>> -> memref<64x128xf32, #tpu.memory_space<vmem>>
        tpu.wait_dma2 semaphore(%run_scoped3A_90 : memref<!tpu.dma_semaphore, #tpu.memory_space<semaphore_mem>>) src(%dma_wait3A_113 : memref<64x128xf32, #tpu.memory_space<vmem>>) dst(%dma_wait3A_109 : memref<64x128xf32, #tpu.memory_space<vmem_shared>>)
        tpu.yield
      }) : () -> ()
      %mul3A_51 = arith.constant 640 : i32
      %mul3A_52 = arith.muli %arg1, %mul3A_51 : i32
      %add3A_53 = arith.constant 576 : i32
      %add3A_54 = arith.addi %mul3A_52, %add3A_53 : i32
      %run_scoped3A_55 = arith.constant 0 : i32
      "tpu.region"() ({
        %run_scoped3A_90 = tpu.sem_alloc : memref<!tpu.dma_semaphore, #tpu.memory_space<semaphore_mem>>
        %dma_start3A_91 = arith.constant 0 : i32
        %dma_start3A_92 = arith.constant 0 : i32
        %dma_start3A_93 = tpu.memref_slice %arg6[%run_scoped3A_55, %dma_start3A_91, %dma_start3A_92] : memref<5x64x128xf32, #tpu.memory_space<vmem>> -> memref<1x64x128xf32, #tpu.memory_space<vmem>>
        %dma_start3A_94 = tpu.memref_squeeze %dma_start3A_93 : memref<1x64x128xf32, #tpu.memory_space<vmem>> -> memref<64x128xf32, #tpu.memory_space<vmem>>
        %dma_start3A_95 = arith.constant 0 : i32
        %dma_start3A_96 = tpu.memref_slice %arg7[%add3A_54, %dma_start3A_95] : memref<10240x128xf32, #tpu.memory_space<vmem_shared>> -> memref<64x128xf32, #tpu.memory_space<vmem_shared>>
        %dma_start3A_97 = arith.constant 0 : i32
        %dma_start3A_98 = tpu.memref_slice %arg7[%add3A_54, %dma_start3A_97] : memref<10240x128xf32, #tpu.memory_space<vmem_shared>> -> memref<64x128xf32, #tpu.memory_space<vmem_shared>>
        %dma_start3A_99 = arith.constant 0 : i32
        %dma_start3A_100 = arith.constant 0 : i32
        %dma_start3A_101 = tpu.memref_slice %arg6[%run_scoped3A_55, %dma_start3A_99, %dma_start3A_100] : memref<5x64x128xf32, #tpu.memory_space<vmem>> -> memref<1x64x128xf32, #tpu.memory_space<vmem>>
        %dma_start3A_102 = tpu.memref_squeeze %dma_start3A_101 : memref<1x64x128xf32, #tpu.memory_space<vmem>> -> memref<64x128xf32, #tpu.memory_space<vmem>>
        tpu.enqueue_dma source(%dma_start3A_102 : memref<64x128xf32, #tpu.memory_space<vmem>>) target(%dma_start3A_98 : memref<64x128xf32, #tpu.memory_space<vmem_shared>>) target_semaphore(%run_scoped3A_90 : memref<!tpu.dma_semaphore, #tpu.memory_space<semaphore_mem>>)
        %dma_wait3A = arith.constant 0 : i32
        %dma_wait3A_103 = arith.constant 0 : i32
        %dma_wait3A_104 = tpu.memref_slice %arg6[%run_scoped3A_55, %dma_wait3A, %dma_wait3A_103] : memref<5x64x128xf32, #tpu.memory_space<vmem>> -> memref<1x64x128xf32, #tpu.memory_space<vmem>>
        %dma_wait3A_105 = tpu.memref_squeeze %dma_wait3A_104 : memref<1x64x128xf32, #tpu.memory_space<vmem>> -> memref<64x128xf32, #tpu.memory_space<vmem>>
        %dma_wait3A_106 = arith.constant 0 : i32
        %dma_wait3A_107 = tpu.memref_slice %arg7[%add3A_54, %dma_wait3A_106] : memref<10240x128xf32, #tpu.memory_space<vmem_shared>> -> memref<64x128xf32, #tpu.memory_space<vmem_shared>>
        %dma_wait3A_108 = arith.constant 0 : i32
        %dma_wait3A_109 = tpu.memref_slice %arg7[%add3A_54, %dma_wait3A_108] : memref<10240x128xf32, #tpu.memory_space<vmem_shared>> -> memref<64x128xf32, #tpu.memory_space<vmem_shared>>
        %dma_wait3A_110 = arith.constant 0 : i32
        %dma_wait3A_111 = arith.constant 0 : i32
        %dma_wait3A_112 = tpu.memref_slice %arg6[%run_scoped3A_55, %dma_wait3A_110, %dma_wait3A_111] : memref<5x64x128xf32, #tpu.memory_space<vmem>> -> memref<1x64x128xf32, #tpu.memory_space<vmem>>
        %dma_wait3A_113 = tpu.memref_squeeze %dma_wait3A_112 : memref<1x64x128xf32, #tpu.memory_space<vmem>> -> memref<64x128xf32, #tpu.memory_space<vmem>>
        tpu.wait_dma2 semaphore(%run_scoped3A_90 : memref<!tpu.dma_semaphore, #tpu.memory_space<semaphore_mem>>) src(%dma_wait3A_113 : memref<64x128xf32, #tpu.memory_space<vmem>>) dst(%dma_wait3A_109 : memref<64x128xf32, #tpu.memory_space<vmem_shared>>)
        tpu.yield
      }) : () -> ()
      %barrier3A = arith.constant 0 : index
      tpu.barrier barrier_id(%barrier3A)
      %run_scoped3A_56 = arith.constant 0 : i32
      "tpu.region"() ({
        %run_scoped3A_90 = tpu.sem_alloc : memref<!tpu.dma_semaphore, #tpu.memory_space<semaphore_mem>>
        %dma_start3A_91 = arith.constant 0 : i32
        %dma_start3A_92 = arith.constant 0 : i32
        %dma_start3A_93 = arith.constant 0 : i32
        %dma_start3A_94 = tpu.memref_slice %arg5[%run_scoped3A_56, %dma_start3A_91, %dma_start3A_92, %dma_start3A_93] : memref<2x2x5x64xi32, #tpu.memory_space<vmem>> -> memref<1x2x5x64xi32, #tpu.memory_space<vmem>>
        %dma_start3A_95 = tpu.memref_squeeze %dma_start3A_94 : memref<1x2x5x64xi32, #tpu.memory_space<vmem>> -> memref<2x5x64xi32, #tpu.memory_space<vmem>>
        %dma_start3A_96 = arith.constant 0 : i32
        %dma_start3A_97 = arith.constant 0 : i32
        %dma_start3A_98 = arith.constant 0 : i32
        %dma_start3A_99 = tpu.memref_slice %arg2[%dma_start3A_96, %mul3A_0, %dma_start3A_97, %dma_start3A_98] : memref<2x1024x5x64xi32, #tpu.memory_space<hbm>> -> memref<2x1x5x64xi32, #tpu.memory_space<hbm>>
        %dma_start3A_100 = tpu.memref_squeeze %dma_start3A_99 : memref<2x1x5x64xi32, #tpu.memory_space<hbm>> -> memref<2x5x64xi32, #tpu.memory_space<hbm>>
        %dma_start3A_101 = arith.constant 0 : i32
        %dma_start3A_102 = arith.constant 0 : i32
        %dma_start3A_103 = arith.constant 0 : i32
        %dma_start3A_104 = tpu.memref_slice %arg5[%run_scoped3A_56, %dma_start3A_101, %dma_start3A_102, %dma_start3A_103] : memref<2x2x5x64xi32, #tpu.memory_space<vmem>> -> memref<1x2x5x64xi32, #tpu.memory_space<vmem>>
        %dma_start3A_105 = tpu.memref_squeeze %dma_start3A_104 : memref<1x2x5x64xi32, #tpu.memory_space<vmem>> -> memref<2x5x64xi32, #tpu.memory_space<vmem>>
        %dma_start3A_106 = arith.constant 0 : i32
        %dma_start3A_107 = arith.constant 0 : i32
        %dma_start3A_108 = arith.constant 0 : i32
        %dma_start3A_109 = tpu.memref_slice %arg2[%dma_start3A_106, %mul3A_0, %dma_start3A_107, %dma_start3A_108] : memref<2x1024x5x64xi32, #tpu.memory_space<hbm>> -> memref<2x1x5x64xi32, #tpu.memory_space<hbm>>
        %dma_start3A_110 = tpu.memref_squeeze %dma_start3A_109 : memref<2x1x5x64xi32, #tpu.memory_space<hbm>> -> memref<2x5x64xi32, #tpu.memory_space<hbm>>
        tpu.enqueue_dma source(%dma_start3A_110 : memref<2x5x64xi32, #tpu.memory_space<hbm>>) target(%dma_start3A_105 : memref<2x5x64xi32, #tpu.memory_space<vmem>>) target_semaphore(%run_scoped3A_90 : memref<!tpu.dma_semaphore, #tpu.memory_space<semaphore_mem>>)
        %dma_wait3A = arith.constant 0 : i32
        %dma_wait3A_111 = arith.constant 0 : i32
        %dma_wait3A_112 = arith.constant 0 : i32
        %dma_wait3A_113 = tpu.memref_slice %arg5[%run_scoped3A_56, %dma_wait3A, %dma_wait3A_111, %dma_wait3A_112] : memref<2x2x5x64xi32, #tpu.memory_space<vmem>> -> memref<1x2x5x64xi32, #tpu.memory_space<vmem>>
        %dma_wait3A_114 = tpu.memref_squeeze %dma_wait3A_113 : memref<1x2x5x64xi32, #tpu.memory_space<vmem>> -> memref<2x5x64xi32, #tpu.memory_space<vmem>>
        %dma_wait3A_115 = arith.constant 0 : i32
        %dma_wait3A_116 = arith.constant 0 : i32
        %dma_wait3A_117 = arith.constant 0 : i32
        %dma_wait3A_118 = tpu.memref_slice %arg2[%dma_wait3A_115, %mul3A_0, %dma_wait3A_116, %dma_wait3A_117] : memref<2x1024x5x64xi32, #tpu.memory_space<hbm>> -> memref<2x1x5x64xi32, #tpu.memory_space<hbm>>
        %dma_wait3A_119 = tpu.memref_squeeze %dma_wait3A_118 : memref<2x1x5x64xi32, #tpu.memory_space<hbm>> -> memref<2x5x64xi32, #tpu.memory_space<hbm>>
        %dma_wait3A_120 = arith.constant 0 : i32
        %dma_wait3A_121 = arith.constant 0 : i32
        %dma_wait3A_122 = arith.constant 0 : i32
        %dma_wait3A_123 = tpu.memref_slice %arg5[%run_scoped3A_56, %dma_wait3A_120, %dma_wait3A_121, %dma_wait3A_122] : memref<2x2x5x64xi32, #tpu.memory_space<vmem>> -> memref<1x2x5x64xi32, #tpu.memory_space<vmem>>
        %dma_wait3A_124 = tpu.memref_squeeze %dma_wait3A_123 : memref<1x2x5x64xi32, #tpu.memory_space<vmem>> -> memref<2x5x64xi32, #tpu.memory_space<vmem>>
        %dma_wait3A_125 = arith.constant 0 : i32
        %dma_wait3A_126 = arith.constant 0 : i32
        %dma_wait3A_127 = arith.constant 0 : i32
        %dma_wait3A_128 = tpu.memref_slice %arg2[%dma_wait3A_125, %mul3A_0, %dma_wait3A_126, %dma_wait3A_127] : memref<2x1024x5x64xi32, #tpu.memory_space<hbm>> -> memref<2x1x5x64xi32, #tpu.memory_space<hbm>>
        %dma_wait3A_129 = tpu.memref_squeeze %dma_wait3A_128 : memref<2x1x5x64xi32, #tpu.memory_space<hbm>> -> memref<2x5x64xi32, #tpu.memory_space<hbm>>
        tpu.wait_dma2 semaphore(%run_scoped3A_90 : memref<!tpu.dma_semaphore, #tpu.memory_space<semaphore_mem>>) src(%dma_wait3A_129 : memref<2x5x64xi32, #tpu.memory_space<hbm>>) dst(%dma_wait3A_124 : memref<2x5x64xi32, #tpu.memory_space<vmem>>)
        tpu.yield
      }) : () -> ()
      %add3A_57 = arith.constant 1 : i32
      %add3A_58 = arith.addi %mul3A_0, %add3A_57 : i32
      %dma_start3A = arith.constant 1 : i32
      %dma_start3A_59 = arith.constant 0 : i32
      %dma_start3A_60 = arith.constant 0 : i32
      %dma_start3A_61 = arith.constant 0 : i32
      %dma_start3A_62 = tpu.memref_slice %arg5[%dma_start3A, %dma_start3A_59, %dma_start3A_60, %dma_start3A_61] : memref<2x2x5x64xi32, #tpu.memory_space<vmem>> -> memref<1x2x5x64xi32, #tpu.memory_space<vmem>>
      %dma_start3A_63 = tpu.memref_squeeze %dma_start3A_62 : memref<1x2x5x64xi32, #tpu.memory_space<vmem>> -> memref<2x5x64xi32, #tpu.memory_space<vmem>>
      %dma_start3A_64 = arith.constant 0 : i32
      %dma_start3A_65 = arith.constant 0 : i32
      %dma_start3A_66 = arith.constant 0 : i32
      %dma_start3A_67 = tpu.memref_slice %arg2[%dma_start3A_64, %add3A_58, %dma_start3A_65, %dma_start3A_66] : memref<2x1024x5x64xi32, #tpu.memory_space<hbm>> -> memref<2x1x5x64xi32, #tpu.memory_space<hbm>>
      %dma_start3A_68 = tpu.memref_squeeze %dma_start3A_67 : memref<2x1x5x64xi32, #tpu.memory_space<hbm>> -> memref<2x5x64xi32, #tpu.memory_space<hbm>>
      %dma_start3A_69 = arith.constant 0 : i32
      %dma_start3A_70 = arith.constant 0 : i32
      %dma_start3A_71 = arith.constant 0 : i32
      %dma_start3A_72 = tpu.memref_slice %arg5[%dma_start3A, %dma_start3A_69, %dma_start3A_70, %dma_start3A_71] : memref<2x2x5x64xi32, #tpu.memory_space<vmem>> -> memref<1x2x5x64xi32, #tpu.memory_space<vmem>>
      %dma_start3A_73 = tpu.memref_squeeze %dma_start3A_72 : memref<1x2x5x64xi32, #tpu.memory_space<vmem>> -> memref<2x5x64xi32, #tpu.memory_space<vmem>>
      %dma_start3A_74 = arith.constant 0 : i32
      %dma_start3A_75 = arith.constant 0 : i32
      %dma_start3A_76 = arith.constant 0 : i32
      %dma_start3A_77 = tpu.memref_slice %arg2[%dma_start3A_74, %add3A_58, %dma_start3A_75, %dma_start3A_76] : memref<2x1024x5x64xi32, #tpu.memory_space<hbm>> -> memref<2x1x5x64xi32, #tpu.memory_space<hbm>>
      %dma_start3A_78 = tpu.memref_squeeze %dma_start3A_77 : memref<2x1x5x64xi32, #tpu.memory_space<hbm>> -> memref<2x5x64xi32, #tpu.memory_space<hbm>>
      tpu.enqueue_dma source(%dma_start3A_78 : memref<2x5x64xi32, #tpu.memory_space<hbm>>) target(%dma_start3A_73 : memref<2x5x64xi32, #tpu.memory_space<vmem>>) target_semaphore(%arg10 : memref<!tpu.dma_semaphore, #tpu.memory_space<semaphore_mem>>)
      %scan3A_79 = arith.constant 0 : i32
      %scan3A_80 = arith.constant 0 : i32
      %scan3A_81 = arith.constant 32 : i32
      %scan3A_82 = arith.addi %scan3A_80, %scan3A_81 : i32
      %scan3A_83 = arith.constant 1 : i32
      scf.for %scan3A_90 = %scan3A_80 to %scan3A_82 step %scan3A_83  : i32 {
        %dma_start3A_91 = arith.constant 0 : i32
        %dma_start3A_92 = arith.constant 0 : i32
        %dma_start3A_93 = arith.constant 0 : i32
        %dma_start3A_94 = arith.constant 0 : i32
        %dma_start3A_95 = arith.constant 0 : i32
        %dma_start3A_96 = arith.constant 0 : i32
        %dma_start3A_97 = tpu.memref_slice %arg6[%dma_start3A_94, %dma_start3A_95, %dma_start3A_96] : memref<5x64x128xf32, #tpu.memory_space<vmem>> -> memref<1x64x128xf32, #tpu.memory_space<vmem>>
        %dma_start3A_98 = tpu.memref_squeeze %dma_start3A_97 : memref<1x64x128xf32, #tpu.memory_space<vmem>> -> memref<64x128xf32, #tpu.memory_space<vmem>>
        %dma_start3A_99 = arith.constant 0 : i32
        %dma_start3A_100 = tpu.memref_slice %arg5[%dma_start3A_91, %dma_start3A_92, %dma_start3A_93, %dma_start3A_99] : memref<2x2x5x64xi32, #tpu.memory_space<vmem>> -> memref<1x1x1x64xi32, #tpu.memory_space<vmem>>
        %dma_start3A_101 = tpu.memref_squeeze %dma_start3A_100 : memref<1x1x1x64xi32, #tpu.memory_space<vmem>> -> memref<64xi32, #tpu.memory_space<vmem>>
        %dma_start3A_102 = arith.constant 0 : i32
        %dma_start3A_103 = arith.constant 0 : i32
        %dma_start3A_104 = tpu.memref_slice %arg3[%dma_start3A_102, %dma_start3A_103] : memref<10240x128xf32, #tpu.memory_space<hbm>> -> memref<10240x128xf32, #tpu.memory_space<hbm>>
        tpu.enqueue_indirect_dma source(%dma_start3A_104 : memref<10240x128xf32, #tpu.memory_space<hbm>>) target(%dma_start3A_98 : memref<64x128xf32, #tpu.memory_space<vmem>>) offsets(%dma_start3A_101 : memref<64xi32, #tpu.memory_space<vmem>>) semaphore(%arg8 : memref<!tpu.dma_semaphore, #tpu.memory_space<semaphore_mem>>)
        %dma_start3A_105 = arith.constant 0 : i32
        %dma_start3A_106 = arith.constant 0 : i32
        %dma_start3A_107 = arith.constant 1 : i32
        %dma_start3A_108 = arith.constant 1 : i32
        %dma_start3A_109 = arith.constant 0 : i32
        %dma_start3A_110 = arith.constant 0 : i32
        %dma_start3A_111 = tpu.memref_slice %arg6[%dma_start3A_108, %dma_start3A_109, %dma_start3A_110] : memref<5x64x128xf32, #tpu.memory_space<vmem>> -> memref<1x64x128xf32, #tpu.memory_space<vmem>>
        %dma_start3A_112 = tpu.memref_squeeze %dma_start3A_111 : memref<1x64x128xf32, #tpu.memory_space<vmem>> -> memref<64x128xf32, #tpu.memory_space<vmem>>
        %dma_start3A_113 = arith.constant 0 : i32
        %dma_start3A_114 = tpu.memref_slice %arg5[%dma_start3A_105, %dma_start3A_106, %dma_start3A_107, %dma_start3A_113] : memref<2x2x5x64xi32, #tpu.memory_space<vmem>> -> memref<1x1x1x64xi32, #tpu.memory_space<vmem>>
        %dma_start3A_115 = tpu.memref_squeeze %dma_start3A_114 : memref<1x1x1x64xi32, #tpu.memory_space<vmem>> -> memref<64xi32, #tpu.memory_space<vmem>>
        %dma_start3A_116 = arith.constant 0 : i32
        %dma_start3A_117 = arith.constant 0 : i32
        %dma_start3A_118 = tpu.memref_slice %arg3[%dma_start3A_116, %dma_start3A_117] : memref<10240x128xf32, #tpu.memory_space<hbm>> -> memref<10240x128xf32, #tpu.memory_space<hbm>>
        tpu.enqueue_indirect_dma source(%dma_start3A_118 : memref<10240x128xf32, #tpu.memory_space<hbm>>) target(%dma_start3A_112 : memref<64x128xf32, #tpu.memory_space<vmem>>) offsets(%dma_start3A_115 : memref<64xi32, #tpu.memory_space<vmem>>) semaphore(%arg8 : memref<!tpu.dma_semaphore, #tpu.memory_space<semaphore_mem>>)
        %dma_start3A_119 = arith.constant 0 : i32
        %dma_start3A_120 = arith.constant 0 : i32
        %dma_start3A_121 = arith.constant 2 : i32
        %dma_start3A_122 = arith.constant 2 : i32
        %dma_start3A_123 = arith.constant 0 : i32
        %dma_start3A_124 = arith.constant 0 : i32
        %dma_start3A_125 = tpu.memref_slice %arg6[%dma_start3A_122, %dma_start3A_123, %dma_start3A_124] : memref<5x64x128xf32, #tpu.memory_space<vmem>> -> memref<1x64x128xf32, #tpu.memory_space<vmem>>
        %dma_start3A_126 = tpu.memref_squeeze %dma_start3A_125 : memref<1x64x128xf32, #tpu.memory_space<vmem>> -> memref<64x128xf32, #tpu.memory_space<vmem>>
        %dma_start3A_127 = arith.constant 0 : i32
        %dma_start3A_128 = tpu.memref_slice %arg5[%dma_start3A_119, %dma_start3A_120, %dma_start3A_121, %dma_start3A_127] : memref<2x2x5x64xi32, #tpu.memory_space<vmem>> -> memref<1x1x1x64xi32, #tpu.memory_space<vmem>>
        %dma_start3A_129 = tpu.memref_squeeze %dma_start3A_128 : memref<1x1x1x64xi32, #tpu.memory_space<vmem>> -> memref<64xi32, #tpu.memory_space<vmem>>
        %dma_start3A_130 = arith.constant 0 : i32
        %dma_start3A_131 = arith.constant 0 : i32
        %dma_start3A_132 = tpu.memref_slice %arg3[%dma_start3A_130, %dma_start3A_131] : memref<10240x128xf32, #tpu.memory_space<hbm>> -> memref<10240x128xf32, #tpu.memory_space<hbm>>
        tpu.enqueue_indirect_dma source(%dma_start3A_132 : memref<10240x128xf32, #tpu.memory_space<hbm>>) target(%dma_start3A_126 : memref<64x128xf32, #tpu.memory_space<vmem>>) offsets(%dma_start3A_129 : memref<64xi32, #tpu.memory_space<vmem>>) semaphore(%arg8 : memref<!tpu.dma_semaphore, #tpu.memory_space<semaphore_mem>>)
        %dma_start3A_133 = arith.constant 0 : i32
        %dma_start3A_134 = arith.constant 0 : i32
        %dma_start3A_135 = arith.constant 3 : i32
        %dma_start3A_136 = arith.constant 3 : i32
        %dma_start3A_137 = arith.constant 0 : i32
        %dma_start3A_138 = arith.constant 0 : i32
        %dma_start3A_139 = tpu.memref_slice %arg6[%dma_start3A_136, %dma_start3A_137, %dma_start3A_138] : memref<5x64x128xf32, #tpu.memory_space<vmem>> -> memref<1x64x128xf32, #tpu.memory_space<vmem>>
        %dma_start3A_140 = tpu.memref_squeeze %dma_start3A_139 : memref<1x64x128xf32, #tpu.memory_space<vmem>> -> memref<64x128xf32, #tpu.memory_space<vmem>>
        %dma_start3A_141 = arith.constant 0 : i32
        %dma_start3A_142 = tpu.memref_slice %arg5[%dma_start3A_133, %dma_start3A_134, %dma_start3A_135, %dma_start3A_141] : memref<2x2x5x64xi32, #tpu.memory_space<vmem>> -> memref<1x1x1x64xi32, #tpu.memory_space<vmem>>
        %dma_start3A_143 = tpu.memref_squeeze %dma_start3A_142 : memref<1x1x1x64xi32, #tpu.memory_space<vmem>> -> memref<64xi32, #tpu.memory_space<vmem>>
        %dma_start3A_144 = arith.constant 0 : i32
        %dma_start3A_145 = arith.constant 0 : i32
        %dma_start3A_146 = tpu.memref_slice %arg3[%dma_start3A_144, %dma_start3A_145] : memref<10240x128xf32, #tpu.memory_space<hbm>> -> memref<10240x128xf32, #tpu.memory_space<hbm>>
        tpu.enqueue_indirect_dma source(%dma_start3A_146 : memref<10240x128xf32, #tpu.memory_space<hbm>>) target(%dma_start3A_140 : memref<64x128xf32, #tpu.memory_space<vmem>>) offsets(%dma_start3A_143 : memref<64xi32, #tpu.memory_space<vmem>>) semaphore(%arg8 : memref<!tpu.dma_semaphore, #tpu.memory_space<semaphore_mem>>)
        %dma_start3A_147 = arith.constant 0 : i32
        %dma_start3A_148 = arith.constant 0 : i32
        %dma_start3A_149 = arith.constant 4 : i32
        %dma_start3A_150 = arith.constant 4 : i32
        %dma_start3A_151 = arith.constant 0 : i32
        %dma_start3A_152 = arith.constant 0 : i32
        %dma_start3A_153 = tpu.memref_slice %arg6[%dma_start3A_150, %dma_start3A_151, %dma_start3A_152] : memref<5x64x128xf32, #tpu.memory_space<vmem>> -> memref<1x64x128xf32, #tpu.memory_space<vmem>>
        %dma_start3A_154 = tpu.memref_squeeze %dma_start3A_153 : memref<1x64x128xf32, #tpu.memory_space<vmem>> -> memref<64x128xf32, #tpu.memory_space<vmem>>
        %dma_start3A_155 = arith.constant 0 : i32
        %dma_start3A_156 = tpu.memref_slice %arg5[%dma_start3A_147, %dma_start3A_148, %dma_start3A_149, %dma_start3A_155] : memref<2x2x5x64xi32, #tpu.memory_space<vmem>> -> memref<1x1x1x64xi32, #tpu.memory_space<vmem>>
        %dma_start3A_157 = tpu.memref_squeeze %dma_start3A_156 : memref<1x1x1x64xi32, #tpu.memory_space<vmem>> -> memref<64xi32, #tpu.memory_space<vmem>>
        %dma_start3A_158 = arith.constant 0 : i32
        %dma_start3A_159 = arith.constant 0 : i32
        %dma_start3A_160 = tpu.memref_slice %arg3[%dma_start3A_158, %dma_start3A_159] : memref<10240x128xf32, #tpu.memory_space<hbm>> -> memref<10240x128xf32, #tpu.memory_space<hbm>>
        tpu.enqueue_indirect_dma source(%dma_start3A_160 : memref<10240x128xf32, #tpu.memory_space<hbm>>) target(%dma_start3A_154 : memref<64x128xf32, #tpu.memory_space<vmem>>) offsets(%dma_start3A_157 : memref<64xi32, #tpu.memory_space<vmem>>) semaphore(%arg8 : memref<!tpu.dma_semaphore, #tpu.memory_space<semaphore_mem>>)
        %dma_wait3A = arith.constant 0 : i32
        %dma_wait3A_161 = arith.constant 0 : i32
        %dma_wait3A_162 = arith.constant 0 : i32
        %dma_wait3A_163 = arith.constant 0 : i32
        %dma_wait3A_164 = arith.constant 0 : i32
        %dma_wait3A_165 = arith.constant 0 : i32
        %dma_wait3A_166 = tpu.memref_slice %arg6[%dma_wait3A_163, %dma_wait3A_164, %dma_wait3A_165] : memref<5x64x128xf32, #tpu.memory_space<vmem>> -> memref<1x64x128xf32, #tpu.memory_space<vmem>>
        %dma_wait3A_167 = tpu.memref_squeeze %dma_wait3A_166 : memref<1x64x128xf32, #tpu.memory_space<vmem>> -> memref<64x128xf32, #tpu.memory_space<vmem>>
        %dma_wait3A_168 = arith.constant 0 : i32
        %dma_wait3A_169 = tpu.memref_slice %arg5[%dma_wait3A, %dma_wait3A_161, %dma_wait3A_162, %dma_wait3A_168] : memref<2x2x5x64xi32, #tpu.memory_space<vmem>> -> memref<1x1x1x64xi32, #tpu.memory_space<vmem>>
        %dma_wait3A_170 = tpu.memref_squeeze %dma_wait3A_169 : memref<1x1x1x64xi32, #tpu.memory_space<vmem>> -> memref<64xi32, #tpu.memory_space<vmem>>
        %dma_wait3A_171 = arith.constant 0 : i32
        %dma_wait3A_172 = arith.constant 0 : i32
        %dma_wait3A_173 = tpu.memref_slice %arg3[%dma_wait3A_171, %dma_wait3A_172] : memref<10240x128xf32, #tpu.memory_space<hbm>> -> memref<10240x128xf32, #tpu.memory_space<hbm>>
        tpu.wait_indirect_dma semaphore(%arg8 : memref<!tpu.dma_semaphore, #tpu.memory_space<semaphore_mem>>) src(%dma_wait3A_173 : memref<10240x128xf32, #tpu.memory_space<hbm>>) dst(%dma_wait3A_167 : memref<64x128xf32, #tpu.memory_space<vmem>>)
        %dma_start3A_174 = arith.constant 0 : i32
        %dma_start3A_175 = arith.constant 0 : i32
        %dma_start3A_176 = arith.constant 1 : i32
        %dma_start3A_177 = arith.constant 0 : i32
        %dma_start3A_178 = arith.constant 0 : i32
        %dma_start3A_179 = arith.constant 0 : i32
        %dma_start3A_180 = tpu.memref_slice %arg6[%dma_start3A_174, %dma_start3A_178, %dma_start3A_179] : memref<5x64x128xf32, #tpu.memory_space<vmem>> -> memref<1x64x128xf32, #tpu.memory_space<vmem>>
        %dma_start3A_181 = tpu.memref_squeeze %dma_start3A_180 : memref<1x64x128xf32, #tpu.memory_space<vmem>> -> memref<64x128xf32, #tpu.memory_space<vmem>>
        %dma_start3A_182 = arith.constant 0 : i32
        %dma_start3A_183 = tpu.memref_slice %arg5[%dma_start3A_175, %dma_start3A_176, %dma_start3A_177, %dma_start3A_182] : memref<2x2x5x64xi32, #tpu.memory_space<vmem>> -> memref<1x1x1x64xi32, #tpu.memory_space<vmem>>
        %dma_start3A_184 = tpu.memref_squeeze %dma_start3A_183 : memref<1x1x1x64xi32, #tpu.memory_space<vmem>> -> memref<64xi32, #tpu.memory_space<vmem>>
        %dma_start3A_185 = arith.constant 0 : i32
        %dma_start3A_186 = arith.constant 0 : i32
        %dma_start3A_187 = tpu.memref_slice %arg7[%dma_start3A_185, %dma_start3A_186] : memref<10240x128xf32, #tpu.memory_space<vmem_shared>> -> memref<10240x128xf32, #tpu.memory_space<vmem_shared>>
        tpu.enqueue_indirect_dma source(%dma_start3A_181 : memref<64x128xf32, #tpu.memory_space<vmem>>) target(%dma_start3A_187 : memref<10240x128xf32, #tpu.memory_space<vmem_shared>>) offsets(%dma_start3A_184 : memref<64xi32, #tpu.memory_space<vmem>>) semaphore(%arg9 : memref<!tpu.dma_semaphore, #tpu.memory_space<semaphore_mem>>) {add = true}
        %dma_wait3A_188 = arith.constant 0 : i32
        %dma_wait3A_189 = arith.constant 0 : i32
        %dma_wait3A_190 = arith.constant 1 : i32
        %dma_wait3A_191 = arith.constant 1 : i32
        %dma_wait3A_192 = arith.constant 0 : i32
        %dma_wait3A_193 = arith.constant 0 : i32
        %dma_wait3A_194 = tpu.memref_slice %arg6[%dma_wait3A_191, %dma_wait3A_192, %dma_wait3A_193] : memref<5x64x128xf32, #tpu.memory_space<vmem>> -> memref<1x64x128xf32, #tpu.memory_space<vmem>>
        %dma_wait3A_195 = tpu.memref_squeeze %dma_wait3A_194 : memref<1x64x128xf32, #tpu.memory_space<vmem>> -> memref<64x128xf32, #tpu.memory_space<vmem>>
        %dma_wait3A_196 = arith.constant 0 : i32
        %dma_wait3A_197 = tpu.memref_slice %arg5[%dma_wait3A_188, %dma_wait3A_189, %dma_wait3A_190, %dma_wait3A_196] : memref<2x2x5x64xi32, #tpu.memory_space<vmem>> -> memref<1x1x1x64xi32, #tpu.memory_space<vmem>>
        %dma_wait3A_198 = tpu.memref_squeeze %dma_wait3A_197 : memref<1x1x1x64xi32, #tpu.memory_space<vmem>> -> memref<64xi32, #tpu.memory_space<vmem>>
        %dma_wait3A_199 = arith.constant 0 : i32
        %dma_wait3A_200 = arith.constant 0 : i32
        %dma_wait3A_201 = tpu.memref_slice %arg3[%dma_wait3A_199, %dma_wait3A_200] : memref<10240x128xf32, #tpu.memory_space<hbm>> -> memref<10240x128xf32, #tpu.memory_space<hbm>>
        tpu.wait_indirect_dma semaphore(%arg8 : memref<!tpu.dma_semaphore, #tpu.memory_space<semaphore_mem>>) src(%dma_wait3A_201 : memref<10240x128xf32, #tpu.memory_space<hbm>>) dst(%dma_wait3A_195 : memref<64x128xf32, #tpu.memory_space<vmem>>)
        %dma_start3A_202 = arith.constant 1 : i32
        %dma_start3A_203 = arith.constant 0 : i32
        %dma_start3A_204 = arith.constant 1 : i32
        %dma_start3A_205 = arith.constant 1 : i32
        %dma_start3A_206 = arith.constant 0 : i32
        %dma_start3A_207 = arith.constant 0 : i32
        %dma_start3A_208 = tpu.memref_slice %arg6[%dma_start3A_202, %dma_start3A_206, %dma_start3A_207] : memref<5x64x128xf32, #tpu.memory_space<vmem>> -> memref<1x64x128xf32, #tpu.memory_space<vmem>>
        %dma_start3A_209 = tpu.memref_squeeze %dma_start3A_208 : memref<1x64x128xf32, #tpu.memory_space<vmem>> -> memref<64x128xf32, #tpu.memory_space<vmem>>
        %dma_start3A_210 = arith.constant 0 : i32
        %dma_start3A_211 = tpu.memref_slice %arg5[%dma_start3A_203, %dma_start3A_204, %dma_start3A_205, %dma_start3A_210] : memref<2x2x5x64xi32, #tpu.memory_space<vmem>> -> memref<1x1x1x64xi32, #tpu.memory_space<vmem>>
        %dma_start3A_212 = tpu.memref_squeeze %dma_start3A_211 : memref<1x1x1x64xi32, #tpu.memory_space<vmem>> -> memref<64xi32, #tpu.memory_space<vmem>>
        %dma_start3A_213 = arith.constant 0 : i32
        %dma_start3A_214 = arith.constant 0 : i32
        %dma_start3A_215 = tpu.memref_slice %arg7[%dma_start3A_213, %dma_start3A_214] : memref<10240x128xf32, #tpu.memory_space<vmem_shared>> -> memref<10240x128xf32, #tpu.memory_space<vmem_shared>>
        tpu.enqueue_indirect_dma source(%dma_start3A_209 : memref<64x128xf32, #tpu.memory_space<vmem>>) target(%dma_start3A_215 : memref<10240x128xf32, #tpu.memory_space<vmem_shared>>) offsets(%dma_start3A_212 : memref<64xi32, #tpu.memory_space<vmem>>) semaphore(%arg9 : memref<!tpu.dma_semaphore, #tpu.memory_space<semaphore_mem>>) {add = true}
        %dma_wait3A_216 = arith.constant 0 : i32
        %dma_wait3A_217 = arith.constant 0 : i32
        %dma_wait3A_218 = arith.constant 2 : i32
        %dma_wait3A_219 = arith.constant 2 : i32
        %dma_wait3A_220 = arith.constant 0 : i32
        %dma_wait3A_221 = arith.constant 0 : i32
        %dma_wait3A_222 = tpu.memref_slice %arg6[%dma_wait3A_219, %dma_wait3A_220, %dma_wait3A_221] : memref<5x64x128xf32, #tpu.memory_space<vmem>> -> memref<1x64x128xf32, #tpu.memory_space<vmem>>
        %dma_wait3A_223 = tpu.memref_squeeze %dma_wait3A_222 : memref<1x64x128xf32, #tpu.memory_space<vmem>> -> memref<64x128xf32, #tpu.memory_space<vmem>>
        %dma_wait3A_224 = arith.constant 0 : i32
        %dma_wait3A_225 = tpu.memref_slice %arg5[%dma_wait3A_216, %dma_wait3A_217, %dma_wait3A_218, %dma_wait3A_224] : memref<2x2x5x64xi32, #tpu.memory_space<vmem>> -> memref<1x1x1x64xi32, #tpu.memory_space<vmem>>
        %dma_wait3A_226 = tpu.memref_squeeze %dma_wait3A_225 : memref<1x1x1x64xi32, #tpu.memory_space<vmem>> -> memref<64xi32, #tpu.memory_space<vmem>>
        %dma_wait3A_227 = arith.constant 0 : i32
        %dma_wait3A_228 = arith.constant 0 : i32
        %dma_wait3A_229 = tpu.memref_slice %arg3[%dma_wait3A_227, %dma_wait3A_228] : memref<10240x128xf32, #tpu.memory_space<hbm>> -> memref<10240x128xf32, #tpu.memory_space<hbm>>
        tpu.wait_indirect_dma semaphore(%arg8 : memref<!tpu.dma_semaphore, #tpu.memory_space<semaphore_mem>>) src(%dma_wait3A_229 : memref<10240x128xf32, #tpu.memory_space<hbm>>) dst(%dma_wait3A_223 : memref<64x128xf32, #tpu.memory_space<vmem>>)
        %dma_start3A_230 = arith.constant 2 : i32
        %dma_start3A_231 = arith.constant 0 : i32
        %dma_start3A_232 = arith.constant 1 : i32
        %dma_start3A_233 = arith.constant 2 : i32
        %dma_start3A_234 = arith.constant 0 : i32
        %dma_start3A_235 = arith.constant 0 : i32
        %dma_start3A_236 = tpu.memref_slice %arg6[%dma_start3A_230, %dma_start3A_234, %dma_start3A_235] : memref<5x64x128xf32, #tpu.memory_space<vmem>> -> memref<1x64x128xf32, #tpu.memory_space<vmem>>
        %dma_start3A_237 = tpu.memref_squeeze %dma_start3A_236 : memref<1x64x128xf32, #tpu.memory_space<vmem>> -> memref<64x128xf32, #tpu.memory_space<vmem>>
        %dma_start3A_238 = arith.constant 0 : i32
        %dma_start3A_239 = tpu.memref_slice %arg5[%dma_start3A_231, %dma_start3A_232, %dma_start3A_233, %dma_start3A_238] : memref<2x2x5x64xi32, #tpu.memory_space<vmem>> -> memref<1x1x1x64xi32, #tpu.memory_space<vmem>>
        %dma_start3A_240 = tpu.memref_squeeze %dma_start3A_239 : memref<1x1x1x64xi32, #tpu.memory_space<vmem>> -> memref<64xi32, #tpu.memory_space<vmem>>
        %dma_start3A_241 = arith.constant 0 : i32
        %dma_start3A_242 = arith.constant 0 : i32
        %dma_start3A_243 = tpu.memref_slice %arg7[%dma_start3A_241, %dma_start3A_242] : memref<10240x128xf32, #tpu.memory_space<vmem_shared>> -> memref<10240x128xf32, #tpu.memory_space<vmem_shared>>
        tpu.enqueue_indirect_dma source(%dma_start3A_237 : memref<64x128xf32, #tpu.memory_space<vmem>>) target(%dma_start3A_243 : memref<10240x128xf32, #tpu.memory_space<vmem_shared>>) offsets(%dma_start3A_240 : memref<64xi32, #tpu.memory_space<vmem>>) semaphore(%arg9 : memref<!tpu.dma_semaphore, #tpu.memory_space<semaphore_mem>>) {add = true}
        %dma_wait3A_244 = arith.constant 0 : i32
        %dma_wait3A_245 = arith.constant 0 : i32
        %dma_wait3A_246 = arith.constant 3 : i32
        %dma_wait3A_247 = arith.constant 3 : i32
        %dma_wait3A_248 = arith.constant 0 : i32
        %dma_wait3A_249 = arith.constant 0 : i32
        %dma_wait3A_250 = tpu.memref_slice %arg6[%dma_wait3A_247, %dma_wait3A_248, %dma_wait3A_249] : memref<5x64x128xf32, #tpu.memory_space<vmem>> -> memref<1x64x128xf32, #tpu.memory_space<vmem>>
        %dma_wait3A_251 = tpu.memref_squeeze %dma_wait3A_250 : memref<1x64x128xf32, #tpu.memory_space<vmem>> -> memref<64x128xf32, #tpu.memory_space<vmem>>
        %dma_wait3A_252 = arith.constant 0 : i32
        %dma_wait3A_253 = tpu.memref_slice %arg5[%dma_wait3A_244, %dma_wait3A_245, %dma_wait3A_246, %dma_wait3A_252] : memref<2x2x5x64xi32, #tpu.memory_space<vmem>> -> memref<1x1x1x64xi32, #tpu.memory_space<vmem>>
        %dma_wait3A_254 = tpu.memref_squeeze %dma_wait3A_253 : memref<1x1x1x64xi32, #tpu.memory_space<vmem>> -> memref<64xi32, #tpu.memory_space<vmem>>
        %dma_wait3A_255 = arith.constant 0 : i32
        %dma_wait3A_256 = arith.constant 0 : i32
        %dma_wait3A_257 = tpu.memref_slice %arg3[%dma_wait3A_255, %dma_wait3A_256] : memref<10240x128xf32, #tpu.memory_space<hbm>> -> memref<10240x128xf32, #tpu.memory_space<hbm>>
        tpu.wait_indirect_dma semaphore(%arg8 : memref<!tpu.dma_semaphore, #tpu.memory_space<semaphore_mem>>) src(%dma_wait3A_257 : memref<10240x128xf32, #tpu.memory_space<hbm>>) dst(%dma_wait3A_251 : memref<64x128xf32, #tpu.memory_space<vmem>>)
        %dma_start3A_258 = arith.constant 3 : i32
        %dma_start3A_259 = arith.constant 0 : i32
        %dma_start3A_260 = arith.constant 1 : i32
        %dma_start3A_261 = arith.constant 3 : i32
        %dma_start3A_262 = arith.constant 0 : i32
        %dma_start3A_263 = arith.constant 0 : i32
        %dma_start3A_264 = tpu.memref_slice %arg6[%dma_start3A_258, %dma_start3A_262, %dma_start3A_263] : memref<5x64x128xf32, #tpu.memory_space<vmem>> -> memref<1x64x128xf32, #tpu.memory_space<vmem>>
        %dma_start3A_265 = tpu.memref_squeeze %dma_start3A_264 : memref<1x64x128xf32, #tpu.memory_space<vmem>> -> memref<64x128xf32, #tpu.memory_space<vmem>>
        %dma_start3A_266 = arith.constant 0 : i32
        %dma_start3A_267 = tpu.memref_slice %arg5[%dma_start3A_259, %dma_start3A_260, %dma_start3A_261, %dma_start3A_266] : memref<2x2x5x64xi32, #tpu.memory_space<vmem>> -> memref<1x1x1x64xi32, #tpu.memory_space<vmem>>
        %dma_start3A_268 = tpu.memref_squeeze %dma_start3A_267 : memref<1x1x1x64xi32, #tpu.memory_space<vmem>> -> memref<64xi32, #tpu.memory_space<vmem>>
        %dma_start3A_269 = arith.constant 0 : i32
        %dma_start3A_270 = arith.constant 0 : i32
        %dma_start3A_271 = tpu.memref_slice %arg7[%dma_start3A_269, %dma_start3A_270] : memref<10240x128xf32, #tpu.memory_space<vmem_shared>> -> memref<10240x128xf32, #tpu.memory_space<vmem_shared>>
        tpu.enqueue_indirect_dma source(%dma_start3A_265 : memref<64x128xf32, #tpu.memory_space<vmem>>) target(%dma_start3A_271 : memref<10240x128xf32, #tpu.memory_space<vmem_shared>>) offsets(%dma_start3A_268 : memref<64xi32, #tpu.memory_space<vmem>>) semaphore(%arg9 : memref<!tpu.dma_semaphore, #tpu.memory_space<semaphore_mem>>) {add = true}
        %dma_wait3A_272 = arith.constant 0 : i32
        %dma_wait3A_273 = arith.constant 0 : i32
        %dma_wait3A_274 = arith.constant 4 : i32
        %dma_wait3A_275 = arith.constant 4 : i32
        %dma_wait3A_276 = arith.constant 0 : i32
        %dma_wait3A_277 = arith.constant 0 : i32
        %dma_wait3A_278 = tpu.memref_slice %arg6[%dma_wait3A_275, %dma_wait3A_276, %dma_wait3A_277] : memref<5x64x128xf32, #tpu.memory_space<vmem>> -> memref<1x64x128xf32, #tpu.memory_space<vmem>>
        %dma_wait3A_279 = tpu.memref_squeeze %dma_wait3A_278 : memref<1x64x128xf32, #tpu.memory_space<vmem>> -> memref<64x128xf32, #tpu.memory_space<vmem>>
        %dma_wait3A_280 = arith.constant 0 : i32
        %dma_wait3A_281 = tpu.memref_slice %arg5[%dma_wait3A_272, %dma_wait3A_273, %dma_wait3A_274, %dma_wait3A_280] : memref<2x2x5x64xi32, #tpu.memory_space<vmem>> -> memref<1x1x1x64xi32, #tpu.memory_space<vmem>>
        %dma_wait3A_282 = tpu.memref_squeeze %dma_wait3A_281 : memref<1x1x1x64xi32, #tpu.memory_space<vmem>> -> memref<64xi32, #tpu.memory_space<vmem>>
        %dma_wait3A_283 = arith.constant 0 : i32
        %dma_wait3A_284 = arith.constant 0 : i32
        %dma_wait3A_285 = tpu.memref_slice %arg3[%dma_wait3A_283, %dma_wait3A_284] : memref<10240x128xf32, #tpu.memory_space<hbm>> -> memref<10240x128xf32, #tpu.memory_space<hbm>>
        tpu.wait_indirect_dma semaphore(%arg8 : memref<!tpu.dma_semaphore, #tpu.memory_space<semaphore_mem>>) src(%dma_wait3A_285 : memref<10240x128xf32, #tpu.memory_space<hbm>>) dst(%dma_wait3A_279 : memref<64x128xf32, #tpu.memory_space<vmem>>)
        %dma_start3A_286 = arith.constant 4 : i32
        %dma_start3A_287 = arith.constant 0 : i32
        %dma_start3A_288 = arith.constant 1 : i32
        %dma_start3A_289 = arith.constant 4 : i32
        %dma_start3A_290 = arith.constant 0 : i32
        %dma_start3A_291 = arith.constant 0 : i32
        %dma_start3A_292 = tpu.memref_slice %arg6[%dma_start3A_286, %dma_start3A_290, %dma_start3A_291] : memref<5x64x128xf32, #tpu.memory_space<vmem>> -> memref<1x64x128xf32, #tpu.memory_space<vmem>>
        %dma_start3A_293 = tpu.memref_squeeze %dma_start3A_292 : memref<1x64x128xf32, #tpu.memory_space<vmem>> -> memref<64x128xf32, #tpu.memory_space<vmem>>
        %dma_start3A_294 = arith.constant 0 : i32
        %dma_start3A_295 = tpu.memref_slice %arg5[%dma_start3A_287, %dma_start3A_288, %dma_start3A_289, %dma_start3A_294] : memref<2x2x5x64xi32, #tpu.memory_space<vmem>> -> memref<1x1x1x64xi32, #tpu.memory_space<vmem>>
        %dma_start3A_296 = tpu.memref_squeeze %dma_start3A_295 : memref<1x1x1x64xi32, #tpu.memory_space<vmem>> -> memref<64xi32, #tpu.memory_space<vmem>>
        %dma_start3A_297 = arith.constant 0 : i32
        %dma_start3A_298 = arith.constant 0 : i32
        %dma_start3A_299 = tpu.memref_slice %arg7[%dma_start3A_297, %dma_start3A_298] : memref<10240x128xf32, #tpu.memory_space<vmem_shared>> -> memref<10240x128xf32, #tpu.memory_space<vmem_shared>>
        tpu.enqueue_indirect_dma source(%dma_start3A_293 : memref<64x128xf32, #tpu.memory_space<vmem>>) target(%dma_start3A_299 : memref<10240x128xf32, #tpu.memory_space<vmem_shared>>) offsets(%dma_start3A_296 : memref<64xi32, #tpu.memory_space<vmem>>) semaphore(%arg9 : memref<!tpu.dma_semaphore, #tpu.memory_space<semaphore_mem>>) {add = true}
        %dma_wait3A_300 = arith.constant 0 : i32
        %dma_wait3A_301 = arith.constant 0 : i32
        %dma_wait3A_302 = arith.constant 1 : i32
        %dma_wait3A_303 = arith.constant 0 : i32
        %dma_wait3A_304 = arith.constant 0 : i32
        %dma_wait3A_305 = arith.constant 0 : i32
        %dma_wait3A_306 = tpu.memref_slice %arg6[%dma_wait3A_300, %dma_wait3A_304, %dma_wait3A_305] : memref<5x64x128xf32, #tpu.memory_space<vmem>> -> memref<1x64x128xf32, #tpu.memory_space<vmem>>
        %dma_wait3A_307 = tpu.memref_squeeze %dma_wait3A_306 : memref<1x64x128xf32, #tpu.memory_space<vmem>> -> memref<64x128xf32, #tpu.memory_space<vmem>>
        %dma_wait3A_308 = arith.constant 0 : i32
        %dma_wait3A_309 = tpu.memref_slice %arg5[%dma_wait3A_301, %dma_wait3A_302, %dma_wait3A_303, %dma_wait3A_308] : memref<2x2x5x64xi32, #tpu.memory_space<vmem>> -> memref<1x1x1x64xi32, #tpu.memory_space<vmem>>
        %dma_wait3A_310 = tpu.memref_squeeze %dma_wait3A_309 : memref<1x1x1x64xi32, #tpu.memory_space<vmem>> -> memref<64xi32, #tpu.memory_space<vmem>>
        %dma_wait3A_311 = arith.constant 0 : i32
        %dma_wait3A_312 = arith.constant 0 : i32
        %dma_wait3A_313 = tpu.memref_slice %arg7[%dma_wait3A_311, %dma_wait3A_312] : memref<10240x128xf32, #tpu.memory_space<vmem_shared>> -> memref<10240x128xf32, #tpu.memory_space<vmem_shared>>
        tpu.wait_indirect_dma semaphore(%arg9 : memref<!tpu.dma_semaphore, #tpu.memory_space<semaphore_mem>>) src(%dma_wait3A_307 : memref<64x128xf32, #tpu.memory_space<vmem>>) dst(%dma_wait3A_313 : memref<10240x128xf32, #tpu.memory_space<vmem_shared>>)
        %dma_wait3A_314 = arith.constant 1 : i32
        %dma_wait3A_315 = arith.constant 0 : i32
        %dma_wait3A_316 = arith.constant 1 : i32
        %dma_wait3A_317 = arith.constant 1 : i32
        %dma_wait3A_318 = arith.constant 0 : i32
        %dma_wait3A_319 = arith.constant 0 : i32
        %dma_wait3A_320 = tpu.memref_slice %arg6[%dma_wait3A_314, %dma_wait3A_318, %dma_wait3A_319] : memref<5x64x128xf32, #tpu.memory_space<vmem>> -> memref<1x64x128xf32, #tpu.memory_space<vmem>>
        %dma_wait3A_321 = tpu.memref_squeeze %dma_wait3A_320 : memref<1x64x128xf32, #tpu.memory_space<vmem>> -> memref<64x128xf32, #tpu.memory_space<vmem>>
        %dma_wait3A_322 = arith.constant 0 : i32
        %dma_wait3A_323 = tpu.memref_slice %arg5[%dma_wait3A_315, %dma_wait3A_316, %dma_wait3A_317, %dma_wait3A_322] : memref<2x2x5x64xi32, #tpu.memory_space<vmem>> -> memref<1x1x1x64xi32, #tpu.memory_space<vmem>>
        %dma_wait3A_324 = tpu.memref_squeeze %dma_wait3A_323 : memref<1x1x1x64xi32, #tpu.memory_space<vmem>> -> memref<64xi32, #tpu.memory_space<vmem>>
        %dma_wait3A_325 = arith.constant 0 : i32
        %dma_wait3A_326 = arith.constant 0 : i32
        %dma_wait3A_327 = tpu.memref_slice %arg7[%dma_wait3A_325, %dma_wait3A_326] : memref<10240x128xf32, #tpu.memory_space<vmem_shared>> -> memref<10240x128xf32, #tpu.memory_space<vmem_shared>>
        tpu.wait_indirect_dma semaphore(%arg9 : memref<!tpu.dma_semaphore, #tpu.memory_space<semaphore_mem>>) src(%dma_wait3A_321 : memref<64x128xf32, #tpu.memory_space<vmem>>) dst(%dma_wait3A_327 : memref<10240x128xf32, #tpu.memory_space<vmem_shared>>)
        %dma_wait3A_328 = arith.constant 2 : i32
        %dma_wait3A_329 = arith.constant 0 : i32
        %dma_wait3A_330 = arith.constant 1 : i32
        %dma_wait3A_331 = arith.constant 2 : i32
        %dma_wait3A_332 = arith.constant 0 : i32
        %dma_wait3A_333 = arith.constant 0 : i32
        %dma_wait3A_334 = tpu.memref_slice %arg6[%dma_wait3A_328, %dma_wait3A_332, %dma_wait3A_333] : memref<5x64x128xf32, #tpu.memory_space<vmem>> -> memref<1x64x128xf32, #tpu.memory_space<vmem>>
        %dma_wait3A_335 = tpu.memref_squeeze %dma_wait3A_334 : memref<1x64x128xf32, #tpu.memory_space<vmem>> -> memref<64x128xf32, #tpu.memory_space<vmem>>
        %dma_wait3A_336 = arith.constant 0 : i32
        %dma_wait3A_337 = tpu.memref_slice %arg5[%dma_wait3A_329, %dma_wait3A_330, %dma_wait3A_331, %dma_wait3A_336] : memref<2x2x5x64xi32, #tpu.memory_space<vmem>> -> memref<1x1x1x64xi32, #tpu.memory_space<vmem>>
        %dma_wait3A_338 = tpu.memref_squeeze %dma_wait3A_337 : memref<1x1x1x64xi32, #tpu.memory_space<vmem>> -> memref<64xi32, #tpu.memory_space<vmem>>
        %dma_wait3A_339 = arith.constant 0 : i32
        %dma_wait3A_340 = arith.constant 0 : i32
        %dma_wait3A_341 = tpu.memref_slice %arg7[%dma_wait3A_339, %dma_wait3A_340] : memref<10240x128xf32, #tpu.memory_space<vmem_shared>> -> memref<10240x128xf32, #tpu.memory_space<vmem_shared>>
        tpu.wait_indirect_dma semaphore(%arg9 : memref<!tpu.dma_semaphore, #tpu.memory_space<semaphore_mem>>) src(%dma_wait3A_335 : memref<64x128xf32, #tpu.memory_space<vmem>>) dst(%dma_wait3A_341 : memref<10240x128xf32, #tpu.memory_space<vmem_shared>>)
        %dma_wait3A_342 = arith.constant 3 : i32
        %dma_wait3A_343 = arith.constant 0 : i32
        %dma_wait3A_344 = arith.constant 1 : i32
        %dma_wait3A_345 = arith.constant 3 : i32
        %dma_wait3A_346 = arith.constant 0 : i32
        %dma_wait3A_347 = arith.constant 0 : i32
        %dma_wait3A_348 = tpu.memref_slice %arg6[%dma_wait3A_342, %dma_wait3A_346, %dma_wait3A_347] : memref<5x64x128xf32, #tpu.memory_space<vmem>> -> memref<1x64x128xf32, #tpu.memory_space<vmem>>
        %dma_wait3A_349 = tpu.memref_squeeze %dma_wait3A_348 : memref<1x64x128xf32, #tpu.memory_space<vmem>> -> memref<64x128xf32, #tpu.memory_space<vmem>>
        %dma_wait3A_350 = arith.constant 0 : i32
        %dma_wait3A_351 = tpu.memref_slice %arg5[%dma_wait3A_343, %dma_wait3A_344, %dma_wait3A_345, %dma_wait3A_350] : memref<2x2x5x64xi32, #tpu.memory_space<vmem>> -> memref<1x1x1x64xi32, #tpu.memory_space<vmem>>
        %dma_wait3A_352 = tpu.memref_squeeze %dma_wait3A_351 : memref<1x1x1x64xi32, #tpu.memory_space<vmem>> -> memref<64xi32, #tpu.memory_space<vmem>>
        %dma_wait3A_353 = arith.constant 0 : i32
        %dma_wait3A_354 = arith.constant 0 : i32
        %dma_wait3A_355 = tpu.memref_slice %arg7[%dma_wait3A_353, %dma_wait3A_354] : memref<10240x128xf32, #tpu.memory_space<vmem_shared>> -> memref<10240x128xf32, #tpu.memory_space<vmem_shared>>
        tpu.wait_indirect_dma semaphore(%arg9 : memref<!tpu.dma_semaphore, #tpu.memory_space<semaphore_mem>>) src(%dma_wait3A_349 : memref<64x128xf32, #tpu.memory_space<vmem>>) dst(%dma_wait3A_355 : memref<10240x128xf32, #tpu.memory_space<vmem_shared>>)
        %dma_wait3A_356 = arith.constant 4 : i32
        %dma_wait3A_357 = arith.constant 0 : i32
        %dma_wait3A_358 = arith.constant 1 : i32
        %dma_wait3A_359 = arith.constant 4 : i32
        %dma_wait3A_360 = arith.constant 0 : i32
        %dma_wait3A_361 = arith.constant 0 : i32
        %dma_wait3A_362 = tpu.memref_slice %arg6[%dma_wait3A_356, %dma_wait3A_360, %dma_wait3A_361] : memref<5x64x128xf32, #tpu.memory_space<vmem>> -> memref<1x64x128xf32, #tpu.memory_space<vmem>>
        %dma_wait3A_363 = tpu.memref_squeeze %dma_wait3A_362 : memref<1x64x128xf32, #tpu.memory_space<vmem>> -> memref<64x128xf32, #tpu.memory_space<vmem>>
        %dma_wait3A_364 = arith.constant 0 : i32
        %dma_wait3A_365 = tpu.memref_slice %arg5[%dma_wait3A_357, %dma_wait3A_358, %dma_wait3A_359, %dma_wait3A_364] : memref<2x2x5x64xi32, #tpu.memory_space<vmem>> -> memref<1x1x1x64xi32, #tpu.memory_space<vmem>>
        %dma_wait3A_366 = tpu.memref_squeeze %dma_wait3A_365 : memref<1x1x1x64xi32, #tpu.memory_space<vmem>> -> memref<64xi32, #tpu.memory_space<vmem>>
        %dma_wait3A_367 = arith.constant 0 : i32
        %dma_wait3A_368 = arith.constant 0 : i32
        %dma_wait3A_369 = tpu.memref_slice %arg7[%dma_wait3A_367, %dma_wait3A_368] : memref<10240x128xf32, #tpu.memory_space<vmem_shared>> -> memref<10240x128xf32, #tpu.memory_space<vmem_shared>>
        tpu.wait_indirect_dma semaphore(%arg9 : memref<!tpu.dma_semaphore, #tpu.memory_space<semaphore_mem>>) src(%dma_wait3A_363 : memref<64x128xf32, #tpu.memory_space<vmem>>) dst(%dma_wait3A_369 : memref<10240x128xf32, #tpu.memory_space<vmem_shared>>)
        %dma_wait3A_370 = arith.constant 0 : i32
        %dma_wait3A_371 = arith.constant 1 : i32
        %dma_wait3A_372 = arith.constant 0 : i32
        %dma_wait3A_373 = arith.constant 0 : i32
        %dma_wait3A_374 = arith.constant 0 : i32
        %dma_wait3A_375 = tpu.memref_slice %arg5[%dma_wait3A_371, %dma_wait3A_372, %dma_wait3A_373, %dma_wait3A_374] : memref<2x2x5x64xi32, #tpu.memory_space<vmem>> -> memref<1x2x5x64xi32, #tpu.memory_space<vmem>>
        %dma_wait3A_376 = tpu.memref_squeeze %dma_wait3A_375 : memref<1x2x5x64xi32, #tpu.memory_space<vmem>> -> memref<2x5x64xi32, #tpu.memory_space<vmem>>
        %dma_wait3A_377 = arith.constant 0 : i32
        %dma_wait3A_378 = arith.constant 0 : i32
        %dma_wait3A_379 = arith.constant 0 : i32
        %dma_wait3A_380 = tpu.memref_slice %arg2[%dma_wait3A_377, %dma_wait3A_370, %dma_wait3A_378, %dma_wait3A_379] : memref<2x1024x5x64xi32, #tpu.memory_space<hbm>> -> memref<2x1x5x64xi32, #tpu.memory_space<hbm>>
        %dma_wait3A_381 = tpu.memref_squeeze %dma_wait3A_380 : memref<2x1x5x64xi32, #tpu.memory_space<hbm>> -> memref<2x5x64xi32, #tpu.memory_space<hbm>>
        %dma_wait3A_382 = arith.constant 0 : i32
        %dma_wait3A_383 = arith.constant 0 : i32
        %dma_wait3A_384 = arith.constant 0 : i32
        %dma_wait3A_385 = tpu.memref_slice %arg5[%dma_wait3A_371, %dma_wait3A_382, %dma_wait3A_383, %dma_wait3A_384] : memref<2x2x5x64xi32, #tpu.memory_space<vmem>> -> memref<1x2x5x64xi32, #tpu.memory_space<vmem>>
        %dma_wait3A_386 = tpu.memref_squeeze %dma_wait3A_385 : memref<1x2x5x64xi32, #tpu.memory_space<vmem>> -> memref<2x5x64xi32, #tpu.memory_space<vmem>>
        %dma_wait3A_387 = arith.constant 0 : i32
        %dma_wait3A_388 = arith.constant 0 : i32
        %dma_wait3A_389 = arith.constant 0 : i32
        %dma_wait3A_390 = tpu.memref_slice %arg2[%dma_wait3A_387, %dma_wait3A_370, %dma_wait3A_388, %dma_wait3A_389] : memref<2x1024x5x64xi32, #tpu.memory_space<hbm>> -> memref<2x1x5x64xi32, #tpu.memory_space<hbm>>
        %dma_wait3A_391 = tpu.memref_squeeze %dma_wait3A_390 : memref<2x1x5x64xi32, #tpu.memory_space<hbm>> -> memref<2x5x64xi32, #tpu.memory_space<hbm>>
        tpu.wait_dma2 semaphore(%arg10 : memref<!tpu.dma_semaphore, #tpu.memory_space<semaphore_mem>>) src(%dma_wait3A_391 : memref<2x5x64xi32, #tpu.memory_space<hbm>>) dst(%dma_wait3A_386 : memref<2x5x64xi32, #tpu.memory_space<vmem>>)
        %lt3A = arith.constant 31 : i32
        %lt3A_392 = arith.cmpi slt, %scan3A_90, %lt3A : i32
        %convert_element_type3A_393 = arith.extui %lt3A_392 : i1 to i32
        %cond3A_394 = arith.constant 0 : i32
        %cond3A_395 = arith.cmpi ne, %convert_element_type3A_393, %cond3A_394 : i32
        scf.if %cond3A_395 {
          %mul3A_681 = arith.constant 2 : i32
          %mul3A_682 = arith.muli %mul3A_681, %scan3A_90 : i32
          %add3A_683 = arith.addi %mul3A_0, %mul3A_682 : i32
          %add3A_684 = arith.constant 2 : i32
          %add3A_685 = arith.addi %add3A_683, %add3A_684 : i32
          %dma_start3A_686 = arith.constant 0 : i32
          %dma_start3A_687 = arith.constant 0 : i32
          %dma_start3A_688 = arith.constant 0 : i32
          %dma_start3A_689 = arith.constant 0 : i32
          %dma_start3A_690 = tpu.memref_slice %arg5[%dma_start3A_686, %dma_start3A_687, %dma_start3A_688, %dma_start3A_689] : memref<2x2x5x64xi32, #tpu.memory_space<vmem>> -> memref<1x2x5x64xi32, #tpu.memory_space<vmem>>
          %dma_start3A_691 = tpu.memref_squeeze %dma_start3A_690 : memref<1x2x5x64xi32, #tpu.memory_space<vmem>> -> memref<2x5x64xi32, #tpu.memory_space<vmem>>
          %dma_start3A_692 = arith.constant 0 : i32
          %dma_start3A_693 = arith.constant 0 : i32
          %dma_start3A_694 = arith.constant 0 : i32
          %dma_start3A_695 = tpu.memref_slice %arg2[%dma_start3A_692, %add3A_685, %dma_start3A_693, %dma_start3A_694] : memref<2x1024x5x64xi32, #tpu.memory_space<hbm>> -> memref<2x1x5x64xi32, #tpu.memory_space<hbm>>
          %dma_start3A_696 = tpu.memref_squeeze %dma_start3A_695 : memref<2x1x5x64xi32, #tpu.memory_space<hbm>> -> memref<2x5x64xi32, #tpu.memory_space<hbm>>
          %dma_start3A_697 = arith.constant 0 : i32
          %dma_start3A_698 = arith.constant 0 : i32
          %dma_start3A_699 = arith.constant 0 : i32
          %dma_start3A_700 = tpu.memref_slice %arg5[%dma_start3A_686, %dma_start3A_697, %dma_start3A_698, %dma_start3A_699] : memref<2x2x5x64xi32, #tpu.memory_space<vmem>> -> memref<1x2x5x64xi32, #tpu.memory_space<vmem>>
          %dma_start3A_701 = tpu.memref_squeeze %dma_start3A_700 : memref<1x2x5x64xi32, #tpu.memory_space<vmem>> -> memref<2x5x64xi32, #tpu.memory_space<vmem>>
          %dma_start3A_702 = arith.constant 0 : i32
          %dma_start3A_703 = arith.constant 0 : i32
          %dma_start3A_704 = arith.constant 0 : i32
          %dma_start3A_705 = tpu.memref_slice %arg2[%dma_start3A_702, %add3A_685, %dma_start3A_703, %dma_start3A_704] : memref<2x1024x5x64xi32, #tpu.memory_space<hbm>> -> memref<2x1x5x64xi32, #tpu.memory_space<hbm>>
          %dma_start3A_706 = tpu.memref_squeeze %dma_start3A_705 : memref<2x1x5x64xi32, #tpu.memory_space<hbm>> -> memref<2x5x64xi32, #tpu.memory_space<hbm>>
          tpu.enqueue_dma source(%dma_start3A_706 : memref<2x5x64xi32, #tpu.memory_space<hbm>>) target(%dma_start3A_701 : memref<2x5x64xi32, #tpu.memory_space<vmem>>) target_semaphore(%arg10 : memref<!tpu.dma_semaphore, #tpu.memory_space<semaphore_mem>>)
        } else {
        }
        %dma_start3A_396 = arith.constant 1 : i32
        %dma_start3A_397 = arith.constant 0 : i32
        %dma_start3A_398 = arith.constant 0 : i32
        %dma_start3A_399 = arith.constant 0 : i32
        %dma_start3A_400 = arith.constant 0 : i32
        %dma_start3A_401 = arith.constant 0 : i32
        %dma_start3A_402 = tpu.memref_slice %arg6[%dma_start3A_399, %dma_start3A_400, %dma_start3A_401] : memref<5x64x128xf32, #tpu.memory_space<vmem>> -> memref<1x64x128xf32, #tpu.memory_space<vmem>>
        %dma_start3A_403 = tpu.memref_squeeze %dma_start3A_402 : memref<1x64x128xf32, #tpu.memory_space<vmem>> -> memref<64x128xf32, #tpu.memory_space<vmem>>
        %dma_start3A_404 = arith.constant 0 : i32
        %dma_start3A_405 = tpu.memref_slice %arg5[%dma_start3A_396, %dma_start3A_397, %dma_start3A_398, %dma_start3A_404] : memref<2x2x5x64xi32, #tpu.memory_space<vmem>> -> memref<1x1x1x64xi32, #tpu.memory_space<vmem>>
        %dma_start3A_406 = tpu.memref_squeeze %dma_start3A_405 : memref<1x1x1x64xi32, #tpu.memory_space<vmem>> -> memref<64xi32, #tpu.memory_space<vmem>>
        %dma_start3A_407 = arith.constant 0 : i32
        %dma_start3A_408 = arith.constant 0 : i32
        %dma_start3A_409 = tpu.memref_slice %arg3[%dma_start3A_407, %dma_start3A_408] : memref<10240x128xf32, #tpu.memory_space<hbm>> -> memref<10240x128xf32, #tpu.memory_space<hbm>>
        tpu.enqueue_indirect_dma source(%dma_start3A_409 : memref<10240x128xf32, #tpu.memory_space<hbm>>) target(%dma_start3A_403 : memref<64x128xf32, #tpu.memory_space<vmem>>) offsets(%dma_start3A_406 : memref<64xi32, #tpu.memory_space<vmem>>) semaphore(%arg8 : memref<!tpu.dma_semaphore, #tpu.memory_space<semaphore_mem>>)
        %dma_start3A_410 = arith.constant 1 : i32
        %dma_start3A_411 = arith.constant 0 : i32
        %dma_start3A_412 = arith.constant 1 : i32
        %dma_start3A_413 = arith.constant 1 : i32
        %dma_start3A_414 = arith.constant 0 : i32
        %dma_start3A_415 = arith.constant 0 : i32
        %dma_start3A_416 = tpu.memref_slice %arg6[%dma_start3A_413, %dma_start3A_414, %dma_start3A_415] : memref<5x64x128xf32, #tpu.memory_space<vmem>> -> memref<1x64x128xf32, #tpu.memory_space<vmem>>
        %dma_start3A_417 = tpu.memref_squeeze %dma_start3A_416 : memref<1x64x128xf32, #tpu.memory_space<vmem>> -> memref<64x128xf32, #tpu.memory_space<vmem>>
        %dma_start3A_418 = arith.constant 0 : i32
        %dma_start3A_419 = tpu.memref_slice %arg5[%dma_start3A_410, %dma_start3A_411, %dma_start3A_412, %dma_start3A_418] : memref<2x2x5x64xi32, #tpu.memory_space<vmem>> -> memref<1x1x1x64xi32, #tpu.memory_space<vmem>>
        %dma_start3A_420 = tpu.memref_squeeze %dma_start3A_419 : memref<1x1x1x64xi32, #tpu.memory_space<vmem>> -> memref<64xi32, #tpu.memory_space<vmem>>
        %dma_start3A_421 = arith.constant 0 : i32
        %dma_start3A_422 = arith.constant 0 : i32
        %dma_start3A_423 = tpu.memref_slice %arg3[%dma_start3A_421, %dma_start3A_422] : memref<10240x128xf32, #tpu.memory_space<hbm>> -> memref<10240x128xf32, #tpu.memory_space<hbm>>
        tpu.enqueue_indirect_dma source(%dma_start3A_423 : memref<10240x128xf32, #tpu.memory_space<hbm>>) target(%dma_start3A_417 : memref<64x128xf32, #tpu.memory_space<vmem>>) offsets(%dma_start3A_420 : memref<64xi32, #tpu.memory_space<vmem>>) semaphore(%arg8 : memref<!tpu.dma_semaphore, #tpu.memory_space<semaphore_mem>>)
        %dma_start3A_424 = arith.constant 1 : i32
        %dma_start3A_425 = arith.constant 0 : i32
        %dma_start3A_426 = arith.constant 2 : i32
        %dma_start3A_427 = arith.constant 2 : i32
        %dma_start3A_428 = arith.constant 0 : i32
        %dma_start3A_429 = arith.constant 0 : i32
        %dma_start3A_430 = tpu.memref_slice %arg6[%dma_start3A_427, %dma_start3A_428, %dma_start3A_429] : memref<5x64x128xf32, #tpu.memory_space<vmem>> -> memref<1x64x128xf32, #tpu.memory_space<vmem>>
        %dma_start3A_431 = tpu.memref_squeeze %dma_start3A_430 : memref<1x64x128xf32, #tpu.memory_space<vmem>> -> memref<64x128xf32, #tpu.memory_space<vmem>>
        %dma_start3A_432 = arith.constant 0 : i32
        %dma_start3A_433 = tpu.memref_slice %arg5[%dma_start3A_424, %dma_start3A_425, %dma_start3A_426, %dma_start3A_432] : memref<2x2x5x64xi32, #tpu.memory_space<vmem>> -> memref<1x1x1x64xi32, #tpu.memory_space<vmem>>
        %dma_start3A_434 = tpu.memref_squeeze %dma_start3A_433 : memref<1x1x1x64xi32, #tpu.memory_space<vmem>> -> memref<64xi32, #tpu.memory_space<vmem>>
        %dma_start3A_435 = arith.constant 0 : i32
        %dma_start3A_436 = arith.constant 0 : i32
        %dma_start3A_437 = tpu.memref_slice %arg3[%dma_start3A_435, %dma_start3A_436] : memref<10240x128xf32, #tpu.memory_space<hbm>> -> memref<10240x128xf32, #tpu.memory_space<hbm>>
        tpu.enqueue_indirect_dma source(%dma_start3A_437 : memref<10240x128xf32, #tpu.memory_space<hbm>>) target(%dma_start3A_431 : memref<64x128xf32, #tpu.memory_space<vmem>>) offsets(%dma_start3A_434 : memref<64xi32, #tpu.memory_space<vmem>>) semaphore(%arg8 : memref<!tpu.dma_semaphore, #tpu.memory_space<semaphore_mem>>)
        %dma_start3A_438 = arith.constant 1 : i32
        %dma_start3A_439 = arith.constant 0 : i32
        %dma_start3A_440 = arith.constant 3 : i32
        %dma_start3A_441 = arith.constant 3 : i32
        %dma_start3A_442 = arith.constant 0 : i32
        %dma_start3A_443 = arith.constant 0 : i32
        %dma_start3A_444 = tpu.memref_slice %arg6[%dma_start3A_441, %dma_start3A_442, %dma_start3A_443] : memref<5x64x128xf32, #tpu.memory_space<vmem>> -> memref<1x64x128xf32, #tpu.memory_space<vmem>>
        %dma_start3A_445 = tpu.memref_squeeze %dma_start3A_444 : memref<1x64x128xf32, #tpu.memory_space<vmem>> -> memref<64x128xf32, #tpu.memory_space<vmem>>
        %dma_start3A_446 = arith.constant 0 : i32
        %dma_start3A_447 = tpu.memref_slice %arg5[%dma_start3A_438, %dma_start3A_439, %dma_start3A_440, %dma_start3A_446] : memref<2x2x5x64xi32, #tpu.memory_space<vmem>> -> memref<1x1x1x64xi32, #tpu.memory_space<vmem>>
        %dma_start3A_448 = tpu.memref_squeeze %dma_start3A_447 : memref<1x1x1x64xi32, #tpu.memory_space<vmem>> -> memref<64xi32, #tpu.memory_space<vmem>>
        %dma_start3A_449 = arith.constant 0 : i32
        %dma_start3A_450 = arith.constant 0 : i32
        %dma_start3A_451 = tpu.memref_slice %arg3[%dma_start3A_449, %dma_start3A_450] : memref<10240x128xf32, #tpu.memory_space<hbm>> -> memref<10240x128xf32, #tpu.memory_space<hbm>>
        tpu.enqueue_indirect_dma source(%dma_start3A_451 : memref<10240x128xf32, #tpu.memory_space<hbm>>) target(%dma_start3A_445 : memref<64x128xf32, #tpu.memory_space<vmem>>) offsets(%dma_start3A_448 : memref<64xi32, #tpu.memory_space<vmem>>) semaphore(%arg8 : memref<!tpu.dma_semaphore, #tpu.memory_space<semaphore_mem>>)
        %dma_start3A_452 = arith.constant 1 : i32
        %dma_start3A_453 = arith.constant 0 : i32
        %dma_start3A_454 = arith.constant 4 : i32
        %dma_start3A_455 = arith.constant 4 : i32
        %dma_start3A_456 = arith.constant 0 : i32
        %dma_start3A_457 = arith.constant 0 : i32
        %dma_start3A_458 = tpu.memref_slice %arg6[%dma_start3A_455, %dma_start3A_456, %dma_start3A_457] : memref<5x64x128xf32, #tpu.memory_space<vmem>> -> memref<1x64x128xf32, #tpu.memory_space<vmem>>
        %dma_start3A_459 = tpu.memref_squeeze %dma_start3A_458 : memref<1x64x128xf32, #tpu.memory_space<vmem>> -> memref<64x128xf32, #tpu.memory_space<vmem>>
        %dma_start3A_460 = arith.constant 0 : i32
        %dma_start3A_461 = tpu.memref_slice %arg5[%dma_start3A_452, %dma_start3A_453, %dma_start3A_454, %dma_start3A_460] : memref<2x2x5x64xi32, #tpu.memory_space<vmem>> -> memref<1x1x1x64xi32, #tpu.memory_space<vmem>>
        %dma_start3A_462 = tpu.memref_squeeze %dma_start3A_461 : memref<1x1x1x64xi32, #tpu.memory_space<vmem>> -> memref<64xi32, #tpu.memory_space<vmem>>
        %dma_start3A_463 = arith.constant 0 : i32
        %dma_start3A_464 = arith.constant 0 : i32
        %dma_start3A_465 = tpu.memref_slice %arg3[%dma_start3A_463, %dma_start3A_464] : memref<10240x128xf32, #tpu.memory_space<hbm>> -> memref<10240x128xf32, #tpu.memory_space<hbm>>
        tpu.enqueue_indirect_dma source(%dma_start3A_465 : memref<10240x128xf32, #tpu.memory_space<hbm>>) target(%dma_start3A_459 : memref<64x128xf32, #tpu.memory_space<vmem>>) offsets(%dma_start3A_462 : memref<64xi32, #tpu.memory_space<vmem>>) semaphore(%arg8 : memref<!tpu.dma_semaphore, #tpu.memory_space<semaphore_mem>>)
        %dma_wait3A_466 = arith.constant 1 : i32
        %dma_wait3A_467 = arith.constant 0 : i32
        %dma_wait3A_468 = arith.constant 0 : i32
        %dma_wait3A_469 = arith.constant 0 : i32
        %dma_wait3A_470 = arith.constant 0 : i32
        %dma_wait3A_471 = arith.constant 0 : i32
        %dma_wait3A_472 = tpu.memref_slice %arg6[%dma_wait3A_469, %dma_wait3A_470, %dma_wait3A_471] : memref<5x64x128xf32, #tpu.memory_space<vmem>> -> memref<1x64x128xf32, #tpu.memory_space<vmem>>
        %dma_wait3A_473 = tpu.memref_squeeze %dma_wait3A_472 : memref<1x64x128xf32, #tpu.memory_space<vmem>> -> memref<64x128xf32, #tpu.memory_space<vmem>>
        %dma_wait3A_474 = arith.constant 0 : i32
        %dma_wait3A_475 = tpu.memref_slice %arg5[%dma_wait3A_466, %dma_wait3A_467, %dma_wait3A_468, %dma_wait3A_474] : memref<2x2x5x64xi32, #tpu.memory_space<vmem>> -> memref<1x1x1x64xi32, #tpu.memory_space<vmem>>
        %dma_wait3A_476 = tpu.memref_squeeze %dma_wait3A_475 : memref<1x1x1x64xi32, #tpu.memory_space<vmem>> -> memref<64xi32, #tpu.memory_space<vmem>>
        %dma_wait3A_477 = arith.constant 0 : i32
        %dma_wait3A_478 = arith.constant 0 : i32
        %dma_wait3A_479 = tpu.memref_slice %arg3[%dma_wait3A_477, %dma_wait3A_478] : memref<10240x128xf32, #tpu.memory_space<hbm>> -> memref<10240x128xf32, #tpu.memory_space<hbm>>
        tpu.wait_indirect_dma semaphore(%arg8 : memref<!tpu.dma_semaphore, #tpu.memory_space<semaphore_mem>>) src(%dma_wait3A_479 : memref<10240x128xf32, #tpu.memory_space<hbm>>) dst(%dma_wait3A_473 : memref<64x128xf32, #tpu.memory_space<vmem>>)
        %dma_start3A_480 = arith.constant 0 : i32
        %dma_start3A_481 = arith.constant 1 : i32
        %dma_start3A_482 = arith.constant 1 : i32
        %dma_start3A_483 = arith.constant 0 : i32
        %dma_start3A_484 = arith.constant 0 : i32
        %dma_start3A_485 = arith.constant 0 : i32
        %dma_start3A_486 = tpu.memref_slice %arg6[%dma_start3A_480, %dma_start3A_484, %dma_start3A_485] : memref<5x64x128xf32, #tpu.memory_space<vmem>> -> memref<1x64x128xf32, #tpu.memory_space<vmem>>
        %dma_start3A_487 = tpu.memref_squeeze %dma_start3A_486 : memref<1x64x128xf32, #tpu.memory_space<vmem>> -> memref<64x128xf32, #tpu.memory_space<vmem>>
        %dma_start3A_488 = arith.constant 0 : i32
        %dma_start3A_489 = tpu.memref_slice %arg5[%dma_start3A_481, %dma_start3A_482, %dma_start3A_483, %dma_start3A_488] : memref<2x2x5x64xi32, #tpu.memory_space<vmem>> -> memref<1x1x1x64xi32, #tpu.memory_space<vmem>>
        %dma_start3A_490 = tpu.memref_squeeze %dma_start3A_489 : memref<1x1x1x64xi32, #tpu.memory_space<vmem>> -> memref<64xi32, #tpu.memory_space<vmem>>
        %dma_start3A_491 = arith.constant 0 : i32
        %dma_start3A_492 = arith.constant 0 : i32
        %dma_start3A_493 = tpu.memref_slice %arg7[%dma_start3A_491, %dma_start3A_492] : memref<10240x128xf32, #tpu.memory_space<vmem_shared>> -> memref<10240x128xf32, #tpu.memory_space<vmem_shared>>
        tpu.enqueue_indirect_dma source(%dma_start3A_487 : memref<64x128xf32, #tpu.memory_space<vmem>>) target(%dma_start3A_493 : memref<10240x128xf32, #tpu.memory_space<vmem_shared>>) offsets(%dma_start3A_490 : memref<64xi32, #tpu.memory_space<vmem>>) semaphore(%arg9 : memref<!tpu.dma_semaphore, #tpu.memory_space<semaphore_mem>>) {add = true}
        %dma_wait3A_494 = arith.constant 1 : i32
        %dma_wait3A_495 = arith.constant 0 : i32
        %dma_wait3A_496 = arith.constant 1 : i32
        %dma_wait3A_497 = arith.constant 1 : i32
        %dma_wait3A_498 = arith.constant 0 : i32
        %dma_wait3A_499 = arith.constant 0 : i32
        %dma_wait3A_500 = tpu.memref_slice %arg6[%dma_wait3A_497, %dma_wait3A_498, %dma_wait3A_499] : memref<5x64x128xf32, #tpu.memory_space<vmem>> -> memref<1x64x128xf32, #tpu.memory_space<vmem>>
        %dma_wait3A_501 = tpu.memref_squeeze %dma_wait3A_500 : memref<1x64x128xf32, #tpu.memory_space<vmem>> -> memref<64x128xf32, #tpu.memory_space<vmem>>
        %dma_wait3A_502 = arith.constant 0 : i32
        %dma_wait3A_503 = tpu.memref_slice %arg5[%dma_wait3A_494, %dma_wait3A_495, %dma_wait3A_496, %dma_wait3A_502] : memref<2x2x5x64xi32, #tpu.memory_space<vmem>> -> memref<1x1x1x64xi32, #tpu.memory_space<vmem>>
        %dma_wait3A_504 = tpu.memref_squeeze %dma_wait3A_503 : memref<1x1x1x64xi32, #tpu.memory_space<vmem>> -> memref<64xi32, #tpu.memory_space<vmem>>
        %dma_wait3A_505 = arith.constant 0 : i32
        %dma_wait3A_506 = arith.constant 0 : i32
        %dma_wait3A_507 = tpu.memref_slice %arg3[%dma_wait3A_505, %dma_wait3A_506] : memref<10240x128xf32, #tpu.memory_space<hbm>> -> memref<10240x128xf32, #tpu.memory_space<hbm>>
        tpu.wait_indirect_dma semaphore(%arg8 : memref<!tpu.dma_semaphore, #tpu.memory_space<semaphore_mem>>) src(%dma_wait3A_507 : memref<10240x128xf32, #tpu.memory_space<hbm>>) dst(%dma_wait3A_501 : memref<64x128xf32, #tpu.memory_space<vmem>>)
        %dma_start3A_508 = arith.constant 1 : i32
        %dma_start3A_509 = arith.constant 1 : i32
        %dma_start3A_510 = arith.constant 1 : i32
        %dma_start3A_511 = arith.constant 1 : i32
        %dma_start3A_512 = arith.constant 0 : i32
        %dma_start3A_513 = arith.constant 0 : i32
        %dma_start3A_514 = tpu.memref_slice %arg6[%dma_start3A_508, %dma_start3A_512, %dma_start3A_513] : memref<5x64x128xf32, #tpu.memory_space<vmem>> -> memref<1x64x128xf32, #tpu.memory_space<vmem>>
        %dma_start3A_515 = tpu.memref_squeeze %dma_start3A_514 : memref<1x64x128xf32, #tpu.memory_space<vmem>> -> memref<64x128xf32, #tpu.memory_space<vmem>>
        %dma_start3A_516 = arith.constant 0 : i32
        %dma_start3A_517 = tpu.memref_slice %arg5[%dma_start3A_509, %dma_start3A_510, %dma_start3A_511, %dma_start3A_516] : memref<2x2x5x64xi32, #tpu.memory_space<vmem>> -> memref<1x1x1x64xi32, #tpu.memory_space<vmem>>
        %dma_start3A_518 = tpu.memref_squeeze %dma_start3A_517 : memref<1x1x1x64xi32, #tpu.memory_space<vmem>> -> memref<64xi32, #tpu.memory_space<vmem>>
        %dma_start3A_519 = arith.constant 0 : i32
        %dma_start3A_520 = arith.constant 0 : i32
        %dma_start3A_521 = tpu.memref_slice %arg7[%dma_start3A_519, %dma_start3A_520] : memref<10240x128xf32, #tpu.memory_space<vmem_shared>> -> memref<10240x128xf32, #tpu.memory_space<vmem_shared>>
        tpu.enqueue_indirect_dma source(%dma_start3A_515 : memref<64x128xf32, #tpu.memory_space<vmem>>) target(%dma_start3A_521 : memref<10240x128xf32, #tpu.memory_space<vmem_shared>>) offsets(%dma_start3A_518 : memref<64xi32, #tpu.memory_space<vmem>>) semaphore(%arg9 : memref<!tpu.dma_semaphore, #tpu.memory_space<semaphore_mem>>) {add = true}
        %dma_wait3A_522 = arith.constant 1 : i32
        %dma_wait3A_523 = arith.constant 0 : i32
        %dma_wait3A_524 = arith.constant 2 : i32
        %dma_wait3A_525 = arith.constant 2 : i32
        %dma_wait3A_526 = arith.constant 0 : i32
        %dma_wait3A_527 = arith.constant 0 : i32
        %dma_wait3A_528 = tpu.memref_slice %arg6[%dma_wait3A_525, %dma_wait3A_526, %dma_wait3A_527] : memref<5x64x128xf32, #tpu.memory_space<vmem>> -> memref<1x64x128xf32, #tpu.memory_space<vmem>>
        %dma_wait3A_529 = tpu.memref_squeeze %dma_wait3A_528 : memref<1x64x128xf32, #tpu.memory_space<vmem>> -> memref<64x128xf32, #tpu.memory_space<vmem>>
        %dma_wait3A_530 = arith.constant 0 : i32
        %dma_wait3A_531 = tpu.memref_slice %arg5[%dma_wait3A_522, %dma_wait3A_523, %dma_wait3A_524, %dma_wait3A_530] : memref<2x2x5x64xi32, #tpu.memory_space<vmem>> -> memref<1x1x1x64xi32, #tpu.memory_space<vmem>>
        %dma_wait3A_532 = tpu.memref_squeeze %dma_wait3A_531 : memref<1x1x1x64xi32, #tpu.memory_space<vmem>> -> memref<64xi32, #tpu.memory_space<vmem>>
        %dma_wait3A_533 = arith.constant 0 : i32
        %dma_wait3A_534 = arith.constant 0 : i32
        %dma_wait3A_535 = tpu.memref_slice %arg3[%dma_wait3A_533, %dma_wait3A_534] : memref<10240x128xf32, #tpu.memory_space<hbm>> -> memref<10240x128xf32, #tpu.memory_space<hbm>>
        tpu.wait_indirect_dma semaphore(%arg8 : memref<!tpu.dma_semaphore, #tpu.memory_space<semaphore_mem>>) src(%dma_wait3A_535 : memref<10240x128xf32, #tpu.memory_space<hbm>>) dst(%dma_wait3A_529 : memref<64x128xf32, #tpu.memory_space<vmem>>)
        %dma_start3A_536 = arith.constant 2 : i32
        %dma_start3A_537 = arith.constant 1 : i32
        %dma_start3A_538 = arith.constant 1 : i32
        %dma_start3A_539 = arith.constant 2 : i32
        %dma_start3A_540 = arith.constant 0 : i32
        %dma_start3A_541 = arith.constant 0 : i32
        %dma_start3A_542 = tpu.memref_slice %arg6[%dma_start3A_536, %dma_start3A_540, %dma_start3A_541] : memref<5x64x128xf32, #tpu.memory_space<vmem>> -> memref<1x64x128xf32, #tpu.memory_space<vmem>>
        %dma_start3A_543 = tpu.memref_squeeze %dma_start3A_542 : memref<1x64x128xf32, #tpu.memory_space<vmem>> -> memref<64x128xf32, #tpu.memory_space<vmem>>
        %dma_start3A_544 = arith.constant 0 : i32
        %dma_start3A_545 = tpu.memref_slice %arg5[%dma_start3A_537, %dma_start3A_538, %dma_start3A_539, %dma_start3A_544] : memref<2x2x5x64xi32, #tpu.memory_space<vmem>> -> memref<1x1x1x64xi32, #tpu.memory_space<vmem>>
        %dma_start3A_546 = tpu.memref_squeeze %dma_start3A_545 : memref<1x1x1x64xi32, #tpu.memory_space<vmem>> -> memref<64xi32, #tpu.memory_space<vmem>>
        %dma_start3A_547 = arith.constant 0 : i32
        %dma_start3A_548 = arith.constant 0 : i32
        %dma_start3A_549 = tpu.memref_slice %arg7[%dma_start3A_547, %dma_start3A_548] : memref<10240x128xf32, #tpu.memory_space<vmem_shared>> -> memref<10240x128xf32, #tpu.memory_space<vmem_shared>>
        tpu.enqueue_indirect_dma source(%dma_start3A_543 : memref<64x128xf32, #tpu.memory_space<vmem>>) target(%dma_start3A_549 : memref<10240x128xf32, #tpu.memory_space<vmem_shared>>) offsets(%dma_start3A_546 : memref<64xi32, #tpu.memory_space<vmem>>) semaphore(%arg9 : memref<!tpu.dma_semaphore, #tpu.memory_space<semaphore_mem>>) {add = true}
        %dma_wait3A_550 = arith.constant 1 : i32
        %dma_wait3A_551 = arith.constant 0 : i32
        %dma_wait3A_552 = arith.constant 3 : i32
        %dma_wait3A_553 = arith.constant 3 : i32
        %dma_wait3A_554 = arith.constant 0 : i32
        %dma_wait3A_555 = arith.constant 0 : i32
        %dma_wait3A_556 = tpu.memref_slice %arg6[%dma_wait3A_553, %dma_wait3A_554, %dma_wait3A_555] : memref<5x64x128xf32, #tpu.memory_space<vmem>> -> memref<1x64x128xf32, #tpu.memory_space<vmem>>
        %dma_wait3A_557 = tpu.memref_squeeze %dma_wait3A_556 : memref<1x64x128xf32, #tpu.memory_space<vmem>> -> memref<64x128xf32, #tpu.memory_space<vmem>>
        %dma_wait3A_558 = arith.constant 0 : i32
        %dma_wait3A_559 = tpu.memref_slice %arg5[%dma_wait3A_550, %dma_wait3A_551, %dma_wait3A_552, %dma_wait3A_558] : memref<2x2x5x64xi32, #tpu.memory_space<vmem>> -> memref<1x1x1x64xi32, #tpu.memory_space<vmem>>
        %dma_wait3A_560 = tpu.memref_squeeze %dma_wait3A_559 : memref<1x1x1x64xi32, #tpu.memory_space<vmem>> -> memref<64xi32, #tpu.memory_space<vmem>>
        %dma_wait3A_561 = arith.constant 0 : i32
        %dma_wait3A_562 = arith.constant 0 : i32
        %dma_wait3A_563 = tpu.memref_slice %arg3[%dma_wait3A_561, %dma_wait3A_562] : memref<10240x128xf32, #tpu.memory_space<hbm>> -> memref<10240x128xf32, #tpu.memory_space<hbm>>
        tpu.wait_indirect_dma semaphore(%arg8 : memref<!tpu.dma_semaphore, #tpu.memory_space<semaphore_mem>>) src(%dma_wait3A_563 : memref<10240x128xf32, #tpu.memory_space<hbm>>) dst(%dma_wait3A_557 : memref<64x128xf32, #tpu.memory_space<vmem>>)
        %dma_start3A_564 = arith.constant 3 : i32
        %dma_start3A_565 = arith.constant 1 : i32
        %dma_start3A_566 = arith.constant 1 : i32
        %dma_start3A_567 = arith.constant 3 : i32
        %dma_start3A_568 = arith.constant 0 : i32
        %dma_start3A_569 = arith.constant 0 : i32
        %dma_start3A_570 = tpu.memref_slice %arg6[%dma_start3A_564, %dma_start3A_568, %dma_start3A_569] : memref<5x64x128xf32, #tpu.memory_space<vmem>> -> memref<1x64x128xf32, #tpu.memory_space<vmem>>
        %dma_start3A_571 = tpu.memref_squeeze %dma_start3A_570 : memref<1x64x128xf32, #tpu.memory_space<vmem>> -> memref<64x128xf32, #tpu.memory_space<vmem>>
        %dma_start3A_572 = arith.constant 0 : i32
        %dma_start3A_573 = tpu.memref_slice %arg5[%dma_start3A_565, %dma_start3A_566, %dma_start3A_567, %dma_start3A_572] : memref<2x2x5x64xi32, #tpu.memory_space<vmem>> -> memref<1x1x1x64xi32, #tpu.memory_space<vmem>>
        %dma_start3A_574 = tpu.memref_squeeze %dma_start3A_573 : memref<1x1x1x64xi32, #tpu.memory_space<vmem>> -> memref<64xi32, #tpu.memory_space<vmem>>
        %dma_start3A_575 = arith.constant 0 : i32
        %dma_start3A_576 = arith.constant 0 : i32
        %dma_start3A_577 = tpu.memref_slice %arg7[%dma_start3A_575, %dma_start3A_576] : memref<10240x128xf32, #tpu.memory_space<vmem_shared>> -> memref<10240x128xf32, #tpu.memory_space<vmem_shared>>
        tpu.enqueue_indirect_dma source(%dma_start3A_571 : memref<64x128xf32, #tpu.memory_space<vmem>>) target(%dma_start3A_577 : memref<10240x128xf32, #tpu.memory_space<vmem_shared>>) offsets(%dma_start3A_574 : memref<64xi32, #tpu.memory_space<vmem>>) semaphore(%arg9 : memref<!tpu.dma_semaphore, #tpu.memory_space<semaphore_mem>>) {add = true}
        %dma_wait3A_578 = arith.constant 1 : i32
        %dma_wait3A_579 = arith.constant 0 : i32
        %dma_wait3A_580 = arith.constant 4 : i32
        %dma_wait3A_581 = arith.constant 4 : i32
        %dma_wait3A_582 = arith.constant 0 : i32
        %dma_wait3A_583 = arith.constant 0 : i32
        %dma_wait3A_584 = tpu.memref_slice %arg6[%dma_wait3A_581, %dma_wait3A_582, %dma_wait3A_583] : memref<5x64x128xf32, #tpu.memory_space<vmem>> -> memref<1x64x128xf32, #tpu.memory_space<vmem>>
        %dma_wait3A_585 = tpu.memref_squeeze %dma_wait3A_584 : memref<1x64x128xf32, #tpu.memory_space<vmem>> -> memref<64x128xf32, #tpu.memory_space<vmem>>
        %dma_wait3A_586 = arith.constant 0 : i32
        %dma_wait3A_587 = tpu.memref_slice %arg5[%dma_wait3A_578, %dma_wait3A_579, %dma_wait3A_580, %dma_wait3A_586] : memref<2x2x5x64xi32, #tpu.memory_space<vmem>> -> memref<1x1x1x64xi32, #tpu.memory_space<vmem>>
        %dma_wait3A_588 = tpu.memref_squeeze %dma_wait3A_587 : memref<1x1x1x64xi32, #tpu.memory_space<vmem>> -> memref<64xi32, #tpu.memory_space<vmem>>
        %dma_wait3A_589 = arith.constant 0 : i32
        %dma_wait3A_590 = arith.constant 0 : i32
        %dma_wait3A_591 = tpu.memref_slice %arg3[%dma_wait3A_589, %dma_wait3A_590] : memref<10240x128xf32, #tpu.memory_space<hbm>> -> memref<10240x128xf32, #tpu.memory_space<hbm>>
        tpu.wait_indirect_dma semaphore(%arg8 : memref<!tpu.dma_semaphore, #tpu.memory_space<semaphore_mem>>) src(%dma_wait3A_591 : memref<10240x128xf32, #tpu.memory_space<hbm>>) dst(%dma_wait3A_585 : memref<64x128xf32, #tpu.memory_space<vmem>>)
        %dma_start3A_592 = arith.constant 4 : i32
        %dma_start3A_593 = arith.constant 1 : i32
        %dma_start3A_594 = arith.constant 1 : i32
        %dma_start3A_595 = arith.constant 4 : i32
        %dma_start3A_596 = arith.constant 0 : i32
        %dma_start3A_597 = arith.constant 0 : i32
        %dma_start3A_598 = tpu.memref_slice %arg6[%dma_start3A_592, %dma_start3A_596, %dma_start3A_597] : memref<5x64x128xf32, #tpu.memory_space<vmem>> -> memref<1x64x128xf32, #tpu.memory_space<vmem>>
        %dma_start3A_599 = tpu.memref_squeeze %dma_start3A_598 : memref<1x64x128xf32, #tpu.memory_space<vmem>> -> memref<64x128xf32, #tpu.memory_space<vmem>>
        %dma_start3A_600 = arith.constant 0 : i32
        %dma_start3A_601 = tpu.memref_slice %arg5[%dma_start3A_593, %dma_start3A_594, %dma_start3A_595, %dma_start3A_600] : memref<2x2x5x64xi32, #tpu.memory_space<vmem>> -> memref<1x1x1x64xi32, #tpu.memory_space<vmem>>
        %dma_start3A_602 = tpu.memref_squeeze %dma_start3A_601 : memref<1x1x1x64xi32, #tpu.memory_space<vmem>> -> memref<64xi32, #tpu.memory_space<vmem>>
        %dma_start3A_603 = arith.constant 0 : i32
        %dma_start3A_604 = arith.constant 0 : i32
        %dma_start3A_605 = tpu.memref_slice %arg7[%dma_start3A_603, %dma_start3A_604] : memref<10240x128xf32, #tpu.memory_space<vmem_shared>> -> memref<10240x128xf32, #tpu.memory_space<vmem_shared>>
        tpu.enqueue_indirect_dma source(%dma_start3A_599 : memref<64x128xf32, #tpu.memory_space<vmem>>) target(%dma_start3A_605 : memref<10240x128xf32, #tpu.memory_space<vmem_shared>>) offsets(%dma_start3A_602 : memref<64xi32, #tpu.memory_space<vmem>>) semaphore(%arg9 : memref<!tpu.dma_semaphore, #tpu.memory_space<semaphore_mem>>) {add = true}
        %dma_wait3A_606 = arith.constant 0 : i32
        %dma_wait3A_607 = arith.constant 1 : i32
        %dma_wait3A_608 = arith.constant 1 : i32
        %dma_wait3A_609 = arith.constant 0 : i32
        %dma_wait3A_610 = arith.constant 0 : i32
        %dma_wait3A_611 = arith.constant 0 : i32
        %dma_wait3A_612 = tpu.memref_slice %arg6[%dma_wait3A_606, %dma_wait3A_610, %dma_wait3A_611] : memref<5x64x128xf32, #tpu.memory_space<vmem>> -> memref<1x64x128xf32, #tpu.memory_space<vmem>>
        %dma_wait3A_613 = tpu.memref_squeeze %dma_wait3A_612 : memref<1x64x128xf32, #tpu.memory_space<vmem>> -> memref<64x128xf32, #tpu.memory_space<vmem>>
        %dma_wait3A_614 = arith.constant 0 : i32
        %dma_wait3A_615 = tpu.memref_slice %arg5[%dma_wait3A_607, %dma_wait3A_608, %dma_wait3A_609, %dma_wait3A_614] : memref<2x2x5x64xi32, #tpu.memory_space<vmem>> -> memref<1x1x1x64xi32, #tpu.memory_space<vmem>>
        %dma_wait3A_616 = tpu.memref_squeeze %dma_wait3A_615 : memref<1x1x1x64xi32, #tpu.memory_space<vmem>> -> memref<64xi32, #tpu.memory_space<vmem>>
        %dma_wait3A_617 = arith.constant 0 : i32
        %dma_wait3A_618 = arith.constant 0 : i32
        %dma_wait3A_619 = tpu.memref_slice %arg7[%dma_wait3A_617, %dma_wait3A_618] : memref<10240x128xf32, #tpu.memory_space<vmem_shared>> -> memref<10240x128xf32, #tpu.memory_space<vmem_shared>>
        tpu.wait_indirect_dma semaphore(%arg9 : memref<!tpu.dma_semaphore, #tpu.memory_space<semaphore_mem>>) src(%dma_wait3A_613 : memref<64x128xf32, #tpu.memory_space<vmem>>) dst(%dma_wait3A_619 : memref<10240x128xf32, #tpu.memory_space<vmem_shared>>)
        %dma_wait3A_620 = arith.constant 1 : i32
        %dma_wait3A_621 = arith.constant 1 : i32
        %dma_wait3A_622 = arith.constant 1 : i32
        %dma_wait3A_623 = arith.constant 1 : i32
        %dma_wait3A_624 = arith.constant 0 : i32
        %dma_wait3A_625 = arith.constant 0 : i32
        %dma_wait3A_626 = tpu.memref_slice %arg6[%dma_wait3A_620, %dma_wait3A_624, %dma_wait3A_625] : memref<5x64x128xf32, #tpu.memory_space<vmem>> -> memref<1x64x128xf32, #tpu.memory_space<vmem>>
        %dma_wait3A_627 = tpu.memref_squeeze %dma_wait3A_626 : memref<1x64x128xf32, #tpu.memory_space<vmem>> -> memref<64x128xf32, #tpu.memory_space<vmem>>
        %dma_wait3A_628 = arith.constant 0 : i32
        %dma_wait3A_629 = tpu.memref_slice %arg5[%dma_wait3A_621, %dma_wait3A_622, %dma_wait3A_623, %dma_wait3A_628] : memref<2x2x5x64xi32, #tpu.memory_space<vmem>> -> memref<1x1x1x64xi32, #tpu.memory_space<vmem>>
        %dma_wait3A_630 = tpu.memref_squeeze %dma_wait3A_629 : memref<1x1x1x64xi32, #tpu.memory_space<vmem>> -> memref<64xi32, #tpu.memory_space<vmem>>
        %dma_wait3A_631 = arith.constant 0 : i32
        %dma_wait3A_632 = arith.constant 0 : i32
        %dma_wait3A_633 = tpu.memref_slice %arg7[%dma_wait3A_631, %dma_wait3A_632] : memref<10240x128xf32, #tpu.memory_space<vmem_shared>> -> memref<10240x128xf32, #tpu.memory_space<vmem_shared>>
        tpu.wait_indirect_dma semaphore(%arg9 : memref<!tpu.dma_semaphore, #tpu.memory_space<semaphore_mem>>) src(%dma_wait3A_627 : memref<64x128xf32, #tpu.memory_space<vmem>>) dst(%dma_wait3A_633 : memref<10240x128xf32, #tpu.memory_space<vmem_shared>>)
        %dma_wait3A_634 = arith.constant 2 : i32
        %dma_wait3A_635 = arith.constant 1 : i32
        %dma_wait3A_636 = arith.constant 1 : i32
        %dma_wait3A_637 = arith.constant 2 : i32
        %dma_wait3A_638 = arith.constant 0 : i32
        %dma_wait3A_639 = arith.constant 0 : i32
        %dma_wait3A_640 = tpu.memref_slice %arg6[%dma_wait3A_634, %dma_wait3A_638, %dma_wait3A_639] : memref<5x64x128xf32, #tpu.memory_space<vmem>> -> memref<1x64x128xf32, #tpu.memory_space<vmem>>
        %dma_wait3A_641 = tpu.memref_squeeze %dma_wait3A_640 : memref<1x64x128xf32, #tpu.memory_space<vmem>> -> memref<64x128xf32, #tpu.memory_space<vmem>>
        %dma_wait3A_642 = arith.constant 0 : i32
        %dma_wait3A_643 = tpu.memref_slice %arg5[%dma_wait3A_635, %dma_wait3A_636, %dma_wait3A_637, %dma_wait3A_642] : memref<2x2x5x64xi32, #tpu.memory_space<vmem>> -> memref<1x1x1x64xi32, #tpu.memory_space<vmem>>
        %dma_wait3A_644 = tpu.memref_squeeze %dma_wait3A_643 : memref<1x1x1x64xi32, #tpu.memory_space<vmem>> -> memref<64xi32, #tpu.memory_space<vmem>>
        %dma_wait3A_645 = arith.constant 0 : i32
        %dma_wait3A_646 = arith.constant 0 : i32
        %dma_wait3A_647 = tpu.memref_slice %arg7[%dma_wait3A_645, %dma_wait3A_646] : memref<10240x128xf32, #tpu.memory_space<vmem_shared>> -> memref<10240x128xf32, #tpu.memory_space<vmem_shared>>
        tpu.wait_indirect_dma semaphore(%arg9 : memref<!tpu.dma_semaphore, #tpu.memory_space<semaphore_mem>>) src(%dma_wait3A_641 : memref<64x128xf32, #tpu.memory_space<vmem>>) dst(%dma_wait3A_647 : memref<10240x128xf32, #tpu.memory_space<vmem_shared>>)
        %dma_wait3A_648 = arith.constant 3 : i32
        %dma_wait3A_649 = arith.constant 1 : i32
        %dma_wait3A_650 = arith.constant 1 : i32
        %dma_wait3A_651 = arith.constant 3 : i32
        %dma_wait3A_652 = arith.constant 0 : i32
        %dma_wait3A_653 = arith.constant 0 : i32
        %dma_wait3A_654 = tpu.memref_slice %arg6[%dma_wait3A_648, %dma_wait3A_652, %dma_wait3A_653] : memref<5x64x128xf32, #tpu.memory_space<vmem>> -> memref<1x64x128xf32, #tpu.memory_space<vmem>>
        %dma_wait3A_655 = tpu.memref_squeeze %dma_wait3A_654 : memref<1x64x128xf32, #tpu.memory_space<vmem>> -> memref<64x128xf32, #tpu.memory_space<vmem>>
        %dma_wait3A_656 = arith.constant 0 : i32
        %dma_wait3A_657 = tpu.memref_slice %arg5[%dma_wait3A_649, %dma_wait3A_650, %dma_wait3A_651, %dma_wait3A_656] : memref<2x2x5x64xi32, #tpu.memory_space<vmem>> -> memref<1x1x1x64xi32, #tpu.memory_space<vmem>>
        %dma_wait3A_658 = tpu.memref_squeeze %dma_wait3A_657 : memref<1x1x1x64xi32, #tpu.memory_space<vmem>> -> memref<64xi32, #tpu.memory_space<vmem>>
        %dma_wait3A_659 = arith.constant 0 : i32
        %dma_wait3A_660 = arith.constant 0 : i32
        %dma_wait3A_661 = tpu.memref_slice %arg7[%dma_wait3A_659, %dma_wait3A_660] : memref<10240x128xf32, #tpu.memory_space<vmem_shared>> -> memref<10240x128xf32, #tpu.memory_space<vmem_shared>>
        tpu.wait_indirect_dma semaphore(%arg9 : memref<!tpu.dma_semaphore, #tpu.memory_space<semaphore_mem>>) src(%dma_wait3A_655 : memref<64x128xf32, #tpu.memory_space<vmem>>) dst(%dma_wait3A_661 : memref<10240x128xf32, #tpu.memory_space<vmem_shared>>)
        %dma_wait3A_662 = arith.constant 4 : i32
        %dma_wait3A_663 = arith.constant 1 : i32
        %dma_wait3A_664 = arith.constant 1 : i32
        %dma_wait3A_665 = arith.constant 4 : i32
        %dma_wait3A_666 = arith.constant 0 : i32
        %dma_wait3A_667 = arith.constant 0 : i32
        %dma_wait3A_668 = tpu.memref_slice %arg6[%dma_wait3A_662, %dma_wait3A_666, %dma_wait3A_667] : memref<5x64x128xf32, #tpu.memory_space<vmem>> -> memref<1x64x128xf32, #tpu.memory_space<vmem>>
        %dma_wait3A_669 = tpu.memref_squeeze %dma_wait3A_668 : memref<1x64x128xf32, #tpu.memory_space<vmem>> -> memref<64x128xf32, #tpu.memory_space<vmem>>
        %dma_wait3A_670 = arith.constant 0 : i32
        %dma_wait3A_671 = tpu.memref_slice %arg5[%dma_wait3A_663, %dma_wait3A_664, %dma_wait3A_665, %dma_wait3A_670] : memref<2x2x5x64xi32, #tpu.memory_space<vmem>> -> memref<1x1x1x64xi32, #tpu.memory_space<vmem>>
        %dma_wait3A_672 = tpu.memref_squeeze %dma_wait3A_671 : memref<1x1x1x64xi32, #tpu.memory_space<vmem>> -> memref<64xi32, #tpu.memory_space<vmem>>
        %dma_wait3A_673 = arith.constant 0 : i32
        %dma_wait3A_674 = arith.constant 0 : i32
        %dma_wait3A_675 = tpu.memref_slice %arg7[%dma_wait3A_673, %dma_wait3A_674] : memref<10240x128xf32, #tpu.memory_space<vmem_shared>> -> memref<10240x128xf32, #tpu.memory_space<vmem_shared>>
        tpu.wait_indirect_dma semaphore(%arg9 : memref<!tpu.dma_semaphore, #tpu.memory_space<semaphore_mem>>) src(%dma_wait3A_669 : memref<64x128xf32, #tpu.memory_space<vmem>>) dst(%dma_wait3A_675 : memref<10240x128xf32, #tpu.memory_space<vmem_shared>>)
        %lt3A_676 = arith.constant 31 : i32
        %lt3A_677 = arith.cmpi slt, %scan3A_90, %lt3A_676 : i32
        %convert_element_type3A_678 = arith.extui %lt3A_677 : i1 to i32
        %cond3A_679 = arith.constant 0 : i32
        %cond3A_680 = arith.cmpi ne, %convert_element_type3A_678, %cond3A_679 : i32
        scf.if %cond3A_680 {
          %dma_wait3A_681 = arith.constant 0 : i32
          %dma_wait3A_682 = arith.constant 0 : i32
          %dma_wait3A_683 = arith.constant 0 : i32
          %dma_wait3A_684 = arith.constant 0 : i32
          %dma_wait3A_685 = arith.constant 0 : i32
          %dma_wait3A_686 = tpu.memref_slice %arg5[%dma_wait3A_682, %dma_wait3A_683, %dma_wait3A_684, %dma_wait3A_685] : memref<2x2x5x64xi32, #tpu.memory_space<vmem>> -> memref<1x2x5x64xi32, #tpu.memory_space<vmem>>
          %dma_wait3A_687 = tpu.memref_squeeze %dma_wait3A_686 : memref<1x2x5x64xi32, #tpu.memory_space<vmem>> -> memref<2x5x64xi32, #tpu.memory_space<vmem>>
          %dma_wait3A_688 = arith.constant 0 : i32
          %dma_wait3A_689 = arith.constant 0 : i32
          %dma_wait3A_690 = arith.constant 0 : i32
          %dma_wait3A_691 = tpu.memref_slice %arg2[%dma_wait3A_688, %dma_wait3A_681, %dma_wait3A_689, %dma_wait3A_690] : memref<2x1024x5x64xi32, #tpu.memory_space<hbm>> -> memref<2x1x5x64xi32, #tpu.memory_space<hbm>>
          %dma_wait3A_692 = tpu.memref_squeeze %dma_wait3A_691 : memref<2x1x5x64xi32, #tpu.memory_space<hbm>> -> memref<2x5x64xi32, #tpu.memory_space<hbm>>
          %dma_wait3A_693 = arith.constant 0 : i32
          %dma_wait3A_694 = arith.constant 0 : i32
          %dma_wait3A_695 = arith.constant 0 : i32
          %dma_wait3A_696 = tpu.memref_slice %arg5[%dma_wait3A_682, %dma_wait3A_693, %dma_wait3A_694, %dma_wait3A_695] : memref<2x2x5x64xi32, #tpu.memory_space<vmem>> -> memref<1x2x5x64xi32, #tpu.memory_space<vmem>>
          %dma_wait3A_697 = tpu.memref_squeeze %dma_wait3A_696 : memref<1x2x5x64xi32, #tpu.memory_space<vmem>> -> memref<2x5x64xi32, #tpu.memory_space<vmem>>
          %dma_wait3A_698 = arith.constant 0 : i32
          %dma_wait3A_699 = arith.constant 0 : i32
          %dma_wait3A_700 = arith.constant 0 : i32
          %dma_wait3A_701 = tpu.memref_slice %arg2[%dma_wait3A_698, %dma_wait3A_681, %dma_wait3A_699, %dma_wait3A_700] : memref<2x1024x5x64xi32, #tpu.memory_space<hbm>> -> memref<2x1x5x64xi32, #tpu.memory_space<hbm>>
          %dma_wait3A_702 = tpu.memref_squeeze %dma_wait3A_701 : memref<2x1x5x64xi32, #tpu.memory_space<hbm>> -> memref<2x5x64xi32, #tpu.memory_space<hbm>>
          tpu.wait_dma2 semaphore(%arg10 : memref<!tpu.dma_semaphore, #tpu.memory_space<semaphore_mem>>) src(%dma_wait3A_702 : memref<2x5x64xi32, #tpu.memory_space<hbm>>) dst(%dma_wait3A_697 : memref<2x5x64xi32, #tpu.memory_space<vmem>>)
          %mul3A_703 = arith.constant 2 : i32
          %mul3A_704 = arith.muli %mul3A_703, %scan3A_90 : i32
          %add3A_705 = arith.addi %mul3A_0, %mul3A_704 : i32
          %add3A_706 = arith.constant 3 : i32
          %add3A_707 = arith.addi %add3A_705, %add3A_706 : i32
          %dma_start3A_708 = arith.constant 1 : i32
          %dma_start3A_709 = arith.constant 0 : i32
          %dma_start3A_710 = arith.constant 0 : i32
          %dma_start3A_711 = arith.constant 0 : i32
          %dma_start3A_712 = tpu.memref_slice %arg5[%dma_start3A_708, %dma_start3A_709, %dma_start3A_710, %dma_start3A_711] : memref<2x2x5x64xi32, #tpu.memory_space<vmem>> -> memref<1x2x5x64xi32, #tpu.memory_space<vmem>>
          %dma_start3A_713 = tpu.memref_squeeze %dma_start3A_712 : memref<1x2x5x64xi32, #tpu.memory_space<vmem>> -> memref<2x5x64xi32, #tpu.memory_space<vmem>>
          %dma_start3A_714 = arith.constant 0 : i32
          %dma_start3A_715 = arith.constant 0 : i32
          %dma_start3A_716 = arith.constant 0 : i32
          %dma_start3A_717 = tpu.memref_slice %arg2[%dma_start3A_714, %add3A_707, %dma_start3A_715, %dma_start3A_716] : memref<2x1024x5x64xi32, #tpu.memory_space<hbm>> -> memref<2x1x5x64xi32, #tpu.memory_space<hbm>>
          %dma_start3A_718 = tpu.memref_squeeze %dma_start3A_717 : memref<2x1x5x64xi32, #tpu.memory_space<hbm>> -> memref<2x5x64xi32, #tpu.memory_space<hbm>>
          %dma_start3A_719 = arith.constant 0 : i32
          %dma_start3A_720 = arith.constant 0 : i32
          %dma_start3A_721 = arith.constant 0 : i32
          %dma_start3A_722 = tpu.memref_slice %arg5[%dma_start3A_708, %dma_start3A_719, %dma_start3A_720, %dma_start3A_721] : memref<2x2x5x64xi32, #tpu.memory_space<vmem>> -> memref<1x2x5x64xi32, #tpu.memory_space<vmem>>
          %dma_start3A_723 = tpu.memref_squeeze %dma_start3A_722 : memref<1x2x5x64xi32, #tpu.memory_space<vmem>> -> memref<2x5x64xi32, #tpu.memory_space<vmem>>
          %dma_start3A_724 = arith.constant 0 : i32
          %dma_start3A_725 = arith.constant 0 : i32
          %dma_start3A_726 = arith.constant 0 : i32
          %dma_start3A_727 = tpu.memref_slice %arg2[%dma_start3A_724, %add3A_707, %dma_start3A_725, %dma_start3A_726] : memref<2x1024x5x64xi32, #tpu.memory_space<hbm>> -> memref<2x1x5x64xi32, #tpu.memory_space<hbm>>
          %dma_start3A_728 = tpu.memref_squeeze %dma_start3A_727 : memref<2x1x5x64xi32, #tpu.memory_space<hbm>> -> memref<2x5x64xi32, #tpu.memory_space<hbm>>
          tpu.enqueue_dma source(%dma_start3A_728 : memref<2x5x64xi32, #tpu.memory_space<hbm>>) target(%dma_start3A_723 : memref<2x5x64xi32, #tpu.memory_space<vmem>>) target_semaphore(%arg10 : memref<!tpu.dma_semaphore, #tpu.memory_space<semaphore_mem>>)
        } else {
        }
      }
      %scan3A_84 = arith.constant 32 : i32
      %barrier3A_85 = arith.constant 0 : index
      tpu.barrier barrier_id(%barrier3A_85)
      %mul3A_86 = arith.constant 640 : i32
      %mul3A_87 = arith.muli %arg1, %mul3A_86 : i32
      %mul3A_88 = arith.constant 640 : i32
      %mul3A_89 = arith.muli %arg1, %mul3A_88 : i32
      "tpu.region"() ({
        %run_scoped3A_90 = tpu.sem_alloc : memref<!tpu.dma_semaphore, #tpu.memory_space<semaphore_mem>>
        %dma_start3A_91 = arith.constant 0 : i32
        %dma_start3A_92 = tpu.memref_slice %arg4[%mul3A_89, %dma_start3A_91] : memref<10240x128xf32, #tpu.memory_space<hbm>> -> memref<640x128xf32, #tpu.memory_space<hbm>>
        %dma_start3A_93 = arith.constant 0 : i32
        %dma_start3A_94 = tpu.memref_slice %arg7[%mul3A_87, %dma_start3A_93] : memref<10240x128xf32, #tpu.memory_space<vmem_shared>> -> memref<640x128xf32, #tpu.memory_space<vmem_shared>>
        tpu.enqueue_dma source(%dma_start3A_94 : memref<640x128xf32, #tpu.memory_space<vmem_shared>>) target(%dma_start3A_92 : memref<640x128xf32, #tpu.memory_space<hbm>>) target_semaphore(%run_scoped3A_90 : memref<!tpu.dma_semaphore, #tpu.memory_space<semaphore_mem>>)
        %dma_wait3A = arith.constant 0 : i32
        %dma_wait3A_95 = tpu.memref_slice %arg4[%mul3A_89, %dma_wait3A] : memref<10240x128xf32, #tpu.memory_space<hbm>> -> memref<640x128xf32, #tpu.memory_space<hbm>>
        %dma_wait3A_96 = arith.constant 0 : i32
        %dma_wait3A_97 = tpu.memref_slice %arg7[%mul3A_87, %dma_wait3A_96] : memref<10240x128xf32, #tpu.memory_space<vmem_shared>> -> memref<640x128xf32, #tpu.memory_space<vmem_shared>>
        tpu.wait_dma2 semaphore(%run_scoped3A_90 : memref<!tpu.dma_semaphore, #tpu.memory_space<semaphore_mem>>) src(%dma_wait3A_97 : memref<640x128xf32, #tpu.memory_space<vmem_shared>>) dst(%dma_wait3A_95 : memref<640x128xf32, #tpu.memory_space<hbm>>)
        tpu.yield
      }) : () -> ()
    } else {
    }
    return
  }
}

#map = affine_map<(d0, d1) -> (0, 0, 0, 0)>
#map1 = affine_map<(d0, d1) -> (0, 0)>
module attributes {stable_mosaic.version = 14 : i64} {
  func.func @_sc_edge_sum(%arg0: i32, %arg1: i32, %arg2: memref<2x1024x5x64xi32, #tpu.memory_space<hbm>>, %arg3: memref<10240x128xf32, #tpu.memory_space<hbm>>, %arg4: memref<10240x128xf32, #tpu.memory_space<hbm>>, %arg5: memref<2x2x5x64xi32, #tpu.memory_space<vmem>>, %arg6: memref<5x64x128xf32, #tpu.memory_space<vmem>>, %arg7: memref<10240x128xf32, #tpu.memory_space<vmem_shared>>, %arg8: memref<!tpu.dma_semaphore, #tpu.memory_space<semaphore_mem>>, %arg9: memref<!tpu.dma_semaphore, #tpu.memory_space<semaphore_mem>>, %arg10: memref<!tpu.dma_semaphore, #tpu.memory_space<semaphore_mem>>) attributes {dimension_semantics = [#tpu.dimension_semantics<core_parallel>, #tpu.dimension_semantics<subcore_parallel>], iteration_bounds = array<i64: 2, 16>, scalar_prefetch = 0 : i64, scratch_operands = 6 : i64, tpu.core_type = #tpu.core_type<sc_vector_subcore>, window_params = [{transform_indices = #map}, {transform_indices = #map1}, {transform_indices = #map1}]} {
    %mul3A = arith.constant 64 : i32
    %mul3A_0 = arith.muli %arg1, %mul3A : i32
    %eq3A = arith.constant 0 : i32
    %eq3A_1 = arith.cmpi eq, %arg0, %eq3A : i32
    %convert_element_type3A = arith.extui %eq3A_1 : i1 to i32
    %cond3A = arith.constant 0 : i32
    %cond3A_2 = arith.cmpi ne, %convert_element_type3A, %cond3A : i32
    scf.if %cond3A_2 {
      %scan3A = arith.constant 0 : i32
      %scan3A_3 = arith.constant 0 : i32
      %scan3A_4 = arith.constant 64 : i32
      %scan3A_5 = arith.addi %scan3A_3, %scan3A_4 : i32
      %scan3A_6 = arith.constant 1 : i32
      scf.for %scan3A_90 = %scan3A_3 to %scan3A_5 step %scan3A_6  : i32 {
        %broadcast_in_dim3A = arith.constant 0.000000e+00 : f32
        %broadcast_in_dim3A_91 = vector.broadcast %broadcast_in_dim3A : f32 to vector<16xf32>
        %swap3A = arith.constant 0 : i32
        %swap3A_92 = arith.index_cast %swap3A : i32 to index
        %swap3A_93 = arith.index_cast %scan3A_90 : i32 to index
        %swap3A_94 = arith.constant 0 : index
        %swap3A_95 = tpu.vector_load %arg6[%swap3A_92, %swap3A_93, %swap3A_94] {strides = array<i32>} : memref<5x64x128xf32, #tpu.memory_space<vmem>>, vector<1x1x16xf32>,
        %swap3A_96 = vector.shape_cast %swap3A_95 : vector<1x1x16xf32> to vector<16xf32>
        %swap3A_97 = vector.shape_cast %broadcast_in_dim3A_91 : vector<16xf32> to vector<1x1x16xf32>
        tpu.vector_store %arg6[%swap3A_92, %swap3A_93, %swap3A_94], %swap3A_97 {strides = array<i32>} : memref<5x64x128xf32, #tpu.memory_space<vmem>>, vector<1x1x16xf32>,
        %broadcast_in_dim3A_98 = arith.constant 0.000000e+00 : f32
        %broadcast_in_dim3A_99 = vector.broadcast %broadcast_in_dim3A_98 : f32 to vector<16xf32>
        %swap3A_100 = arith.constant 0 : i32
        %swap3A_101 = arith.index_cast %swap3A_100 : i32 to index
        %swap3A_102 = arith.index_cast %scan3A_90 : i32 to index
        %swap3A_103 = arith.constant 16 : index
        %swap3A_104 = tpu.vector_load %arg6[%swap3A_101, %swap3A_102, %swap3A_103] {strides = array<i32>} : memref<5x64x128xf32, #tpu.memory_space<vmem>>, vector<1x1x16xf32>,
        %swap3A_105 = vector.shape_cast %swap3A_104 : vector<1x1x16xf32> to vector<16xf32>
        %swap3A_106 = vector.shape_cast %broadcast_in_dim3A_99 : vector<16xf32> to vector<1x1x16xf32>
        tpu.vector_store %arg6[%swap3A_101, %swap3A_102, %swap3A_103], %swap3A_106 {strides = array<i32>} : memref<5x64x128xf32, #tpu.memory_space<vmem>>, vector<1x1x16xf32>,
        %broadcast_in_dim3A_107 = arith.constant 0.000000e+00 : f32
        %broadcast_in_dim3A_108 = vector.broadcast %broadcast_in_dim3A_107 : f32 to vector<16xf32>
        %swap3A_109 = arith.constant 0 : i32
        %swap3A_110 = arith.index_cast %swap3A_109 : i32 to index
        %swap3A_111 = arith.index_cast %scan3A_90 : i32 to index
        %swap3A_112 = arith.constant 32 : index
        %swap3A_113 = tpu.vector_load %arg6[%swap3A_110, %swap3A_111, %swap3A_112] {strides = array<i32>} : memref<5x64x128xf32, #tpu.memory_space<vmem>>, vector<1x1x16xf32>,
        %swap3A_114 = vector.shape_cast %swap3A_113 : vector<1x1x16xf32> to vector<16xf32>
        %swap3A_115 = vector.shape_cast %broadcast_in_dim3A_108 : vector<16xf32> to vector<1x1x16xf32>
        tpu.vector_store %arg6[%swap3A_110, %swap3A_111, %swap3A_112], %swap3A_115 {strides = array<i32>} : memref<5x64x128xf32, #tpu.memory_space<vmem>>, vector<1x1x16xf32>,
        %broadcast_in_dim3A_116 = arith.constant 0.000000e+00 : f32
        %broadcast_in_dim3A_117 = vector.broadcast %broadcast_in_dim3A_116 : f32 to vector<16xf32>
        %swap3A_118 = arith.constant 0 : i32
        %swap3A_119 = arith.index_cast %swap3A_118 : i32 to index
        %swap3A_120 = arith.index_cast %scan3A_90 : i32 to index
        %swap3A_121 = arith.constant 48 : index
        %swap3A_122 = tpu.vector_load %arg6[%swap3A_119, %swap3A_120, %swap3A_121] {strides = array<i32>} : memref<5x64x128xf32, #tpu.memory_space<vmem>>, vector<1x1x16xf32>,
        %swap3A_123 = vector.shape_cast %swap3A_122 : vector<1x1x16xf32> to vector<16xf32>
        %swap3A_124 = vector.shape_cast %broadcast_in_dim3A_117 : vector<16xf32> to vector<1x1x16xf32>
        tpu.vector_store %arg6[%swap3A_119, %swap3A_120, %swap3A_121], %swap3A_124 {strides = array<i32>} : memref<5x64x128xf32, #tpu.memory_space<vmem>>, vector<1x1x16xf32>,
        %broadcast_in_dim3A_125 = arith.constant 0.000000e+00 : f32
        %broadcast_in_dim3A_126 = vector.broadcast %broadcast_in_dim3A_125 : f32 to vector<16xf32>
        %swap3A_127 = arith.constant 0 : i32
        %swap3A_128 = arith.index_cast %swap3A_127 : i32 to index
        %swap3A_129 = arith.index_cast %scan3A_90 : i32 to index
        %swap3A_130 = arith.constant 64 : index
        %swap3A_131 = tpu.vector_load %arg6[%swap3A_128, %swap3A_129, %swap3A_130] {strides = array<i32>} : memref<5x64x128xf32, #tpu.memory_space<vmem>>, vector<1x1x16xf32>,
        %swap3A_132 = vector.shape_cast %swap3A_131 : vector<1x1x16xf32> to vector<16xf32>
        %swap3A_133 = vector.shape_cast %broadcast_in_dim3A_126 : vector<16xf32> to vector<1x1x16xf32>
        tpu.vector_store %arg6[%swap3A_128, %swap3A_129, %swap3A_130], %swap3A_133 {strides = array<i32>} : memref<5x64x128xf32, #tpu.memory_space<vmem>>, vector<1x1x16xf32>,
        %broadcast_in_dim3A_134 = arith.constant 0.000000e+00 : f32
        %broadcast_in_dim3A_135 = vector.broadcast %broadcast_in_dim3A_134 : f32 to vector<16xf32>
        %swap3A_136 = arith.constant 0 : i32
        %swap3A_137 = arith.index_cast %swap3A_136 : i32 to index
        %swap3A_138 = arith.index_cast %scan3A_90 : i32 to index
        %swap3A_139 = arith.constant 80 : index
        %swap3A_140 = tpu.vector_load %arg6[%swap3A_137, %swap3A_138, %swap3A_139] {strides = array<i32>} : memref<5x64x128xf32, #tpu.memory_space<vmem>>, vector<1x1x16xf32>,
        %swap3A_141 = vector.shape_cast %swap3A_140 : vector<1x1x16xf32> to vector<16xf32>
        %swap3A_142 = vector.shape_cast %broadcast_in_dim3A_135 : vector<16xf32> to vector<1x1x16xf32>
        tpu.vector_store %arg6[%swap3A_137, %swap3A_138, %swap3A_139], %swap3A_142 {strides = array<i32>} : memref<5x64x128xf32, #tpu.memory_space<vmem>>, vector<1x1x16xf32>,
        %broadcast_in_dim3A_143 = arith.constant 0.000000e+00 : f32
        %broadcast_in_dim3A_144 = vector.broadcast %broadcast_in_dim3A_143 : f32 to vector<16xf32>
        %swap3A_145 = arith.constant 0 : i32
        %swap3A_146 = arith.index_cast %swap3A_145 : i32 to index
        %swap3A_147 = arith.index_cast %scan3A_90 : i32 to index
        %swap3A_148 = arith.constant 96 : index
        %swap3A_149 = tpu.vector_load %arg6[%swap3A_146, %swap3A_147, %swap3A_148] {strides = array<i32>} : memref<5x64x128xf32, #tpu.memory_space<vmem>>, vector<1x1x16xf32>,
        %swap3A_150 = vector.shape_cast %swap3A_149 : vector<1x1x16xf32> to vector<16xf32>
        %swap3A_151 = vector.shape_cast %broadcast_in_dim3A_144 : vector<16xf32> to vector<1x1x16xf32>
        tpu.vector_store %arg6[%swap3A_146, %swap3A_147, %swap3A_148], %swap3A_151 {strides = array<i32>} : memref<5x64x128xf32, #tpu.memory_space<vmem>>, vector<1x1x16xf32>,
        %broadcast_in_dim3A_152 = arith.constant 0.000000e+00 : f32
        %broadcast_in_dim3A_153 = vector.broadcast %broadcast_in_dim3A_152 : f32 to vector<16xf32>
        %swap3A_154 = arith.constant 0 : i32
        %swap3A_155 = arith.index_cast %swap3A_154 : i32 to index
        %swap3A_156 = arith.index_cast %scan3A_90 : i32 to index
        %swap3A_157 = arith.constant 112 : index
        %swap3A_158 = tpu.vector_load %arg6[%swap3A_155, %swap3A_156, %swap3A_157] {strides = array<i32>} : memref<5x64x128xf32, #tpu.memory_space<vmem>>, vector<1x1x16xf32>,
        %swap3A_159 = vector.shape_cast %swap3A_158 : vector<1x1x16xf32> to vector<16xf32>
        %swap3A_160 = vector.shape_cast %broadcast_in_dim3A_153 : vector<16xf32> to vector<1x1x16xf32>
        tpu.vector_store %arg6[%swap3A_155, %swap3A_156, %swap3A_157], %swap3A_160 {strides = array<i32>} : memref<5x64x128xf32, #tpu.memory_space<vmem>>, vector<1x1x16xf32>,
      }
      %scan3A_7 = arith.constant 64 : i32
      %mul3A_8 = arith.constant 640 : i32
      %mul3A_9 = arith.muli %arg1, %mul3A_8 : i32
      %add3A = arith.constant 0 : i32
      %add3A_10 = arith.addi %mul3A_9, %add3A : i32
      %run_scoped3A = arith.constant 0 : i32
      "tpu.region"() ({
        %run_scoped3A_90 = tpu.sem_alloc : memref<!tpu.dma_semaphore, #tpu.memory_space<semaphore_mem>>
        %dma_start3A_91 = arith.constant 0 : i32
        %dma_start3A_92 = arith.constant 0 : i32
        %dma_start3A_93 = tpu.memref_slice %arg6[%run_scoped3A, %dma_start3A_91, %dma_start3A_92] : memref<5x64x128xf32, #tpu.memory_space<vmem>> -> memref<1x64x128xf32, #tpu.memory_space<vmem>>
        %dma_start3A_94 = tpu.memref_squeeze %dma_start3A_93 : memref<1x64x128xf32, #tpu.memory_space<vmem>> -> memref<64x128xf32, #tpu.memory_space<vmem>>
        %dma_start3A_95 = arith.constant 0 : i32
        %dma_start3A_96 = tpu.memref_slice %arg7[%add3A_10, %dma_start3A_95] : memref<10240x128xf32, #tpu.memory_space<vmem_shared>> -> memref<64x128xf32, #tpu.memory_space<vmem_shared>>
        %dma_start3A_97 = arith.constant 0 : i32
        %dma_start3A_98 = tpu.memref_slice %arg7[%add3A_10, %dma_start3A_97] : memref<10240x128xf32, #tpu.memory_space<vmem_shared>> -> memref<64x128xf32, #tpu.memory_space<vmem_shared>>
        %dma_start3A_99 = arith.constant 0 : i32
        %dma_start3A_100 = arith.constant 0 : i32
        %dma_start3A_101 = tpu.memref_slice %arg6[%run_scoped3A, %dma_start3A_99, %dma_start3A_100] : memref<5x64x128xf32, #tpu.memory_space<vmem>> -> memref<1x64x128xf32, #tpu.memory_space<vmem>>
        %dma_start3A_102 = tpu.memref_squeeze %dma_start3A_101 : memref<1x64x128xf32, #tpu.memory_space<vmem>> -> memref<64x128xf32, #tpu.memory_space<vmem>>
        tpu.enqueue_dma source(%dma_start3A_102 : memref<64x128xf32, #tpu.memory_space<vmem>>) target(%dma_start3A_98 : memref<64x128xf32, #tpu.memory_space<vmem_shared>>) target_semaphore(%run_scoped3A_90 : memref<!tpu.dma_semaphore, #tpu.memory_space<semaphore_mem>>)
        %dma_wait3A = arith.constant 0 : i32
        %dma_wait3A_103 = arith.constant 0 : i32
        %dma_wait3A_104 = tpu.memref_slice %arg6[%run_scoped3A, %dma_wait3A, %dma_wait3A_103] : memref<5x64x128xf32, #tpu.memory_space<vmem>> -> memref<1x64x128xf32, #tpu.memory_space<vmem>>
        %dma_wait3A_105 = tpu.memref_squeeze %dma_wait3A_104 : memref<1x64x128xf32, #tpu.memory_space<vmem>> -> memref<64x128xf32, #tpu.memory_space<vmem>>
        %dma_wait3A_106 = arith.constant 0 : i32
        %dma_wait3A_107 = tpu.memref_slice %arg7[%add3A_10, %dma_wait3A_106] : memref<10240x128xf32, #tpu.memory_space<vmem_shared>> -> memref<64x128xf32, #tpu.memory_space<vmem_shared>>
        %dma_wait3A_108 = arith.constant 0 : i32
        %dma_wait3A_109 = tpu.memref_slice %arg7[%add3A_10, %dma_wait3A_108] : memref<10240x128xf32, #tpu.memory_space<vmem_shared>> -> memref<64x128xf32, #tpu.memory_space<vmem_shared>>
        %dma_wait3A_110 = arith.constant 0 : i32
        %dma_wait3A_111 = arith.constant 0 : i32
        %dma_wait3A_112 = tpu.memref_slice %arg6[%run_scoped3A, %dma_wait3A_110, %dma_wait3A_111] : memref<5x64x128xf32, #tpu.memory_space<vmem>> -> memref<1x64x128xf32, #tpu.memory_space<vmem>>
        %dma_wait3A_113 = tpu.memref_squeeze %dma_wait3A_112 : memref<1x64x128xf32, #tpu.memory_space<vmem>> -> memref<64x128xf32, #tpu.memory_space<vmem>>
        tpu.wait_dma2 semaphore(%run_scoped3A_90 : memref<!tpu.dma_semaphore, #tpu.memory_space<semaphore_mem>>) src(%dma_wait3A_113 : memref<64x128xf32, #tpu.memory_space<vmem>>) dst(%dma_wait3A_109 : memref<64x128xf32, #tpu.memory_space<vmem_shared>>)
        tpu.yield
      }) : () -> ()
      %mul3A_11 = arith.constant 640 : i32
      %mul3A_12 = arith.muli %arg1, %mul3A_11 : i32
      %add3A_13 = arith.constant 64 : i32
      %add3A_14 = arith.addi %mul3A_12, %add3A_13 : i32
      %run_scoped3A_15 = arith.constant 0 : i32
      "tpu.region"() ({
        %run_scoped3A_90 = tpu.sem_alloc : memref<!tpu.dma_semaphore, #tpu.memory_space<semaphore_mem>>
        %dma_start3A_91 = arith.constant 0 : i32
        %dma_start3A_92 = arith.constant 0 : i32
        %dma_start3A_93 = tpu.memref_slice %arg6[%run_scoped3A_15, %dma_start3A_91, %dma_start3A_92] : memref<5x64x128xf32, #tpu.memory_space<vmem>> -> memref<1x64x128xf32, #tpu.memory_space<vmem>>
        %dma_start3A_94 = tpu.memref_squeeze %dma_start3A_93 : memref<1x64x128xf32, #tpu.memory_space<vmem>> -> memref<64x128xf32, #tpu.memory_space<vmem>>
        %dma_start3A_95 = arith.constant 0 : i32
        %dma_start3A_96 = tpu.memref_slice %arg7[%add3A_14, %dma_start3A_95] : memref<10240x128xf32, #tpu.memory_space<vmem_shared>> -> memref<64x128xf32, #tpu.memory_space<vmem_shared>>
        %dma_start3A_97 = arith.constant 0 : i32
        %dma_start3A_98 = tpu.memref_slice %arg7[%add3A_14, %dma_start3A_97] : memref<10240x128xf32, #tpu.memory_space<vmem_shared>> -> memref<64x128xf32, #tpu.memory_space<vmem_shared>>
        %dma_start3A_99 = arith.constant 0 : i32
        %dma_start3A_100 = arith.constant 0 : i32
        %dma_start3A_101 = tpu.memref_slice %arg6[%run_scoped3A_15, %dma_start3A_99, %dma_start3A_100] : memref<5x64x128xf32, #tpu.memory_space<vmem>> -> memref<1x64x128xf32, #tpu.memory_space<vmem>>
        %dma_start3A_102 = tpu.memref_squeeze %dma_start3A_101 : memref<1x64x128xf32, #tpu.memory_space<vmem>> -> memref<64x128xf32, #tpu.memory_space<vmem>>
        tpu.enqueue_dma source(%dma_start3A_102 : memref<64x128xf32, #tpu.memory_space<vmem>>) target(%dma_start3A_98 : memref<64x128xf32, #tpu.memory_space<vmem_shared>>) target_semaphore(%run_scoped3A_90 : memref<!tpu.dma_semaphore, #tpu.memory_space<semaphore_mem>>)
        %dma_wait3A = arith.constant 0 : i32
        %dma_wait3A_103 = arith.constant 0 : i32
        %dma_wait3A_104 = tpu.memref_slice %arg6[%run_scoped3A_15, %dma_wait3A, %dma_wait3A_103] : memref<5x64x128xf32, #tpu.memory_space<vmem>> -> memref<1x64x128xf32, #tpu.memory_space<vmem>>
        %dma_wait3A_105 = tpu.memref_squeeze %dma_wait3A_104 : memref<1x64x128xf32, #tpu.memory_space<vmem>> -> memref<64x128xf32, #tpu.memory_space<vmem>>
        %dma_wait3A_106 = arith.constant 0 : i32
        %dma_wait3A_107 = tpu.memref_slice %arg7[%add3A_14, %dma_wait3A_106] : memref<10240x128xf32, #tpu.memory_space<vmem_shared>> -> memref<64x128xf32, #tpu.memory_space<vmem_shared>>
        %dma_wait3A_108 = arith.constant 0 : i32
        %dma_wait3A_109 = tpu.memref_slice %arg7[%add3A_14, %dma_wait3A_108] : memref<10240x128xf32, #tpu.memory_space<vmem_shared>> -> memref<64x128xf32, #tpu.memory_space<vmem_shared>>
        %dma_wait3A_110 = arith.constant 0 : i32
        %dma_wait3A_111 = arith.constant 0 : i32
        %dma_wait3A_112 = tpu.memref_slice %arg6[%run_scoped3A_15, %dma_wait3A_110, %dma_wait3A_111] : memref<5x64x128xf32, #tpu.memory_space<vmem>> -> memref<1x64x128xf32, #tpu.memory_space<vmem>>
        %dma_wait3A_113 = tpu.memref_squeeze %dma_wait3A_112 : memref<1x64x128xf32, #tpu.memory_space<vmem>> -> memref<64x128xf32, #tpu.memory_space<vmem>>
        tpu.wait_dma2 semaphore(%run_scoped3A_90 : memref<!tpu.dma_semaphore, #tpu.memory_space<semaphore_mem>>) src(%dma_wait3A_113 : memref<64x128xf32, #tpu.memory_space<vmem>>) dst(%dma_wait3A_109 : memref<64x128xf32, #tpu.memory_space<vmem_shared>>)
        tpu.yield
      }) : () -> ()
      %mul3A_16 = arith.constant 640 : i32
      %mul3A_17 = arith.muli %arg1, %mul3A_16 : i32
      %add3A_18 = arith.constant 128 : i32
      %add3A_19 = arith.addi %mul3A_17, %add3A_18 : i32
      %run_scoped3A_20 = arith.constant 0 : i32
      "tpu.region"() ({
        %run_scoped3A_90 = tpu.sem_alloc : memref<!tpu.dma_semaphore, #tpu.memory_space<semaphore_mem>>
        %dma_start3A_91 = arith.constant 0 : i32
        %dma_start3A_92 = arith.constant 0 : i32
        %dma_start3A_93 = tpu.memref_slice %arg6[%run_scoped3A_20, %dma_start3A_91, %dma_start3A_92] : memref<5x64x128xf32, #tpu.memory_space<vmem>> -> memref<1x64x128xf32, #tpu.memory_space<vmem>>
        %dma_start3A_94 = tpu.memref_squeeze %dma_start3A_93 : memref<1x64x128xf32, #tpu.memory_space<vmem>> -> memref<64x128xf32, #tpu.memory_space<vmem>>
        %dma_start3A_95 = arith.constant 0 : i32
        %dma_start3A_96 = tpu.memref_slice %arg7[%add3A_19, %dma_start3A_95] : memref<10240x128xf32, #tpu.memory_space<vmem_shared>> -> memref<64x128xf32, #tpu.memory_space<vmem_shared>>
        %dma_start3A_97 = arith.constant 0 : i32
        %dma_start3A_98 = tpu.memref_slice %arg7[%add3A_19, %dma_start3A_97] : memref<10240x128xf32, #tpu.memory_space<vmem_shared>> -> memref<64x128xf32, #tpu.memory_space<vmem_shared>>
        %dma_start3A_99 = arith.constant 0 : i32
        %dma_start3A_100 = arith.constant 0 : i32
        %dma_start3A_101 = tpu.memref_slice %arg6[%run_scoped3A_20, %dma_start3A_99, %dma_start3A_100] : memref<5x64x128xf32, #tpu.memory_space<vmem>> -> memref<1x64x128xf32, #tpu.memory_space<vmem>>
        %dma_start3A_102 = tpu.memref_squeeze %dma_start3A_101 : memref<1x64x128xf32, #tpu.memory_space<vmem>> -> memref<64x128xf32, #tpu.memory_space<vmem>>
        tpu.enqueue_dma source(%dma_start3A_102 : memref<64x128xf32, #tpu.memory_space<vmem>>) target(%dma_start3A_98 : memref<64x128xf32, #tpu.memory_space<vmem_shared>>) target_semaphore(%run_scoped3A_90 : memref<!tpu.dma_semaphore, #tpu.memory_space<semaphore_mem>>)
        %dma_wait3A = arith.constant 0 : i32
        %dma_wait3A_103 = arith.constant 0 : i32
        %dma_wait3A_104 = tpu.memref_slice %arg6[%run_scoped3A_20, %dma_wait3A, %dma_wait3A_103] : memref<5x64x128xf32, #tpu.memory_space<vmem>> -> memref<1x64x128xf32, #tpu.memory_space<vmem>>
        %dma_wait3A_105 = tpu.memref_squeeze %dma_wait3A_104 : memref<1x64x128xf32, #tpu.memory_space<vmem>> -> memref<64x128xf32, #tpu.memory_space<vmem>>
        %dma_wait3A_106 = arith.constant 0 : i32
        %dma_wait3A_107 = tpu.memref_slice %arg7[%add3A_19, %dma_wait3A_106] : memref<10240x128xf32, #tpu.memory_space<vmem_shared>> -> memref<64x128xf32, #tpu.memory_space<vmem_shared>>
        %dma_wait3A_108 = arith.constant 0 : i32
        %dma_wait3A_109 = tpu.memref_slice %arg7[%add3A_19, %dma_wait3A_108] : memref<10240x128xf32, #tpu.memory_space<vmem_shared>> -> memref<64x128xf32, #tpu.memory_space<vmem_shared>>
        %dma_wait3A_110 = arith.constant 0 : i32
        %dma_wait3A_111 = arith.constant 0 : i32
        %dma_wait3A_112 = tpu.memref_slice %arg6[%run_scoped3A_20, %dma_wait3A_110, %dma_wait3A_111] : memref<5x64x128xf32, #tpu.memory_space<vmem>> -> memref<1x64x128xf32, #tpu.memory_space<vmem>>
        %dma_wait3A_113 = tpu.memref_squeeze %dma_wait3A_112 : memref<1x64x128xf32, #tpu.memory_space<vmem>> -> memref<64x128xf32, #tpu.memory_space<vmem>>
        tpu.wait_dma2 semaphore(%run_scoped3A_90 : memref<!tpu.dma_semaphore, #tpu.memory_space<semaphore_mem>>) src(%dma_wait3A_113 : memref<64x128xf32, #tpu.memory_space<vmem>>) dst(%dma_wait3A_109 : memref<64x128xf32, #tpu.memory_space<vmem_shared>>)
        tpu.yield
      }) : () -> ()
      %mul3A_21 = arith.constant 640 : i32
      %mul3A_22 = arith.muli %arg1, %mul3A_21 : i32
      %add3A_23 = arith.constant 192 : i32
      %add3A_24 = arith.addi %mul3A_22, %add3A_23 : i32
      %run_scoped3A_25 = arith.constant 0 : i32
      "tpu.region"() ({
        %run_scoped3A_90 = tpu.sem_alloc : memref<!tpu.dma_semaphore, #tpu.memory_space<semaphore_mem>>
        %dma_start3A_91 = arith.constant 0 : i32
        %dma_start3A_92 = arith.constant 0 : i32
        %dma_start3A_93 = tpu.memref_slice %arg6[%run_scoped3A_25, %dma_start3A_91, %dma_start3A_92] : memref<5x64x128xf32, #tpu.memory_space<vmem>> -> memref<1x64x128xf32, #tpu.memory_space<vmem>>
        %dma_start3A_94 = tpu.memref_squeeze %dma_start3A_93 : memref<1x64x128xf32, #tpu.memory_space<vmem>> -> memref<64x128xf32, #tpu.memory_space<vmem>>
        %dma_start3A_95 = arith.constant 0 : i32
        %dma_start3A_96 = tpu.memref_slice %arg7[%add3A_24, %dma_start3A_95] : memref<10240x128xf32, #tpu.memory_space<vmem_shared>> -> memref<64x128xf32, #tpu.memory_space<vmem_shared>>
        %dma_start3A_97 = arith.constant 0 : i32
        %dma_start3A_98 = tpu.memref_slice %arg7[%add3A_24, %dma_start3A_97] : memref<10240x128xf32, #tpu.memory_space<vmem_shared>> -> memref<64x128xf32, #tpu.memory_space<vmem_shared>>
        %dma_start3A_99 = arith.constant 0 : i32
        %dma_start3A_100 = arith.constant 0 : i32
        %dma_start3A_101 = tpu.memref_slice %arg6[%run_scoped3A_25, %dma_start3A_99, %dma_start3A_100] : memref<5x64x128xf32, #tpu.memory_space<vmem>> -> memref<1x64x128xf32, #tpu.memory_space<vmem>>
        %dma_start3A_102 = tpu.memref_squeeze %dma_start3A_101 : memref<1x64x128xf32, #tpu.memory_space<vmem>> -> memref<64x128xf32, #tpu.memory_space<vmem>>
        tpu.enqueue_dma source(%dma_start3A_102 : memref<64x128xf32, #tpu.memory_space<vmem>>) target(%dma_start3A_98 : memref<64x128xf32, #tpu.memory_space<vmem_shared>>) target_semaphore(%run_scoped3A_90 : memref<!tpu.dma_semaphore, #tpu.memory_space<semaphore_mem>>)
        %dma_wait3A = arith.constant 0 : i32
        %dma_wait3A_103 = arith.constant 0 : i32
        %dma_wait3A_104 = tpu.memref_slice %arg6[%run_scoped3A_25, %dma_wait3A, %dma_wait3A_103] : memref<5x64x128xf32, #tpu.memory_space<vmem>> -> memref<1x64x128xf32, #tpu.memory_space<vmem>>
        %dma_wait3A_105 = tpu.memref_squeeze %dma_wait3A_104 : memref<1x64x128xf32, #tpu.memory_space<vmem>> -> memref<64x128xf32, #tpu.memory_space<vmem>>
        %dma_wait3A_106 = arith.constant 0 : i32
        %dma_wait3A_107 = tpu.memref_slice %arg7[%add3A_24, %dma_wait3A_106] : memref<10240x128xf32, #tpu.memory_space<vmem_shared>> -> memref<64x128xf32, #tpu.memory_space<vmem_shared>>
        %dma_wait3A_108 = arith.constant 0 : i32
        %dma_wait3A_109 = tpu.memref_slice %arg7[%add3A_24, %dma_wait3A_108] : memref<10240x128xf32, #tpu.memory_space<vmem_shared>> -> memref<64x128xf32, #tpu.memory_space<vmem_shared>>
        %dma_wait3A_110 = arith.constant 0 : i32
        %dma_wait3A_111 = arith.constant 0 : i32
        %dma_wait3A_112 = tpu.memref_slice %arg6[%run_scoped3A_25, %dma_wait3A_110, %dma_wait3A_111] : memref<5x64x128xf32, #tpu.memory_space<vmem>> -> memref<1x64x128xf32, #tpu.memory_space<vmem>>
        %dma_wait3A_113 = tpu.memref_squeeze %dma_wait3A_112 : memref<1x64x128xf32, #tpu.memory_space<vmem>> -> memref<64x128xf32, #tpu.memory_space<vmem>>
        tpu.wait_dma2 semaphore(%run_scoped3A_90 : memref<!tpu.dma_semaphore, #tpu.memory_space<semaphore_mem>>) src(%dma_wait3A_113 : memref<64x128xf32, #tpu.memory_space<vmem>>) dst(%dma_wait3A_109 : memref<64x128xf32, #tpu.memory_space<vmem_shared>>)
        tpu.yield
      }) : () -> ()
      %mul3A_26 = arith.constant 640 : i32
      %mul3A_27 = arith.muli %arg1, %mul3A_26 : i32
      %add3A_28 = arith.constant 256 : i32
      %add3A_29 = arith.addi %mul3A_27, %add3A_28 : i32
      %run_scoped3A_30 = arith.constant 0 : i32
      "tpu.region"() ({
        %run_scoped3A_90 = tpu.sem_alloc : memref<!tpu.dma_semaphore, #tpu.memory_space<semaphore_mem>>
        %dma_start3A_91 = arith.constant 0 : i32
        %dma_start3A_92 = arith.constant 0 : i32
        %dma_start3A_93 = tpu.memref_slice %arg6[%run_scoped3A_30, %dma_start3A_91, %dma_start3A_92] : memref<5x64x128xf32, #tpu.memory_space<vmem>> -> memref<1x64x128xf32, #tpu.memory_space<vmem>>
        %dma_start3A_94 = tpu.memref_squeeze %dma_start3A_93 : memref<1x64x128xf32, #tpu.memory_space<vmem>> -> memref<64x128xf32, #tpu.memory_space<vmem>>
        %dma_start3A_95 = arith.constant 0 : i32
        %dma_start3A_96 = tpu.memref_slice %arg7[%add3A_29, %dma_start3A_95] : memref<10240x128xf32, #tpu.memory_space<vmem_shared>> -> memref<64x128xf32, #tpu.memory_space<vmem_shared>>
        %dma_start3A_97 = arith.constant 0 : i32
        %dma_start3A_98 = tpu.memref_slice %arg7[%add3A_29, %dma_start3A_97] : memref<10240x128xf32, #tpu.memory_space<vmem_shared>> -> memref<64x128xf32, #tpu.memory_space<vmem_shared>>
        %dma_start3A_99 = arith.constant 0 : i32
        %dma_start3A_100 = arith.constant 0 : i32
        %dma_start3A_101 = tpu.memref_slice %arg6[%run_scoped3A_30, %dma_start3A_99, %dma_start3A_100] : memref<5x64x128xf32, #tpu.memory_space<vmem>> -> memref<1x64x128xf32, #tpu.memory_space<vmem>>
        %dma_start3A_102 = tpu.memref_squeeze %dma_start3A_101 : memref<1x64x128xf32, #tpu.memory_space<vmem>> -> memref<64x128xf32, #tpu.memory_space<vmem>>
        tpu.enqueue_dma source(%dma_start3A_102 : memref<64x128xf32, #tpu.memory_space<vmem>>) target(%dma_start3A_98 : memref<64x128xf32, #tpu.memory_space<vmem_shared>>) target_semaphore(%run_scoped3A_90 : memref<!tpu.dma_semaphore, #tpu.memory_space<semaphore_mem>>)
        %dma_wait3A = arith.constant 0 : i32
        %dma_wait3A_103 = arith.constant 0 : i32
        %dma_wait3A_104 = tpu.memref_slice %arg6[%run_scoped3A_30, %dma_wait3A, %dma_wait3A_103] : memref<5x64x128xf32, #tpu.memory_space<vmem>> -> memref<1x64x128xf32, #tpu.memory_space<vmem>>
        %dma_wait3A_105 = tpu.memref_squeeze %dma_wait3A_104 : memref<1x64x128xf32, #tpu.memory_space<vmem>> -> memref<64x128xf32, #tpu.memory_space<vmem>>
        %dma_wait3A_106 = arith.constant 0 : i32
        %dma_wait3A_107 = tpu.memref_slice %arg7[%add3A_29, %dma_wait3A_106] : memref<10240x128xf32, #tpu.memory_space<vmem_shared>> -> memref<64x128xf32, #tpu.memory_space<vmem_shared>>
        %dma_wait3A_108 = arith.constant 0 : i32
        %dma_wait3A_109 = tpu.memref_slice %arg7[%add3A_29, %dma_wait3A_108] : memref<10240x128xf32, #tpu.memory_space<vmem_shared>> -> memref<64x128xf32, #tpu.memory_space<vmem_shared>>
        %dma_wait3A_110 = arith.constant 0 : i32
        %dma_wait3A_111 = arith.constant 0 : i32
        %dma_wait3A_112 = tpu.memref_slice %arg6[%run_scoped3A_30, %dma_wait3A_110, %dma_wait3A_111] : memref<5x64x128xf32, #tpu.memory_space<vmem>> -> memref<1x64x128xf32, #tpu.memory_space<vmem>>
        %dma_wait3A_113 = tpu.memref_squeeze %dma_wait3A_112 : memref<1x64x128xf32, #tpu.memory_space<vmem>> -> memref<64x128xf32, #tpu.memory_space<vmem>>
        tpu.wait_dma2 semaphore(%run_scoped3A_90 : memref<!tpu.dma_semaphore, #tpu.memory_space<semaphore_mem>>) src(%dma_wait3A_113 : memref<64x128xf32, #tpu.memory_space<vmem>>) dst(%dma_wait3A_109 : memref<64x128xf32, #tpu.memory_space<vmem_shared>>)
        tpu.yield
      }) : () -> ()
      %mul3A_31 = arith.constant 640 : i32
      %mul3A_32 = arith.muli %arg1, %mul3A_31 : i32
      %add3A_33 = arith.constant 320 : i32
      %add3A_34 = arith.addi %mul3A_32, %add3A_33 : i32
      %run_scoped3A_35 = arith.constant 0 : i32
      "tpu.region"() ({
        %run_scoped3A_90 = tpu.sem_alloc : memref<!tpu.dma_semaphore, #tpu.memory_space<semaphore_mem>>
        %dma_start3A_91 = arith.constant 0 : i32
        %dma_start3A_92 = arith.constant 0 : i32
        %dma_start3A_93 = tpu.memref_slice %arg6[%run_scoped3A_35, %dma_start3A_91, %dma_start3A_92] : memref<5x64x128xf32, #tpu.memory_space<vmem>> -> memref<1x64x128xf32, #tpu.memory_space<vmem>>
        %dma_start3A_94 = tpu.memref_squeeze %dma_start3A_93 : memref<1x64x128xf32, #tpu.memory_space<vmem>> -> memref<64x128xf32, #tpu.memory_space<vmem>>
        %dma_start3A_95 = arith.constant 0 : i32
        %dma_start3A_96 = tpu.memref_slice %arg7[%add3A_34, %dma_start3A_95] : memref<10240x128xf32, #tpu.memory_space<vmem_shared>> -> memref<64x128xf32, #tpu.memory_space<vmem_shared>>
        %dma_start3A_97 = arith.constant 0 : i32
        %dma_start3A_98 = tpu.memref_slice %arg7[%add3A_34, %dma_start3A_97] : memref<10240x128xf32, #tpu.memory_space<vmem_shared>> -> memref<64x128xf32, #tpu.memory_space<vmem_shared>>
        %dma_start3A_99 = arith.constant 0 : i32
        %dma_start3A_100 = arith.constant 0 : i32
        %dma_start3A_101 = tpu.memref_slice %arg6[%run_scoped3A_35, %dma_start3A_99, %dma_start3A_100] : memref<5x64x128xf32, #tpu.memory_space<vmem>> -> memref<1x64x128xf32, #tpu.memory_space<vmem>>
        %dma_start3A_102 = tpu.memref_squeeze %dma_start3A_101 : memref<1x64x128xf32, #tpu.memory_space<vmem>> -> memref<64x128xf32, #tpu.memory_space<vmem>>
        tpu.enqueue_dma source(%dma_start3A_102 : memref<64x128xf32, #tpu.memory_space<vmem>>) target(%dma_start3A_98 : memref<64x128xf32, #tpu.memory_space<vmem_shared>>) target_semaphore(%run_scoped3A_90 : memref<!tpu.dma_semaphore, #tpu.memory_space<semaphore_mem>>)
        %dma_wait3A = arith.constant 0 : i32
        %dma_wait3A_103 = arith.constant 0 : i32
        %dma_wait3A_104 = tpu.memref_slice %arg6[%run_scoped3A_35, %dma_wait3A, %dma_wait3A_103] : memref<5x64x128xf32, #tpu.memory_space<vmem>> -> memref<1x64x128xf32, #tpu.memory_space<vmem>>
        %dma_wait3A_105 = tpu.memref_squeeze %dma_wait3A_104 : memref<1x64x128xf32, #tpu.memory_space<vmem>> -> memref<64x128xf32, #tpu.memory_space<vmem>>
        %dma_wait3A_106 = arith.constant 0 : i32
        %dma_wait3A_107 = tpu.memref_slice %arg7[%add3A_34, %dma_wait3A_106] : memref<10240x128xf32, #tpu.memory_space<vmem_shared>> -> memref<64x128xf32, #tpu.memory_space<vmem_shared>>
        %dma_wait3A_108 = arith.constant 0 : i32
        %dma_wait3A_109 = tpu.memref_slice %arg7[%add3A_34, %dma_wait3A_108] : memref<10240x128xf32, #tpu.memory_space<vmem_shared>> -> memref<64x128xf32, #tpu.memory_space<vmem_shared>>
        %dma_wait3A_110 = arith.constant 0 : i32
        %dma_wait3A_111 = arith.constant 0 : i32
        %dma_wait3A_112 = tpu.memref_slice %arg6[%run_scoped3A_35, %dma_wait3A_110, %dma_wait3A_111] : memref<5x64x128xf32, #tpu.memory_space<vmem>> -> memref<1x64x128xf32, #tpu.memory_space<vmem>>
        %dma_wait3A_113 = tpu.memref_squeeze %dma_wait3A_112 : memref<1x64x128xf32, #tpu.memory_space<vmem>> -> memref<64x128xf32, #tpu.memory_space<vmem>>
        tpu.wait_dma2 semaphore(%run_scoped3A_90 : memref<!tpu.dma_semaphore, #tpu.memory_space<semaphore_mem>>) src(%dma_wait3A_113 : memref<64x128xf32, #tpu.memory_space<vmem>>) dst(%dma_wait3A_109 : memref<64x128xf32, #tpu.memory_space<vmem_shared>>)
        tpu.yield
      }) : () -> ()
      %mul3A_36 = arith.constant 640 : i32
      %mul3A_37 = arith.muli %arg1, %mul3A_36 : i32
      %add3A_38 = arith.constant 384 : i32
      %add3A_39 = arith.addi %mul3A_37, %add3A_38 : i32
      %run_scoped3A_40 = arith.constant 0 : i32
      "tpu.region"() ({
        %run_scoped3A_90 = tpu.sem_alloc : memref<!tpu.dma_semaphore, #tpu.memory_space<semaphore_mem>>
        %dma_start3A_91 = arith.constant 0 : i32
        %dma_start3A_92 = arith.constant 0 : i32
        %dma_start3A_93 = tpu.memref_slice %arg6[%run_scoped3A_40, %dma_start3A_91, %dma_start3A_92] : memref<5x64x128xf32, #tpu.memory_space<vmem>> -> memref<1x64x128xf32, #tpu.memory_space<vmem>>
        %dma_start3A_94 = tpu.memref_squeeze %dma_start3A_93 : memref<1x64x128xf32, #tpu.memory_space<vmem>> -> memref<64x128xf32, #tpu.memory_space<vmem>>
        %dma_start3A_95 = arith.constant 0 : i32
        %dma_start3A_96 = tpu.memref_slice %arg7[%add3A_39, %dma_start3A_95] : memref<10240x128xf32, #tpu.memory_space<vmem_shared>> -> memref<64x128xf32, #tpu.memory_space<vmem_shared>>
        %dma_start3A_97 = arith.constant 0 : i32
        %dma_start3A_98 = tpu.memref_slice %arg7[%add3A_39, %dma_start3A_97] : memref<10240x128xf32, #tpu.memory_space<vmem_shared>> -> memref<64x128xf32, #tpu.memory_space<vmem_shared>>
        %dma_start3A_99 = arith.constant 0 : i32
        %dma_start3A_100 = arith.constant 0 : i32
        %dma_start3A_101 = tpu.memref_slice %arg6[%run_scoped3A_40, %dma_start3A_99, %dma_start3A_100] : memref<5x64x128xf32, #tpu.memory_space<vmem>> -> memref<1x64x128xf32, #tpu.memory_space<vmem>>
        %dma_start3A_102 = tpu.memref_squeeze %dma_start3A_101 : memref<1x64x128xf32, #tpu.memory_space<vmem>> -> memref<64x128xf32, #tpu.memory_space<vmem>>
        tpu.enqueue_dma source(%dma_start3A_102 : memref<64x128xf32, #tpu.memory_space<vmem>>) target(%dma_start3A_98 : memref<64x128xf32, #tpu.memory_space<vmem_shared>>) target_semaphore(%run_scoped3A_90 : memref<!tpu.dma_semaphore, #tpu.memory_space<semaphore_mem>>)
        %dma_wait3A = arith.constant 0 : i32
        %dma_wait3A_103 = arith.constant 0 : i32
        %dma_wait3A_104 = tpu.memref_slice %arg6[%run_scoped3A_40, %dma_wait3A, %dma_wait3A_103] : memref<5x64x128xf32, #tpu.memory_space<vmem>> -> memref<1x64x128xf32, #tpu.memory_space<vmem>>
        %dma_wait3A_105 = tpu.memref_squeeze %dma_wait3A_104 : memref<1x64x128xf32, #tpu.memory_space<vmem>> -> memref<64x128xf32, #tpu.memory_space<vmem>>
        %dma_wait3A_106 = arith.constant 0 : i32
        %dma_wait3A_107 = tpu.memref_slice %arg7[%add3A_39, %dma_wait3A_106] : memref<10240x128xf32, #tpu.memory_space<vmem_shared>> -> memref<64x128xf32, #tpu.memory_space<vmem_shared>>
        %dma_wait3A_108 = arith.constant 0 : i32
        %dma_wait3A_109 = tpu.memref_slice %arg7[%add3A_39, %dma_wait3A_108] : memref<10240x128xf32, #tpu.memory_space<vmem_shared>> -> memref<64x128xf32, #tpu.memory_space<vmem_shared>>
        %dma_wait3A_110 = arith.constant 0 : i32
        %dma_wait3A_111 = arith.constant 0 : i32
        %dma_wait3A_112 = tpu.memref_slice %arg6[%run_scoped3A_40, %dma_wait3A_110, %dma_wait3A_111] : memref<5x64x128xf32, #tpu.memory_space<vmem>> -> memref<1x64x128xf32, #tpu.memory_space<vmem>>
        %dma_wait3A_113 = tpu.memref_squeeze %dma_wait3A_112 : memref<1x64x128xf32, #tpu.memory_space<vmem>> -> memref<64x128xf32, #tpu.memory_space<vmem>>
        tpu.wait_dma2 semaphore(%run_scoped3A_90 : memref<!tpu.dma_semaphore, #tpu.memory_space<semaphore_mem>>) src(%dma_wait3A_113 : memref<64x128xf32, #tpu.memory_space<vmem>>) dst(%dma_wait3A_109 : memref<64x128xf32, #tpu.memory_space<vmem_shared>>)
        tpu.yield
      }) : () -> ()
      %mul3A_41 = arith.constant 640 : i32
      %mul3A_42 = arith.muli %arg1, %mul3A_41 : i32
      %add3A_43 = arith.constant 448 : i32
      %add3A_44 = arith.addi %mul3A_42, %add3A_43 : i32
      %run_scoped3A_45 = arith.constant 0 : i32
      "tpu.region"() ({
        %run_scoped3A_90 = tpu.sem_alloc : memref<!tpu.dma_semaphore, #tpu.memory_space<semaphore_mem>>
        %dma_start3A_91 = arith.constant 0 : i32
        %dma_start3A_92 = arith.constant 0 : i32
        %dma_start3A_93 = tpu.memref_slice %arg6[%run_scoped3A_45, %dma_start3A_91, %dma_start3A_92] : memref<5x64x128xf32, #tpu.memory_space<vmem>> -> memref<1x64x128xf32, #tpu.memory_space<vmem>>
        %dma_start3A_94 = tpu.memref_squeeze %dma_start3A_93 : memref<1x64x128xf32, #tpu.memory_space<vmem>> -> memref<64x128xf32, #tpu.memory_space<vmem>>
        %dma_start3A_95 = arith.constant 0 : i32
        %dma_start3A_96 = tpu.memref_slice %arg7[%add3A_44, %dma_start3A_95] : memref<10240x128xf32, #tpu.memory_space<vmem_shared>> -> memref<64x128xf32, #tpu.memory_space<vmem_shared>>
        %dma_start3A_97 = arith.constant 0 : i32
        %dma_start3A_98 = tpu.memref_slice %arg7[%add3A_44, %dma_start3A_97] : memref<10240x128xf32, #tpu.memory_space<vmem_shared>> -> memref<64x128xf32, #tpu.memory_space<vmem_shared>>
        %dma_start3A_99 = arith.constant 0 : i32
        %dma_start3A_100 = arith.constant 0 : i32
        %dma_start3A_101 = tpu.memref_slice %arg6[%run_scoped3A_45, %dma_start3A_99, %dma_start3A_100] : memref<5x64x128xf32, #tpu.memory_space<vmem>> -> memref<1x64x128xf32, #tpu.memory_space<vmem>>
        %dma_start3A_102 = tpu.memref_squeeze %dma_start3A_101 : memref<1x64x128xf32, #tpu.memory_space<vmem>> -> memref<64x128xf32, #tpu.memory_space<vmem>>
        tpu.enqueue_dma source(%dma_start3A_102 : memref<64x128xf32, #tpu.memory_space<vmem>>) target(%dma_start3A_98 : memref<64x128xf32, #tpu.memory_space<vmem_shared>>) target_semaphore(%run_scoped3A_90 : memref<!tpu.dma_semaphore, #tpu.memory_space<semaphore_mem>>)
        %dma_wait3A = arith.constant 0 : i32
        %dma_wait3A_103 = arith.constant 0 : i32
        %dma_wait3A_104 = tpu.memref_slice %arg6[%run_scoped3A_45, %dma_wait3A, %dma_wait3A_103] : memref<5x64x128xf32, #tpu.memory_space<vmem>> -> memref<1x64x128xf32, #tpu.memory_space<vmem>>
        %dma_wait3A_105 = tpu.memref_squeeze %dma_wait3A_104 : memref<1x64x128xf32, #tpu.memory_space<vmem>> -> memref<64x128xf32, #tpu.memory_space<vmem>>
        %dma_wait3A_106 = arith.constant 0 : i32
        %dma_wait3A_107 = tpu.memref_slice %arg7[%add3A_44, %dma_wait3A_106] : memref<10240x128xf32, #tpu.memory_space<vmem_shared>> -> memref<64x128xf32, #tpu.memory_space<vmem_shared>>
        %dma_wait3A_108 = arith.constant 0 : i32
        %dma_wait3A_109 = tpu.memref_slice %arg7[%add3A_44, %dma_wait3A_108] : memref<10240x128xf32, #tpu.memory_space<vmem_shared>> -> memref<64x128xf32, #tpu.memory_space<vmem_shared>>
        %dma_wait3A_110 = arith.constant 0 : i32
        %dma_wait3A_111 = arith.constant 0 : i32
        %dma_wait3A_112 = tpu.memref_slice %arg6[%run_scoped3A_45, %dma_wait3A_110, %dma_wait3A_111] : memref<5x64x128xf32, #tpu.memory_space<vmem>> -> memref<1x64x128xf32, #tpu.memory_space<vmem>>
        %dma_wait3A_113 = tpu.memref_squeeze %dma_wait3A_112 : memref<1x64x128xf32, #tpu.memory_space<vmem>> -> memref<64x128xf32, #tpu.memory_space<vmem>>
        tpu.wait_dma2 semaphore(%run_scoped3A_90 : memref<!tpu.dma_semaphore, #tpu.memory_space<semaphore_mem>>) src(%dma_wait3A_113 : memref<64x128xf32, #tpu.memory_space<vmem>>) dst(%dma_wait3A_109 : memref<64x128xf32, #tpu.memory_space<vmem_shared>>)
        tpu.yield
      }) : () -> ()
      %mul3A_46 = arith.constant 640 : i32
      %mul3A_47 = arith.muli %arg1, %mul3A_46 : i32
      %add3A_48 = arith.constant 512 : i32
      %add3A_49 = arith.addi %mul3A_47, %add3A_48 : i32
      %run_scoped3A_50 = arith.constant 0 : i32
      "tpu.region"() ({
        %run_scoped3A_90 = tpu.sem_alloc : memref<!tpu.dma_semaphore, #tpu.memory_space<semaphore_mem>>
        %dma_start3A_91 = arith.constant 0 : i32
        %dma_start3A_92 = arith.constant 0 : i32
        %dma_start3A_93 = tpu.memref_slice %arg6[%run_scoped3A_50, %dma_start3A_91, %dma_start3A_92] : memref<5x64x128xf32, #tpu.memory_space<vmem>> -> memref<1x64x128xf32, #tpu.memory_space<vmem>>
        %dma_start3A_94 = tpu.memref_squeeze %dma_start3A_93 : memref<1x64x128xf32, #tpu.memory_space<vmem>> -> memref<64x128xf32, #tpu.memory_space<vmem>>
        %dma_start3A_95 = arith.constant 0 : i32
        %dma_start3A_96 = tpu.memref_slice %arg7[%add3A_49, %dma_start3A_95] : memref<10240x128xf32, #tpu.memory_space<vmem_shared>> -> memref<64x128xf32, #tpu.memory_space<vmem_shared>>
        %dma_start3A_97 = arith.constant 0 : i32
        %dma_start3A_98 = tpu.memref_slice %arg7[%add3A_49, %dma_start3A_97] : memref<10240x128xf32, #tpu.memory_space<vmem_shared>> -> memref<64x128xf32, #tpu.memory_space<vmem_shared>>
        %dma_start3A_99 = arith.constant 0 : i32
        %dma_start3A_100 = arith.constant 0 : i32
        %dma_start3A_101 = tpu.memref_slice %arg6[%run_scoped3A_50, %dma_start3A_99, %dma_start3A_100] : memref<5x64x128xf32, #tpu.memory_space<vmem>> -> memref<1x64x128xf32, #tpu.memory_space<vmem>>
        %dma_start3A_102 = tpu.memref_squeeze %dma_start3A_101 : memref<1x64x128xf32, #tpu.memory_space<vmem>> -> memref<64x128xf32, #tpu.memory_space<vmem>>
        tpu.enqueue_dma source(%dma_start3A_102 : memref<64x128xf32, #tpu.memory_space<vmem>>) target(%dma_start3A_98 : memref<64x128xf32, #tpu.memory_space<vmem_shared>>) target_semaphore(%run_scoped3A_90 : memref<!tpu.dma_semaphore, #tpu.memory_space<semaphore_mem>>)
        %dma_wait3A = arith.constant 0 : i32
        %dma_wait3A_103 = arith.constant 0 : i32
        %dma_wait3A_104 = tpu.memref_slice %arg6[%run_scoped3A_50, %dma_wait3A, %dma_wait3A_103] : memref<5x64x128xf32, #tpu.memory_space<vmem>> -> memref<1x64x128xf32, #tpu.memory_space<vmem>>
        %dma_wait3A_105 = tpu.memref_squeeze %dma_wait3A_104 : memref<1x64x128xf32, #tpu.memory_space<vmem>> -> memref<64x128xf32, #tpu.memory_space<vmem>>
        %dma_wait3A_106 = arith.constant 0 : i32
        %dma_wait3A_107 = tpu.memref_slice %arg7[%add3A_49, %dma_wait3A_106] : memref<10240x128xf32, #tpu.memory_space<vmem_shared>> -> memref<64x128xf32, #tpu.memory_space<vmem_shared>>
        %dma_wait3A_108 = arith.constant 0 : i32
        %dma_wait3A_109 = tpu.memref_slice %arg7[%add3A_49, %dma_wait3A_108] : memref<10240x128xf32, #tpu.memory_space<vmem_shared>> -> memref<64x128xf32, #tpu.memory_space<vmem_shared>>
        %dma_wait3A_110 = arith.constant 0 : i32
        %dma_wait3A_111 = arith.constant 0 : i32
        %dma_wait3A_112 = tpu.memref_slice %arg6[%run_scoped3A_50, %dma_wait3A_110, %dma_wait3A_111] : memref<5x64x128xf32, #tpu.memory_space<vmem>> -> memref<1x64x128xf32, #tpu.memory_space<vmem>>
        %dma_wait3A_113 = tpu.memref_squeeze %dma_wait3A_112 : memref<1x64x128xf32, #tpu.memory_space<vmem>> -> memref<64x128xf32, #tpu.memory_space<vmem>>
        tpu.wait_dma2 semaphore(%run_scoped3A_90 : memref<!tpu.dma_semaphore, #tpu.memory_space<semaphore_mem>>) src(%dma_wait3A_113 : memref<64x128xf32, #tpu.memory_space<vmem>>) dst(%dma_wait3A_109 : memref<64x128xf32, #tpu.memory_space<vmem_shared>>)
        tpu.yield
      }) : () -> ()
      %mul3A_51 = arith.constant 640 : i32
      %mul3A_52 = arith.muli %arg1, %mul3A_51 : i32
      %add3A_53 = arith.constant 576 : i32
      %add3A_54 = arith.addi %mul3A_52, %add3A_53 : i32
      %run_scoped3A_55 = arith.constant 0 : i32
      "tpu.region"() ({
        %run_scoped3A_90 = tpu.sem_alloc : memref<!tpu.dma_semaphore, #tpu.memory_space<semaphore_mem>>
        %dma_start3A_91 = arith.constant 0 : i32
        %dma_start3A_92 = arith.constant 0 : i32
        %dma_start3A_93 = tpu.memref_slice %arg6[%run_scoped3A_55, %dma_start3A_91, %dma_start3A_92] : memref<5x64x128xf32, #tpu.memory_space<vmem>> -> memref<1x64x128xf32, #tpu.memory_space<vmem>>
        %dma_start3A_94 = tpu.memref_squeeze %dma_start3A_93 : memref<1x64x128xf32, #tpu.memory_space<vmem>> -> memref<64x128xf32, #tpu.memory_space<vmem>>
        %dma_start3A_95 = arith.constant 0 : i32
        %dma_start3A_96 = tpu.memref_slice %arg7[%add3A_54, %dma_start3A_95] : memref<10240x128xf32, #tpu.memory_space<vmem_shared>> -> memref<64x128xf32, #tpu.memory_space<vmem_shared>>
        %dma_start3A_97 = arith.constant 0 : i32
        %dma_start3A_98 = tpu.memref_slice %arg7[%add3A_54, %dma_start3A_97] : memref<10240x128xf32, #tpu.memory_space<vmem_shared>> -> memref<64x128xf32, #tpu.memory_space<vmem_shared>>
        %dma_start3A_99 = arith.constant 0 : i32
        %dma_start3A_100 = arith.constant 0 : i32
        %dma_start3A_101 = tpu.memref_slice %arg6[%run_scoped3A_55, %dma_start3A_99, %dma_start3A_100] : memref<5x64x128xf32, #tpu.memory_space<vmem>> -> memref<1x64x128xf32, #tpu.memory_space<vmem>>
        %dma_start3A_102 = tpu.memref_squeeze %dma_start3A_101 : memref<1x64x128xf32, #tpu.memory_space<vmem>> -> memref<64x128xf32, #tpu.memory_space<vmem>>
        tpu.enqueue_dma source(%dma_start3A_102 : memref<64x128xf32, #tpu.memory_space<vmem>>) target(%dma_start3A_98 : memref<64x128xf32, #tpu.memory_space<vmem_shared>>) target_semaphore(%run_scoped3A_90 : memref<!tpu.dma_semaphore, #tpu.memory_space<semaphore_mem>>)
        %dma_wait3A = arith.constant 0 : i32
        %dma_wait3A_103 = arith.constant 0 : i32
        %dma_wait3A_104 = tpu.memref_slice %arg6[%run_scoped3A_55, %dma_wait3A, %dma_wait3A_103] : memref<5x64x128xf32, #tpu.memory_space<vmem>> -> memref<1x64x128xf32, #tpu.memory_space<vmem>>
        %dma_wait3A_105 = tpu.memref_squeeze %dma_wait3A_104 : memref<1x64x128xf32, #tpu.memory_space<vmem>> -> memref<64x128xf32, #tpu.memory_space<vmem>>
        %dma_wait3A_106 = arith.constant 0 : i32
        %dma_wait3A_107 = tpu.memref_slice %arg7[%add3A_54, %dma_wait3A_106] : memref<10240x128xf32, #tpu.memory_space<vmem_shared>> -> memref<64x128xf32, #tpu.memory_space<vmem_shared>>
        %dma_wait3A_108 = arith.constant 0 : i32
        %dma_wait3A_109 = tpu.memref_slice %arg7[%add3A_54, %dma_wait3A_108] : memref<10240x128xf32, #tpu.memory_space<vmem_shared>> -> memref<64x128xf32, #tpu.memory_space<vmem_shared>>
        %dma_wait3A_110 = arith.constant 0 : i32
        %dma_wait3A_111 = arith.constant 0 : i32
        %dma_wait3A_112 = tpu.memref_slice %arg6[%run_scoped3A_55, %dma_wait3A_110, %dma_wait3A_111] : memref<5x64x128xf32, #tpu.memory_space<vmem>> -> memref<1x64x128xf32, #tpu.memory_space<vmem>>
        %dma_wait3A_113 = tpu.memref_squeeze %dma_wait3A_112 : memref<1x64x128xf32, #tpu.memory_space<vmem>> -> memref<64x128xf32, #tpu.memory_space<vmem>>
        tpu.wait_dma2 semaphore(%run_scoped3A_90 : memref<!tpu.dma_semaphore, #tpu.memory_space<semaphore_mem>>) src(%dma_wait3A_113 : memref<64x128xf32, #tpu.memory_space<vmem>>) dst(%dma_wait3A_109 : memref<64x128xf32, #tpu.memory_space<vmem_shared>>)
        tpu.yield
      }) : () -> ()
      %barrier3A = arith.constant 0 : index
      tpu.barrier barrier_id(%barrier3A)
      %run_scoped3A_56 = arith.constant 0 : i32
      "tpu.region"() ({
        %run_scoped3A_90 = tpu.sem_alloc : memref<!tpu.dma_semaphore, #tpu.memory_space<semaphore_mem>>
        %dma_start3A_91 = arith.constant 0 : i32
        %dma_start3A_92 = arith.constant 0 : i32
        %dma_start3A_93 = arith.constant 0 : i32
        %dma_start3A_94 = tpu.memref_slice %arg5[%run_scoped3A_56, %dma_start3A_91, %dma_start3A_92, %dma_start3A_93] : memref<2x2x5x64xi32, #tpu.memory_space<vmem>> -> memref<1x2x5x64xi32, #tpu.memory_space<vmem>>
        %dma_start3A_95 = tpu.memref_squeeze %dma_start3A_94 : memref<1x2x5x64xi32, #tpu.memory_space<vmem>> -> memref<2x5x64xi32, #tpu.memory_space<vmem>>
        %dma_start3A_96 = arith.constant 0 : i32
        %dma_start3A_97 = arith.constant 0 : i32
        %dma_start3A_98 = arith.constant 0 : i32
        %dma_start3A_99 = tpu.memref_slice %arg2[%dma_start3A_96, %mul3A_0, %dma_start3A_97, %dma_start3A_98] : memref<2x1024x5x64xi32, #tpu.memory_space<hbm>> -> memref<2x1x5x64xi32, #tpu.memory_space<hbm>>
        %dma_start3A_100 = tpu.memref_squeeze %dma_start3A_99 : memref<2x1x5x64xi32, #tpu.memory_space<hbm>> -> memref<2x5x64xi32, #tpu.memory_space<hbm>>
        %dma_start3A_101 = arith.constant 0 : i32
        %dma_start3A_102 = arith.constant 0 : i32
        %dma_start3A_103 = arith.constant 0 : i32
        %dma_start3A_104 = tpu.memref_slice %arg5[%run_scoped3A_56, %dma_start3A_101, %dma_start3A_102, %dma_start3A_103] : memref<2x2x5x64xi32, #tpu.memory_space<vmem>> -> memref<1x2x5x64xi32, #tpu.memory_space<vmem>>
        %dma_start3A_105 = tpu.memref_squeeze %dma_start3A_104 : memref<1x2x5x64xi32, #tpu.memory_space<vmem>> -> memref<2x5x64xi32, #tpu.memory_space<vmem>>
        %dma_start3A_106 = arith.constant 0 : i32
        %dma_start3A_107 = arith.constant 0 : i32
        %dma_start3A_108 = arith.constant 0 : i32
        %dma_start3A_109 = tpu.memref_slice %arg2[%dma_start3A_106, %mul3A_0, %dma_start3A_107, %dma_start3A_108] : memref<2x1024x5x64xi32, #tpu.memory_space<hbm>> -> memref<2x1x5x64xi32, #tpu.memory_space<hbm>>
        %dma_start3A_110 = tpu.memref_squeeze %dma_start3A_109 : memref<2x1x5x64xi32, #tpu.memory_space<hbm>> -> memref<2x5x64xi32, #tpu.memory_space<hbm>>
        tpu.enqueue_dma source(%dma_start3A_110 : memref<2x5x64xi32, #tpu.memory_space<hbm>>) target(%dma_start3A_105 : memref<2x5x64xi32, #tpu.memory_space<vmem>>) target_semaphore(%run_scoped3A_90 : memref<!tpu.dma_semaphore, #tpu.memory_space<semaphore_mem>>)
        %dma_wait3A = arith.constant 0 : i32
        %dma_wait3A_111 = arith.constant 0 : i32
        %dma_wait3A_112 = arith.constant 0 : i32
        %dma_wait3A_113 = tpu.memref_slice %arg5[%run_scoped3A_56, %dma_wait3A, %dma_wait3A_111, %dma_wait3A_112] : memref<2x2x5x64xi32, #tpu.memory_space<vmem>> -> memref<1x2x5x64xi32, #tpu.memory_space<vmem>>
        %dma_wait3A_114 = tpu.memref_squeeze %dma_wait3A_113 : memref<1x2x5x64xi32, #tpu.memory_space<vmem>> -> memref<2x5x64xi32, #tpu.memory_space<vmem>>
        %dma_wait3A_115 = arith.constant 0 : i32
        %dma_wait3A_116 = arith.constant 0 : i32
        %dma_wait3A_117 = arith.constant 0 : i32
        %dma_wait3A_118 = tpu.memref_slice %arg2[%dma_wait3A_115, %mul3A_0, %dma_wait3A_116, %dma_wait3A_117] : memref<2x1024x5x64xi32, #tpu.memory_space<hbm>> -> memref<2x1x5x64xi32, #tpu.memory_space<hbm>>
        %dma_wait3A_119 = tpu.memref_squeeze %dma_wait3A_118 : memref<2x1x5x64xi32, #tpu.memory_space<hbm>> -> memref<2x5x64xi32, #tpu.memory_space<hbm>>
        %dma_wait3A_120 = arith.constant 0 : i32
        %dma_wait3A_121 = arith.constant 0 : i32
        %dma_wait3A_122 = arith.constant 0 : i32
        %dma_wait3A_123 = tpu.memref_slice %arg5[%run_scoped3A_56, %dma_wait3A_120, %dma_wait3A_121, %dma_wait3A_122] : memref<2x2x5x64xi32, #tpu.memory_space<vmem>> -> memref<1x2x5x64xi32, #tpu.memory_space<vmem>>
        %dma_wait3A_124 = tpu.memref_squeeze %dma_wait3A_123 : memref<1x2x5x64xi32, #tpu.memory_space<vmem>> -> memref<2x5x64xi32, #tpu.memory_space<vmem>>
        %dma_wait3A_125 = arith.constant 0 : i32
        %dma_wait3A_126 = arith.constant 0 : i32
        %dma_wait3A_127 = arith.constant 0 : i32
        %dma_wait3A_128 = tpu.memref_slice %arg2[%dma_wait3A_125, %mul3A_0, %dma_wait3A_126, %dma_wait3A_127] : memref<2x1024x5x64xi32, #tpu.memory_space<hbm>> -> memref<2x1x5x64xi32, #tpu.memory_space<hbm>>
        %dma_wait3A_129 = tpu.memref_squeeze %dma_wait3A_128 : memref<2x1x5x64xi32, #tpu.memory_space<hbm>> -> memref<2x5x64xi32, #tpu.memory_space<hbm>>
        tpu.wait_dma2 semaphore(%run_scoped3A_90 : memref<!tpu.dma_semaphore, #tpu.memory_space<semaphore_mem>>) src(%dma_wait3A_129 : memref<2x5x64xi32, #tpu.memory_space<hbm>>) dst(%dma_wait3A_124 : memref<2x5x64xi32, #tpu.memory_space<vmem>>)
        tpu.yield
      }) : () -> ()
      %add3A_57 = arith.constant 1 : i32
      %add3A_58 = arith.addi %mul3A_0, %add3A_57 : i32
      %dma_start3A = arith.constant 1 : i32
      %dma_start3A_59 = arith.constant 0 : i32
      %dma_start3A_60 = arith.constant 0 : i32
      %dma_start3A_61 = arith.constant 0 : i32
      %dma_start3A_62 = tpu.memref_slice %arg5[%dma_start3A, %dma_start3A_59, %dma_start3A_60, %dma_start3A_61] : memref<2x2x5x64xi32, #tpu.memory_space<vmem>> -> memref<1x2x5x64xi32, #tpu.memory_space<vmem>>
      %dma_start3A_63 = tpu.memref_squeeze %dma_start3A_62 : memref<1x2x5x64xi32, #tpu.memory_space<vmem>> -> memref<2x5x64xi32, #tpu.memory_space<vmem>>
      %dma_start3A_64 = arith.constant 0 : i32
      %dma_start3A_65 = arith.constant 0 : i32
      %dma_start3A_66 = arith.constant 0 : i32
      %dma_start3A_67 = tpu.memref_slice %arg2[%dma_start3A_64, %add3A_58, %dma_start3A_65, %dma_start3A_66] : memref<2x1024x5x64xi32, #tpu.memory_space<hbm>> -> memref<2x1x5x64xi32, #tpu.memory_space<hbm>>
      %dma_start3A_68 = tpu.memref_squeeze %dma_start3A_67 : memref<2x1x5x64xi32, #tpu.memory_space<hbm>> -> memref<2x5x64xi32, #tpu.memory_space<hbm>>
      %dma_start3A_69 = arith.constant 0 : i32
      %dma_start3A_70 = arith.constant 0 : i32
      %dma_start3A_71 = arith.constant 0 : i32
      %dma_start3A_72 = tpu.memref_slice %arg5[%dma_start3A, %dma_start3A_69, %dma_start3A_70, %dma_start3A_71] : memref<2x2x5x64xi32, #tpu.memory_space<vmem>> -> memref<1x2x5x64xi32, #tpu.memory_space<vmem>>
      %dma_start3A_73 = tpu.memref_squeeze %dma_start3A_72 : memref<1x2x5x64xi32, #tpu.memory_space<vmem>> -> memref<2x5x64xi32, #tpu.memory_space<vmem>>
      %dma_start3A_74 = arith.constant 0 : i32
      %dma_start3A_75 = arith.constant 0 : i32
      %dma_start3A_76 = arith.constant 0 : i32
      %dma_start3A_77 = tpu.memref_slice %arg2[%dma_start3A_74, %add3A_58, %dma_start3A_75, %dma_start3A_76] : memref<2x1024x5x64xi32, #tpu.memory_space<hbm>> -> memref<2x1x5x64xi32, #tpu.memory_space<hbm>>
      %dma_start3A_78 = tpu.memref_squeeze %dma_start3A_77 : memref<2x1x5x64xi32, #tpu.memory_space<hbm>> -> memref<2x5x64xi32, #tpu.memory_space<hbm>>
      tpu.enqueue_dma source(%dma_start3A_78 : memref<2x5x64xi32, #tpu.memory_space<hbm>>) target(%dma_start3A_73 : memref<2x5x64xi32, #tpu.memory_space<vmem>>) target_semaphore(%arg10 : memref<!tpu.dma_semaphore, #tpu.memory_space<semaphore_mem>>)
      %scan3A_79 = arith.constant 0 : i32
      %scan3A_80 = arith.constant 0 : i32
      %scan3A_81 = arith.constant 32 : i32
      %scan3A_82 = arith.addi %scan3A_80, %scan3A_81 : i32
      %scan3A_83 = arith.constant 1 : i32
      scf.for %scan3A_90 = %scan3A_80 to %scan3A_82 step %scan3A_83  : i32 {
        %dma_start3A_91 = arith.constant 0 : i32
        %dma_start3A_92 = arith.constant 0 : i32
        %dma_start3A_93 = arith.constant 0 : i32
        %dma_start3A_94 = arith.constant 0 : i32
        %dma_start3A_95 = arith.constant 0 : i32
        %dma_start3A_96 = arith.constant 0 : i32
        %dma_start3A_97 = tpu.memref_slice %arg6[%dma_start3A_94, %dma_start3A_95, %dma_start3A_96] : memref<5x64x128xf32, #tpu.memory_space<vmem>> -> memref<1x64x128xf32, #tpu.memory_space<vmem>>
        %dma_start3A_98 = tpu.memref_squeeze %dma_start3A_97 : memref<1x64x128xf32, #tpu.memory_space<vmem>> -> memref<64x128xf32, #tpu.memory_space<vmem>>
        %dma_start3A_99 = arith.constant 0 : i32
        %dma_start3A_100 = tpu.memref_slice %arg5[%dma_start3A_91, %dma_start3A_92, %dma_start3A_93, %dma_start3A_99] : memref<2x2x5x64xi32, #tpu.memory_space<vmem>> -> memref<1x1x1x64xi32, #tpu.memory_space<vmem>>
        %dma_start3A_101 = tpu.memref_squeeze %dma_start3A_100 : memref<1x1x1x64xi32, #tpu.memory_space<vmem>> -> memref<64xi32, #tpu.memory_space<vmem>>
        %dma_start3A_102 = arith.constant 0 : i32
        %dma_start3A_103 = arith.constant 0 : i32
        %dma_start3A_104 = tpu.memref_slice %arg3[%dma_start3A_102, %dma_start3A_103] : memref<10240x128xf32, #tpu.memory_space<hbm>> -> memref<10240x128xf32, #tpu.memory_space<hbm>>
        tpu.enqueue_indirect_dma source(%dma_start3A_104 : memref<10240x128xf32, #tpu.memory_space<hbm>>) target(%dma_start3A_98 : memref<64x128xf32, #tpu.memory_space<vmem>>) offsets(%dma_start3A_101 : memref<64xi32, #tpu.memory_space<vmem>>) semaphore(%arg8 : memref<!tpu.dma_semaphore, #tpu.memory_space<semaphore_mem>>)
        %dma_start3A_105 = arith.constant 0 : i32
        %dma_start3A_106 = arith.constant 0 : i32
        %dma_start3A_107 = arith.constant 1 : i32
        %dma_start3A_108 = arith.constant 1 : i32
        %dma_start3A_109 = arith.constant 0 : i32
        %dma_start3A_110 = arith.constant 0 : i32
        %dma_start3A_111 = tpu.memref_slice %arg6[%dma_start3A_108, %dma_start3A_109, %dma_start3A_110] : memref<5x64x128xf32, #tpu.memory_space<vmem>> -> memref<1x64x128xf32, #tpu.memory_space<vmem>>
        %dma_start3A_112 = tpu.memref_squeeze %dma_start3A_111 : memref<1x64x128xf32, #tpu.memory_space<vmem>> -> memref<64x128xf32, #tpu.memory_space<vmem>>
        %dma_start3A_113 = arith.constant 0 : i32
        %dma_start3A_114 = tpu.memref_slice %arg5[%dma_start3A_105, %dma_start3A_106, %dma_start3A_107, %dma_start3A_113] : memref<2x2x5x64xi32, #tpu.memory_space<vmem>> -> memref<1x1x1x64xi32, #tpu.memory_space<vmem>>
        %dma_start3A_115 = tpu.memref_squeeze %dma_start3A_114 : memref<1x1x1x64xi32, #tpu.memory_space<vmem>> -> memref<64xi32, #tpu.memory_space<vmem>>
        %dma_start3A_116 = arith.constant 0 : i32
        %dma_start3A_117 = arith.constant 0 : i32
        %dma_start3A_118 = tpu.memref_slice %arg3[%dma_start3A_116, %dma_start3A_117] : memref<10240x128xf32, #tpu.memory_space<hbm>> -> memref<10240x128xf32, #tpu.memory_space<hbm>>
        tpu.enqueue_indirect_dma source(%dma_start3A_118 : memref<10240x128xf32, #tpu.memory_space<hbm>>) target(%dma_start3A_112 : memref<64x128xf32, #tpu.memory_space<vmem>>) offsets(%dma_start3A_115 : memref<64xi32, #tpu.memory_space<vmem>>) semaphore(%arg8 : memref<!tpu.dma_semaphore, #tpu.memory_space<semaphore_mem>>)
        %dma_start3A_119 = arith.constant 0 : i32
        %dma_start3A_120 = arith.constant 0 : i32
        %dma_start3A_121 = arith.constant 2 : i32
        %dma_start3A_122 = arith.constant 2 : i32
        %dma_start3A_123 = arith.constant 0 : i32
        %dma_start3A_124 = arith.constant 0 : i32
        %dma_start3A_125 = tpu.memref_slice %arg6[%dma_start3A_122, %dma_start3A_123, %dma_start3A_124] : memref<5x64x128xf32, #tpu.memory_space<vmem>> -> memref<1x64x128xf32, #tpu.memory_space<vmem>>
        %dma_start3A_126 = tpu.memref_squeeze %dma_start3A_125 : memref<1x64x128xf32, #tpu.memory_space<vmem>> -> memref<64x128xf32, #tpu.memory_space<vmem>>
        %dma_start3A_127 = arith.constant 0 : i32
        %dma_start3A_128 = tpu.memref_slice %arg5[%dma_start3A_119, %dma_start3A_120, %dma_start3A_121, %dma_start3A_127] : memref<2x2x5x64xi32, #tpu.memory_space<vmem>> -> memref<1x1x1x64xi32, #tpu.memory_space<vmem>>
        %dma_start3A_129 = tpu.memref_squeeze %dma_start3A_128 : memref<1x1x1x64xi32, #tpu.memory_space<vmem>> -> memref<64xi32, #tpu.memory_space<vmem>>
        %dma_start3A_130 = arith.constant 0 : i32
        %dma_start3A_131 = arith.constant 0 : i32
        %dma_start3A_132 = tpu.memref_slice %arg3[%dma_start3A_130, %dma_start3A_131] : memref<10240x128xf32, #tpu.memory_space<hbm>> -> memref<10240x128xf32, #tpu.memory_space<hbm>>
        tpu.enqueue_indirect_dma source(%dma_start3A_132 : memref<10240x128xf32, #tpu.memory_space<hbm>>) target(%dma_start3A_126 : memref<64x128xf32, #tpu.memory_space<vmem>>) offsets(%dma_start3A_129 : memref<64xi32, #tpu.memory_space<vmem>>) semaphore(%arg8 : memref<!tpu.dma_semaphore, #tpu.memory_space<semaphore_mem>>)
        %dma_start3A_133 = arith.constant 0 : i32
        %dma_start3A_134 = arith.constant 0 : i32
        %dma_start3A_135 = arith.constant 3 : i32
        %dma_start3A_136 = arith.constant 3 : i32
        %dma_start3A_137 = arith.constant 0 : i32
        %dma_start3A_138 = arith.constant 0 : i32
        %dma_start3A_139 = tpu.memref_slice %arg6[%dma_start3A_136, %dma_start3A_137, %dma_start3A_138] : memref<5x64x128xf32, #tpu.memory_space<vmem>> -> memref<1x64x128xf32, #tpu.memory_space<vmem>>
        %dma_start3A_140 = tpu.memref_squeeze %dma_start3A_139 : memref<1x64x128xf32, #tpu.memory_space<vmem>> -> memref<64x128xf32, #tpu.memory_space<vmem>>
        %dma_start3A_141 = arith.constant 0 : i32
        %dma_start3A_142 = tpu.memref_slice %arg5[%dma_start3A_133, %dma_start3A_134, %dma_start3A_135, %dma_start3A_141] : memref<2x2x5x64xi32, #tpu.memory_space<vmem>> -> memref<1x1x1x64xi32, #tpu.memory_space<vmem>>
        %dma_start3A_143 = tpu.memref_squeeze %dma_start3A_142 : memref<1x1x1x64xi32, #tpu.memory_space<vmem>> -> memref<64xi32, #tpu.memory_space<vmem>>
        %dma_start3A_144 = arith.constant 0 : i32
        %dma_start3A_145 = arith.constant 0 : i32
        %dma_start3A_146 = tpu.memref_slice %arg3[%dma_start3A_144, %dma_start3A_145] : memref<10240x128xf32, #tpu.memory_space<hbm>> -> memref<10240x128xf32, #tpu.memory_space<hbm>>
        tpu.enqueue_indirect_dma source(%dma_start3A_146 : memref<10240x128xf32, #tpu.memory_space<hbm>>) target(%dma_start3A_140 : memref<64x128xf32, #tpu.memory_space<vmem>>) offsets(%dma_start3A_143 : memref<64xi32, #tpu.memory_space<vmem>>) semaphore(%arg8 : memref<!tpu.dma_semaphore, #tpu.memory_space<semaphore_mem>>)
        %dma_start3A_147 = arith.constant 0 : i32
        %dma_start3A_148 = arith.constant 0 : i32
        %dma_start3A_149 = arith.constant 4 : i32
        %dma_start3A_150 = arith.constant 4 : i32
        %dma_start3A_151 = arith.constant 0 : i32
        %dma_start3A_152 = arith.constant 0 : i32
        %dma_start3A_153 = tpu.memref_slice %arg6[%dma_start3A_150, %dma_start3A_151, %dma_start3A_152] : memref<5x64x128xf32, #tpu.memory_space<vmem>> -> memref<1x64x128xf32, #tpu.memory_space<vmem>>
        %dma_start3A_154 = tpu.memref_squeeze %dma_start3A_153 : memref<1x64x128xf32, #tpu.memory_space<vmem>> -> memref<64x128xf32, #tpu.memory_space<vmem>>
        %dma_start3A_155 = arith.constant 0 : i32
        %dma_start3A_156 = tpu.memref_slice %arg5[%dma_start3A_147, %dma_start3A_148, %dma_start3A_149, %dma_start3A_155] : memref<2x2x5x64xi32, #tpu.memory_space<vmem>> -> memref<1x1x1x64xi32, #tpu.memory_space<vmem>>
        %dma_start3A_157 = tpu.memref_squeeze %dma_start3A_156 : memref<1x1x1x64xi32, #tpu.memory_space<vmem>> -> memref<64xi32, #tpu.memory_space<vmem>>
        %dma_start3A_158 = arith.constant 0 : i32
        %dma_start3A_159 = arith.constant 0 : i32
        %dma_start3A_160 = tpu.memref_slice %arg3[%dma_start3A_158, %dma_start3A_159] : memref<10240x128xf32, #tpu.memory_space<hbm>> -> memref<10240x128xf32, #tpu.memory_space<hbm>>
        tpu.enqueue_indirect_dma source(%dma_start3A_160 : memref<10240x128xf32, #tpu.memory_space<hbm>>) target(%dma_start3A_154 : memref<64x128xf32, #tpu.memory_space<vmem>>) offsets(%dma_start3A_157 : memref<64xi32, #tpu.memory_space<vmem>>) semaphore(%arg8 : memref<!tpu.dma_semaphore, #tpu.memory_space<semaphore_mem>>)
        %dma_wait3A = arith.constant 0 : i32
        %dma_wait3A_161 = arith.constant 0 : i32
        %dma_wait3A_162 = arith.constant 0 : i32
        %dma_wait3A_163 = arith.constant 0 : i32
        %dma_wait3A_164 = arith.constant 0 : i32
        %dma_wait3A_165 = arith.constant 0 : i32
        %dma_wait3A_166 = tpu.memref_slice %arg6[%dma_wait3A_163, %dma_wait3A_164, %dma_wait3A_165] : memref<5x64x128xf32, #tpu.memory_space<vmem>> -> memref<1x64x128xf32, #tpu.memory_space<vmem>>
        %dma_wait3A_167 = tpu.memref_squeeze %dma_wait3A_166 : memref<1x64x128xf32, #tpu.memory_space<vmem>> -> memref<64x128xf32, #tpu.memory_space<vmem>>
        %dma_wait3A_168 = arith.constant 0 : i32
        %dma_wait3A_169 = tpu.memref_slice %arg5[%dma_wait3A, %dma_wait3A_161, %dma_wait3A_162, %dma_wait3A_168] : memref<2x2x5x64xi32, #tpu.memory_space<vmem>> -> memref<1x1x1x64xi32, #tpu.memory_space<vmem>>
        %dma_wait3A_170 = tpu.memref_squeeze %dma_wait3A_169 : memref<1x1x1x64xi32, #tpu.memory_space<vmem>> -> memref<64xi32, #tpu.memory_space<vmem>>
        %dma_wait3A_171 = arith.constant 0 : i32
        %dma_wait3A_172 = arith.constant 0 : i32
        %dma_wait3A_173 = tpu.memref_slice %arg3[%dma_wait3A_171, %dma_wait3A_172] : memref<10240x128xf32, #tpu.memory_space<hbm>> -> memref<10240x128xf32, #tpu.memory_space<hbm>>
        tpu.wait_indirect_dma semaphore(%arg8 : memref<!tpu.dma_semaphore, #tpu.memory_space<semaphore_mem>>) src(%dma_wait3A_173 : memref<10240x128xf32, #tpu.memory_space<hbm>>) dst(%dma_wait3A_167 : memref<64x128xf32, #tpu.memory_space<vmem>>)
        %dma_start3A_174 = arith.constant 0 : i32
        %dma_start3A_175 = arith.constant 0 : i32
        %dma_start3A_176 = arith.constant 1 : i32
        %dma_start3A_177 = arith.constant 0 : i32
        %dma_start3A_178 = arith.constant 0 : i32
        %dma_start3A_179 = arith.constant 0 : i32
        %dma_start3A_180 = tpu.memref_slice %arg6[%dma_start3A_174, %dma_start3A_178, %dma_start3A_179] : memref<5x64x128xf32, #tpu.memory_space<vmem>> -> memref<1x64x128xf32, #tpu.memory_space<vmem>>
        %dma_start3A_181 = tpu.memref_squeeze %dma_start3A_180 : memref<1x64x128xf32, #tpu.memory_space<vmem>> -> memref<64x128xf32, #tpu.memory_space<vmem>>
        %dma_start3A_182 = arith.constant 0 : i32
        %dma_start3A_183 = tpu.memref_slice %arg5[%dma_start3A_175, %dma_start3A_176, %dma_start3A_177, %dma_start3A_182] : memref<2x2x5x64xi32, #tpu.memory_space<vmem>> -> memref<1x1x1x64xi32, #tpu.memory_space<vmem>>
        %dma_start3A_184 = tpu.memref_squeeze %dma_start3A_183 : memref<1x1x1x64xi32, #tpu.memory_space<vmem>> -> memref<64xi32, #tpu.memory_space<vmem>>
        %dma_start3A_185 = arith.constant 0 : i32
        %dma_start3A_186 = arith.constant 0 : i32
        %dma_start3A_187 = tpu.memref_slice %arg7[%dma_start3A_185, %dma_start3A_186] : memref<10240x128xf32, #tpu.memory_space<vmem_shared>> -> memref<10240x128xf32, #tpu.memory_space<vmem_shared>>
        tpu.enqueue_indirect_dma source(%dma_start3A_181 : memref<64x128xf32, #tpu.memory_space<vmem>>) target(%dma_start3A_187 : memref<10240x128xf32, #tpu.memory_space<vmem_shared>>) offsets(%dma_start3A_184 : memref<64xi32, #tpu.memory_space<vmem>>) semaphore(%arg9 : memref<!tpu.dma_semaphore, #tpu.memory_space<semaphore_mem>>) {add = true}
        %dma_wait3A_188 = arith.constant 0 : i32
        %dma_wait3A_189 = arith.constant 0 : i32
        %dma_wait3A_190 = arith.constant 1 : i32
        %dma_wait3A_191 = arith.constant 1 : i32
        %dma_wait3A_192 = arith.constant 0 : i32
        %dma_wait3A_193 = arith.constant 0 : i32
        %dma_wait3A_194 = tpu.memref_slice %arg6[%dma_wait3A_191, %dma_wait3A_192, %dma_wait3A_193] : memref<5x64x128xf32, #tpu.memory_space<vmem>> -> memref<1x64x128xf32, #tpu.memory_space<vmem>>
        %dma_wait3A_195 = tpu.memref_squeeze %dma_wait3A_194 : memref<1x64x128xf32, #tpu.memory_space<vmem>> -> memref<64x128xf32, #tpu.memory_space<vmem>>
        %dma_wait3A_196 = arith.constant 0 : i32
        %dma_wait3A_197 = tpu.memref_slice %arg5[%dma_wait3A_188, %dma_wait3A_189, %dma_wait3A_190, %dma_wait3A_196] : memref<2x2x5x64xi32, #tpu.memory_space<vmem>> -> memref<1x1x1x64xi32, #tpu.memory_space<vmem>>
        %dma_wait3A_198 = tpu.memref_squeeze %dma_wait3A_197 : memref<1x1x1x64xi32, #tpu.memory_space<vmem>> -> memref<64xi32, #tpu.memory_space<vmem>>
        %dma_wait3A_199 = arith.constant 0 : i32
        %dma_wait3A_200 = arith.constant 0 : i32
        %dma_wait3A_201 = tpu.memref_slice %arg3[%dma_wait3A_199, %dma_wait3A_200] : memref<10240x128xf32, #tpu.memory_space<hbm>> -> memref<10240x128xf32, #tpu.memory_space<hbm>>
        tpu.wait_indirect_dma semaphore(%arg8 : memref<!tpu.dma_semaphore, #tpu.memory_space<semaphore_mem>>) src(%dma_wait3A_201 : memref<10240x128xf32, #tpu.memory_space<hbm>>) dst(%dma_wait3A_195 : memref<64x128xf32, #tpu.memory_space<vmem>>)
        %dma_start3A_202 = arith.constant 1 : i32
        %dma_start3A_203 = arith.constant 0 : i32
        %dma_start3A_204 = arith.constant 1 : i32
        %dma_start3A_205 = arith.constant 1 : i32
        %dma_start3A_206 = arith.constant 0 : i32
        %dma_start3A_207 = arith.constant 0 : i32
        %dma_start3A_208 = tpu.memref_slice %arg6[%dma_start3A_202, %dma_start3A_206, %dma_start3A_207] : memref<5x64x128xf32, #tpu.memory_space<vmem>> -> memref<1x64x128xf32, #tpu.memory_space<vmem>>
        %dma_start3A_209 = tpu.memref_squeeze %dma_start3A_208 : memref<1x64x128xf32, #tpu.memory_space<vmem>> -> memref<64x128xf32, #tpu.memory_space<vmem>>
        %dma_start3A_210 = arith.constant 0 : i32
        %dma_start3A_211 = tpu.memref_slice %arg5[%dma_start3A_203, %dma_start3A_204, %dma_start3A_205, %dma_start3A_210] : memref<2x2x5x64xi32, #tpu.memory_space<vmem>> -> memref<1x1x1x64xi32, #tpu.memory_space<vmem>>
        %dma_start3A_212 = tpu.memref_squeeze %dma_start3A_211 : memref<1x1x1x64xi32, #tpu.memory_space<vmem>> -> memref<64xi32, #tpu.memory_space<vmem>>
        %dma_start3A_213 = arith.constant 0 : i32
        %dma_start3A_214 = arith.constant 0 : i32
        %dma_start3A_215 = tpu.memref_slice %arg7[%dma_start3A_213, %dma_start3A_214] : memref<10240x128xf32, #tpu.memory_space<vmem_shared>> -> memref<10240x128xf32, #tpu.memory_space<vmem_shared>>
        tpu.enqueue_indirect_dma source(%dma_start3A_209 : memref<64x128xf32, #tpu.memory_space<vmem>>) target(%dma_start3A_215 : memref<10240x128xf32, #tpu.memory_space<vmem_shared>>) offsets(%dma_start3A_212 : memref<64xi32, #tpu.memory_space<vmem>>) semaphore(%arg9 : memref<!tpu.dma_semaphore, #tpu.memory_space<semaphore_mem>>) {add = true}
        %dma_wait3A_216 = arith.constant 0 : i32
        %dma_wait3A_217 = arith.constant 0 : i32
        %dma_wait3A_218 = arith.constant 2 : i32
        %dma_wait3A_219 = arith.constant 2 : i32
        %dma_wait3A_220 = arith.constant 0 : i32
        %dma_wait3A_221 = arith.constant 0 : i32
        %dma_wait3A_222 = tpu.memref_slice %arg6[%dma_wait3A_219, %dma_wait3A_220, %dma_wait3A_221] : memref<5x64x128xf32, #tpu.memory_space<vmem>> -> memref<1x64x128xf32, #tpu.memory_space<vmem>>
        %dma_wait3A_223 = tpu.memref_squeeze %dma_wait3A_222 : memref<1x64x128xf32, #tpu.memory_space<vmem>> -> memref<64x128xf32, #tpu.memory_space<vmem>>
        %dma_wait3A_224 = arith.constant 0 : i32
        %dma_wait3A_225 = tpu.memref_slice %arg5[%dma_wait3A_216, %dma_wait3A_217, %dma_wait3A_218, %dma_wait3A_224] : memref<2x2x5x64xi32, #tpu.memory_space<vmem>> -> memref<1x1x1x64xi32, #tpu.memory_space<vmem>>
        %dma_wait3A_226 = tpu.memref_squeeze %dma_wait3A_225 : memref<1x1x1x64xi32, #tpu.memory_space<vmem>> -> memref<64xi32, #tpu.memory_space<vmem>>
        %dma_wait3A_227 = arith.constant 0 : i32
        %dma_wait3A_228 = arith.constant 0 : i32
        %dma_wait3A_229 = tpu.memref_slice %arg3[%dma_wait3A_227, %dma_wait3A_228] : memref<10240x128xf32, #tpu.memory_space<hbm>> -> memref<10240x128xf32, #tpu.memory_space<hbm>>
        tpu.wait_indirect_dma semaphore(%arg8 : memref<!tpu.dma_semaphore, #tpu.memory_space<semaphore_mem>>) src(%dma_wait3A_229 : memref<10240x128xf32, #tpu.memory_space<hbm>>) dst(%dma_wait3A_223 : memref<64x128xf32, #tpu.memory_space<vmem>>)
        %dma_start3A_230 = arith.constant 2 : i32
        %dma_start3A_231 = arith.constant 0 : i32
        %dma_start3A_232 = arith.constant 1 : i32
        %dma_start3A_233 = arith.constant 2 : i32
        %dma_start3A_234 = arith.constant 0 : i32
        %dma_start3A_235 = arith.constant 0 : i32
        %dma_start3A_236 = tpu.memref_slice %arg6[%dma_start3A_230, %dma_start3A_234, %dma_start3A_235] : memref<5x64x128xf32, #tpu.memory_space<vmem>> -> memref<1x64x128xf32, #tpu.memory_space<vmem>>
        %dma_start3A_237 = tpu.memref_squeeze %dma_start3A_236 : memref<1x64x128xf32, #tpu.memory_space<vmem>> -> memref<64x128xf32, #tpu.memory_space<vmem>>
        %dma_start3A_238 = arith.constant 0 : i32
        %dma_start3A_239 = tpu.memref_slice %arg5[%dma_start3A_231, %dma_start3A_232, %dma_start3A_233, %dma_start3A_238] : memref<2x2x5x64xi32, #tpu.memory_space<vmem>> -> memref<1x1x1x64xi32, #tpu.memory_space<vmem>>
        %dma_start3A_240 = tpu.memref_squeeze %dma_start3A_239 : memref<1x1x1x64xi32, #tpu.memory_space<vmem>> -> memref<64xi32, #tpu.memory_space<vmem>>
        %dma_start3A_241 = arith.constant 0 : i32
        %dma_start3A_242 = arith.constant 0 : i32
        %dma_start3A_243 = tpu.memref_slice %arg7[%dma_start3A_241, %dma_start3A_242] : memref<10240x128xf32, #tpu.memory_space<vmem_shared>> -> memref<10240x128xf32, #tpu.memory_space<vmem_shared>>
        tpu.enqueue_indirect_dma source(%dma_start3A_237 : memref<64x128xf32, #tpu.memory_space<vmem>>) target(%dma_start3A_243 : memref<10240x128xf32, #tpu.memory_space<vmem_shared>>) offsets(%dma_start3A_240 : memref<64xi32, #tpu.memory_space<vmem>>) semaphore(%arg9 : memref<!tpu.dma_semaphore, #tpu.memory_space<semaphore_mem>>) {add = true}
        %dma_wait3A_244 = arith.constant 0 : i32
        %dma_wait3A_245 = arith.constant 0 : i32
        %dma_wait3A_246 = arith.constant 3 : i32
        %dma_wait3A_247 = arith.constant 3 : i32
        %dma_wait3A_248 = arith.constant 0 : i32
        %dma_wait3A_249 = arith.constant 0 : i32
        %dma_wait3A_250 = tpu.memref_slice %arg6[%dma_wait3A_247, %dma_wait3A_248, %dma_wait3A_249] : memref<5x64x128xf32, #tpu.memory_space<vmem>> -> memref<1x64x128xf32, #tpu.memory_space<vmem>>
        %dma_wait3A_251 = tpu.memref_squeeze %dma_wait3A_250 : memref<1x64x128xf32, #tpu.memory_space<vmem>> -> memref<64x128xf32, #tpu.memory_space<vmem>>
        %dma_wait3A_252 = arith.constant 0 : i32
        %dma_wait3A_253 = tpu.memref_slice %arg5[%dma_wait3A_244, %dma_wait3A_245, %dma_wait3A_246, %dma_wait3A_252] : memref<2x2x5x64xi32, #tpu.memory_space<vmem>> -> memref<1x1x1x64xi32, #tpu.memory_space<vmem>>
        %dma_wait3A_254 = tpu.memref_squeeze %dma_wait3A_253 : memref<1x1x1x64xi32, #tpu.memory_space<vmem>> -> memref<64xi32, #tpu.memory_space<vmem>>
        %dma_wait3A_255 = arith.constant 0 : i32
        %dma_wait3A_256 = arith.constant 0 : i32
        %dma_wait3A_257 = tpu.memref_slice %arg3[%dma_wait3A_255, %dma_wait3A_256] : memref<10240x128xf32, #tpu.memory_space<hbm>> -> memref<10240x128xf32, #tpu.memory_space<hbm>>
        tpu.wait_indirect_dma semaphore(%arg8 : memref<!tpu.dma_semaphore, #tpu.memory_space<semaphore_mem>>) src(%dma_wait3A_257 : memref<10240x128xf32, #tpu.memory_space<hbm>>) dst(%dma_wait3A_251 : memref<64x128xf32, #tpu.memory_space<vmem>>)
        %dma_start3A_258 = arith.constant 3 : i32
        %dma_start3A_259 = arith.constant 0 : i32
        %dma_start3A_260 = arith.constant 1 : i32
        %dma_start3A_261 = arith.constant 3 : i32
        %dma_start3A_262 = arith.constant 0 : i32
        %dma_start3A_263 = arith.constant 0 : i32
        %dma_start3A_264 = tpu.memref_slice %arg6[%dma_start3A_258, %dma_start3A_262, %dma_start3A_263] : memref<5x64x128xf32, #tpu.memory_space<vmem>> -> memref<1x64x128xf32, #tpu.memory_space<vmem>>
        %dma_start3A_265 = tpu.memref_squeeze %dma_start3A_264 : memref<1x64x128xf32, #tpu.memory_space<vmem>> -> memref<64x128xf32, #tpu.memory_space<vmem>>
        %dma_start3A_266 = arith.constant 0 : i32
        %dma_start3A_267 = tpu.memref_slice %arg5[%dma_start3A_259, %dma_start3A_260, %dma_start3A_261, %dma_start3A_266] : memref<2x2x5x64xi32, #tpu.memory_space<vmem>> -> memref<1x1x1x64xi32, #tpu.memory_space<vmem>>
        %dma_start3A_268 = tpu.memref_squeeze %dma_start3A_267 : memref<1x1x1x64xi32, #tpu.memory_space<vmem>> -> memref<64xi32, #tpu.memory_space<vmem>>
        %dma_start3A_269 = arith.constant 0 : i32
        %dma_start3A_270 = arith.constant 0 : i32
        %dma_start3A_271 = tpu.memref_slice %arg7[%dma_start3A_269, %dma_start3A_270] : memref<10240x128xf32, #tpu.memory_space<vmem_shared>> -> memref<10240x128xf32, #tpu.memory_space<vmem_shared>>
        tpu.enqueue_indirect_dma source(%dma_start3A_265 : memref<64x128xf32, #tpu.memory_space<vmem>>) target(%dma_start3A_271 : memref<10240x128xf32, #tpu.memory_space<vmem_shared>>) offsets(%dma_start3A_268 : memref<64xi32, #tpu.memory_space<vmem>>) semaphore(%arg9 : memref<!tpu.dma_semaphore, #tpu.memory_space<semaphore_mem>>) {add = true}
        %dma_wait3A_272 = arith.constant 0 : i32
        %dma_wait3A_273 = arith.constant 0 : i32
        %dma_wait3A_274 = arith.constant 4 : i32
        %dma_wait3A_275 = arith.constant 4 : i32
        %dma_wait3A_276 = arith.constant 0 : i32
        %dma_wait3A_277 = arith.constant 0 : i32
        %dma_wait3A_278 = tpu.memref_slice %arg6[%dma_wait3A_275, %dma_wait3A_276, %dma_wait3A_277] : memref<5x64x128xf32, #tpu.memory_space<vmem>> -> memref<1x64x128xf32, #tpu.memory_space<vmem>>
        %dma_wait3A_279 = tpu.memref_squeeze %dma_wait3A_278 : memref<1x64x128xf32, #tpu.memory_space<vmem>> -> memref<64x128xf32, #tpu.memory_space<vmem>>
        %dma_wait3A_280 = arith.constant 0 : i32
        %dma_wait3A_281 = tpu.memref_slice %arg5[%dma_wait3A_272, %dma_wait3A_273, %dma_wait3A_274, %dma_wait3A_280] : memref<2x2x5x64xi32, #tpu.memory_space<vmem>> -> memref<1x1x1x64xi32, #tpu.memory_space<vmem>>
        %dma_wait3A_282 = tpu.memref_squeeze %dma_wait3A_281 : memref<1x1x1x64xi32, #tpu.memory_space<vmem>> -> memref<64xi32, #tpu.memory_space<vmem>>
        %dma_wait3A_283 = arith.constant 0 : i32
        %dma_wait3A_284 = arith.constant 0 : i32
        %dma_wait3A_285 = tpu.memref_slice %arg3[%dma_wait3A_283, %dma_wait3A_284] : memref<10240x128xf32, #tpu.memory_space<hbm>> -> memref<10240x128xf32, #tpu.memory_space<hbm>>
        tpu.wait_indirect_dma semaphore(%arg8 : memref<!tpu.dma_semaphore, #tpu.memory_space<semaphore_mem>>) src(%dma_wait3A_285 : memref<10240x128xf32, #tpu.memory_space<hbm>>) dst(%dma_wait3A_279 : memref<64x128xf32, #tpu.memory_space<vmem>>)
        %dma_start3A_286 = arith.constant 4 : i32
        %dma_start3A_287 = arith.constant 0 : i32
        %dma_start3A_288 = arith.constant 1 : i32
        %dma_start3A_289 = arith.constant 4 : i32
        %dma_start3A_290 = arith.constant 0 : i32
        %dma_start3A_291 = arith.constant 0 : i32
        %dma_start3A_292 = tpu.memref_slice %arg6[%dma_start3A_286, %dma_start3A_290, %dma_start3A_291] : memref<5x64x128xf32, #tpu.memory_space<vmem>> -> memref<1x64x128xf32, #tpu.memory_space<vmem>>
        %dma_start3A_293 = tpu.memref_squeeze %dma_start3A_292 : memref<1x64x128xf32, #tpu.memory_space<vmem>> -> memref<64x128xf32, #tpu.memory_space<vmem>>
        %dma_start3A_294 = arith.constant 0 : i32
        %dma_start3A_295 = tpu.memref_slice %arg5[%dma_start3A_287, %dma_start3A_288, %dma_start3A_289, %dma_start3A_294] : memref<2x2x5x64xi32, #tpu.memory_space<vmem>> -> memref<1x1x1x64xi32, #tpu.memory_space<vmem>>
        %dma_start3A_296 = tpu.memref_squeeze %dma_start3A_295 : memref<1x1x1x64xi32, #tpu.memory_space<vmem>> -> memref<64xi32, #tpu.memory_space<vmem>>
        %dma_start3A_297 = arith.constant 0 : i32
        %dma_start3A_298 = arith.constant 0 : i32
        %dma_start3A_299 = tpu.memref_slice %arg7[%dma_start3A_297, %dma_start3A_298] : memref<10240x128xf32, #tpu.memory_space<vmem_shared>> -> memref<10240x128xf32, #tpu.memory_space<vmem_shared>>
        tpu.enqueue_indirect_dma source(%dma_start3A_293 : memref<64x128xf32, #tpu.memory_space<vmem>>) target(%dma_start3A_299 : memref<10240x128xf32, #tpu.memory_space<vmem_shared>>) offsets(%dma_start3A_296 : memref<64xi32, #tpu.memory_space<vmem>>) semaphore(%arg9 : memref<!tpu.dma_semaphore, #tpu.memory_space<semaphore_mem>>) {add = true}
        %dma_wait3A_300 = arith.constant 0 : i32
        %dma_wait3A_301 = arith.constant 0 : i32
        %dma_wait3A_302 = arith.constant 1 : i32
        %dma_wait3A_303 = arith.constant 0 : i32
        %dma_wait3A_304 = arith.constant 0 : i32
        %dma_wait3A_305 = arith.constant 0 : i32
        %dma_wait3A_306 = tpu.memref_slice %arg6[%dma_wait3A_300, %dma_wait3A_304, %dma_wait3A_305] : memref<5x64x128xf32, #tpu.memory_space<vmem>> -> memref<1x64x128xf32, #tpu.memory_space<vmem>>
        %dma_wait3A_307 = tpu.memref_squeeze %dma_wait3A_306 : memref<1x64x128xf32, #tpu.memory_space<vmem>> -> memref<64x128xf32, #tpu.memory_space<vmem>>
        %dma_wait3A_308 = arith.constant 0 : i32
        %dma_wait3A_309 = tpu.memref_slice %arg5[%dma_wait3A_301, %dma_wait3A_302, %dma_wait3A_303, %dma_wait3A_308] : memref<2x2x5x64xi32, #tpu.memory_space<vmem>> -> memref<1x1x1x64xi32, #tpu.memory_space<vmem>>
        %dma_wait3A_310 = tpu.memref_squeeze %dma_wait3A_309 : memref<1x1x1x64xi32, #tpu.memory_space<vmem>> -> memref<64xi32, #tpu.memory_space<vmem>>
        %dma_wait3A_311 = arith.constant 0 : i32
        %dma_wait3A_312 = arith.constant 0 : i32
        %dma_wait3A_313 = tpu.memref_slice %arg7[%dma_wait3A_311, %dma_wait3A_312] : memref<10240x128xf32, #tpu.memory_space<vmem_shared>> -> memref<10240x128xf32, #tpu.memory_space<vmem_shared>>
        tpu.wait_indirect_dma semaphore(%arg9 : memref<!tpu.dma_semaphore, #tpu.memory_space<semaphore_mem>>) src(%dma_wait3A_307 : memref<64x128xf32, #tpu.memory_space<vmem>>) dst(%dma_wait3A_313 : memref<10240x128xf32, #tpu.memory_space<vmem_shared>>)
        %dma_wait3A_314 = arith.constant 1 : i32
        %dma_wait3A_315 = arith.constant 0 : i32
        %dma_wait3A_316 = arith.constant 1 : i32
        %dma_wait3A_317 = arith.constant 1 : i32
        %dma_wait3A_318 = arith.constant 0 : i32
        %dma_wait3A_319 = arith.constant 0 : i32
        %dma_wait3A_320 = tpu.memref_slice %arg6[%dma_wait3A_314, %dma_wait3A_318, %dma_wait3A_319] : memref<5x64x128xf32, #tpu.memory_space<vmem>> -> memref<1x64x128xf32, #tpu.memory_space<vmem>>
        %dma_wait3A_321 = tpu.memref_squeeze %dma_wait3A_320 : memref<1x64x128xf32, #tpu.memory_space<vmem>> -> memref<64x128xf32, #tpu.memory_space<vmem>>
        %dma_wait3A_322 = arith.constant 0 : i32
        %dma_wait3A_323 = tpu.memref_slice %arg5[%dma_wait3A_315, %dma_wait3A_316, %dma_wait3A_317, %dma_wait3A_322] : memref<2x2x5x64xi32, #tpu.memory_space<vmem>> -> memref<1x1x1x64xi32, #tpu.memory_space<vmem>>
        %dma_wait3A_324 = tpu.memref_squeeze %dma_wait3A_323 : memref<1x1x1x64xi32, #tpu.memory_space<vmem>> -> memref<64xi32, #tpu.memory_space<vmem>>
        %dma_wait3A_325 = arith.constant 0 : i32
        %dma_wait3A_326 = arith.constant 0 : i32
        %dma_wait3A_327 = tpu.memref_slice %arg7[%dma_wait3A_325, %dma_wait3A_326] : memref<10240x128xf32, #tpu.memory_space<vmem_shared>> -> memref<10240x128xf32, #tpu.memory_space<vmem_shared>>
        tpu.wait_indirect_dma semaphore(%arg9 : memref<!tpu.dma_semaphore, #tpu.memory_space<semaphore_mem>>) src(%dma_wait3A_321 : memref<64x128xf32, #tpu.memory_space<vmem>>) dst(%dma_wait3A_327 : memref<10240x128xf32, #tpu.memory_space<vmem_shared>>)
        %dma_wait3A_328 = arith.constant 2 : i32
        %dma_wait3A_329 = arith.constant 0 : i32
        %dma_wait3A_330 = arith.constant 1 : i32
        %dma_wait3A_331 = arith.constant 2 : i32
        %dma_wait3A_332 = arith.constant 0 : i32
        %dma_wait3A_333 = arith.constant 0 : i32
        %dma_wait3A_334 = tpu.memref_slice %arg6[%dma_wait3A_328, %dma_wait3A_332, %dma_wait3A_333] : memref<5x64x128xf32, #tpu.memory_space<vmem>> -> memref<1x64x128xf32, #tpu.memory_space<vmem>>
        %dma_wait3A_335 = tpu.memref_squeeze %dma_wait3A_334 : memref<1x64x128xf32, #tpu.memory_space<vmem>> -> memref<64x128xf32, #tpu.memory_space<vmem>>
        %dma_wait3A_336 = arith.constant 0 : i32
        %dma_wait3A_337 = tpu.memref_slice %arg5[%dma_wait3A_329, %dma_wait3A_330, %dma_wait3A_331, %dma_wait3A_336] : memref<2x2x5x64xi32, #tpu.memory_space<vmem>> -> memref<1x1x1x64xi32, #tpu.memory_space<vmem>>
        %dma_wait3A_338 = tpu.memref_squeeze %dma_wait3A_337 : memref<1x1x1x64xi32, #tpu.memory_space<vmem>> -> memref<64xi32, #tpu.memory_space<vmem>>
        %dma_wait3A_339 = arith.constant 0 : i32
        %dma_wait3A_340 = arith.constant 0 : i32
        %dma_wait3A_341 = tpu.memref_slice %arg7[%dma_wait3A_339, %dma_wait3A_340] : memref<10240x128xf32, #tpu.memory_space<vmem_shared>> -> memref<10240x128xf32, #tpu.memory_space<vmem_shared>>
        tpu.wait_indirect_dma semaphore(%arg9 : memref<!tpu.dma_semaphore, #tpu.memory_space<semaphore_mem>>) src(%dma_wait3A_335 : memref<64x128xf32, #tpu.memory_space<vmem>>) dst(%dma_wait3A_341 : memref<10240x128xf32, #tpu.memory_space<vmem_shared>>)
        %dma_wait3A_342 = arith.constant 3 : i32
        %dma_wait3A_343 = arith.constant 0 : i32
        %dma_wait3A_344 = arith.constant 1 : i32
        %dma_wait3A_345 = arith.constant 3 : i32
        %dma_wait3A_346 = arith.constant 0 : i32
        %dma_wait3A_347 = arith.constant 0 : i32
        %dma_wait3A_348 = tpu.memref_slice %arg6[%dma_wait3A_342, %dma_wait3A_346, %dma_wait3A_347] : memref<5x64x128xf32, #tpu.memory_space<vmem>> -> memref<1x64x128xf32, #tpu.memory_space<vmem>>
        %dma_wait3A_349 = tpu.memref_squeeze %dma_wait3A_348 : memref<1x64x128xf32, #tpu.memory_space<vmem>> -> memref<64x128xf32, #tpu.memory_space<vmem>>
        %dma_wait3A_350 = arith.constant 0 : i32
        %dma_wait3A_351 = tpu.memref_slice %arg5[%dma_wait3A_343, %dma_wait3A_344, %dma_wait3A_345, %dma_wait3A_350] : memref<2x2x5x64xi32, #tpu.memory_space<vmem>> -> memref<1x1x1x64xi32, #tpu.memory_space<vmem>>
        %dma_wait3A_352 = tpu.memref_squeeze %dma_wait3A_351 : memref<1x1x1x64xi32, #tpu.memory_space<vmem>> -> memref<64xi32, #tpu.memory_space<vmem>>
        %dma_wait3A_353 = arith.constant 0 : i32
        %dma_wait3A_354 = arith.constant 0 : i32
        %dma_wait3A_355 = tpu.memref_slice %arg7[%dma_wait3A_353, %dma_wait3A_354] : memref<10240x128xf32, #tpu.memory_space<vmem_shared>> -> memref<10240x128xf32, #tpu.memory_space<vmem_shared>>
        tpu.wait_indirect_dma semaphore(%arg9 : memref<!tpu.dma_semaphore, #tpu.memory_space<semaphore_mem>>) src(%dma_wait3A_349 : memref<64x128xf32, #tpu.memory_space<vmem>>) dst(%dma_wait3A_355 : memref<10240x128xf32, #tpu.memory_space<vmem_shared>>)
        %dma_wait3A_356 = arith.constant 4 : i32
        %dma_wait3A_357 = arith.constant 0 : i32
        %dma_wait3A_358 = arith.constant 1 : i32
        %dma_wait3A_359 = arith.constant 4 : i32
        %dma_wait3A_360 = arith.constant 0 : i32
        %dma_wait3A_361 = arith.constant 0 : i32
        %dma_wait3A_362 = tpu.memref_slice %arg6[%dma_wait3A_356, %dma_wait3A_360, %dma_wait3A_361] : memref<5x64x128xf32, #tpu.memory_space<vmem>> -> memref<1x64x128xf32, #tpu.memory_space<vmem>>
        %dma_wait3A_363 = tpu.memref_squeeze %dma_wait3A_362 : memref<1x64x128xf32, #tpu.memory_space<vmem>> -> memref<64x128xf32, #tpu.memory_space<vmem>>
        %dma_wait3A_364 = arith.constant 0 : i32
        %dma_wait3A_365 = tpu.memref_slice %arg5[%dma_wait3A_357, %dma_wait3A_358, %dma_wait3A_359, %dma_wait3A_364] : memref<2x2x5x64xi32, #tpu.memory_space<vmem>> -> memref<1x1x1x64xi32, #tpu.memory_space<vmem>>
        %dma_wait3A_366 = tpu.memref_squeeze %dma_wait3A_365 : memref<1x1x1x64xi32, #tpu.memory_space<vmem>> -> memref<64xi32, #tpu.memory_space<vmem>>
        %dma_wait3A_367 = arith.constant 0 : i32
        %dma_wait3A_368 = arith.constant 0 : i32
        %dma_wait3A_369 = tpu.memref_slice %arg7[%dma_wait3A_367, %dma_wait3A_368] : memref<10240x128xf32, #tpu.memory_space<vmem_shared>> -> memref<10240x128xf32, #tpu.memory_space<vmem_shared>>
        tpu.wait_indirect_dma semaphore(%arg9 : memref<!tpu.dma_semaphore, #tpu.memory_space<semaphore_mem>>) src(%dma_wait3A_363 : memref<64x128xf32, #tpu.memory_space<vmem>>) dst(%dma_wait3A_369 : memref<10240x128xf32, #tpu.memory_space<vmem_shared>>)
        %dma_wait3A_370 = arith.constant 0 : i32
        %dma_wait3A_371 = arith.constant 1 : i32
        %dma_wait3A_372 = arith.constant 0 : i32
        %dma_wait3A_373 = arith.constant 0 : i32
        %dma_wait3A_374 = arith.constant 0 : i32
        %dma_wait3A_375 = tpu.memref_slice %arg5[%dma_wait3A_371, %dma_wait3A_372, %dma_wait3A_373, %dma_wait3A_374] : memref<2x2x5x64xi32, #tpu.memory_space<vmem>> -> memref<1x2x5x64xi32, #tpu.memory_space<vmem>>
        %dma_wait3A_376 = tpu.memref_squeeze %dma_wait3A_375 : memref<1x2x5x64xi32, #tpu.memory_space<vmem>> -> memref<2x5x64xi32, #tpu.memory_space<vmem>>
        %dma_wait3A_377 = arith.constant 0 : i32
        %dma_wait3A_378 = arith.constant 0 : i32
        %dma_wait3A_379 = arith.constant 0 : i32
        %dma_wait3A_380 = tpu.memref_slice %arg2[%dma_wait3A_377, %dma_wait3A_370, %dma_wait3A_378, %dma_wait3A_379] : memref<2x1024x5x64xi32, #tpu.memory_space<hbm>> -> memref<2x1x5x64xi32, #tpu.memory_space<hbm>>
        %dma_wait3A_381 = tpu.memref_squeeze %dma_wait3A_380 : memref<2x1x5x64xi32, #tpu.memory_space<hbm>> -> memref<2x5x64xi32, #tpu.memory_space<hbm>>
        %dma_wait3A_382 = arith.constant 0 : i32
        %dma_wait3A_383 = arith.constant 0 : i32
        %dma_wait3A_384 = arith.constant 0 : i32
        %dma_wait3A_385 = tpu.memref_slice %arg5[%dma_wait3A_371, %dma_wait3A_382, %dma_wait3A_383, %dma_wait3A_384] : memref<2x2x5x64xi32, #tpu.memory_space<vmem>> -> memref<1x2x5x64xi32, #tpu.memory_space<vmem>>
        %dma_wait3A_386 = tpu.memref_squeeze %dma_wait3A_385 : memref<1x2x5x64xi32, #tpu.memory_space<vmem>> -> memref<2x5x64xi32, #tpu.memory_space<vmem>>
        %dma_wait3A_387 = arith.constant 0 : i32
        %dma_wait3A_388 = arith.constant 0 : i32
        %dma_wait3A_389 = arith.constant 0 : i32
        %dma_wait3A_390 = tpu.memref_slice %arg2[%dma_wait3A_387, %dma_wait3A_370, %dma_wait3A_388, %dma_wait3A_389] : memref<2x1024x5x64xi32, #tpu.memory_space<hbm>> -> memref<2x1x5x64xi32, #tpu.memory_space<hbm>>
        %dma_wait3A_391 = tpu.memref_squeeze %dma_wait3A_390 : memref<2x1x5x64xi32, #tpu.memory_space<hbm>> -> memref<2x5x64xi32, #tpu.memory_space<hbm>>
        tpu.wait_dma2 semaphore(%arg10 : memref<!tpu.dma_semaphore, #tpu.memory_space<semaphore_mem>>) src(%dma_wait3A_391 : memref<2x5x64xi32, #tpu.memory_space<hbm>>) dst(%dma_wait3A_386 : memref<2x5x64xi32, #tpu.memory_space<vmem>>)
        %lt3A = arith.constant 31 : i32
        %lt3A_392 = arith.cmpi slt, %scan3A_90, %lt3A : i32
        %convert_element_type3A_393 = arith.extui %lt3A_392 : i1 to i32
        %cond3A_394 = arith.constant 0 : i32
        %cond3A_395 = arith.cmpi ne, %convert_element_type3A_393, %cond3A_394 : i32
        scf.if %cond3A_395 {
          %mul3A_681 = arith.constant 2 : i32
          %mul3A_682 = arith.muli %mul3A_681, %scan3A_90 : i32
          %add3A_683 = arith.addi %mul3A_0, %mul3A_682 : i32
          %add3A_684 = arith.constant 2 : i32
          %add3A_685 = arith.addi %add3A_683, %add3A_684 : i32
          %dma_start3A_686 = arith.constant 0 : i32
          %dma_start3A_687 = arith.constant 0 : i32
          %dma_start3A_688 = arith.constant 0 : i32
          %dma_start3A_689 = arith.constant 0 : i32
          %dma_start3A_690 = tpu.memref_slice %arg5[%dma_start3A_686, %dma_start3A_687, %dma_start3A_688, %dma_start3A_689] : memref<2x2x5x64xi32, #tpu.memory_space<vmem>> -> memref<1x2x5x64xi32, #tpu.memory_space<vmem>>
          %dma_start3A_691 = tpu.memref_squeeze %dma_start3A_690 : memref<1x2x5x64xi32, #tpu.memory_space<vmem>> -> memref<2x5x64xi32, #tpu.memory_space<vmem>>
          %dma_start3A_692 = arith.constant 0 : i32
          %dma_start3A_693 = arith.constant 0 : i32
          %dma_start3A_694 = arith.constant 0 : i32
          %dma_start3A_695 = tpu.memref_slice %arg2[%dma_start3A_692, %add3A_685, %dma_start3A_693, %dma_start3A_694] : memref<2x1024x5x64xi32, #tpu.memory_space<hbm>> -> memref<2x1x5x64xi32, #tpu.memory_space<hbm>>
          %dma_start3A_696 = tpu.memref_squeeze %dma_start3A_695 : memref<2x1x5x64xi32, #tpu.memory_space<hbm>> -> memref<2x5x64xi32, #tpu.memory_space<hbm>>
          %dma_start3A_697 = arith.constant 0 : i32
          %dma_start3A_698 = arith.constant 0 : i32
          %dma_start3A_699 = arith.constant 0 : i32
          %dma_start3A_700 = tpu.memref_slice %arg5[%dma_start3A_686, %dma_start3A_697, %dma_start3A_698, %dma_start3A_699] : memref<2x2x5x64xi32, #tpu.memory_space<vmem>> -> memref<1x2x5x64xi32, #tpu.memory_space<vmem>>
          %dma_start3A_701 = tpu.memref_squeeze %dma_start3A_700 : memref<1x2x5x64xi32, #tpu.memory_space<vmem>> -> memref<2x5x64xi32, #tpu.memory_space<vmem>>
          %dma_start3A_702 = arith.constant 0 : i32
          %dma_start3A_703 = arith.constant 0 : i32
          %dma_start3A_704 = arith.constant 0 : i32
          %dma_start3A_705 = tpu.memref_slice %arg2[%dma_start3A_702, %add3A_685, %dma_start3A_703, %dma_start3A_704] : memref<2x1024x5x64xi32, #tpu.memory_space<hbm>> -> memref<2x1x5x64xi32, #tpu.memory_space<hbm>>
          %dma_start3A_706 = tpu.memref_squeeze %dma_start3A_705 : memref<2x1x5x64xi32, #tpu.memory_space<hbm>> -> memref<2x5x64xi32, #tpu.memory_space<hbm>>
          tpu.enqueue_dma source(%dma_start3A_706 : memref<2x5x64xi32, #tpu.memory_space<hbm>>) target(%dma_start3A_701 : memref<2x5x64xi32, #tpu.memory_space<vmem>>) target_semaphore(%arg10 : memref<!tpu.dma_semaphore, #tpu.memory_space<semaphore_mem>>)
        } else {
        }
        %dma_start3A_396 = arith.constant 1 : i32
        %dma_start3A_397 = arith.constant 0 : i32
        %dma_start3A_398 = arith.constant 0 : i32
        %dma_start3A_399 = arith.constant 0 : i32
        %dma_start3A_400 = arith.constant 0 : i32
        %dma_start3A_401 = arith.constant 0 : i32
        %dma_start3A_402 = tpu.memref_slice %arg6[%dma_start3A_399, %dma_start3A_400, %dma_start3A_401] : memref<5x64x128xf32, #tpu.memory_space<vmem>> -> memref<1x64x128xf32, #tpu.memory_space<vmem>>
        %dma_start3A_403 = tpu.memref_squeeze %dma_start3A_402 : memref<1x64x128xf32, #tpu.memory_space<vmem>> -> memref<64x128xf32, #tpu.memory_space<vmem>>
        %dma_start3A_404 = arith.constant 0 : i32
        %dma_start3A_405 = tpu.memref_slice %arg5[%dma_start3A_396, %dma_start3A_397, %dma_start3A_398, %dma_start3A_404] : memref<2x2x5x64xi32, #tpu.memory_space<vmem>> -> memref<1x1x1x64xi32, #tpu.memory_space<vmem>>
        %dma_start3A_406 = tpu.memref_squeeze %dma_start3A_405 : memref<1x1x1x64xi32, #tpu.memory_space<vmem>> -> memref<64xi32, #tpu.memory_space<vmem>>
        %dma_start3A_407 = arith.constant 0 : i32
        %dma_start3A_408 = arith.constant 0 : i32
        %dma_start3A_409 = tpu.memref_slice %arg3[%dma_start3A_407, %dma_start3A_408] : memref<10240x128xf32, #tpu.memory_space<hbm>> -> memref<10240x128xf32, #tpu.memory_space<hbm>>
        tpu.enqueue_indirect_dma source(%dma_start3A_409 : memref<10240x128xf32, #tpu.memory_space<hbm>>) target(%dma_start3A_403 : memref<64x128xf32, #tpu.memory_space<vmem>>) offsets(%dma_start3A_406 : memref<64xi32, #tpu.memory_space<vmem>>) semaphore(%arg8 : memref<!tpu.dma_semaphore, #tpu.memory_space<semaphore_mem>>)
        %dma_start3A_410 = arith.constant 1 : i32
        %dma_start3A_411 = arith.constant 0 : i32
        %dma_start3A_412 = arith.constant 1 : i32
        %dma_start3A_413 = arith.constant 1 : i32
        %dma_start3A_414 = arith.constant 0 : i32
        %dma_start3A_415 = arith.constant 0 : i32
        %dma_start3A_416 = tpu.memref_slice %arg6[%dma_start3A_413, %dma_start3A_414, %dma_start3A_415] : memref<5x64x128xf32, #tpu.memory_space<vmem>> -> memref<1x64x128xf32, #tpu.memory_space<vmem>>
        %dma_start3A_417 = tpu.memref_squeeze %dma_start3A_416 : memref<1x64x128xf32, #tpu.memory_space<vmem>> -> memref<64x128xf32, #tpu.memory_space<vmem>>
        %dma_start3A_418 = arith.constant 0 : i32
        %dma_start3A_419 = tpu.memref_slice %arg5[%dma_start3A_410, %dma_start3A_411, %dma_start3A_412, %dma_start3A_418] : memref<2x2x5x64xi32, #tpu.memory_space<vmem>> -> memref<1x1x1x64xi32, #tpu.memory_space<vmem>>
        %dma_start3A_420 = tpu.memref_squeeze %dma_start3A_419 : memref<1x1x1x64xi32, #tpu.memory_space<vmem>> -> memref<64xi32, #tpu.memory_space<vmem>>
        %dma_start3A_421 = arith.constant 0 : i32
        %dma_start3A_422 = arith.constant 0 : i32
        %dma_start3A_423 = tpu.memref_slice %arg3[%dma_start3A_421, %dma_start3A_422] : memref<10240x128xf32, #tpu.memory_space<hbm>> -> memref<10240x128xf32, #tpu.memory_space<hbm>>
        tpu.enqueue_indirect_dma source(%dma_start3A_423 : memref<10240x128xf32, #tpu.memory_space<hbm>>) target(%dma_start3A_417 : memref<64x128xf32, #tpu.memory_space<vmem>>) offsets(%dma_start3A_420 : memref<64xi32, #tpu.memory_space<vmem>>) semaphore(%arg8 : memref<!tpu.dma_semaphore, #tpu.memory_space<semaphore_mem>>)
        %dma_start3A_424 = arith.constant 1 : i32
        %dma_start3A_425 = arith.constant 0 : i32
        %dma_start3A_426 = arith.constant 2 : i32
        %dma_start3A_427 = arith.constant 2 : i32
        %dma_start3A_428 = arith.constant 0 : i32
        %dma_start3A_429 = arith.constant 0 : i32
        %dma_start3A_430 = tpu.memref_slice %arg6[%dma_start3A_427, %dma_start3A_428, %dma_start3A_429] : memref<5x64x128xf32, #tpu.memory_space<vmem>> -> memref<1x64x128xf32, #tpu.memory_space<vmem>>
        %dma_start3A_431 = tpu.memref_squeeze %dma_start3A_430 : memref<1x64x128xf32, #tpu.memory_space<vmem>> -> memref<64x128xf32, #tpu.memory_space<vmem>>
        %dma_start3A_432 = arith.constant 0 : i32
        %dma_start3A_433 = tpu.memref_slice %arg5[%dma_start3A_424, %dma_start3A_425, %dma_start3A_426, %dma_start3A_432] : memref<2x2x5x64xi32, #tpu.memory_space<vmem>> -> memref<1x1x1x64xi32, #tpu.memory_space<vmem>>
        %dma_start3A_434 = tpu.memref_squeeze %dma_start3A_433 : memref<1x1x1x64xi32, #tpu.memory_space<vmem>> -> memref<64xi32, #tpu.memory_space<vmem>>
        %dma_start3A_435 = arith.constant 0 : i32
        %dma_start3A_436 = arith.constant 0 : i32
        %dma_start3A_437 = tpu.memref_slice %arg3[%dma_start3A_435, %dma_start3A_436] : memref<10240x128xf32, #tpu.memory_space<hbm>> -> memref<10240x128xf32, #tpu.memory_space<hbm>>
        tpu.enqueue_indirect_dma source(%dma_start3A_437 : memref<10240x128xf32, #tpu.memory_space<hbm>>) target(%dma_start3A_431 : memref<64x128xf32, #tpu.memory_space<vmem>>) offsets(%dma_start3A_434 : memref<64xi32, #tpu.memory_space<vmem>>) semaphore(%arg8 : memref<!tpu.dma_semaphore, #tpu.memory_space<semaphore_mem>>)
        %dma_start3A_438 = arith.constant 1 : i32
        %dma_start3A_439 = arith.constant 0 : i32
        %dma_start3A_440 = arith.constant 3 : i32
        %dma_start3A_441 = arith.constant 3 : i32
        %dma_start3A_442 = arith.constant 0 : i32
        %dma_start3A_443 = arith.constant 0 : i32
        %dma_start3A_444 = tpu.memref_slice %arg6[%dma_start3A_441, %dma_start3A_442, %dma_start3A_443] : memref<5x64x128xf32, #tpu.memory_space<vmem>> -> memref<1x64x128xf32, #tpu.memory_space<vmem>>
        %dma_start3A_445 = tpu.memref_squeeze %dma_start3A_444 : memref<1x64x128xf32, #tpu.memory_space<vmem>> -> memref<64x128xf32, #tpu.memory_space<vmem>>
        %dma_start3A_446 = arith.constant 0 : i32
        %dma_start3A_447 = tpu.memref_slice %arg5[%dma_start3A_438, %dma_start3A_439, %dma_start3A_440, %dma_start3A_446] : memref<2x2x5x64xi32, #tpu.memory_space<vmem>> -> memref<1x1x1x64xi32, #tpu.memory_space<vmem>>
        %dma_start3A_448 = tpu.memref_squeeze %dma_start3A_447 : memref<1x1x1x64xi32, #tpu.memory_space<vmem>> -> memref<64xi32, #tpu.memory_space<vmem>>
        %dma_start3A_449 = arith.constant 0 : i32
        %dma_start3A_450 = arith.constant 0 : i32
        %dma_start3A_451 = tpu.memref_slice %arg3[%dma_start3A_449, %dma_start3A_450] : memref<10240x128xf32, #tpu.memory_space<hbm>> -> memref<10240x128xf32, #tpu.memory_space<hbm>>
        tpu.enqueue_indirect_dma source(%dma_start3A_451 : memref<10240x128xf32, #tpu.memory_space<hbm>>) target(%dma_start3A_445 : memref<64x128xf32, #tpu.memory_space<vmem>>) offsets(%dma_start3A_448 : memref<64xi32, #tpu.memory_space<vmem>>) semaphore(%arg8 : memref<!tpu.dma_semaphore, #tpu.memory_space<semaphore_mem>>)
        %dma_start3A_452 = arith.constant 1 : i32
        %dma_start3A_453 = arith.constant 0 : i32
        %dma_start3A_454 = arith.constant 4 : i32
        %dma_start3A_455 = arith.constant 4 : i32
        %dma_start3A_456 = arith.constant 0 : i32
        %dma_start3A_457 = arith.constant 0 : i32
        %dma_start3A_458 = tpu.memref_slice %arg6[%dma_start3A_455, %dma_start3A_456, %dma_start3A_457] : memref<5x64x128xf32, #tpu.memory_space<vmem>> -> memref<1x64x128xf32, #tpu.memory_space<vmem>>
        %dma_start3A_459 = tpu.memref_squeeze %dma_start3A_458 : memref<1x64x128xf32, #tpu.memory_space<vmem>> -> memref<64x128xf32, #tpu.memory_space<vmem>>
        %dma_start3A_460 = arith.constant 0 : i32
        %dma_start3A_461 = tpu.memref_slice %arg5[%dma_start3A_452, %dma_start3A_453, %dma_start3A_454, %dma_start3A_460] : memref<2x2x5x64xi32, #tpu.memory_space<vmem>> -> memref<1x1x1x64xi32, #tpu.memory_space<vmem>>
        %dma_start3A_462 = tpu.memref_squeeze %dma_start3A_461 : memref<1x1x1x64xi32, #tpu.memory_space<vmem>> -> memref<64xi32, #tpu.memory_space<vmem>>
        %dma_start3A_463 = arith.constant 0 : i32
        %dma_start3A_464 = arith.constant 0 : i32
        %dma_start3A_465 = tpu.memref_slice %arg3[%dma_start3A_463, %dma_start3A_464] : memref<10240x128xf32, #tpu.memory_space<hbm>> -> memref<10240x128xf32, #tpu.memory_space<hbm>>
        tpu.enqueue_indirect_dma source(%dma_start3A_465 : memref<10240x128xf32, #tpu.memory_space<hbm>>) target(%dma_start3A_459 : memref<64x128xf32, #tpu.memory_space<vmem>>) offsets(%dma_start3A_462 : memref<64xi32, #tpu.memory_space<vmem>>) semaphore(%arg8 : memref<!tpu.dma_semaphore, #tpu.memory_space<semaphore_mem>>)
        %dma_wait3A_466 = arith.constant 1 : i32
        %dma_wait3A_467 = arith.constant 0 : i32
        %dma_wait3A_468 = arith.constant 0 : i32
        %dma_wait3A_469 = arith.constant 0 : i32
        %dma_wait3A_470 = arith.constant 0 : i32
        %dma_wait3A_471 = arith.constant 0 : i32
        %dma_wait3A_472 = tpu.memref_slice %arg6[%dma_wait3A_469, %dma_wait3A_470, %dma_wait3A_471] : memref<5x64x128xf32, #tpu.memory_space<vmem>> -> memref<1x64x128xf32, #tpu.memory_space<vmem>>
        %dma_wait3A_473 = tpu.memref_squeeze %dma_wait3A_472 : memref<1x64x128xf32, #tpu.memory_space<vmem>> -> memref<64x128xf32, #tpu.memory_space<vmem>>
        %dma_wait3A_474 = arith.constant 0 : i32
        %dma_wait3A_475 = tpu.memref_slice %arg5[%dma_wait3A_466, %dma_wait3A_467, %dma_wait3A_468, %dma_wait3A_474] : memref<2x2x5x64xi32, #tpu.memory_space<vmem>> -> memref<1x1x1x64xi32, #tpu.memory_space<vmem>>
        %dma_wait3A_476 = tpu.memref_squeeze %dma_wait3A_475 : memref<1x1x1x64xi32, #tpu.memory_space<vmem>> -> memref<64xi32, #tpu.memory_space<vmem>>
        %dma_wait3A_477 = arith.constant 0 : i32
        %dma_wait3A_478 = arith.constant 0 : i32
        %dma_wait3A_479 = tpu.memref_slice %arg3[%dma_wait3A_477, %dma_wait3A_478] : memref<10240x128xf32, #tpu.memory_space<hbm>> -> memref<10240x128xf32, #tpu.memory_space<hbm>>
        tpu.wait_indirect_dma semaphore(%arg8 : memref<!tpu.dma_semaphore, #tpu.memory_space<semaphore_mem>>) src(%dma_wait3A_479 : memref<10240x128xf32, #tpu.memory_space<hbm>>) dst(%dma_wait3A_473 : memref<64x128xf32, #tpu.memory_space<vmem>>)
        %dma_start3A_480 = arith.constant 0 : i32
        %dma_start3A_481 = arith.constant 1 : i32
        %dma_start3A_482 = arith.constant 1 : i32
        %dma_start3A_483 = arith.constant 0 : i32
        %dma_start3A_484 = arith.constant 0 : i32
        %dma_start3A_485 = arith.constant 0 : i32
        %dma_start3A_486 = tpu.memref_slice %arg6[%dma_start3A_480, %dma_start3A_484, %dma_start3A_485] : memref<5x64x128xf32, #tpu.memory_space<vmem>> -> memref<1x64x128xf32, #tpu.memory_space<vmem>>
        %dma_start3A_487 = tpu.memref_squeeze %dma_start3A_486 : memref<1x64x128xf32, #tpu.memory_space<vmem>> -> memref<64x128xf32, #tpu.memory_space<vmem>>
        %dma_start3A_488 = arith.constant 0 : i32
        %dma_start3A_489 = tpu.memref_slice %arg5[%dma_start3A_481, %dma_start3A_482, %dma_start3A_483, %dma_start3A_488] : memref<2x2x5x64xi32, #tpu.memory_space<vmem>> -> memref<1x1x1x64xi32, #tpu.memory_space<vmem>>
        %dma_start3A_490 = tpu.memref_squeeze %dma_start3A_489 : memref<1x1x1x64xi32, #tpu.memory_space<vmem>> -> memref<64xi32, #tpu.memory_space<vmem>>
        %dma_start3A_491 = arith.constant 0 : i32
        %dma_start3A_492 = arith.constant 0 : i32
        %dma_start3A_493 = tpu.memref_slice %arg7[%dma_start3A_491, %dma_start3A_492] : memref<10240x128xf32, #tpu.memory_space<vmem_shared>> -> memref<10240x128xf32, #tpu.memory_space<vmem_shared>>
        tpu.enqueue_indirect_dma source(%dma_start3A_487 : memref<64x128xf32, #tpu.memory_space<vmem>>) target(%dma_start3A_493 : memref<10240x128xf32, #tpu.memory_space<vmem_shared>>) offsets(%dma_start3A_490 : memref<64xi32, #tpu.memory_space<vmem>>) semaphore(%arg9 : memref<!tpu.dma_semaphore, #tpu.memory_space<semaphore_mem>>) {add = true}
        %dma_wait3A_494 = arith.constant 1 : i32
        %dma_wait3A_495 = arith.constant 0 : i32
        %dma_wait3A_496 = arith.constant 1 : i32
        %dma_wait3A_497 = arith.constant 1 : i32
        %dma_wait3A_498 = arith.constant 0 : i32
        %dma_wait3A_499 = arith.constant 0 : i32
        %dma_wait3A_500 = tpu.memref_slice %arg6[%dma_wait3A_497, %dma_wait3A_498, %dma_wait3A_499] : memref<5x64x128xf32, #tpu.memory_space<vmem>> -> memref<1x64x128xf32, #tpu.memory_space<vmem>>
        %dma_wait3A_501 = tpu.memref_squeeze %dma_wait3A_500 : memref<1x64x128xf32, #tpu.memory_space<vmem>> -> memref<64x128xf32, #tpu.memory_space<vmem>>
        %dma_wait3A_502 = arith.constant 0 : i32
        %dma_wait3A_503 = tpu.memref_slice %arg5[%dma_wait3A_494, %dma_wait3A_495, %dma_wait3A_496, %dma_wait3A_502] : memref<2x2x5x64xi32, #tpu.memory_space<vmem>> -> memref<1x1x1x64xi32, #tpu.memory_space<vmem>>
        %dma_wait3A_504 = tpu.memref_squeeze %dma_wait3A_503 : memref<1x1x1x64xi32, #tpu.memory_space<vmem>> -> memref<64xi32, #tpu.memory_space<vmem>>
        %dma_wait3A_505 = arith.constant 0 : i32
        %dma_wait3A_506 = arith.constant 0 : i32
        %dma_wait3A_507 = tpu.memref_slice %arg3[%dma_wait3A_505, %dma_wait3A_506] : memref<10240x128xf32, #tpu.memory_space<hbm>> -> memref<10240x128xf32, #tpu.memory_space<hbm>>
        tpu.wait_indirect_dma semaphore(%arg8 : memref<!tpu.dma_semaphore, #tpu.memory_space<semaphore_mem>>) src(%dma_wait3A_507 : memref<10240x128xf32, #tpu.memory_space<hbm>>) dst(%dma_wait3A_501 : memref<64x128xf32, #tpu.memory_space<vmem>>)
        %dma_start3A_508 = arith.constant 1 : i32
        %dma_start3A_509 = arith.constant 1 : i32
        %dma_start3A_510 = arith.constant 1 : i32
        %dma_start3A_511 = arith.constant 1 : i32
        %dma_start3A_512 = arith.constant 0 : i32
        %dma_start3A_513 = arith.constant 0 : i32
        %dma_start3A_514 = tpu.memref_slice %arg6[%dma_start3A_508, %dma_start3A_512, %dma_start3A_513] : memref<5x64x128xf32, #tpu.memory_space<vmem>> -> memref<1x64x128xf32, #tpu.memory_space<vmem>>
        %dma_start3A_515 = tpu.memref_squeeze %dma_start3A_514 : memref<1x64x128xf32, #tpu.memory_space<vmem>> -> memref<64x128xf32, #tpu.memory_space<vmem>>
        %dma_start3A_516 = arith.constant 0 : i32
        %dma_start3A_517 = tpu.memref_slice %arg5[%dma_start3A_509, %dma_start3A_510, %dma_start3A_511, %dma_start3A_516] : memref<2x2x5x64xi32, #tpu.memory_space<vmem>> -> memref<1x1x1x64xi32, #tpu.memory_space<vmem>>
        %dma_start3A_518 = tpu.memref_squeeze %dma_start3A_517 : memref<1x1x1x64xi32, #tpu.memory_space<vmem>> -> memref<64xi32, #tpu.memory_space<vmem>>
        %dma_start3A_519 = arith.constant 0 : i32
        %dma_start3A_520 = arith.constant 0 : i32
        %dma_start3A_521 = tpu.memref_slice %arg7[%dma_start3A_519, %dma_start3A_520] : memref<10240x128xf32, #tpu.memory_space<vmem_shared>> -> memref<10240x128xf32, #tpu.memory_space<vmem_shared>>
        tpu.enqueue_indirect_dma source(%dma_start3A_515 : memref<64x128xf32, #tpu.memory_space<vmem>>) target(%dma_start3A_521 : memref<10240x128xf32, #tpu.memory_space<vmem_shared>>) offsets(%dma_start3A_518 : memref<64xi32, #tpu.memory_space<vmem>>) semaphore(%arg9 : memref<!tpu.dma_semaphore, #tpu.memory_space<semaphore_mem>>) {add = true}
        %dma_wait3A_522 = arith.constant 1 : i32
        %dma_wait3A_523 = arith.constant 0 : i32
        %dma_wait3A_524 = arith.constant 2 : i32
        %dma_wait3A_525 = arith.constant 2 : i32
        %dma_wait3A_526 = arith.constant 0 : i32
        %dma_wait3A_527 = arith.constant 0 : i32
        %dma_wait3A_528 = tpu.memref_slice %arg6[%dma_wait3A_525, %dma_wait3A_526, %dma_wait3A_527] : memref<5x64x128xf32, #tpu.memory_space<vmem>> -> memref<1x64x128xf32, #tpu.memory_space<vmem>>
        %dma_wait3A_529 = tpu.memref_squeeze %dma_wait3A_528 : memref<1x64x128xf32, #tpu.memory_space<vmem>> -> memref<64x128xf32, #tpu.memory_space<vmem>>
        %dma_wait3A_530 = arith.constant 0 : i32
        %dma_wait3A_531 = tpu.memref_slice %arg5[%dma_wait3A_522, %dma_wait3A_523, %dma_wait3A_524, %dma_wait3A_530] : memref<2x2x5x64xi32, #tpu.memory_space<vmem>> -> memref<1x1x1x64xi32, #tpu.memory_space<vmem>>
        %dma_wait3A_532 = tpu.memref_squeeze %dma_wait3A_531 : memref<1x1x1x64xi32, #tpu.memory_space<vmem>> -> memref<64xi32, #tpu.memory_space<vmem>>
        %dma_wait3A_533 = arith.constant 0 : i32
        %dma_wait3A_534 = arith.constant 0 : i32
        %dma_wait3A_535 = tpu.memref_slice %arg3[%dma_wait3A_533, %dma_wait3A_534] : memref<10240x128xf32, #tpu.memory_space<hbm>> -> memref<10240x128xf32, #tpu.memory_space<hbm>>
        tpu.wait_indirect_dma semaphore(%arg8 : memref<!tpu.dma_semaphore, #tpu.memory_space<semaphore_mem>>) src(%dma_wait3A_535 : memref<10240x128xf32, #tpu.memory_space<hbm>>) dst(%dma_wait3A_529 : memref<64x128xf32, #tpu.memory_space<vmem>>)
        %dma_start3A_536 = arith.constant 2 : i32
        %dma_start3A_537 = arith.constant 1 : i32
        %dma_start3A_538 = arith.constant 1 : i32
        %dma_start3A_539 = arith.constant 2 : i32
        %dma_start3A_540 = arith.constant 0 : i32
        %dma_start3A_541 = arith.constant 0 : i32
        %dma_start3A_542 = tpu.memref_slice %arg6[%dma_start3A_536, %dma_start3A_540, %dma_start3A_541] : memref<5x64x128xf32, #tpu.memory_space<vmem>> -> memref<1x64x128xf32, #tpu.memory_space<vmem>>
        %dma_start3A_543 = tpu.memref_squeeze %dma_start3A_542 : memref<1x64x128xf32, #tpu.memory_space<vmem>> -> memref<64x128xf32, #tpu.memory_space<vmem>>
        %dma_start3A_544 = arith.constant 0 : i32
        %dma_start3A_545 = tpu.memref_slice %arg5[%dma_start3A_537, %dma_start3A_538, %dma_start3A_539, %dma_start3A_544] : memref<2x2x5x64xi32, #tpu.memory_space<vmem>> -> memref<1x1x1x64xi32, #tpu.memory_space<vmem>>
        %dma_start3A_546 = tpu.memref_squeeze %dma_start3A_545 : memref<1x1x1x64xi32, #tpu.memory_space<vmem>> -> memref<64xi32, #tpu.memory_space<vmem>>
        %dma_start3A_547 = arith.constant 0 : i32
        %dma_start3A_548 = arith.constant 0 : i32
        %dma_start3A_549 = tpu.memref_slice %arg7[%dma_start3A_547, %dma_start3A_548] : memref<10240x128xf32, #tpu.memory_space<vmem_shared>> -> memref<10240x128xf32, #tpu.memory_space<vmem_shared>>
        tpu.enqueue_indirect_dma source(%dma_start3A_543 : memref<64x128xf32, #tpu.memory_space<vmem>>) target(%dma_start3A_549 : memref<10240x128xf32, #tpu.memory_space<vmem_shared>>) offsets(%dma_start3A_546 : memref<64xi32, #tpu.memory_space<vmem>>) semaphore(%arg9 : memref<!tpu.dma_semaphore, #tpu.memory_space<semaphore_mem>>) {add = true}
        %dma_wait3A_550 = arith.constant 1 : i32
        %dma_wait3A_551 = arith.constant 0 : i32
        %dma_wait3A_552 = arith.constant 3 : i32
        %dma_wait3A_553 = arith.constant 3 : i32
        %dma_wait3A_554 = arith.constant 0 : i32
        %dma_wait3A_555 = arith.constant 0 : i32
        %dma_wait3A_556 = tpu.memref_slice %arg6[%dma_wait3A_553, %dma_wait3A_554, %dma_wait3A_555] : memref<5x64x128xf32, #tpu.memory_space<vmem>> -> memref<1x64x128xf32, #tpu.memory_space<vmem>>
        %dma_wait3A_557 = tpu.memref_squeeze %dma_wait3A_556 : memref<1x64x128xf32, #tpu.memory_space<vmem>> -> memref<64x128xf32, #tpu.memory_space<vmem>>
        %dma_wait3A_558 = arith.constant 0 : i32
        %dma_wait3A_559 = tpu.memref_slice %arg5[%dma_wait3A_550, %dma_wait3A_551, %dma_wait3A_552, %dma_wait3A_558] : memref<2x2x5x64xi32, #tpu.memory_space<vmem>> -> memref<1x1x1x64xi32, #tpu.memory_space<vmem>>
        %dma_wait3A_560 = tpu.memref_squeeze %dma_wait3A_559 : memref<1x1x1x64xi32, #tpu.memory_space<vmem>> -> memref<64xi32, #tpu.memory_space<vmem>>
        %dma_wait3A_561 = arith.constant 0 : i32
        %dma_wait3A_562 = arith.constant 0 : i32
        %dma_wait3A_563 = tpu.memref_slice %arg3[%dma_wait3A_561, %dma_wait3A_562] : memref<10240x128xf32, #tpu.memory_space<hbm>> -> memref<10240x128xf32, #tpu.memory_space<hbm>>
        tpu.wait_indirect_dma semaphore(%arg8 : memref<!tpu.dma_semaphore, #tpu.memory_space<semaphore_mem>>) src(%dma_wait3A_563 : memref<10240x128xf32, #tpu.memory_space<hbm>>) dst(%dma_wait3A_557 : memref<64x128xf32, #tpu.memory_space<vmem>>)
        %dma_start3A_564 = arith.constant 3 : i32
        %dma_start3A_565 = arith.constant 1 : i32
        %dma_start3A_566 = arith.constant 1 : i32
        %dma_start3A_567 = arith.constant 3 : i32
        %dma_start3A_568 = arith.constant 0 : i32
        %dma_start3A_569 = arith.constant 0 : i32
        %dma_start3A_570 = tpu.memref_slice %arg6[%dma_start3A_564, %dma_start3A_568, %dma_start3A_569] : memref<5x64x128xf32, #tpu.memory_space<vmem>> -> memref<1x64x128xf32, #tpu.memory_space<vmem>>
        %dma_start3A_571 = tpu.memref_squeeze %dma_start3A_570 : memref<1x64x128xf32, #tpu.memory_space<vmem>> -> memref<64x128xf32, #tpu.memory_space<vmem>>
        %dma_start3A_572 = arith.constant 0 : i32
        %dma_start3A_573 = tpu.memref_slice %arg5[%dma_start3A_565, %dma_start3A_566, %dma_start3A_567, %dma_start3A_572] : memref<2x2x5x64xi32, #tpu.memory_space<vmem>> -> memref<1x1x1x64xi32, #tpu.memory_space<vmem>>
        %dma_start3A_574 = tpu.memref_squeeze %dma_start3A_573 : memref<1x1x1x64xi32, #tpu.memory_space<vmem>> -> memref<64xi32, #tpu.memory_space<vmem>>
        %dma_start3A_575 = arith.constant 0 : i32
        %dma_start3A_576 = arith.constant 0 : i32
        %dma_start3A_577 = tpu.memref_slice %arg7[%dma_start3A_575, %dma_start3A_576] : memref<10240x128xf32, #tpu.memory_space<vmem_shared>> -> memref<10240x128xf32, #tpu.memory_space<vmem_shared>>
        tpu.enqueue_indirect_dma source(%dma_start3A_571 : memref<64x128xf32, #tpu.memory_space<vmem>>) target(%dma_start3A_577 : memref<10240x128xf32, #tpu.memory_space<vmem_shared>>) offsets(%dma_start3A_574 : memref<64xi32, #tpu.memory_space<vmem>>) semaphore(%arg9 : memref<!tpu.dma_semaphore, #tpu.memory_space<semaphore_mem>>) {add = true}
        %dma_wait3A_578 = arith.constant 1 : i32
        %dma_wait3A_579 = arith.constant 0 : i32
        %dma_wait3A_580 = arith.constant 4 : i32
        %dma_wait3A_581 = arith.constant 4 : i32
        %dma_wait3A_582 = arith.constant 0 : i32
        %dma_wait3A_583 = arith.constant 0 : i32
        %dma_wait3A_584 = tpu.memref_slice %arg6[%dma_wait3A_581, %dma_wait3A_582, %dma_wait3A_583] : memref<5x64x128xf32, #tpu.memory_space<vmem>> -> memref<1x64x128xf32, #tpu.memory_space<vmem>>
        %dma_wait3A_585 = tpu.memref_squeeze %dma_wait3A_584 : memref<1x64x128xf32, #tpu.memory_space<vmem>> -> memref<64x128xf32, #tpu.memory_space<vmem>>
        %dma_wait3A_586 = arith.constant 0 : i32
        %dma_wait3A_587 = tpu.memref_slice %arg5[%dma_wait3A_578, %dma_wait3A_579, %dma_wait3A_580, %dma_wait3A_586] : memref<2x2x5x64xi32, #tpu.memory_space<vmem>> -> memref<1x1x1x64xi32, #tpu.memory_space<vmem>>
        %dma_wait3A_588 = tpu.memref_squeeze %dma_wait3A_587 : memref<1x1x1x64xi32, #tpu.memory_space<vmem>> -> memref<64xi32, #tpu.memory_space<vmem>>
        %dma_wait3A_589 = arith.constant 0 : i32
        %dma_wait3A_590 = arith.constant 0 : i32
        %dma_wait3A_591 = tpu.memref_slice %arg3[%dma_wait3A_589, %dma_wait3A_590] : memref<10240x128xf32, #tpu.memory_space<hbm>> -> memref<10240x128xf32, #tpu.memory_space<hbm>>
        tpu.wait_indirect_dma semaphore(%arg8 : memref<!tpu.dma_semaphore, #tpu.memory_space<semaphore_mem>>) src(%dma_wait3A_591 : memref<10240x128xf32, #tpu.memory_space<hbm>>) dst(%dma_wait3A_585 : memref<64x128xf32, #tpu.memory_space<vmem>>)
        %dma_start3A_592 = arith.constant 4 : i32
        %dma_start3A_593 = arith.constant 1 : i32
        %dma_start3A_594 = arith.constant 1 : i32
        %dma_start3A_595 = arith.constant 4 : i32
        %dma_start3A_596 = arith.constant 0 : i32
        %dma_start3A_597 = arith.constant 0 : i32
        %dma_start3A_598 = tpu.memref_slice %arg6[%dma_start3A_592, %dma_start3A_596, %dma_start3A_597] : memref<5x64x128xf32, #tpu.memory_space<vmem>> -> memref<1x64x128xf32, #tpu.memory_space<vmem>>
        %dma_start3A_599 = tpu.memref_squeeze %dma_start3A_598 : memref<1x64x128xf32, #tpu.memory_space<vmem>> -> memref<64x128xf32, #tpu.memory_space<vmem>>
        %dma_start3A_600 = arith.constant 0 : i32
        %dma_start3A_601 = tpu.memref_slice %arg5[%dma_start3A_593, %dma_start3A_594, %dma_start3A_595, %dma_start3A_600] : memref<2x2x5x64xi32, #tpu.memory_space<vmem>> -> memref<1x1x1x64xi32, #tpu.memory_space<vmem>>
        %dma_start3A_602 = tpu.memref_squeeze %dma_start3A_601 : memref<1x1x1x64xi32, #tpu.memory_space<vmem>> -> memref<64xi32, #tpu.memory_space<vmem>>
        %dma_start3A_603 = arith.constant 0 : i32
        %dma_start3A_604 = arith.constant 0 : i32
        %dma_start3A_605 = tpu.memref_slice %arg7[%dma_start3A_603, %dma_start3A_604] : memref<10240x128xf32, #tpu.memory_space<vmem_shared>> -> memref<10240x128xf32, #tpu.memory_space<vmem_shared>>
        tpu.enqueue_indirect_dma source(%dma_start3A_599 : memref<64x128xf32, #tpu.memory_space<vmem>>) target(%dma_start3A_605 : memref<10240x128xf32, #tpu.memory_space<vmem_shared>>) offsets(%dma_start3A_602 : memref<64xi32, #tpu.memory_space<vmem>>) semaphore(%arg9 : memref<!tpu.dma_semaphore, #tpu.memory_space<semaphore_mem>>) {add = true}
        %dma_wait3A_606 = arith.constant 0 : i32
        %dma_wait3A_607 = arith.constant 1 : i32
        %dma_wait3A_608 = arith.constant 1 : i32
        %dma_wait3A_609 = arith.constant 0 : i32
        %dma_wait3A_610 = arith.constant 0 : i32
        %dma_wait3A_611 = arith.constant 0 : i32
        %dma_wait3A_612 = tpu.memref_slice %arg6[%dma_wait3A_606, %dma_wait3A_610, %dma_wait3A_611] : memref<5x64x128xf32, #tpu.memory_space<vmem>> -> memref<1x64x128xf32, #tpu.memory_space<vmem>>
        %dma_wait3A_613 = tpu.memref_squeeze %dma_wait3A_612 : memref<1x64x128xf32, #tpu.memory_space<vmem>> -> memref<64x128xf32, #tpu.memory_space<vmem>>
        %dma_wait3A_614 = arith.constant 0 : i32
        %dma_wait3A_615 = tpu.memref_slice %arg5[%dma_wait3A_607, %dma_wait3A_608, %dma_wait3A_609, %dma_wait3A_614] : memref<2x2x5x64xi32, #tpu.memory_space<vmem>> -> memref<1x1x1x64xi32, #tpu.memory_space<vmem>>
        %dma_wait3A_616 = tpu.memref_squeeze %dma_wait3A_615 : memref<1x1x1x64xi32, #tpu.memory_space<vmem>> -> memref<64xi32, #tpu.memory_space<vmem>>
        %dma_wait3A_617 = arith.constant 0 : i32
        %dma_wait3A_618 = arith.constant 0 : i32
        %dma_wait3A_619 = tpu.memref_slice %arg7[%dma_wait3A_617, %dma_wait3A_618] : memref<10240x128xf32, #tpu.memory_space<vmem_shared>> -> memref<10240x128xf32, #tpu.memory_space<vmem_shared>>
        tpu.wait_indirect_dma semaphore(%arg9 : memref<!tpu.dma_semaphore, #tpu.memory_space<semaphore_mem>>) src(%dma_wait3A_613 : memref<64x128xf32, #tpu.memory_space<vmem>>) dst(%dma_wait3A_619 : memref<10240x128xf32, #tpu.memory_space<vmem_shared>>)
        %dma_wait3A_620 = arith.constant 1 : i32
        %dma_wait3A_621 = arith.constant 1 : i32
        %dma_wait3A_622 = arith.constant 1 : i32
        %dma_wait3A_623 = arith.constant 1 : i32
        %dma_wait3A_624 = arith.constant 0 : i32
        %dma_wait3A_625 = arith.constant 0 : i32
        %dma_wait3A_626 = tpu.memref_slice %arg6[%dma_wait3A_620, %dma_wait3A_624, %dma_wait3A_625] : memref<5x64x128xf32, #tpu.memory_space<vmem>> -> memref<1x64x128xf32, #tpu.memory_space<vmem>>
        %dma_wait3A_627 = tpu.memref_squeeze %dma_wait3A_626 : memref<1x64x128xf32, #tpu.memory_space<vmem>> -> memref<64x128xf32, #tpu.memory_space<vmem>>
        %dma_wait3A_628 = arith.constant 0 : i32
        %dma_wait3A_629 = tpu.memref_slice %arg5[%dma_wait3A_621, %dma_wait3A_622, %dma_wait3A_623, %dma_wait3A_628] : memref<2x2x5x64xi32, #tpu.memory_space<vmem>> -> memref<1x1x1x64xi32, #tpu.memory_space<vmem>>
        %dma_wait3A_630 = tpu.memref_squeeze %dma_wait3A_629 : memref<1x1x1x64xi32, #tpu.memory_space<vmem>> -> memref<64xi32, #tpu.memory_space<vmem>>
        %dma_wait3A_631 = arith.constant 0 : i32
        %dma_wait3A_632 = arith.constant 0 : i32
        %dma_wait3A_633 = tpu.memref_slice %arg7[%dma_wait3A_631, %dma_wait3A_632] : memref<10240x128xf32, #tpu.memory_space<vmem_shared>> -> memref<10240x128xf32, #tpu.memory_space<vmem_shared>>
        tpu.wait_indirect_dma semaphore(%arg9 : memref<!tpu.dma_semaphore, #tpu.memory_space<semaphore_mem>>) src(%dma_wait3A_627 : memref<64x128xf32, #tpu.memory_space<vmem>>) dst(%dma_wait3A_633 : memref<10240x128xf32, #tpu.memory_space<vmem_shared>>)
        %dma_wait3A_634 = arith.constant 2 : i32
        %dma_wait3A_635 = arith.constant 1 : i32
        %dma_wait3A_636 = arith.constant 1 : i32
        %dma_wait3A_637 = arith.constant 2 : i32
        %dma_wait3A_638 = arith.constant 0 : i32
        %dma_wait3A_639 = arith.constant 0 : i32
        %dma_wait3A_640 = tpu.memref_slice %arg6[%dma_wait3A_634, %dma_wait3A_638, %dma_wait3A_639] : memref<5x64x128xf32, #tpu.memory_space<vmem>> -> memref<1x64x128xf32, #tpu.memory_space<vmem>>
        %dma_wait3A_641 = tpu.memref_squeeze %dma_wait3A_640 : memref<1x64x128xf32, #tpu.memory_space<vmem>> -> memref<64x128xf32, #tpu.memory_space<vmem>>
        %dma_wait3A_642 = arith.constant 0 : i32
        %dma_wait3A_643 = tpu.memref_slice %arg5[%dma_wait3A_635, %dma_wait3A_636, %dma_wait3A_637, %dma_wait3A_642] : memref<2x2x5x64xi32, #tpu.memory_space<vmem>> -> memref<1x1x1x64xi32, #tpu.memory_space<vmem>>
        %dma_wait3A_644 = tpu.memref_squeeze %dma_wait3A_643 : memref<1x1x1x64xi32, #tpu.memory_space<vmem>> -> memref<64xi32, #tpu.memory_space<vmem>>
        %dma_wait3A_645 = arith.constant 0 : i32
        %dma_wait3A_646 = arith.constant 0 : i32
        %dma_wait3A_647 = tpu.memref_slice %arg7[%dma_wait3A_645, %dma_wait3A_646] : memref<10240x128xf32, #tpu.memory_space<vmem_shared>> -> memref<10240x128xf32, #tpu.memory_space<vmem_shared>>
        tpu.wait_indirect_dma semaphore(%arg9 : memref<!tpu.dma_semaphore, #tpu.memory_space<semaphore_mem>>) src(%dma_wait3A_641 : memref<64x128xf32, #tpu.memory_space<vmem>>) dst(%dma_wait3A_647 : memref<10240x128xf32, #tpu.memory_space<vmem_shared>>)
        %dma_wait3A_648 = arith.constant 3 : i32
        %dma_wait3A_649 = arith.constant 1 : i32
        %dma_wait3A_650 = arith.constant 1 : i32
        %dma_wait3A_651 = arith.constant 3 : i32
        %dma_wait3A_652 = arith.constant 0 : i32
        %dma_wait3A_653 = arith.constant 0 : i32
        %dma_wait3A_654 = tpu.memref_slice %arg6[%dma_wait3A_648, %dma_wait3A_652, %dma_wait3A_653] : memref<5x64x128xf32, #tpu.memory_space<vmem>> -> memref<1x64x128xf32, #tpu.memory_space<vmem>>
        %dma_wait3A_655 = tpu.memref_squeeze %dma_wait3A_654 : memref<1x64x128xf32, #tpu.memory_space<vmem>> -> memref<64x128xf32, #tpu.memory_space<vmem>>
        %dma_wait3A_656 = arith.constant 0 : i32
        %dma_wait3A_657 = tpu.memref_slice %arg5[%dma_wait3A_649, %dma_wait3A_650, %dma_wait3A_651, %dma_wait3A_656] : memref<2x2x5x64xi32, #tpu.memory_space<vmem>> -> memref<1x1x1x64xi32, #tpu.memory_space<vmem>>
        %dma_wait3A_658 = tpu.memref_squeeze %dma_wait3A_657 : memref<1x1x1x64xi32, #tpu.memory_space<vmem>> -> memref<64xi32, #tpu.memory_space<vmem>>
        %dma_wait3A_659 = arith.constant 0 : i32
        %dma_wait3A_660 = arith.constant 0 : i32
        %dma_wait3A_661 = tpu.memref_slice %arg7[%dma_wait3A_659, %dma_wait3A_660] : memref<10240x128xf32, #tpu.memory_space<vmem_shared>> -> memref<10240x128xf32, #tpu.memory_space<vmem_shared>>
        tpu.wait_indirect_dma semaphore(%arg9 : memref<!tpu.dma_semaphore, #tpu.memory_space<semaphore_mem>>) src(%dma_wait3A_655 : memref<64x128xf32, #tpu.memory_space<vmem>>) dst(%dma_wait3A_661 : memref<10240x128xf32, #tpu.memory_space<vmem_shared>>)
        %dma_wait3A_662 = arith.constant 4 : i32
        %dma_wait3A_663 = arith.constant 1 : i32
        %dma_wait3A_664 = arith.constant 1 : i32
        %dma_wait3A_665 = arith.constant 4 : i32
        %dma_wait3A_666 = arith.constant 0 : i32
        %dma_wait3A_667 = arith.constant 0 : i32
        %dma_wait3A_668 = tpu.memref_slice %arg6[%dma_wait3A_662, %dma_wait3A_666, %dma_wait3A_667] : memref<5x64x128xf32, #tpu.memory_space<vmem>> -> memref<1x64x128xf32, #tpu.memory_space<vmem>>
        %dma_wait3A_669 = tpu.memref_squeeze %dma_wait3A_668 : memref<1x64x128xf32, #tpu.memory_space<vmem>> -> memref<64x128xf32, #tpu.memory_space<vmem>>
        %dma_wait3A_670 = arith.constant 0 : i32
        %dma_wait3A_671 = tpu.memref_slice %arg5[%dma_wait3A_663, %dma_wait3A_664, %dma_wait3A_665, %dma_wait3A_670] : memref<2x2x5x64xi32, #tpu.memory_space<vmem>> -> memref<1x1x1x64xi32, #tpu.memory_space<vmem>>
        %dma_wait3A_672 = tpu.memref_squeeze %dma_wait3A_671 : memref<1x1x1x64xi32, #tpu.memory_space<vmem>> -> memref<64xi32, #tpu.memory_space<vmem>>
        %dma_wait3A_673 = arith.constant 0 : i32
        %dma_wait3A_674 = arith.constant 0 : i32
        %dma_wait3A_675 = tpu.memref_slice %arg7[%dma_wait3A_673, %dma_wait3A_674] : memref<10240x128xf32, #tpu.memory_space<vmem_shared>> -> memref<10240x128xf32, #tpu.memory_space<vmem_shared>>
        tpu.wait_indirect_dma semaphore(%arg9 : memref<!tpu.dma_semaphore, #tpu.memory_space<semaphore_mem>>) src(%dma_wait3A_669 : memref<64x128xf32, #tpu.memory_space<vmem>>) dst(%dma_wait3A_675 : memref<10240x128xf32, #tpu.memory_space<vmem_shared>>)
        %lt3A_676 = arith.constant 31 : i32
        %lt3A_677 = arith.cmpi slt, %scan3A_90, %lt3A_676 : i32
        %convert_element_type3A_678 = arith.extui %lt3A_677 : i1 to i32
        %cond3A_679 = arith.constant 0 : i32
        %cond3A_680 = arith.cmpi ne, %convert_element_type3A_678, %cond3A_679 : i32
        scf.if %cond3A_680 {
          %dma_wait3A_681 = arith.constant 0 : i32
          %dma_wait3A_682 = arith.constant 0 : i32
          %dma_wait3A_683 = arith.constant 0 : i32
          %dma_wait3A_684 = arith.constant 0 : i32
          %dma_wait3A_685 = arith.constant 0 : i32
          %dma_wait3A_686 = tpu.memref_slice %arg5[%dma_wait3A_682, %dma_wait3A_683, %dma_wait3A_684, %dma_wait3A_685] : memref<2x2x5x64xi32, #tpu.memory_space<vmem>> -> memref<1x2x5x64xi32, #tpu.memory_space<vmem>>
          %dma_wait3A_687 = tpu.memref_squeeze %dma_wait3A_686 : memref<1x2x5x64xi32, #tpu.memory_space<vmem>> -> memref<2x5x64xi32, #tpu.memory_space<vmem>>
          %dma_wait3A_688 = arith.constant 0 : i32
          %dma_wait3A_689 = arith.constant 0 : i32
          %dma_wait3A_690 = arith.constant 0 : i32
          %dma_wait3A_691 = tpu.memref_slice %arg2[%dma_wait3A_688, %dma_wait3A_681, %dma_wait3A_689, %dma_wait3A_690] : memref<2x1024x5x64xi32, #tpu.memory_space<hbm>> -> memref<2x1x5x64xi32, #tpu.memory_space<hbm>>
          %dma_wait3A_692 = tpu.memref_squeeze %dma_wait3A_691 : memref<2x1x5x64xi32, #tpu.memory_space<hbm>> -> memref<2x5x64xi32, #tpu.memory_space<hbm>>
          %dma_wait3A_693 = arith.constant 0 : i32
          %dma_wait3A_694 = arith.constant 0 : i32
          %dma_wait3A_695 = arith.constant 0 : i32
          %dma_wait3A_696 = tpu.memref_slice %arg5[%dma_wait3A_682, %dma_wait3A_693, %dma_wait3A_694, %dma_wait3A_695] : memref<2x2x5x64xi32, #tpu.memory_space<vmem>> -> memref<1x2x5x64xi32, #tpu.memory_space<vmem>>
          %dma_wait3A_697 = tpu.memref_squeeze %dma_wait3A_696 : memref<1x2x5x64xi32, #tpu.memory_space<vmem>> -> memref<2x5x64xi32, #tpu.memory_space<vmem>>
          %dma_wait3A_698 = arith.constant 0 : i32
          %dma_wait3A_699 = arith.constant 0 : i32
          %dma_wait3A_700 = arith.constant 0 : i32
          %dma_wait3A_701 = tpu.memref_slice %arg2[%dma_wait3A_698, %dma_wait3A_681, %dma_wait3A_699, %dma_wait3A_700] : memref<2x1024x5x64xi32, #tpu.memory_space<hbm>> -> memref<2x1x5x64xi32, #tpu.memory_space<hbm>>
          %dma_wait3A_702 = tpu.memref_squeeze %dma_wait3A_701 : memref<2x1x5x64xi32, #tpu.memory_space<hbm>> -> memref<2x5x64xi32, #tpu.memory_space<hbm>>
          tpu.wait_dma2 semaphore(%arg10 : memref<!tpu.dma_semaphore, #tpu.memory_space<semaphore_mem>>) src(%dma_wait3A_702 : memref<2x5x64xi32, #tpu.memory_space<hbm>>) dst(%dma_wait3A_697 : memref<2x5x64xi32, #tpu.memory_space<vmem>>)
          %mul3A_703 = arith.constant 2 : i32
          %mul3A_704 = arith.muli %mul3A_703, %scan3A_90 : i32
          %add3A_705 = arith.addi %mul3A_0, %mul3A_704 : i32
          %add3A_706 = arith.constant 3 : i32
          %add3A_707 = arith.addi %add3A_705, %add3A_706 : i32
          %dma_start3A_708 = arith.constant 1 : i32
          %dma_start3A_709 = arith.constant 0 : i32
          %dma_start3A_710 = arith.constant 0 : i32
          %dma_start3A_711 = arith.constant 0 : i32
          %dma_start3A_712 = tpu.memref_slice %arg5[%dma_start3A_708, %dma_start3A_709, %dma_start3A_710, %dma_start3A_711] : memref<2x2x5x64xi32, #tpu.memory_space<vmem>> -> memref<1x2x5x64xi32, #tpu.memory_space<vmem>>
          %dma_start3A_713 = tpu.memref_squeeze %dma_start3A_712 : memref<1x2x5x64xi32, #tpu.memory_space<vmem>> -> memref<2x5x64xi32, #tpu.memory_space<vmem>>
          %dma_start3A_714 = arith.constant 0 : i32
          %dma_start3A_715 = arith.constant 0 : i32
          %dma_start3A_716 = arith.constant 0 : i32
          %dma_start3A_717 = tpu.memref_slice %arg2[%dma_start3A_714, %add3A_707, %dma_start3A_715, %dma_start3A_716] : memref<2x1024x5x64xi32, #tpu.memory_space<hbm>> -> memref<2x1x5x64xi32, #tpu.memory_space<hbm>>
          %dma_start3A_718 = tpu.memref_squeeze %dma_start3A_717 : memref<2x1x5x64xi32, #tpu.memory_space<hbm>> -> memref<2x5x64xi32, #tpu.memory_space<hbm>>
          %dma_start3A_719 = arith.constant 0 : i32
          %dma_start3A_720 = arith.constant 0 : i32
          %dma_start3A_721 = arith.constant 0 : i32
          %dma_start3A_722 = tpu.memref_slice %arg5[%dma_start3A_708, %dma_start3A_719, %dma_start3A_720, %dma_start3A_721] : memref<2x2x5x64xi32, #tpu.memory_space<vmem>> -> memref<1x2x5x64xi32, #tpu.memory_space<vmem>>
          %dma_start3A_723 = tpu.memref_squeeze %dma_start3A_722 : memref<1x2x5x64xi32, #tpu.memory_space<vmem>> -> memref<2x5x64xi32, #tpu.memory_space<vmem>>
          %dma_start3A_724 = arith.constant 0 : i32
          %dma_start3A_725 = arith.constant 0 : i32
          %dma_start3A_726 = arith.constant 0 : i32
          %dma_start3A_727 = tpu.memref_slice %arg2[%dma_start3A_724, %add3A_707, %dma_start3A_725, %dma_start3A_726] : memref<2x1024x5x64xi32, #tpu.memory_space<hbm>> -> memref<2x1x5x64xi32, #tpu.memory_space<hbm>>
          %dma_start3A_728 = tpu.memref_squeeze %dma_start3A_727 : memref<2x1x5x64xi32, #tpu.memory_space<hbm>> -> memref<2x5x64xi32, #tpu.memory_space<hbm>>
          tpu.enqueue_dma source(%dma_start3A_728 : memref<2x5x64xi32, #tpu.memory_space<hbm>>) target(%dma_start3A_723 : memref<2x5x64xi32, #tpu.memory_space<vmem>>) target_semaphore(%arg10 : memref<!tpu.dma_semaphore, #tpu.memory_space<semaphore_mem>>)
        } else {
        }
      }
      %scan3A_84 = arith.constant 32 : i32
      %barrier3A_85 = arith.constant 0 : index
      tpu.barrier barrier_id(%barrier3A_85)
      %mul3A_86 = arith.constant 640 : i32
      %mul3A_87 = arith.muli %arg1, %mul3A_86 : i32
      %mul3A_88 = arith.constant 640 : i32
      %mul3A_89 = arith.muli %arg1, %mul3A_88 : i32
      "tpu.region"() ({
        %run_scoped3A_90 = tpu.sem_alloc : memref<!tpu.dma_semaphore, #tpu.memory_space<semaphore_mem>>
        %dma_start3A_91 = arith.constant 0 : i32
        %dma_start3A_92 = tpu.memref_slice %arg4[%mul3A_89, %dma_start3A_91] : memref<10240x128xf32, #tpu.memory_space<hbm>> -> memref<640x128xf32, #tpu.memory_space<hbm>>
        %dma_start3A_93 = arith.constant 0 : i32
        %dma_start3A_94 = tpu.memref_slice %arg7[%mul3A_87, %dma_start3A_93] : memref<10240x128xf32, #tpu.memory_space<vmem_shared>> -> memref<640x128xf32, #tpu.memory_space<vmem_shared>>
        tpu.enqueue_dma source(%dma_start3A_94 : memref<640x128xf32, #tpu.memory_space<vmem_shared>>) target(%dma_start3A_92 : memref<640x128xf32, #tpu.memory_space<hbm>>) target_semaphore(%run_scoped3A_90 : memref<!tpu.dma_semaphore, #tpu.memory_space<semaphore_mem>>)
        %dma_wait3A = arith.constant 0 : i32
        %dma_wait3A_95 = tpu.memref_slice %arg4[%mul3A_89, %dma_wait3A] : memref<10240x128xf32, #tpu.memory_space<hbm>> -> memref<640x128xf32, #tpu.memory_space<hbm>>
        %dma_wait3A_96 = arith.constant 0 : i32
        %dma_wait3A_97 = tpu.memref_slice %arg7[%mul3A_87, %dma_wait3A_96] : memref<10240x128xf32, #tpu.memory_space<vmem_shared>> -> memref<640x128xf32, #tpu.memory_space<vmem_shared>>
        tpu.wait_dma2 semaphore(%run_scoped3A_90 : memref<!tpu.dma_semaphore, #tpu.memory_space<semaphore_mem>>) src(%dma_wait3A_97 : memref<640x128xf32, #tpu.memory_space<vmem_shared>>) dst(%dma_wait3A_95 : memref<640x128xf32, #tpu.memory_space<hbm>>)
        tpu.yield
      }) : () -> ()
    } else {
    }
    return
  }
}

module attributes {stable_mosaic.version = 14 : i64} {
  func.func @_tc1_body(%arg0: i32, %arg1: memref<1280x128xf32, #tpu.memory_space<vmem>>, %arg2: memref<128x128xf32, #tpu.memory_space<vmem>>, %arg3: memref<2x1280xf32, #tpu.memory_space<vmem>>, %arg4: memref<1280x128xf32, #tpu.memory_space<vmem>>) attributes {dimension_semantics = [#tpu.dimension_semantics<arbitrary>], iteration_bounds = array<i64: 8>, scalar_prefetch = 0 : i64, scratch_operands = 0 : i64, tpu.core_type = #tpu.core_type<tc>, window_params = [{transform_indices = @transform_0, window_bounds = array<i64: 1280, 128>}, {pipeline_mode = #tpu.pipeline_mode<synchronous>, transform_indices = @transform_1, window_bounds = array<i64: 128, 128>}, {transform_indices = @transform_2, window_bounds = array<i64: 2, 1280>}, {transform_indices = @transform_3, window_bounds = array<i64: 1280, 128>}]} {
    %get3A = arith.constant 0 : index
    %get3A_0 = arith.constant 0 : index
    %get3A_1 = vector.load %arg3[%get3A, %get3A_0] : memref<2x1280xf32, #tpu.memory_space<vmem>>, vector<1x1280xf32>
    %get3A_2 = vector.shape_cast %get3A_1 : vector<1x1280xf32> to vector<1280xf32>
    %get3A_3 = arith.constant 1 : index
    %get3A_4 = arith.constant 0 : index
    %get3A_5 = vector.load %arg3[%get3A_3, %get3A_4] : memref<2x1280xf32, #tpu.memory_space<vmem>>, vector<1x1280xf32>
    %get3A_6 = vector.shape_cast %get3A_5 : vector<1x1280xf32> to vector<1280xf32>
    %add3A = arith.addf %get3A_2, %get3A_6 : vector<1280xf32>
    %add3A_7 = arith.constant 1.000000e+00 : f32
    %add3A_8 = vector.broadcast %add3A_7 : f32 to vector<1280xf32>
    %add3A_9 = arith.addf %add3A, %add3A_8 : vector<1280xf32>
    %rsqrt3A = math.rsqrt %add3A_9 : vector<1280xf32>
    %get3A_10 = arith.constant 0 : index
    %get3A_11 = arith.constant 0 : index
    %get3A_12 = vector.load %arg1[%get3A_10, %get3A_11] : memref<1280x128xf32, #tpu.memory_space<vmem>>, vector<1280x128xf32>
    %get3A_13 = arith.constant 0 : index
    %get3A_14 = arith.constant 0 : index
    %get3A_15 = vector.load %arg2[%get3A_13, %get3A_14] : memref<128x128xf32, #tpu.memory_space<vmem>>, vector<128x128xf32>
    %dot_general3A = arith.constant dense<0.000000e+00> : vector<1280x128xf32>
    %dot_general3A_16 = tpu.matmul %get3A_12, %get3A_15, %dot_general3A {dimension_numbers = #tpu.dot_dimension_numbers<[1], [0], [0], [1], [0, 0, 1, 1], [], []>, transpose_lhs_hint = false} : vector<1280x128xf32>, vector<128x128xf32>, vector<1280x128xf32> -> vector<1280x128xf32>
    %broadcast_in_dim3A = vector.shape_cast %rsqrt3A : vector<1280xf32> to vector<1280x1xf32>
    %mul3A = vector.broadcast %broadcast_in_dim3A : vector<1280x1xf32> to vector<1280x128xf32>
    %mul3A_17 = arith.mulf %dot_general3A_16, %mul3A : vector<1280x128xf32>
    %swap3A = arith.constant 0 : index
    %swap3A_18 = arith.constant 0 : index
    %swap3A_19 = vector.load %arg4[%swap3A, %swap3A_18] : memref<1280x128xf32, #tpu.memory_space<vmem>>, vector<1280x128xf32>
    tpu.vector_store %arg4[%swap3A, %swap3A_18], %mul3A_17 {strides = array<i32>} : memref<1280x128xf32, #tpu.memory_space<vmem>>, vector<1280x128xf32>,
    return
  }
  func.func @transform_0(%arg0: i32) -> (i32, i32) {
    %c0_i32 = arith.constant 0 : i32
    %c0_i32_0 = arith.constant 0 : i32
    return %arg0, %c0_i32 : i32, i32
  }
  func.func @transform_1(%arg0: i32) -> (i32, i32) {
    %c0_i32 = arith.constant 0 : i32
    %c0_i32_0 = arith.constant 0 : i32
    %c0_i32_1 = arith.constant 0 : i32
    return %c0_i32, %c0_i32_0 : i32, i32
  }
  func.func @transform_2(%arg0: i32) -> (i32, i32) {
    %c0_i32 = arith.constant 0 : i32
    %c0_i32_0 = arith.constant 0 : i32
    return %c0_i32, %arg0 : i32, i32
  }
  func.func @transform_3(%arg0: i32) -> (i32, i32) {
    %c0_i32 = arith.constant 0 : i32
    %c0_i32_0 = arith.constant 0 : i32
    return %arg0, %c0_i32 : i32, i32
  }
}

module attributes {stable_mosaic.version = 14 : i64} {
  func.func @_tc2_body(%arg0: i32, %arg1: memref<1280x128xf32, #tpu.memory_space<vmem>>, %arg2: memref<1280x128xf32, #tpu.memory_space<vmem>>, %arg3: memref<2x1280xf32, #tpu.memory_space<vmem>>, %arg4: memref<128xf32, #tpu.memory_space<vmem>>, %arg5: memref<128x128xf32, #tpu.memory_space<vmem>>, %arg6: memref<1280x128xf32, #tpu.memory_space<vmem>>) attributes {dimension_semantics = [#tpu.dimension_semantics<arbitrary>], iteration_bounds = array<i64: 8>, scalar_prefetch = 0 : i64, scratch_operands = 0 : i64, tpu.core_type = #tpu.core_type<tc>, window_params = [{transform_indices = @transform_0, window_bounds = array<i64: 1280, 128>}, {transform_indices = @transform_1, window_bounds = array<i64: 1280, 128>}, {transform_indices = @transform_2, window_bounds = array<i64: 2, 1280>}, {pipeline_mode = #tpu.pipeline_mode<synchronous>, transform_indices = @transform_3, window_bounds = array<i64: 128>}, {pipeline_mode = #tpu.pipeline_mode<synchronous>, transform_indices = @transform_4, window_bounds = array<i64: 128, 128>}, {transform_indices = @transform_5, window_bounds = array<i64: 1280, 128>}]} {
    %get3A = arith.constant 0 : index
    %get3A_0 = arith.constant 0 : index
    %get3A_1 = vector.load %arg3[%get3A, %get3A_0] : memref<2x1280xf32, #tpu.memory_space<vmem>>, vector<1x1280xf32>
    %get3A_2 = vector.shape_cast %get3A_1 : vector<1x1280xf32> to vector<1280xf32>
    %get3A_3 = arith.constant 1 : index
    %get3A_4 = arith.constant 0 : index
    %get3A_5 = vector.load %arg3[%get3A_3, %get3A_4] : memref<2x1280xf32, #tpu.memory_space<vmem>>, vector<1x1280xf32>
    %get3A_6 = vector.shape_cast %get3A_5 : vector<1x1280xf32> to vector<1280xf32>
    %add3A = arith.addf %get3A_2, %get3A_6 : vector<1280xf32>
    %add3A_7 = arith.constant 1.000000e+00 : f32
    %add3A_8 = vector.broadcast %add3A_7 : f32 to vector<1280xf32>
    %add3A_9 = arith.addf %add3A, %add3A_8 : vector<1280xf32>
    %rsqrt3A = math.rsqrt %add3A_9 : vector<1280xf32>
    %get3A_10 = arith.constant 0 : index
    %get3A_11 = arith.constant 0 : index
    %get3A_12 = vector.load %arg1[%get3A_10, %get3A_11] : memref<1280x128xf32, #tpu.memory_space<vmem>>, vector<1280x128xf32>
    %get3A_13 = arith.constant 0 : index
    %get3A_14 = arith.constant 0 : index
    %get3A_15 = vector.load %arg2[%get3A_13, %get3A_14] : memref<1280x128xf32, #tpu.memory_space<vmem>>, vector<1280x128xf32>
    %add3A_16 = arith.addf %get3A_12, %get3A_15 : vector<1280x128xf32>
    %broadcast_in_dim3A = vector.shape_cast %rsqrt3A : vector<1280xf32> to vector<1280x1xf32>
    %mul3A = vector.broadcast %broadcast_in_dim3A : vector<1280x1xf32> to vector<1280x128xf32>
    %mul3A_17 = arith.mulf %add3A_16, %mul3A : vector<1280x128xf32>
    %get3A_18 = arith.constant 0 : index
    %get3A_19 = vector.load %arg4[%get3A_18] : memref<128xf32, #tpu.memory_space<vmem>>, vector<128xf32>
    %broadcast_in_dim3A_20 = vector.shape_cast %get3A_19 : vector<128xf32> to vector<1x128xf32>
    %add3A_21 = vector.broadcast %broadcast_in_dim3A_20 : vector<1x128xf32> to vector<1280x128xf32>
    %add3A_22 = arith.addf %mul3A_17, %add3A_21 : vector<1280x128xf32>
    %max3A = arith.constant 0.000000e+00 : f32
    %max3A_23 = vector.broadcast %max3A : f32 to vector<1280x128xf32>
    %max3A_24 = arith.maximumf %add3A_22, %max3A_23 : vector<1280x128xf32>
    %get3A_25 = arith.constant 0 : index
    %get3A_26 = arith.constant 0 : index
    %get3A_27 = vector.load %arg5[%get3A_25, %get3A_26] : memref<128x128xf32, #tpu.memory_space<vmem>>, vector<128x128xf32>
    %dot_general3A = arith.constant dense<0.000000e+00> : vector<1280x128xf32>
    %dot_general3A_28 = tpu.matmul %max3A_24, %get3A_27, %dot_general3A {dimension_numbers = #tpu.dot_dimension_numbers<[1], [0], [0], [1], [0, 0, 1, 1], [], []>, transpose_lhs_hint = false} : vector<1280x128xf32>, vector<128x128xf32>, vector<1280x128xf32> -> vector<1280x128xf32>
    %broadcast_in_dim3A_29 = vector.shape_cast %rsqrt3A : vector<1280xf32> to vector<1280x1xf32>
    %mul3A_30 = vector.broadcast %broadcast_in_dim3A_29 : vector<1280x1xf32> to vector<1280x128xf32>
    %mul3A_31 = arith.mulf %dot_general3A_28, %mul3A_30 : vector<1280x128xf32>
    %swap3A = arith.constant 0 : index
    %swap3A_32 = arith.constant 0 : index
    %swap3A_33 = vector.load %arg6[%swap3A, %swap3A_32] : memref<1280x128xf32, #tpu.memory_space<vmem>>, vector<1280x128xf32>
    tpu.vector_store %arg6[%swap3A, %swap3A_32], %mul3A_31 {strides = array<i32>} : memref<1280x128xf32, #tpu.memory_space<vmem>>, vector<1280x128xf32>,
    return
  }
  func.func @transform_0(%arg0: i32) -> (i32, i32) {
    %c0_i32 = arith.constant 0 : i32
    %c0_i32_0 = arith.constant 0 : i32
    return %arg0, %c0_i32 : i32, i32
  }
  func.func @transform_1(%arg0: i32) -> (i32, i32) {
    %c0_i32 = arith.constant 0 : i32
    %c0_i32_0 = arith.constant 0 : i32
    return %arg0, %c0_i32 : i32, i32
  }
  func.func @transform_2(%arg0: i32) -> (i32, i32) {
    %c0_i32 = arith.constant 0 : i32
    %c0_i32_0 = arith.constant 0 : i32
    return %c0_i32, %arg0 : i32, i32
  }
  func.func @transform_3(%arg0: i32) -> i32 {
    %c0_i32 = arith.constant 0 : i32
    %c0_i32_0 = arith.constant 0 : i32
    return %c0_i32 : i32
  }
  func.func @transform_4(%arg0: i32) -> (i32, i32) {
    %c0_i32 = arith.constant 0 : i32
    %c0_i32_0 = arith.constant 0 : i32
    %c0_i32_1 = arith.constant 0 : i32
    return %c0_i32, %c0_i32_0 : i32, i32
  }
  func.func @transform_5(%arg0: i32) -> (i32, i32) {
    %c0_i32 = arith.constant 0 : i32
    %c0_i32_0 = arith.constant 0 : i32
    return %arg0, %c0_i32 : i32, i32
  }
}

module attributes {stable_mosaic.version = 14 : i64} {
  func.func @_tc3_body(%arg0: i32, %arg1: memref<1280x128xf32, #tpu.memory_space<vmem>>, %arg2: memref<1280x128xf32, #tpu.memory_space<vmem>>, %arg3: memref<2x1280xf32, #tpu.memory_space<vmem>>, %arg4: memref<128xf32, #tpu.memory_space<vmem>>, %arg5: memref<1280x128xf32, #tpu.memory_space<vmem>>) attributes {dimension_semantics = [#tpu.dimension_semantics<arbitrary>], iteration_bounds = array<i64: 8>, scalar_prefetch = 0 : i64, scratch_operands = 0 : i64, tpu.core_type = #tpu.core_type<tc>, window_params = [{transform_indices = @transform_0, window_bounds = array<i64: 1280, 128>}, {transform_indices = @transform_1, window_bounds = array<i64: 1280, 128>}, {transform_indices = @transform_2, window_bounds = array<i64: 2, 1280>}, {pipeline_mode = #tpu.pipeline_mode<synchronous>, transform_indices = @transform_3, window_bounds = array<i64: 128>}, {transform_indices = @transform_4, window_bounds = array<i64: 1280, 128>}]} {
    %get3A = arith.constant 0 : index
    %get3A_0 = arith.constant 0 : index
    %get3A_1 = vector.load %arg3[%get3A, %get3A_0] : memref<2x1280xf32, #tpu.memory_space<vmem>>, vector<1x1280xf32>
    %get3A_2 = vector.shape_cast %get3A_1 : vector<1x1280xf32> to vector<1280xf32>
    %get3A_3 = arith.constant 1 : index
    %get3A_4 = arith.constant 0 : index
    %get3A_5 = vector.load %arg3[%get3A_3, %get3A_4] : memref<2x1280xf32, #tpu.memory_space<vmem>>, vector<1x1280xf32>
    %get3A_6 = vector.shape_cast %get3A_5 : vector<1x1280xf32> to vector<1280xf32>
    %add3A = arith.addf %get3A_2, %get3A_6 : vector<1280xf32>
    %add3A_7 = arith.constant 1.000000e+00 : f32
    %add3A_8 = vector.broadcast %add3A_7 : f32 to vector<1280xf32>
    %add3A_9 = arith.addf %add3A, %add3A_8 : vector<1280xf32>
    %rsqrt3A = math.rsqrt %add3A_9 : vector<1280xf32>
    %get3A_10 = arith.constant 0 : index
    %get3A_11 = arith.constant 0 : index
    %get3A_12 = vector.load %arg1[%get3A_10, %get3A_11] : memref<1280x128xf32, #tpu.memory_space<vmem>>, vector<1280x128xf32>
    %get3A_13 = arith.constant 0 : index
    %get3A_14 = arith.constant 0 : index
    %get3A_15 = vector.load %arg2[%get3A_13, %get3A_14] : memref<1280x128xf32, #tpu.memory_space<vmem>>, vector<1280x128xf32>
    %add3A_16 = arith.addf %get3A_12, %get3A_15 : vector<1280x128xf32>
    %broadcast_in_dim3A = vector.shape_cast %rsqrt3A : vector<1280xf32> to vector<1280x1xf32>
    %mul3A = vector.broadcast %broadcast_in_dim3A : vector<1280x1xf32> to vector<1280x128xf32>
    %mul3A_17 = arith.mulf %add3A_16, %mul3A : vector<1280x128xf32>
    %get3A_18 = arith.constant 0 : index
    %get3A_19 = vector.load %arg4[%get3A_18] : memref<128xf32, #tpu.memory_space<vmem>>, vector<128xf32>
    %broadcast_in_dim3A_20 = vector.shape_cast %get3A_19 : vector<128xf32> to vector<1x128xf32>
    %add3A_21 = vector.broadcast %broadcast_in_dim3A_20 : vector<1x128xf32> to vector<1280x128xf32>
    %add3A_22 = arith.addf %mul3A_17, %add3A_21 : vector<1280x128xf32>
    %logistic3A = arith.negf %add3A_22 : vector<1280x128xf32>
    %logistic3A_23 = math.exp %logistic3A : vector<1280x128xf32>
    %logistic3A_24 = arith.constant 1.000000e+00 : f32
    %logistic3A_25 = vector.broadcast %logistic3A_24 : f32 to vector<1280x128xf32>
    %logistic3A_26 = arith.addf %logistic3A_25, %logistic3A_23 : vector<1280x128xf32>
    %logistic3A_27 = arith.divf %logistic3A_25, %logistic3A_26 : vector<1280x128xf32>
    %swap3A = arith.constant 0 : index
    %swap3A_28 = arith.constant 0 : index
    %swap3A_29 = vector.load %arg5[%swap3A, %swap3A_28] : memref<1280x128xf32, #tpu.memory_space<vmem>>, vector<1280x128xf32>
    tpu.vector_store %arg5[%swap3A, %swap3A_28], %logistic3A_27 {strides = array<i32>} : memref<1280x128xf32, #tpu.memory_space<vmem>>, vector<1280x128xf32>,
    return
  }
  func.func @transform_0(%arg0: i32) -> (i32, i32) {
    %c0_i32 = arith.constant 0 : i32
    %c0_i32_0 = arith.constant 0 : i32
    return %arg0, %c0_i32 : i32, i32
  }
  func.func @transform_1(%arg0: i32) -> (i32, i32) {
    %c0_i32 = arith.constant 0 : i32
    %c0_i32_0 = arith.constant 0 : i32
    return %arg0, %c0_i32 : i32, i32
  }
  func.func @transform_2(%arg0: i32) -> (i32, i32) {
    %c0_i32 = arith.constant 0 : i32
    %c0_i32_0 = arith.constant 0 : i32
    return %c0_i32, %arg0 : i32, i32
  }
  func.func @transform_3(%arg0: i32) -> i32 {
    %c0_i32 = arith.constant 0 : i32
    %c0_i32_0 = arith.constant 0 : i32
    return %c0_i32 : i32
  }
  func.func @transform_4(%arg0: i32) -> (i32, i32) {
    %c0_i32 = arith.constant 0 : i32
    %c0_i32_0 = arith.constant 0 : i32
    return %arg0, %c0_i32 : i32, i32
  }
}

</mosaic_0001>

<sc_bundles>
// kernel: kernel.11.cloned.1.call-start
scs
__scs_entry_jumppad:
0x0: {  	(pc) =	sbr.rel $0x88, $3  }
0x1: {  	(tag) =	ssettag $0x0;
	lr =	simm.s32 $0x1  }
0x2: {  	[smem:$0x3F9B] =	sst lr;
	_ =	strace $0xD0000000  }
0x3: {  	_ = 	snop  }
0x4: {  	_ = 	snop  }
0x5: {  	_ = 	snop  }
0x6: {  	_ = 	snop  }
0x7: {  	_ = 	snop  }
__scs_overlays_trampoline_lowered:
0x8: {  	[smem:$0x3FAA] =	sst s0  }
0x9: {  	[smem:$0x3FAB] =	sst s1  }
0xa: {  	[smem:$0x3FAC] =	sst s2  }
0xb: {  	[smem:$0x3FAD] =	sst s3  }
0xc: {  	[smem:$0x3FAE] =	sst s4  }
0xd: {  	[smem:$0x3FAF] =	sst s5  }
0xe: {  	[smem:$0x3FB0] =	sst s6  }
0xf: {  	[smem:$0x3FB1] =	sst s7  }
0x10: {  	[smem:$0x3FB2] =	sst s8  }
0x11: {  	[smem:$0x3FB3] =	sst s9;
	s0 =	simm.s32 @!p0 $0x0  }
0x12: {  	s1 =	sld [smem:$0x3F99];
	s0 =	simm.s32 @p0 $0x1  }
0x13: {  	[smem:$0x3FB4] =	sst s0;
	s0 =	simm.s32 @!p1 $0x0  }
0x14: {  	s2 =	sld [smem:$0x3F98];
	s0 =	simm.s32 @p1 $0x1  }
0x15: {  	[smem:$0x3FB5] =	sst s0;
	s0 =	simm.s32 @!p2 $0x0  }
0x16: {  	s3 =	sld [smem:$0x3FDB];
	s0 =	simm.s32 @p2 $0x1  }
0x17: {  	s4 =	simm.s32 $0x1BF5;
	[smem:$0x3FB7] =	sst s0  }
0x18: {  	s0 =	sld [smem:$0x3F9A];
	_ =	swait.ge [sflag:s4], $0x0  }
0x19: {  	s7 =	sld [smem:$0x3F9B]  }
0x1a: {  	s8 =	sadd.s32 $0xFFFFE003, lr  }
0x1b: {  	s9 =	sadd.s32 $0xFFFFFEF7, lr;
	s5 =	simm.s32 $0xFFFFFFFF;
	p2 =	slt.u32 s8, $0xFFFFF086  }
0x1c: {  	p1 =	slt.u32 s9, $0xF7A;
	s5 =	simm.s32 @!p2 $0x0  }
0x1d: {  	s5 =	simm.s32 @p1 $0x1;
	p0 =	seq.s32 s7, s2  }
0x1e: {  	s7 =	smul.u32 @!p0 $0xF7A, s2;
	p2 =	seq.s32 @!p0 s5, $0x0  }
0x1f: {  	s9 =	smul.u32 $0xF7A, s1;
	s8 =	simm.s32 @!p0 $0x1BF5;
	p2 =	por !p2, p0  }
0x20: {  	[sflag:s8] =	ssyncset.s32 @!p0 $0xFFFFF086;
	s6 =	sadd.s32 @!p0 s3, s7;
	s7 =	simm.s32 @!p0 $0x108  }
0x21: {  	s3 =	sadd.s32 s3, s9;
	s6 =	sadd.s32 @!p0 $0x88, s6;
	s7 =	simm.s32 @p2 $0x1082  }
0x22: {  	[simem:s7], [sflag:s8] =	dma.local @!p0 [hbm:s6], $0xF7A  }
0x23: {  	s9 =	sor.u32 $0xD0000000, s2;
	s6 =	simm.s32 $0x108;
	_ =	swait.ge @!p0 [sflag:s8], $0x0  }
0x24: {  	s3 =	sadd.s32 $0x88, s3;
	s6 =	simm.s32 @!p1 $0x1082;
	[sflag:s4] =	ssyncset.s32 $0xFFFFF086  }
0x25: {  	[simem:s6], [sflag:s4] =	dma.local [hbm:s3], $0xF7A  }
0x26: {  	[smem:$0x3F9B] =	sst s1;
	(tag) =	ssettag s2;
	_ =	strace s9  }
0x27: {  	s1 =	sld [smem:$0x3FAB]  }
0x28: {  	s2 =	sld [smem:$0x3FAC]  }
0x29: {  	s4 =	sld [smem:$0x3FAE]  }
0x2a: {  	p0 =	seq.s32 s5, $0x0;
	s5 =	sld [smem:$0x3FAF]  }
0x2b: {  	s6 =	sld [smem:$0x3FB0]  }
0x2c: {  	s7 =	sld [smem:$0x3FB1]  }
0x2d: {  	s3 =	simm.s32 $0x108;
	s8 =	sld [smem:$0x3FB2]  }
0x2e: {  	s3 =	simm.s32 @!p0 $0x1082;
	s9 =	sld [smem:$0x3FB3]  }
0x2f: {  	lr =	sadd.s32 s0, s3;
	s0 =	sld [smem:$0x3FAA]  }
0x30: {  	s3 =	sld [smem:$0x3FAD]  }
0x31: {  	[smem:$0x3FB6] =	sst s10  }
0x32: {  	s10 =	sld [smem:$0x3FB4];
	_ =	sdelay $0x3  }
0x33: {  	p0 =	seq.s32 s10, $0x1;
	s10 =	sld [smem:$0x3FB6];
	_ =	sdelay $0x3  }
0x34: {  	[smem:$0x3FB6] =	sst s10  }
0x35: {  	s10 =	sld [smem:$0x3FB5];
	_ =	sdelay $0x3  }
0x36: {  	p1 =	seq.s32 s10, $0x1;
	s10 =	sld [smem:$0x3FB6];
	_ =	sdelay $0x3  }
0x37: {  	[smem:$0x3FB6] =	sst s10  }
0x38: {  	s10 =	sld [smem:$0x3FB7]  }
0x39: {  	_ = 	snop;
	(pc) =	sbr.ind lr, $3  }
0x3a: {  	_ = 	snop  }
0x3b: {  	_ = 	snop  }
0x3c: {  	p2 =	seq.s32 s10, $0x1;
	s10 =	sld [smem:$0x3FB6]  }
0x3d: {  	_ =	shalt  }
0x3e: {  	_ =	shalt  }
0x3f: {  	_ =	shalt  }
0x40: {  	_ =	shalt  }
0x41: {  	_ =	shalt  }
0x42: {  	_ =	shalt  }
0x43: {  	_ =	shalt  }
0x44: {  	_ =	shalt  }
0x45: {  	_ =	shalt  }
0x46: {  	_ =	shalt  }
0x47: {  	_ =	shalt  }
0x48: {  	_ =	shalt  }
0x49: {  	_ =	shalt  }
0x4a: {  	_ =	shalt  }
0x4b: {  	_ =	shalt  }
0x4c: {  	_ =	shalt  }
0x4d: {  	_ =	shalt  }
0x4e: {  	_ =	shalt  }
0x4f: {  	_ =	shalt  }
0x50: {  	_ =	shalt  }
0x51: {  	_ =	shalt  }
0x52: {  	_ =	shalt  }
0x53: {  	_ =	shalt  }
0x54: {  	_ =	shalt  }
0x55: {  	_ =	shalt  }
0x56: {  	_ =	shalt  }
0x57: {  	_ =	shalt  }
0x58: {  	_ =	shalt  }
0x59: {  	_ =	shalt  }
0x5a: {  	_ =	shalt  }
0x5b: {  	_ =	shalt  }
0x5c: {  	_ =	shalt  }
0x5d: {  	_ =	shalt  }
0x5e: {  	_ =	shalt  }
0x5f: {  	_ =	shalt  }
0x60: {  	_ =	shalt  }
0x61: {  	_ =	shalt  }
0x62: {  	_ =	shalt  }
0x63: {  	_ =	shalt  }
0x64: {  	_ =	shalt  }
0x65: {  	_ =	shalt  }
0x66: {  	_ =	shalt  }
0x67: {  	_ =	shalt  }
0x68: {  	_ =	shalt  }
0x69: {  	_ =	shalt  }
0x6a: {  	_ =	shalt  }
0x6b: {  	_ =	shalt  }
0x6c: {  	_ =	shalt  }
0x6d: {  	_ =	shalt  }
0x6e: {  	_ =	shalt  }
0x6f: {  	_ =	shalt  }
0x70: {  	_ =	shalt  }
0x71: {  	_ =	shalt  }
0x72: {  	_ =	shalt  }
0x73: {  	_ =	shalt  }
0x74: {  	_ =	shalt  }
0x75: {  	_ =	shalt  }
0x76: {  	_ =	shalt  }
0x77: {  	_ =	shalt  }
0x78: {  	_ =	shalt  }
0x79: {  	_ =	shalt  }
0x7a: {  	_ =	shalt  }
0x7b: {  	_ =	shalt  }
0x7c: {  	_ =	shalt  }
0x7d: {  	_ =	shalt  }
0x7e: {  	_ =	shalt  }
0x7f: {  	_ =	shalt  }
0x80: {  	_ =	shalt  }
0x81: {  	_ =	shalt  }
0x82: {  	_ =	shalt  }
0x83: {  	_ =	shalt  }
0x84: {  	_ =	shalt  }
0x85: {  	_ =	shalt  }
0x86: {  	_ =	shalt  }
0x87: {  	_ =	shalt  }
.Lfunc_end0:
.L_simem_size_0:
called_computation.1_lowered:
.L_overlay_start_0:
0x88: {  	s2 =	sld [smem:$0x3FD9]  }
0x89: {  	s3 =	sld [smem:$0x3FFE];
	_ =	sdelay $0x1  }
0x8a: {  	s1 =	srdreg.scid  }
0x8b: {  	s0 =	sand.u32 $0x1, s1  }
0x8c: {  	s16 =	sshll.u32 s0, $0xA;
	s2 =	sadd.s32 s3, s2  }
0x8d: {  	s2 =	sadd.s32 s2, s16  }
0x8e: {  	[smem:$0x3FC2] =	sst s2  }
0x8f: {  	_ = 	snop  }
0x90: {  	(tm) =	ssettm $0x1  }
0x91: {  	s17 =	sld [smem:$0x3FFB];
	_ =	sdelay $0x3  }
0x92: {  	_ =	strace s17  }
0x93: {  	s2 =	sld [smem:$0x3FFC];
	_ =	sdelay $0x3  }
0x94: {  	_ =	strace s2  }
0x95: {  	s2 =	sld [smem:$0x3FFD];
	_ =	sdelay $0x3  }
0x96: {  	_ =	strace s2  }
0x97: {  	_ =	strace $0x8FFFFFFF  }
0x98: {  	s18 =	sld [smem:$0x3FDB];
	_ =	sdelay $0x1  }
0x99: {  	s19 =	simm.s32 $_scs_section_size  }
0x9a: {  	s4 =	simm.s32 $_size__tile_overlayer_lowered;
	s5 =	simm.s32 $_tile_overlayer_lowered  }
0x9b: {  	s22 =	simm.s32 $0x1BFF;
	s21 =	sshll.u32 s5, $0x1;
	s2 =	sadd.s32 s19, s18  }
0x9c: {  	s6 =	simm.s32 $0x0;
	s20 =	sshll.u32 s4, $0x1;
	s4 =	sadd.s32 s21, s2  }
0x9d: {  	[timem:s6], [sflag:s22] =	dma.local [hbm:s4], s20  }
0x9e: {  	_ =	swait.ge [sflag:s22], s20  }
0x9f: {  	s3 =	ssub.s32 $0x0, s20;
	[sflag:s22] =	ssyncset.done $0x0  }
0xa0: {  	[sflag:s22] =	ssyncadd.s32 s3;
	_ =	sdelay $0x1  }
0xa1: {  	s23 =	simm.s32 $0x1B8B  }
0xa2: {  	_ =	swait.ge [sflag:s23], $0x1  }
0xa3: {  	[sflag:s23] =	ssyncset.done $0x0  }
0xa4: {  	s25 =	simm.s32 $0x1B8E;
	s24 =	sld [smem:$0x3FFE];
	[sflag:s23] =	ssyncadd.s32 $0xFFFFFFFF  }
0xa5: {  	s26 =	simm.s32 $execute0_lowered;
	[smem:$0x3FD2] =	sst s25  }
0xa6: {  	s4 =	sshll.u32 s26, $0x1;
	_ =	strace $0x80000049;
	[dreg:$0x1] =	wrdreg $0xFFFFFFFF  }
0xa7: {  	s28 =	simm.s32 $_size_execute0_lowered;
	s2 =	sadd.s32 s2, s4;
	[dreg:$0x0] =	wrdreg $0x0  }
0xa8: {  	s4 =	sshll.u32 s28, $0x1;
	[dreg:$0x2] =	wrdreg s2  }
0xa9: {  	[dreg:$0x3] =	wrdreg s4  }
0xaa: {  	[dreg:$0x4] =	wrdreg $0xC0  }
0xab: {  	_ =	task [dreg:s6], $0x5FFFF  }
0xac: {  	[dreg:$0x1] =	wrdreg $0xFFFFFFFF  }
0xad: {  	[dreg:$0x0] =	wrdreg $0x60  }
0xae: {  	[dreg:$0x2] =	wrdreg s24  }
0xaf: {  	[dreg:$0x3] =	wrdreg $0xB0000  }
0xb0: {  	[dreg:$0x4] =	wrdreg $0x9  }
0xb1: {  	_ =	task.clear_ibuf [dreg:s6], $0x5FFFF;
	_ =	strace $0x90000049  }
0xb2: {  	s29 =	simm.s32 $0x9;
	_ =	strace $0x8000004B  }
0xb3: {  	_ =	swait.ge [sflag:s29], $0x1  }
0xb4: {  	[sflag:s29] =	ssyncadd.s32 $0xFFFFFFFF  }
0xb5: {  	_ =	strace $0x9000004B  }
0xb6: {  	_ =	sfence  }
0xb7: {  	s30 =	sld [smem:$0x0];
	_ =	sdelay $0x2  }
0xb8: {  	s31 =	sshll.u32 s1, $0xD;
	s1 =	sshrl.u32 s1, $0x2  }
0xb9: {  	s3 =	sand.u32 $0x4000, s31;
	s1 =	sadd.s32 s1, s30  }
0xba: {  	s0 =	sor.u32 s3, s0;
	s1 =	sshll.u32 s1, $0x11  }
0xbb: {  	s0 =	sor.u32 s1, s0  }
0xbc: {  	s0 =	sadd.s32 $0x8F2B, s0  }
0xbd: {  	[sflag:s0] =	ssyncadd.remote.s32 $0x1  }
0xbe: {  	_ =	sfence.sel $0xFFFF  }
0xbf: {  	[dreg:$0x0] =	wrdreg $0xFFFFFFFF;
	(pc) =	sbr.abs _section_cstart, $3  }
0xc0: {  	[dreg:$0x1] =	wrdreg $0xFFFFFFFF  }
0xc1: {  	_ =	task.clear_ibuf [dreg:s6], $0x2FFFF;
	_ =	strace $0x9FFFFFFF  }
0xc2: {  	(tm) =	ssettm $0x7FFFFFFF  }
0xc3: {  	_ =	shalt  }
tec
execute0_lowered:
.L_overlay_start_1:
0x0: {  	(tag) =	ssettag $0x1  }
0x1: {  	s0 =	srdreg.scid  }
0x2: {  	s0 =	sand.u32 $0x1, s0  }
0x3: {  	p0 =	seq.s32 s0, $0x1  }
.Ltmp0:
0x4: {  	_ = 	snop;
	(pc) =	sbr.rel @p0 .LBB2_7-.Ltmp0, $4  }
0x5: {  	s1 =	rddreg [dreg:$0x0]  }
0x6: {  	s2 =	rddreg [dreg:$0x1];
	s3 =	simm.s32 $0x0  }
0x7: {  	[smem:$0x7FF] =	sst s3  }
0x8: {  	s4 =	rddreg [dreg:$0x2];
	s7 =	stileid.u32;
	_ =	strace $0x8000004A  }
0x9: {  	s3 =	smul.u32 $0x50000, s7  }
0xa: {  	s5 =	smul.u32 $0x2800, s7  }
0xb: {  	s0 =	sadd.s32 $0x3000, s1;
	s4 =	sadd.s32 $0x43000, s1;
	s16 =	simm.s32 $0x200  }
0xc: {  	s3 =	sshrl.u32 s3, $0x2;
	s6 =	sadd.s32 s5, s1;
	s1 =	sshll.u32 s7, $0xD  }
0xd: {  	s17 =	sadd.s32 s3, s2;
	s5 =	sadd.s32 s0, s1;
	s6 =	sadd.s32 $0x6B000, s6  }
0xe: {  	s15 =	sadd.s32 $0x2000, s17;
	s14 =	sadd.s32 $0x4000, s17;
	s13 =	sadd.s32 $0x6000, s17  }
0xf: {  	s12 =	sadd.s32 $0x8000, s17;
	s11 =	sadd.s32 $0xA000, s17;
	s10 =	sadd.s32 $0xC000, s17  }
0x10: {  	s9 =	sadd.s32 $0xE000, s17;
	s8 =	sadd.s32 $0x10000, s17;
	s7 =	sadd.s32 $0x12000, s17  }
0x11: {  	v0 =	vimm.f32 $0.0e+00;
	s3 =	sadd.s32 $0x80, s5;
	[dreg:$0x4] =	wrdreg s6;
	s6 =	simm.s32 $0x0  }
.LBB2_2:
0x12: {  	p0 =	sne.s32 s16, $0x7E00;
	[tilespmem:s6+$0x1070] =	vst v0  }
0x13: {  	[tilespmem:s6+$0x1000] =	vst v0  }
0x14: {  	[tilespmem:s6+$0x1010] =	vst v0  }
.Ltmp1:
0x15: {  	[tilespmem:s6+$0x1020] =	vst v0;
	(pc) =	sbr.rel @p0 .LBB2_2-.Ltmp1, $4  }
0x16: {  	[tilespmem:s6+$0x1030] =	vst v0  }
0x17: {  	[tilespmem:s6+$0x1040] =	vst v0  }
0x18: {  	[tilespmem:s6+$0x1050] =	vst v0  }
0x19: {  	[tilespmem:s6+$0x1060] =	vst v0;
	s6 =	sshra.s32 s16, $0x2;
	s16 =	sadd.s32 $0x200, s16  }
0x1a: {  	[tilespmem:s6+$0x1070] =	vst v0  }
0x1b: {  	[tilespmem:s6+$0x1000] =	vst v0  }
0x1c: {  	[tilespmem:s6+$0x1010] =	vst v0  }
0x1d: {  	[tilespmem:s6+$0x1020] =	vst v0  }
0x1e: {  	[tilespmem:s6+$0x1030] =	vst v0  }
0x1f: {  	[tilespmem:s6+$0x1040] =	vst v0  }
0x20: {  	[tilespmem:s6+$0x1050] =	vst v0  }
0x21: {  	[tilespmem:s6+$0x1060] =	vst v0;
	s6 =	simm.s32 $0x1000;
	[dreg:$0x3] =	wrdreg s17;
	s16 =	simm.s32 $0x4  }
0x22: {  	[spmem:s17] =	stream.linear.scatter [tilespmem:s6], [sflag:$0x4], $0x2000, $0x38;
	[tilespmem:$0x1F000] =	vst v63  }
0x23: {  	_ =	swait.ge [sflag:s16], $0x2000  }
0x24: {  	[sflag:s16] =	ssyncset.done $0x0  }
0x25: {  	[sflag:s16] =	ssyncadd.s32 $0xFFFFE000  }
0x26: {  	[spmem:s15] =	stream.linear.scatter [tilespmem:s6], [sflag:$0x4], $0x2000, $0x38;
	[tilespmem:$0x1F000] =	vst v63  }
0x27: {  	_ =	swait.ge [sflag:s16], $0x2000  }
0x28: {  	[sflag:s16] =	ssyncset.done $0x0  }
0x29: {  	[sflag:s16] =	ssyncadd.s32 $0xFFFFE000  }
0x2a: {  	[spmem:s14] =	stream.linear.scatter [tilespmem:s6], [sflag:$0x4], $0x2000, $0x38;
	[tilespmem:$0x1F000] =	vst v63  }
0x2b: {  	_ =	swait.ge [sflag:s16], $0x2000  }
0x2c: {  	[sflag:s16] =	ssyncset.done $0x0  }
0x2d: {  	[sflag:s16] =	ssyncadd.s32 $0xFFFFE000  }
0x2e: {  	[spmem:s13] =	stream.linear.scatter [tilespmem:s6], [sflag:$0x4], $0x2000, $0x38;
	[tilespmem:$0x1F000] =	vst v63  }
0x2f: {  	_ =	swait.ge [sflag:s16], $0x2000  }
0x30: {  	[sflag:s16] =	ssyncset.done $0x0  }
0x31: {  	[sflag:s16] =	ssyncadd.s32 $0xFFFFE000  }
0x32: {  	[spmem:s12] =	stream.linear.scatter [tilespmem:s6], [sflag:$0x4], $0x2000, $0x38;
	[tilespmem:$0x1F000] =	vst v63  }
0x33: {  	_ =	swait.ge [sflag:s16], $0x2000  }
0x34: {  	[sflag:s16] =	ssyncset.done $0x0  }
0x35: {  	[sflag:s16] =	ssyncadd.s32 $0xFFFFE000  }
0x36: {  	[spmem:s11] =	stream.linear.scatter [tilespmem:s6], [sflag:$0x4], $0x2000, $0x38;
	[tilespmem:$0x1F000] =	vst v63  }
0x37: {  	_ =	swait.ge [sflag:s16], $0x2000  }
0x38: {  	[sflag:s16] =	ssyncset.done $0x0  }
0x39: {  	[sflag:s16] =	ssyncadd.s32 $0xFFFFE000  }
0x3a: {  	[spmem:s10] =	stream.linear.scatter [tilespmem:s6], [sflag:$0x4], $0x2000, $0x38;
	[tilespmem:$0x1F000] =	vst v63  }
0x3b: {  	_ =	swait.ge [sflag:s16], $0x2000  }
0x3c: {  	[sflag:s16] =	ssyncset.done $0x0  }
0x3d: {  	[sflag:s16] =	ssyncadd.s32 $0xFFFFE000  }
0x3e: {  	[spmem:s9] =	stream.linear.scatter [tilespmem:s6], [sflag:$0x4], $0x2000, $0x38;
	[tilespmem:$0x1F000] =	vst v63  }
0x3f: {  	_ =	swait.ge [sflag:s16], $0x2000  }
0x40: {  	[sflag:s16] =	ssyncset.done $0x0  }
0x41: {  	[sflag:s16] =	ssyncadd.s32 $0xFFFFE000  }
0x42: {  	[spmem:s8] =	stream.linear.scatter [tilespmem:s6], [sflag:$0x4], $0x2000, $0x38;
	[tilespmem:$0x1F000] =	vst v63  }
0x43: {  	s24 =	sadd.s32 $0x20000, s5;
	_ =	swait.ge [sflag:s16], $0x2000  }
0x44: {  	s25 =	simm.s32 $0x400;
	s26 =	sadd.s32 $0x20000, s3;
	[sflag:s16] =	ssyncset.done $0x0  }
0x45: {  	s19 =	simm.s32 $0x7000;
	s21 =	simm.s32 $0x9000;
	[sflag:s16] =	ssyncadd.s32 $0xFFFFE000  }
0x46: {  	[spmem:s7] =	stream.linear.scatter [tilespmem:s6], [sflag:$0x4], $0x2000, $0x38;
	[tilespmem:$0x1F000] =	vst v63  }
0x47: {  	s22 =	simm.s32 $0x1;
	s23 =	simm.s32 $0x480;
	_ =	swait.ge [sflag:s16], $0x2000  }
0x48: {  	s28 =	simm.s32 $0x2;
	s29 =	simm.s32 $0x3;
	[sflag:s16] =	ssyncset.done $0x0  }
0x49: {  	s30 =	simm.s32 $0x880;
	s31 =	simm.s32 $0x900;
	[sflag:s16] =	ssyncadd.s32 $0xFFFFE000  }
0x4a: {  	s17 =	simm.s32 $0x5000;
	s7 =	simm.s32 $0x0;
	[bflag:$0x0] =	sbarrier.arrive $0xFFFF  }
0x4b: {  	[tilespmem:s7], [sflag:$0x4] =	stream.linear.gather [hbm4b:s5+s7], $0x280, $0x38;
	[tilespmem:$0x1F000] =	vst v63  }
0x4c: {  	s15 =	simm.s32 $0x3000;
	s14 =	simm.s32 $0xE00;
	s13 =	simm.s32 $0x40  }
0x4d: {  	[tilespmem:s25], [sflag:$0x4] =	stream.linear.gather [hbm4b:s24+s7], $0x280, $0x38;
	[tilespmem:$0x1F000] =	vst v63  }
0x4e: {  	s12 =	simm.s32 $0xFFFFE100;
	s11 =	sadd.s32 s1, s0;
	_ =	swait.ge [sflag:s16], $0x500  }
0x4f: {  	s0 =	simm.s32 $0x980;
	s1 =	simm.s32 $0xC80;
	[sflag:s16] =	ssyncset.done $0x0  }
0x50: {  	s10 =	simm.s32 $0xC00;
	s9 =	simm.s32 $0x800;
	[sflag:s16] =	ssyncadd.s32 $0xFFFFFB00  }
0x51: {  	[tilespmem:s9], [sflag:$0x3] =	stream.linear.gather [hbm4b:s3+s7], $0x280, $0x38;
	[tilespmem:$0x1F000] =	vst v63  }
0x52: {  	s8 =	simm.s32 $0xD80;
	s5 =	simm.s32 $0xA00;
	s24 =	simm.s32 $0x500  }
0x53: {  	[tilespmem:s10], [sflag:$0x3] =	stream.linear.gather [hbm4b:s26+s7], $0x280, $0x38;
	[tilespmem:$0x1F000] =	vst v63  }
0x54: {  	s25 =	simm.s32 $0x580;
	s3 =	simm.s32 $0xD00;
	s26 =	simm.s32 $0x600  }
.LBB2_4:
0x55: {  	[tilespmem:s6], [sflag:$0x1] =	stream.indirect.gather [hbm4b:s4+s13], $0x80, s7, s13, $0xb8;
	[tilespmem:$0x1F000] =	vst v63  }
0x56: {  	s16 =	simm.s32 $0x80  }
0x57: {  	[tilespmem:s15], [sflag:$0x1] =	stream.indirect.gather [hbm4b:s4+s13], $0x80, s16, s13, $0xb8;
	[tilespmem:$0x1F000] =	vst v63  }
0x58: {  	s18 =	simm.s32 $0x100  }
0x59: {  	[tilespmem:s17], [sflag:$0x1] =	stream.indirect.gather [hbm4b:s4+s13], $0x80, s18, s13, $0xb8;
	[tilespmem:$0x1F000] =	vst v63  }
0x5a: {  	s20 =	simm.s32 $0x180  }
0x5b: {  	[tilespmem:s19], [sflag:$0x1] =	stream.indirect.gather [hbm4b:s4+s13], $0x80, s20, s13, $0xb8;
	[tilespmem:$0x1F000] =	vst v63  }
0x5c: {  	s18 =	simm.s32 $0x200  }
0x5d: {  	[tilespmem:s21], [sflag:$0x1] =	stream.indirect.gather [hbm4b:s4+s13], $0x80, s18, s13, $0xb8;
	[tilespmem:$0x1F000] =	vst v63  }
0x5e: {  	_ =	swait.ge [sflag:s22], $0x2000  }
0x5f: {  	[sflag:s22] =	ssyncset.done $0x0  }
0x60: {  	s20 =	simm.s32 $0x400;
	[sflag:s22] =	ssyncadd.s32 $0xFFFFE000  }
0x61: {  	[spmem:s2] =	stream.indirect.scatter.add.f32 [tilespmem:s6], [sflag:$0x2], $0x80, s20, s13, $0xb8;
	[tilespmem:$0x1F000] =	vst v63  }
0x62: {  	_ =	swait.ge [sflag:s22], $0x2000  }
0x63: {  	[sflag:s22] =	ssyncset.done $0x0  }
0x64: {  	[sflag:s22] =	ssyncadd.s32 $0xFFFFE000  }
0x65: {  	[spmem:s2] =	stream.indirect.scatter.add.f32 [tilespmem:s15], [sflag:$0x2], $0x80, s23, s13, $0xb8;
	[tilespmem:$0x1F000] =	vst v63  }
0x66: {  	_ =	swait.ge [sflag:s22], $0x2000  }
0x67: {  	[sflag:s22] =	ssyncset.done $0x0  }
0x68: {  	[sflag:s22] =	ssyncadd.s32 $0xFFFFE000  }
0x69: {  	[spmem:s2] =	stream.indirect.scatter.add.f32 [tilespmem:s17], [sflag:$0x2], $0x80, s24, s13, $0xb8;
	[tilespmem:$0x1F000] =	vst v63  }
0x6a: {  	_ =	swait.ge [sflag:s22], $0x2000  }
0x6b: {  	[sflag:s22] =	ssyncset.done $0x0  }
0x6c: {  	[sflag:s22] =	ssyncadd.s32 $0xFFFFE000  }
0x6d: {  	[spmem:s2] =	stream.indirect.scatter.add.f32 [tilespmem:s19], [sflag:$0x2], $0x80, s25, s13, $0xb8;
	[tilespmem:$0x1F000] =	vst v63  }
0x6e: {  	_ =	swait.ge [sflag:s22], $0x2000  }
0x6f: {  	[sflag:s22] =	ssyncset.done $0x0  }
0x70: {  	[sflag:s22] =	ssyncadd.s32 $0xFFFFE000  }
0x71: {  	[spmem:s2] =	stream.indirect.scatter.add.f32 [tilespmem:s21], [sflag:$0x2], $0x80, s26, s13, $0xb8;
	[tilespmem:$0x1F000] =	vst v63  }
0x72: {  	_ =	swait.ge [sflag:s28], $0x2000  }
0x73: {  	[sflag:s28] =	ssyncset.done $0x0  }
0x74: {  	[sflag:s28] =	ssyncadd.s32 $0xFFFFE000  }
0x75: {  	_ =	swait.ge [sflag:s28], $0x2000  }
0x76: {  	[sflag:s28] =	ssyncset.done $0x0  }
0x77: {  	[sflag:s28] =	ssyncadd.s32 $0xFFFFE000  }
0x78: {  	_ =	swait.ge [sflag:s28], $0x2000  }
0x79: {  	[sflag:s28] =	ssyncset.done $0x0  }
0x7a: {  	[sflag:s28] =	ssyncadd.s32 $0xFFFFE000  }
0x7b: {  	_ =	swait.ge [sflag:s28], $0x2000  }
0x7c: {  	[sflag:s28] =	ssyncset.done $0x0  }
0x7d: {  	[sflag:s28] =	ssyncadd.s32 $0xFFFFE000  }
0x7e: {  	_ =	swait.ge [sflag:s28], $0x2000  }
0x7f: {  	[sflag:s28] =	ssyncset.done $0x0  }
0x80: {  	[sflag:s28] =	ssyncadd.s32 $0xFFFFE000  }
0x81: {  	p0 =	seq.s32 s12, $0x0;
	_ =	swait.ge [sflag:s29], $0x500  }
0x82: {  	s16 =	sadd.s32 @!p0 s12, s11;
	[sflag:s29] =	ssyncset.done $0x0  }
0x83: {  	s18 =	sadd.s32 @!p0 $0x2000, s16;
	s20 =	simm.s32 @!p0 $0x0;
	[sflag:s29] =	ssyncadd.s32 $0xFFFFFB00  }
0x84: {  	[tilespmem:s20], [sflag:$0x3] =	stream.linear.gather @!p0 [hbm4b:s18+s20], $0x280, $0x38;
	[tilespmem:$0x1F000] =	vst v63  }
0x85: {  	s16 =	sadd.s32 @!p0 $0x22000, s16;
	s18 =	simm.s32 @!p0 $0x400  }
0x86: {  	[tilespmem:s18], [sflag:$0x3] =	stream.linear.gather @!p0 [hbm4b:s16+s20], $0x280, $0x38;
	[tilespmem:$0x1F000] =	vst v63  }
0x87: {  	_ = 	snop  }
0x88: {  	[tilespmem:s6], [sflag:$0x1] =	stream.indirect.gather [hbm4b:s4+s13], $0x80, s9, s13, $0xb8;
	[tilespmem:$0x1F000] =	vst v63  }
0x89: {  	_ = 	snop  }
0x8a: {  	[tilespmem:s15], [sflag:$0x1] =	stream.indirect.gather [hbm4b:s4+s13], $0x80, s30, s13, $0xb8;
	[tilespmem:$0x1F000] =	vst v63  }
0x8b: {  	_ = 	snop  }
0x8c: {  	[tilespmem:s17], [sflag:$0x1] =	stream.indirect.gather [hbm4b:s4+s13], $0x80, s31, s13, $0xb8;
	[tilespmem:$0x1F000] =	vst v63  }
0x8d: {  	_ = 	snop  }
0x8e: {  	[tilespmem:s19], [sflag:$0x1] =	stream.indirect.gather [hbm4b:s4+s13], $0x80, s0, s13, $0xb8;
	[tilespmem:$0x1F000] =	vst v63  }
0x8f: {  	_ = 	snop  }
0x90: {  	[tilespmem:s21], [sflag:$0x1] =	stream.indirect.gather [hbm4b:s4+s13], $0x80, s5, s13, $0xb8;
	[tilespmem:$0x1F000] =	vst v63  }
0x91: {  	_ =	swait.ge [sflag:s22], $0x2000  }
0x92: {  	[sflag:s22] =	ssyncset.done $0x0  }
0x93: {  	[sflag:s22] =	ssyncadd.s32 $0xFFFFE000  }
0x94: {  	[spmem:s2] =	stream.indirect.scatter.add.f32 [tilespmem:s6], [sflag:$0x2], $0x80, s10, s13, $0xb8;
	[tilespmem:$0x1F000] =	vst v63  }
0x95: {  	_ =	swait.ge [sflag:s22], $0x2000  }
0x96: {  	[sflag:s22] =	ssyncset.done $0x0  }
0x97: {  	[sflag:s22] =	ssyncadd.s32 $0xFFFFE000  }
0x98: {  	[spmem:s2] =	stream.indirect.scatter.add.f32 [tilespmem:s15], [sflag:$0x2], $0x80, s1, s13, $0xb8;
	[tilespmem:$0x1F000] =	vst v63  }
0x99: {  	_ =	swait.ge [sflag:s22], $0x2000  }
0x9a: {  	[sflag:s22] =	ssyncset.done $0x0  }
0x9b: {  	[sflag:s22] =	ssyncadd.s32 $0xFFFFE000  }
0x9c: {  	[spmem:s2] =	stream.indirect.scatter.add.f32 [tilespmem:s17], [sflag:$0x2], $0x80, s3, s13, $0xb8;
	[tilespmem:$0x1F000] =	vst v63  }
0x9d: {  	_ =	swait.ge [sflag:s22], $0x2000  }
0x9e: {  	[sflag:s22] =	ssyncset.done $0x0  }
0x9f: {  	[sflag:s22] =	ssyncadd.s32 $0xFFFFE000  }
0xa0: {  	[spmem:s2] =	stream.indirect.scatter.add.f32 [tilespmem:s19], [sflag:$0x2], $0x80, s8, s13, $0xb8;
	[tilespmem:$0x1F000] =	vst v63  }
0xa1: {  	_ =	swait.ge [sflag:s22], $0x2000  }
0xa2: {  	[sflag:s22] =	ssyncset.done $0x0  }
0xa3: {  	[sflag:s22] =	ssyncadd.s32 $0xFFFFE000  }
0xa4: {  	[spmem:s2] =	stream.indirect.scatter.add.f32 [tilespmem:s21], [sflag:$0x2], $0x80, s14, s13, $0xb8;
	[tilespmem:$0x1F000] =	vst v63  }
0xa5: {  	_ =	swait.ge [sflag:s28], $0x2000  }
0xa6: {  	[sflag:s28] =	ssyncset.done $0x0  }
0xa7: {  	[sflag:s28] =	ssyncadd.s32 $0xFFFFE000  }
0xa8: {  	_ =	swait.ge [sflag:s28], $0x2000  }
0xa9: {  	[sflag:s28] =	ssyncset.done $0x0  }
0xaa: {  	[sflag:s28] =	ssyncadd.s32 $0xFFFFE000  }
0xab: {  	_ =	swait.ge [sflag:s28], $0x2000  }
0xac: {  	[sflag:s28] =	ssyncset.done $0x0  }
0xad: {  	[sflag:s28] =	ssyncadd.s32 $0xFFFFE000  }
0xae: {  	_ =	swait.ge [sflag:s28], $0x2000  }
.Ltmp2:
0xaf: {  	[sflag:s28] =	ssyncset.done $0x0;
	(pc) =	sbr.rel @p0 .LBB2_6-.Ltmp2, $4  }
0xb0: {  	[sflag:s28] =	ssyncadd.s32 $0xFFFFE000  }
0xb1: {  	_ =	swait.ge [sflag:s28], $0x2000  }
0xb2: {  	[sflag:s28] =	ssyncset.done $0x0  }
0xb3: {  	[sflag:s28] =	ssyncadd.s32 $0xFFFFE000  }
0xb4: {  	_ =	swait.ge [sflag:s29], $0x500  }
.Ltmp3:
0xb5: {  	s16 =	sadd.s32 s12, s11;
	[sflag:s29] =	ssyncset.done $0x0;
	(pc) =	sbr.rel .LBB2_4-.Ltmp3, $4  }
0xb6: {  	s18 =	sadd.s32 $0x2080, s16;
	[sflag:s29] =	ssyncadd.s32 $0xFFFFFB00  }
0xb7: {  	[tilespmem:s9], [sflag:$0x3] =	stream.linear.gather [hbm4b:s18+s7], $0x280, $0x38;
	[tilespmem:$0x1F000] =	vst v63  }
0xb8: {  	s12 =	sadd.s32 $0x100, s12;
	s16 =	sadd.s32 $0x22080, s16  }
0xb9: {  	[tilespmem:s10], [sflag:$0x3] =	stream.linear.gather [hbm4b:s16+s7], $0x280, $0x38;
	[tilespmem:$0x1F000] =	vst v63  }
.LBB2_6:
0xba: {  	s7 =	stileid.u32;
	[bflag:$0x0] =	sbarrier.arrive $0xFFFF  }
0xbb: {  	s31 =	simm.s32 $0x4;
	s0 =	sshll.u32 s7, $0x6;
	s1 =	rddreg [dreg:$0x3]  }
0xbc: {  	s2 =	rddreg [dreg:$0x4];
	s0 =	sor.u32 $0x1C04, s0;
	s1 =	sshrl.u32 s1, $0x3  }
0xbd: {  	[hbm:s2], [sflag:s0] =	dma.local [spmem:s1], $0x2800  }
0xbe: {  	_ =	swait.ge [sflag:s31], $0x2800  }
0xbf: {  	[sflag:s31] =	ssyncset.done $0x0  }
0xc0: {  	[sflag:s31] =	ssyncadd.s32 $0xFFFFD800  }
0xc1: {  	s4 =	rddreg [dreg:$0x2]  }
.LBB2_7:
0xc2: {  	_ =	sfence.sel $0x180000  }
0xc3: {  	[bflag:$0x0] =	sbarrier.arrive $0xFFFF  }
0xc4: {  	p0 =	sne.s32 s7, $0x0;
	_ =	strace $0x9000004A  }
0xc5: {  	s0 =	sadd.s32 @!p0 $0x100000, s4;
	[bflag:$0x2] =	sbarrier.arrive $0xFFFF  }
0xc6: {  	[sflag:s0] =	ssyncadd.tile.s32 @!p0 $0x1;
	_ =	shalt  }
.Lfunc_end2:
_tile_overlayer_lowered:
.L_overlay_start_2:
0xc7: {  	(tag) =	ssettag $0x2  }
0xc8: {  	s0 =	rddreg [dreg:$0x0];
	s2 =	stileid.u32  }
0xc9: {  	s1 =	rddreg [dreg:$0x1];
	p0 =	sne.s32 s2, $0x0  }
0xca: {  	s3 =	rddreg [dreg:$0x2];
	[bflag:$0x3] =	sbarrier.arrive $0xFFFF;
	s2 =	simm.s32 @!p0 $0x1C04  }
0xcb: {  	[timem:s3], [sflag:s2] =	dma.local @!p0 [hbm:s0], s1  }
0xcc: {  	s0 =	simm.s32 @!p0 $0x4  }
0xcd: {  	_ =	swait.ge @!p0 [sflag:s0], s1  }
0xce: {  	s1 =	ssub.s32 @!p0 $0x0, s1;
	[sflag:s0] =	ssyncset.done @!p0 $0x0  }
0xcf: {  	[sflag:s0] =	ssyncadd.s32 @!p0 s1  }
0xd0: {  	[bflag:$0x3] =	sbarrier.arrive $0xFFFF  }
0xd1: {  	_ =	shalt  }

// kernel: kernel.14.cloned.1.call-start
scs
__scs_entry_jumppad:
0x0: {  	(pc) =	sbr.rel $0x88, $3  }
0x1: {  	(tag) =	ssettag $0x0;
	lr =	simm.s32 $0x1  }
0x2: {  	[smem:$0x3F9B] =	sst lr;
	_ =	strace $0xD0000000  }
0x3: {  	_ = 	snop  }
0x4: {  	_ = 	snop  }
0x5: {  	_ = 	snop  }
0x6: {  	_ = 	snop  }
0x7: {  	_ = 	snop  }
__scs_overlays_trampoline_lowered:
0x8: {  	[smem:$0x3FAA] =	sst s0  }
0x9: {  	[smem:$0x3FAB] =	sst s1  }
0xa: {  	[smem:$0x3FAC] =	sst s2  }
0xb: {  	[smem:$0x3FAD] =	sst s3  }
0xc: {  	[smem:$0x3FAE] =	sst s4  }
0xd: {  	[smem:$0x3FAF] =	sst s5  }
0xe: {  	[smem:$0x3FB0] =	sst s6  }
0xf: {  	[smem:$0x3FB1] =	sst s7  }
0x10: {  	[smem:$0x3FB2] =	sst s8  }
0x11: {  	[smem:$0x3FB3] =	sst s9;
	s0 =	simm.s32 @!p0 $0x0  }
0x12: {  	s1 =	sld [smem:$0x3F99];
	s0 =	simm.s32 @p0 $0x1  }
0x13: {  	[smem:$0x3FB4] =	sst s0;
	s0 =	simm.s32 @!p1 $0x0  }
0x14: {  	s2 =	sld [smem:$0x3F98];
	s0 =	simm.s32 @p1 $0x1  }
0x15: {  	[smem:$0x3FB5] =	sst s0;
	s0 =	simm.s32 @!p2 $0x0  }
0x16: {  	s3 =	sld [smem:$0x3FDB];
	s0 =	simm.s32 @p2 $0x1  }
0x17: {  	s4 =	simm.s32 $0x1BF5;
	[smem:$0x3FB7] =	sst s0  }
0x18: {  	s0 =	sld [smem:$0x3F9A];
	_ =	swait.ge [sflag:s4], $0x0  }
0x19: {  	s7 =	sld [smem:$0x3F9B]  }
0x1a: {  	s8 =	sadd.s32 $0xFFFFE003, lr  }
0x1b: {  	s9 =	sadd.s32 $0xFFFFFEF7, lr;
	s5 =	simm.s32 $0xFFFFFFFF;
	p2 =	slt.u32 s8, $0xFFFFF086  }
0x1c: {  	p1 =	slt.u32 s9, $0xF7A;
	s5 =	simm.s32 @!p2 $0x0  }
0x1d: {  	s5 =	simm.s32 @p1 $0x1;
	p0 =	seq.s32 s7, s2  }
0x1e: {  	s7 =	smul.u32 @!p0 $0xF7A, s2;
	p2 =	seq.s32 @!p0 s5, $0x0  }
0x1f: {  	s9 =	smul.u32 $0xF7A, s1;
	s8 =	simm.s32 @!p0 $0x1BF5;
	p2 =	por !p2, p0  }
0x20: {  	[sflag:s8] =	ssyncset.s32 @!p0 $0xFFFFF086;
	s6 =	sadd.s32 @!p0 s3, s7;
	s7 =	simm.s32 @!p0 $0x108  }
0x21: {  	s3 =	sadd.s32 s3, s9;
	s6 =	sadd.s32 @!p0 $0x88, s6;
	s7 =	simm.s32 @p2 $0x1082  }
0x22: {  	[simem:s7], [sflag:s8] =	dma.local @!p0 [hbm:s6], $0xF7A  }
0x23: {  	s9 =	sor.u32 $0xD0000000, s2;
	s6 =	simm.s32 $0x108;
	_ =	swait.ge @!p0 [sflag:s8], $0x0  }
0x24: {  	s3 =	sadd.s32 $0x88, s3;
	s6 =	simm.s32 @!p1 $0x1082;
	[sflag:s4] =	ssyncset.s32 $0xFFFFF086  }
0x25: {  	[simem:s6], [sflag:s4] =	dma.local [hbm:s3], $0xF7A  }
0x26: {  	[smem:$0x3F9B] =	sst s1;
	(tag) =	ssettag s2;
	_ =	strace s9  }
0x27: {  	s1 =	sld [smem:$0x3FAB]  }
0x28: {  	s2 =	sld [smem:$0x3FAC]  }
0x29: {  	s4 =	sld [smem:$0x3FAE]  }
0x2a: {  	p0 =	seq.s32 s5, $0x0;
	s5 =	sld [smem:$0x3FAF]  }
0x2b: {  	s6 =	sld [smem:$0x3FB0]  }
0x2c: {  	s7 =	sld [smem:$0x3FB1]  }
0x2d: {  	s3 =	simm.s32 $0x108;
	s8 =	sld [smem:$0x3FB2]  }
0x2e: {  	s3 =	simm.s32 @!p0 $0x1082;
	s9 =	sld [smem:$0x3FB3]  }
0x2f: {  	lr =	sadd.s32 s0, s3;
	s0 =	sld [smem:$0x3FAA]  }
0x30: {  	s3 =	sld [smem:$0x3FAD]  }
0x31: {  	[smem:$0x3FB6] =	sst s10  }
0x32: {  	s10 =	sld [smem:$0x3FB4];
	_ =	sdelay $0x3  }
0x33: {  	p0 =	seq.s32 s10, $0x1;
	s10 =	sld [smem:$0x3FB6];
	_ =	sdelay $0x3  }
0x34: {  	[smem:$0x3FB6] =	sst s10  }
0x35: {  	s10 =	sld [smem:$0x3FB5];
	_ =	sdelay $0x3  }
0x36: {  	p1 =	seq.s32 s10, $0x1;
	s10 =	sld [smem:$0x3FB6];
	_ =	sdelay $0x3  }
0x37: {  	[smem:$0x3FB6] =	sst s10  }
0x38: {  	s10 =	sld [smem:$0x3FB7]  }
0x39: {  	_ = 	snop;
	(pc) =	sbr.ind lr, $3  }
0x3a: {  	_ = 	snop  }
0x3b: {  	_ = 	snop  }
0x3c: {  	p2 =	seq.s32 s10, $0x1;
	s10 =	sld [smem:$0x3FB6]  }
0x3d: {  	_ =	shalt  }
0x3e: {  	_ =	shalt  }
0x3f: {  	_ =	shalt  }
0x40: {  	_ =	shalt  }
0x41: {  	_ =	shalt  }
0x42: {  	_ =	shalt  }
0x43: {  	_ =	shalt  }
0x44: {  	_ =	shalt  }
0x45: {  	_ =	shalt  }
0x46: {  	_ =	shalt  }
0x47: {  	_ =	shalt  }
0x48: {  	_ =	shalt  }
0x49: {  	_ =	shalt  }
0x4a: {  	_ =	shalt  }
0x4b: {  	_ =	shalt  }
0x4c: {  	_ =	shalt  }
0x4d: {  	_ =	shalt  }
0x4e: {  	_ =	shalt  }
0x4f: {  	_ =	shalt  }
0x50: {  	_ =	shalt  }
0x51: {  	_ =	shalt  }
0x52: {  	_ =	shalt  }
0x53: {  	_ =	shalt  }
0x54: {  	_ =	shalt  }
0x55: {  	_ =	shalt  }
0x56: {  	_ =	shalt  }
0x57: {  	_ =	shalt  }
0x58: {  	_ =	shalt  }
0x59: {  	_ =	shalt  }
0x5a: {  	_ =	shalt  }
0x5b: {  	_ =	shalt  }
0x5c: {  	_ =	shalt  }
0x5d: {  	_ =	shalt  }
0x5e: {  	_ =	shalt  }
0x5f: {  	_ =	shalt  }
0x60: {  	_ =	shalt  }
0x61: {  	_ =	shalt  }
0x62: {  	_ =	shalt  }
0x63: {  	_ =	shalt  }
0x64: {  	_ =	shalt  }
0x65: {  	_ =	shalt  }
0x66: {  	_ =	shalt  }
0x67: {  	_ =	shalt  }
0x68: {  	_ =	shalt  }
0x69: {  	_ =	shalt  }
0x6a: {  	_ =	shalt  }
0x6b: {  	_ =	shalt  }
0x6c: {  	_ =	shalt  }
0x6d: {  	_ =	shalt  }
0x6e: {  	_ =	shalt  }
0x6f: {  	_ =	shalt  }
0x70: {  	_ =	shalt  }
0x71: {  	_ =	shalt  }
0x72: {  	_ =	shalt  }
0x73: {  	_ =	shalt  }
0x74: {  	_ =	shalt  }
0x75: {  	_ =	shalt  }
0x76: {  	_ =	shalt  }
0x77: {  	_ =	shalt  }
0x78: {  	_ =	shalt  }
0x79: {  	_ =	shalt  }
0x7a: {  	_ =	shalt  }
0x7b: {  	_ =	shalt  }
0x7c: {  	_ =	shalt  }
0x7d: {  	_ =	shalt  }
0x7e: {  	_ =	shalt  }
0x7f: {  	_ =	shalt  }
0x80: {  	_ =	shalt  }
0x81: {  	_ =	shalt  }
0x82: {  	_ =	shalt  }
0x83: {  	_ =	shalt  }
0x84: {  	_ =	shalt  }
0x85: {  	_ =	shalt  }
0x86: {  	_ =	shalt  }
0x87: {  	_ =	shalt  }
.Lfunc_end0:
.L_simem_size_0:
called_computation.2_lowered:
.L_overlay_start_0:
0x88: {  	s2 =	sld [smem:$0x3FD9]  }
0x89: {  	s3 =	sld [smem:$0x3FFE];
	_ =	sdelay $0x1  }
0x8a: {  	s1 =	srdreg.scid  }
0x8b: {  	s0 =	sand.u32 $0x1, s1  }
0x8c: {  	s16 =	sshll.u32 s0, $0xA;
	s2 =	sadd.s32 s3, s2  }
0x8d: {  	s2 =	sadd.s32 s2, s16  }
0x8e: {  	[smem:$0x3FC2] =	sst s2  }
0x8f: {  	_ = 	snop  }
0x90: {  	(tm) =	ssettm $0x1  }
0x91: {  	s17 =	sld [smem:$0x3FFB];
	_ =	sdelay $0x3  }
0x92: {  	_ =	strace s17  }
0x93: {  	s2 =	sld [smem:$0x3FFC];
	_ =	sdelay $0x3  }
0x94: {  	_ =	strace s2  }
0x95: {  	s2 =	sld [smem:$0x3FFD];
	_ =	sdelay $0x3  }
0x96: {  	_ =	strace s2  }
0x97: {  	_ =	strace $0x8FFFFFFF  }
0x98: {  	s18 =	sld [smem:$0x3FDB];
	_ =	sdelay $0x1  }
0x99: {  	s19 =	simm.s32 $_scs_section_size  }
0x9a: {  	s4 =	simm.s32 $_size__tile_overlayer_lowered;
	s5 =	simm.s32 $_tile_overlayer_lowered  }
0x9b: {  	s22 =	simm.s32 $0x1BFF;
	s21 =	sshll.u32 s5, $0x1;
	s2 =	sadd.s32 s19, s18  }
0x9c: {  	s6 =	simm.s32 $0x0;
	s20 =	sshll.u32 s4, $0x1;
	s4 =	sadd.s32 s21, s2  }
0x9d: {  	[timem:s6], [sflag:s22] =	dma.local [hbm:s4], s20  }
0x9e: {  	_ =	swait.ge [sflag:s22], s20  }
0x9f: {  	s3 =	ssub.s32 $0x0, s20;
	[sflag:s22] =	ssyncset.done $0x0  }
0xa0: {  	[sflag:s22] =	ssyncadd.s32 s3;
	_ =	sdelay $0x1  }
0xa1: {  	s23 =	simm.s32 $0x1B8B  }
0xa2: {  	_ =	swait.ge [sflag:s23], $0x1  }
0xa3: {  	[sflag:s23] =	ssyncset.done $0x0  }
0xa4: {  	s25 =	simm.s32 $0x1B8E;
	s24 =	sld [smem:$0x3FFE];
	[sflag:s23] =	ssyncadd.s32 $0xFFFFFFFF  }
0xa5: {  	s26 =	simm.s32 $execute0_lowered;
	[smem:$0x3FD2] =	sst s25  }
0xa6: {  	s4 =	sshll.u32 s26, $0x1;
	_ =	strace $0x8000004C;
	[dreg:$0x1] =	wrdreg $0xFFFFFFFF  }
0xa7: {  	s28 =	simm.s32 $_size_execute0_lowered;
	s2 =	sadd.s32 s2, s4;
	[dreg:$0x0] =	wrdreg $0x0  }
0xa8: {  	s4 =	sshll.u32 s28, $0x1;
	[dreg:$0x2] =	wrdreg s2  }
0xa9: {  	[dreg:$0x3] =	wrdreg s4  }
0xaa: {  	[dreg:$0x4] =	wrdreg $0xC0  }
0xab: {  	_ =	task [dreg:s6], $0x5FFFF  }
0xac: {  	[dreg:$0x1] =	wrdreg $0xFFFFFFFF  }
0xad: {  	[dreg:$0x0] =	wrdreg $0x60  }
0xae: {  	[dreg:$0x2] =	wrdreg s24  }
0xaf: {  	[dreg:$0x3] =	wrdreg $0xB0000  }
0xb0: {  	[dreg:$0x4] =	wrdreg $0x9  }
0xb1: {  	_ =	task.clear_ibuf [dreg:s6], $0x5FFFF;
	_ =	strace $0x9000004C  }
0xb2: {  	s29 =	simm.s32 $0x9;
	_ =	strace $0x8000004E  }
0xb3: {  	_ =	swait.ge [sflag:s29], $0x1  }
0xb4: {  	[sflag:s29] =	ssyncadd.s32 $0xFFFFFFFF  }
0xb5: {  	_ =	strace $0x9000004E  }
0xb6: {  	_ =	sfence  }
0xb7: {  	s30 =	sld [smem:$0x0];
	_ =	sdelay $0x2  }
0xb8: {  	s31 =	sshll.u32 s1, $0xD;
	s1 =	sshrl.u32 s1, $0x2  }
0xb9: {  	s3 =	sand.u32 $0x4000, s31;
	s1 =	sadd.s32 s1, s30  }
0xba: {  	s0 =	sor.u32 s3, s0;
	s1 =	sshll.u32 s1, $0x11  }
0xbb: {  	s0 =	sor.u32 s1, s0  }
0xbc: {  	s0 =	sadd.s32 $0x8F2B, s0  }
0xbd: {  	[sflag:s0] =	ssyncadd.remote.s32 $0x1  }
0xbe: {  	_ =	sfence.sel $0xFFFF  }
0xbf: {  	[dreg:$0x0] =	wrdreg $0xFFFFFFFF;
	(pc) =	sbr.abs _section_cstart, $3  }
0xc0: {  	[dreg:$0x1] =	wrdreg $0xFFFFFFFF  }
0xc1: {  	_ =	task.clear_ibuf [dreg:s6], $0x2FFFF;
	_ =	strace $0x9FFFFFFF  }
0xc2: {  	(tm) =	ssettm $0x7FFFFFFF  }
0xc3: {  	_ =	shalt  }
tec
execute0_lowered:
.L_overlay_start_1:
0x0: {  	(tag) =	ssettag $0x1  }
0x1: {  	s0 =	srdreg.scid  }
0x2: {  	s0 =	sand.u32 $0x1, s0  }
0x3: {  	p0 =	seq.s32 s0, $0x1  }
.Ltmp0:
0x4: {  	_ = 	snop;
	(pc) =	sbr.rel @p0 .LBB2_7-.Ltmp0, $4  }
0x5: {  	s1 =	rddreg [dreg:$0x0]  }
0x6: {  	s2 =	rddreg [dreg:$0x1];
	s3 =	simm.s32 $0x0  }
0x7: {  	[smem:$0x7FF] =	sst s3  }
0x8: {  	s4 =	rddreg [dreg:$0x2];
	s7 =	stileid.u32;
	_ =	strace $0x8000004D  }
0x9: {  	s3 =	smul.u32 $0x50000, s7  }
0xa: {  	s5 =	smul.u32 $0x2800, s7  }
0xb: {  	s0 =	sadd.s32 $0x3000, s1;
	s4 =	sadd.s32 $0x43000, s1;
	s16 =	simm.s32 $0x200  }
0xc: {  	s3 =	sshrl.u32 s3, $0x2;
	s6 =	sadd.s32 s5, s1;
	s1 =	sshll.u32 s7, $0xD  }
0xd: {  	s17 =	sadd.s32 s3, s2;
	s5 =	sadd.s32 s0, s1;
	s6 =	sadd.s32 $0x6B000, s6  }
0xe: {  	s15 =	sadd.s32 $0x2000, s17;
	s14 =	sadd.s32 $0x4000, s17;
	s13 =	sadd.s32 $0x6000, s17  }
0xf: {  	s12 =	sadd.s32 $0x8000, s17;
	s11 =	sadd.s32 $0xA000, s17;
	s10 =	sadd.s32 $0xC000, s17  }
0x10: {  	s9 =	sadd.s32 $0xE000, s17;
	s8 =	sadd.s32 $0x10000, s17;
	s7 =	sadd.s32 $0x12000, s17  }
0x11: {  	v0 =	vimm.f32 $0.0e+00;
	s3 =	sadd.s32 $0x80, s5;
	[dreg:$0x4] =	wrdreg s6;
	s6 =	simm.s32 $0x0  }
.LBB2_2:
0x12: {  	p0 =	sne.s32 s16, $0x7E00;
	[tilespmem:s6+$0x1070] =	vst v0  }
0x13: {  	[tilespmem:s6+$0x1000] =	vst v0  }
0x14: {  	[tilespmem:s6+$0x1010] =	vst v0  }
.Ltmp1:
0x15: {  	[tilespmem:s6+$0x1020] =	vst v0;
	(pc) =	sbr.rel @p0 .LBB2_2-.Ltmp1, $4  }
0x16: {  	[tilespmem:s6+$0x1030] =	vst v0  }
0x17: {  	[tilespmem:s6+$0x1040] =	vst v0  }
0x18: {  	[tilespmem:s6+$0x1050] =	vst v0  }
0x19: {  	[tilespmem:s6+$0x1060] =	vst v0;
	s6 =	sshra.s32 s16, $0x2;
	s16 =	sadd.s32 $0x200, s16  }
0x1a: {  	[tilespmem:s6+$0x1070] =	vst v0  }
0x1b: {  	[tilespmem:s6+$0x1000] =	vst v0  }
0x1c: {  	[tilespmem:s6+$0x1010] =	vst v0  }
0x1d: {  	[tilespmem:s6+$0x1020] =	vst v0  }
0x1e: {  	[tilespmem:s6+$0x1030] =	vst v0  }
0x1f: {  	[tilespmem:s6+$0x1040] =	vst v0  }
0x20: {  	[tilespmem:s6+$0x1050] =	vst v0  }
0x21: {  	[tilespmem:s6+$0x1060] =	vst v0;
	s6 =	simm.s32 $0x1000;
	[dreg:$0x3] =	wrdreg s17;
	s16 =	simm.s32 $0x4  }
0x22: {  	[spmem:s17] =	stream.linear.scatter [tilespmem:s6], [sflag:$0x4], $0x2000, $0x38;
	[tilespmem:$0x1F000] =	vst v63  }
0x23: {  	_ =	swait.ge [sflag:s16], $0x2000  }
0x24: {  	[sflag:s16] =	ssyncset.done $0x0  }
0x25: {  	[sflag:s16] =	ssyncadd.s32 $0xFFFFE000  }
0x26: {  	[spmem:s15] =	stream.linear.scatter [tilespmem:s6], [sflag:$0x4], $0x2000, $0x38;
	[tilespmem:$0x1F000] =	vst v63  }
0x27: {  	_ =	swait.ge [sflag:s16], $0x2000  }
0x28: {  	[sflag:s16] =	ssyncset.done $0x0  }
0x29: {  	[sflag:s16] =	ssyncadd.s32 $0xFFFFE000  }
0x2a: {  	[spmem:s14] =	stream.linear.scatter [tilespmem:s6], [sflag:$0x4], $0x2000, $0x38;
	[tilespmem:$0x1F000] =	vst v63  }
0x2b: {  	_ =	swait.ge [sflag:s16], $0x2000  }
0x2c: {  	[sflag:s16] =	ssyncset.done $0x0  }
0x2d: {  	[sflag:s16] =	ssyncadd.s32 $0xFFFFE000  }
0x2e: {  	[spmem:s13] =	stream.linear.scatter [tilespmem:s6], [sflag:$0x4], $0x2000, $0x38;
	[tilespmem:$0x1F000] =	vst v63  }
0x2f: {  	_ =	swait.ge [sflag:s16], $0x2000  }
0x30: {  	[sflag:s16] =	ssyncset.done $0x0  }
0x31: {  	[sflag:s16] =	ssyncadd.s32 $0xFFFFE000  }
0x32: {  	[spmem:s12] =	stream.linear.scatter [tilespmem:s6], [sflag:$0x4], $0x2000, $0x38;
	[tilespmem:$0x1F000] =	vst v63  }
0x33: {  	_ =	swait.ge [sflag:s16], $0x2000  }
0x34: {  	[sflag:s16] =	ssyncset.done $0x0  }
0x35: {  	[sflag:s16] =	ssyncadd.s32 $0xFFFFE000  }
0x36: {  	[spmem:s11] =	stream.linear.scatter [tilespmem:s6], [sflag:$0x4], $0x2000, $0x38;
	[tilespmem:$0x1F000] =	vst v63  }
0x37: {  	_ =	swait.ge [sflag:s16], $0x2000  }
0x38: {  	[sflag:s16] =	ssyncset.done $0x0  }
0x39: {  	[sflag:s16] =	ssyncadd.s32 $0xFFFFE000  }
0x3a: {  	[spmem:s10] =	stream.linear.scatter [tilespmem:s6], [sflag:$0x4], $0x2000, $0x38;
	[tilespmem:$0x1F000] =	vst v63  }
0x3b: {  	_ =	swait.ge [sflag:s16], $0x2000  }
0x3c: {  	[sflag:s16] =	ssyncset.done $0x0  }
0x3d: {  	[sflag:s16] =	ssyncadd.s32 $0xFFFFE000  }
0x3e: {  	[spmem:s9] =	stream.linear.scatter [tilespmem:s6], [sflag:$0x4], $0x2000, $0x38;
	[tilespmem:$0x1F000] =	vst v63  }
0x3f: {  	_ =	swait.ge [sflag:s16], $0x2000  }
0x40: {  	[sflag:s16] =	ssyncset.done $0x0  }
0x41: {  	[sflag:s16] =	ssyncadd.s32 $0xFFFFE000  }
0x42: {  	[spmem:s8] =	stream.linear.scatter [tilespmem:s6], [sflag:$0x4], $0x2000, $0x38;
	[tilespmem:$0x1F000] =	vst v63  }
0x43: {  	s24 =	sadd.s32 $0x20000, s5;
	_ =	swait.ge [sflag:s16], $0x2000  }
0x44: {  	s25 =	simm.s32 $0x400;
	s26 =	sadd.s32 $0x20000, s3;
	[sflag:s16] =	ssyncset.done $0x0  }
0x45: {  	s19 =	simm.s32 $0x7000;
	s21 =	simm.s32 $0x9000;
	[sflag:s16] =	ssyncadd.s32 $0xFFFFE000  }
0x46: {  	[spmem:s7] =	stream.linear.scatter [tilespmem:s6], [sflag:$0x4], $0x2000, $0x38;
	[tilespmem:$0x1F000] =	vst v63  }
0x47: {  	s22 =	simm.s32 $0x1;
	s23 =	simm.s32 $0x480;
	_ =	swait.ge [sflag:s16], $0x2000  }
0x48: {  	s28 =	simm.s32 $0x2;
	s29 =	simm.s32 $0x3;
	[sflag:s16] =	ssyncset.done $0x0  }
0x49: {  	s30 =	simm.s32 $0x880;
	s31 =	simm.s32 $0x900;
	[sflag:s16] =	ssyncadd.s32 $0xFFFFE000  }
0x4a: {  	s17 =	simm.s32 $0x5000;
	s7 =	simm.s32 $0x0;
	[bflag:$0x0] =	sbarrier.arrive $0xFFFF  }
0x4b: {  	[tilespmem:s7], [sflag:$0x4] =	stream.linear.gather [hbm4b:s5+s7], $0x280, $0x38;
	[tilespmem:$0x1F000] =	vst v63  }
0x4c: {  	s15 =	simm.s32 $0x3000;
	s14 =	simm.s32 $0xE00;
	s13 =	simm.s32 $0x40  }
0x4d: {  	[tilespmem:s25], [sflag:$0x4] =	stream.linear.gather [hbm4b:s24+s7], $0x280, $0x38;
	[tilespmem:$0x1F000] =	vst v63  }
0x4e: {  	s12 =	simm.s32 $0xFFFFE100;
	s11 =	sadd.s32 s1, s0;
	_ =	swait.ge [sflag:s16], $0x500  }
0x4f: {  	s0 =	simm.s32 $0x980;
	s1 =	simm.s32 $0xC80;
	[sflag:s16] =	ssyncset.done $0x0  }
0x50: {  	s10 =	simm.s32 $0xC00;
	s9 =	simm.s32 $0x800;
	[sflag:s16] =	ssyncadd.s32 $0xFFFFFB00  }
0x51: {  	[tilespmem:s9], [sflag:$0x3] =	stream.linear.gather [hbm4b:s3+s7], $0x280, $0x38;
	[tilespmem:$0x1F000] =	vst v63  }
0x52: {  	s8 =	simm.s32 $0xD80;
	s5 =	simm.s32 $0xA00;
	s24 =	simm.s32 $0x500  }
0x53: {  	[tilespmem:s10], [sflag:$0x3] =	stream.linear.gather [hbm4b:s26+s7], $0x280, $0x38;
	[tilespmem:$0x1F000] =	vst v63  }
0x54: {  	s25 =	simm.s32 $0x580;
	s3 =	simm.s32 $0xD00;
	s26 =	simm.s32 $0x600  }
.LBB2_4:
0x55: {  	[tilespmem:s6], [sflag:$0x1] =	stream.indirect.gather [hbm4b:s4+s13], $0x80, s7, s13, $0xb8;
	[tilespmem:$0x1F000] =	vst v63  }
0x56: {  	s16 =	simm.s32 $0x80  }
0x57: {  	[tilespmem:s15], [sflag:$0x1] =	stream.indirect.gather [hbm4b:s4+s13], $0x80, s16, s13, $0xb8;
	[tilespmem:$0x1F000] =	vst v63  }
0x58: {  	s18 =	simm.s32 $0x100  }
0x59: {  	[tilespmem:s17], [sflag:$0x1] =	stream.indirect.gather [hbm4b:s4+s13], $0x80, s18, s13, $0xb8;
	[tilespmem:$0x1F000] =	vst v63  }
0x5a: {  	s20 =	simm.s32 $0x180  }
0x5b: {  	[tilespmem:s19], [sflag:$0x1] =	stream.indirect.gather [hbm4b:s4+s13], $0x80, s20, s13, $0xb8;
	[tilespmem:$0x1F000] =	vst v63  }
0x5c: {  	s18 =	simm.s32 $0x200  }
0x5d: {  	[tilespmem:s21], [sflag:$0x1] =	stream.indirect.gather [hbm4b:s4+s13], $0x80, s18, s13, $0xb8;
	[tilespmem:$0x1F000] =	vst v63  }
0x5e: {  	_ =	swait.ge [sflag:s22], $0x2000  }
0x5f: {  	[sflag:s22] =	ssyncset.done $0x0  }
0x60: {  	s20 =	simm.s32 $0x400;
	[sflag:s22] =	ssyncadd.s32 $0xFFFFE000  }
0x61: {  	[spmem:s2] =	stream.indirect.scatter.add.f32 [tilespmem:s6], [sflag:$0x2], $0x80, s20, s13, $0xb8;
	[tilespmem:$0x1F000] =	vst v63  }
0x62: {  	_ =	swait.ge [sflag:s22], $0x2000  }
0x63: {  	[sflag:s22] =	ssyncset.done $0x0  }
0x64: {  	[sflag:s22] =	ssyncadd.s32 $0xFFFFE000  }
0x65: {  	[spmem:s2] =	stream.indirect.scatter.add.f32 [tilespmem:s15], [sflag:$0x2], $0x80, s23, s13, $0xb8;
	[tilespmem:$0x1F000] =	vst v63  }
0x66: {  	_ =	swait.ge [sflag:s22], $0x2000  }
0x67: {  	[sflag:s22] =	ssyncset.done $0x0  }
0x68: {  	[sflag:s22] =	ssyncadd.s32 $0xFFFFE000  }
0x69: {  	[spmem:s2] =	stream.indirect.scatter.add.f32 [tilespmem:s17], [sflag:$0x2], $0x80, s24, s13, $0xb8;
	[tilespmem:$0x1F000] =	vst v63  }
0x6a: {  	_ =	swait.ge [sflag:s22], $0x2000  }
0x6b: {  	[sflag:s22] =	ssyncset.done $0x0  }
0x6c: {  	[sflag:s22] =	ssyncadd.s32 $0xFFFFE000  }
0x6d: {  	[spmem:s2] =	stream.indirect.scatter.add.f32 [tilespmem:s19], [sflag:$0x2], $0x80, s25, s13, $0xb8;
	[tilespmem:$0x1F000] =	vst v63  }
0x6e: {  	_ =	swait.ge [sflag:s22], $0x2000  }
0x6f: {  	[sflag:s22] =	ssyncset.done $0x0  }
0x70: {  	[sflag:s22] =	ssyncadd.s32 $0xFFFFE000  }
0x71: {  	[spmem:s2] =	stream.indirect.scatter.add.f32 [tilespmem:s21], [sflag:$0x2], $0x80, s26, s13, $0xb8;
	[tilespmem:$0x1F000] =	vst v63  }
0x72: {  	_ =	swait.ge [sflag:s28], $0x2000  }
0x73: {  	[sflag:s28] =	ssyncset.done $0x0  }
0x74: {  	[sflag:s28] =	ssyncadd.s32 $0xFFFFE000  }
0x75: {  	_ =	swait.ge [sflag:s28], $0x2000  }
0x76: {  	[sflag:s28] =	ssyncset.done $0x0  }
0x77: {  	[sflag:s28] =	ssyncadd.s32 $0xFFFFE000  }
0x78: {  	_ =	swait.ge [sflag:s28], $0x2000  }
0x79: {  	[sflag:s28] =	ssyncset.done $0x0  }
0x7a: {  	[sflag:s28] =	ssyncadd.s32 $0xFFFFE000  }
0x7b: {  	_ =	swait.ge [sflag:s28], $0x2000  }
0x7c: {  	[sflag:s28] =	ssyncset.done $0x0  }
0x7d: {  	[sflag:s28] =	ssyncadd.s32 $0xFFFFE000  }
0x7e: {  	_ =	swait.ge [sflag:s28], $0x2000  }
0x7f: {  	[sflag:s28] =	ssyncset.done $0x0  }
0x80: {  	[sflag:s28] =	ssyncadd.s32 $0xFFFFE000  }
0x81: {  	p0 =	seq.s32 s12, $0x0;
	_ =	swait.ge [sflag:s29], $0x500  }
0x82: {  	s16 =	sadd.s32 @!p0 s12, s11;
	[sflag:s29] =	ssyncset.done $0x0  }
0x83: {  	s18 =	sadd.s32 @!p0 $0x2000, s16;
	s20 =	simm.s32 @!p0 $0x0;
	[sflag:s29] =	ssyncadd.s32 $0xFFFFFB00  }
0x84: {  	[tilespmem:s20], [sflag:$0x3] =	stream.linear.gather @!p0 [hbm4b:s18+s20], $0x280, $0x38;
	[tilespmem:$0x1F000] =	vst v63  }
0x85: {  	s16 =	sadd.s32 @!p0 $0x22000, s16;
	s18 =	simm.s32 @!p0 $0x400  }
0x86: {  	[tilespmem:s18], [sflag:$0x3] =	stream.linear.gather @!p0 [hbm4b:s16+s20], $0x280, $0x38;
	[tilespmem:$0x1F000] =	vst v63  }
0x87: {  	_ = 	snop  }
0x88: {  	[tilespmem:s6], [sflag:$0x1] =	stream.indirect.gather [hbm4b:s4+s13], $0x80, s9, s13, $0xb8;
	[tilespmem:$0x1F000] =	vst v63  }
0x89: {  	_ = 	snop  }
0x8a: {  	[tilespmem:s15], [sflag:$0x1] =	stream.indirect.gather [hbm4b:s4+s13], $0x80, s30, s13, $0xb8;
	[tilespmem:$0x1F000] =	vst v63  }
0x8b: {  	_ = 	snop  }
0x8c: {  	[tilespmem:s17], [sflag:$0x1] =	stream.indirect.gather [hbm4b:s4+s13], $0x80, s31, s13, $0xb8;
	[tilespmem:$0x1F000] =	vst v63  }
0x8d: {  	_ = 	snop  }
0x8e: {  	[tilespmem:s19], [sflag:$0x1] =	stream.indirect.gather [hbm4b:s4+s13], $0x80, s0, s13, $0xb8;
	[tilespmem:$0x1F000] =	vst v63  }
0x8f: {  	_ = 	snop  }
0x90: {  	[tilespmem:s21], [sflag:$0x1] =	stream.indirect.gather [hbm4b:s4+s13], $0x80, s5, s13, $0xb8;
	[tilespmem:$0x1F000] =	vst v63  }
0x91: {  	_ =	swait.ge [sflag:s22], $0x2000  }
0x92: {  	[sflag:s22] =	ssyncset.done $0x0  }
0x93: {  	[sflag:s22] =	ssyncadd.s32 $0xFFFFE000  }
0x94: {  	[spmem:s2] =	stream.indirect.scatter.add.f32 [tilespmem:s6], [sflag:$0x2], $0x80, s10, s13, $0xb8;
	[tilespmem:$0x1F000] =	vst v63  }
0x95: {  	_ =	swait.ge [sflag:s22], $0x2000  }
0x96: {  	[sflag:s22] =	ssyncset.done $0x0  }
0x97: {  	[sflag:s22] =	ssyncadd.s32 $0xFFFFE000  }
0x98: {  	[spmem:s2] =	stream.indirect.scatter.add.f32 [tilespmem:s15], [sflag:$0x2], $0x80, s1, s13, $0xb8;
	[tilespmem:$0x1F000] =	vst v63  }
0x99: {  	_ =	swait.ge [sflag:s22], $0x2000  }
0x9a: {  	[sflag:s22] =	ssyncset.done $0x0  }
0x9b: {  	[sflag:s22] =	ssyncadd.s32 $0xFFFFE000  }
0x9c: {  	[spmem:s2] =	stream.indirect.scatter.add.f32 [tilespmem:s17], [sflag:$0x2], $0x80, s3, s13, $0xb8;
	[tilespmem:$0x1F000] =	vst v63  }
0x9d: {  	_ =	swait.ge [sflag:s22], $0x2000  }
0x9e: {  	[sflag:s22] =	ssyncset.done $0x0  }
0x9f: {  	[sflag:s22] =	ssyncadd.s32 $0xFFFFE000  }
0xa0: {  	[spmem:s2] =	stream.indirect.scatter.add.f32 [tilespmem:s19], [sflag:$0x2], $0x80, s8, s13, $0xb8;
	[tilespmem:$0x1F000] =	vst v63  }
0xa1: {  	_ =	swait.ge [sflag:s22], $0x2000  }
0xa2: {  	[sflag:s22] =	ssyncset.done $0x0  }
0xa3: {  	[sflag:s22] =	ssyncadd.s32 $0xFFFFE000  }
0xa4: {  	[spmem:s2] =	stream.indirect.scatter.add.f32 [tilespmem:s21], [sflag:$0x2], $0x80, s14, s13, $0xb8;
	[tilespmem:$0x1F000] =	vst v63  }
0xa5: {  	_ =	swait.ge [sflag:s28], $0x2000  }
0xa6: {  	[sflag:s28] =	ssyncset.done $0x0  }
0xa7: {  	[sflag:s28] =	ssyncadd.s32 $0xFFFFE000  }
0xa8: {  	_ =	swait.ge [sflag:s28], $0x2000  }
0xa9: {  	[sflag:s28] =	ssyncset.done $0x0  }
0xaa: {  	[sflag:s28] =	ssyncadd.s32 $0xFFFFE000  }
0xab: {  	_ =	swait.ge [sflag:s28], $0x2000  }
0xac: {  	[sflag:s28] =	ssyncset.done $0x0  }
0xad: {  	[sflag:s28] =	ssyncadd.s32 $0xFFFFE000  }
0xae: {  	_ =	swait.ge [sflag:s28], $0x2000  }
.Ltmp2:
0xaf: {  	[sflag:s28] =	ssyncset.done $0x0;
	(pc) =	sbr.rel @p0 .LBB2_6-.Ltmp2, $4  }
0xb0: {  	[sflag:s28] =	ssyncadd.s32 $0xFFFFE000  }
0xb1: {  	_ =	swait.ge [sflag:s28], $0x2000  }
0xb2: {  	[sflag:s28] =	ssyncset.done $0x0  }
0xb3: {  	[sflag:s28] =	ssyncadd.s32 $0xFFFFE000  }
0xb4: {  	_ =	swait.ge [sflag:s29], $0x500  }
.Ltmp3:
0xb5: {  	s16 =	sadd.s32 s12, s11;
	[sflag:s29] =	ssyncset.done $0x0;
	(pc) =	sbr.rel .LBB2_4-.Ltmp3, $4  }
0xb6: {  	s18 =	sadd.s32 $0x2080, s16;
	[sflag:s29] =	ssyncadd.s32 $0xFFFFFB00  }
0xb7: {  	[tilespmem:s9], [sflag:$0x3] =	stream.linear.gather [hbm4b:s18+s7], $0x280, $0x38;
	[tilespmem:$0x1F000] =	vst v63  }
0xb8: {  	s12 =	sadd.s32 $0x100, s12;
	s16 =	sadd.s32 $0x22080, s16  }
0xb9: {  	[tilespmem:s10], [sflag:$0x3] =	stream.linear.gather [hbm4b:s16+s7], $0x280, $0x38;
	[tilespmem:$0x1F000] =	vst v63  }
.LBB2_6:
0xba: {  	s7 =	stileid.u32;
	[bflag:$0x0] =	sbarrier.arrive $0xFFFF  }
0xbb: {  	s31 =	simm.s32 $0x4;
	s0 =	sshll.u32 s7, $0x6;
	s1 =	rddreg [dreg:$0x3]  }
0xbc: {  	s2 =	rddreg [dreg:$0x4];
	s0 =	sor.u32 $0x1C04, s0;
	s1 =	sshrl.u32 s1, $0x3  }
0xbd: {  	[hbm:s2], [sflag:s0] =	dma.local [spmem:s1], $0x2800  }
0xbe: {  	_ =	swait.ge [sflag:s31], $0x2800  }
0xbf: {  	[sflag:s31] =	ssyncset.done $0x0  }
0xc0: {  	[sflag:s31] =	ssyncadd.s32 $0xFFFFD800  }
0xc1: {  	s4 =	rddreg [dreg:$0x2]  }
.LBB2_7:
0xc2: {  	_ =	sfence.sel $0x180000  }
0xc3: {  	[bflag:$0x0] =	sbarrier.arrive $0xFFFF  }
0xc4: {  	p0 =	sne.s32 s7, $0x0;
	_ =	strace $0x9000004D  }
0xc5: {  	s0 =	sadd.s32 @!p0 $0x100000, s4;
	[bflag:$0x2] =	sbarrier.arrive $0xFFFF  }
0xc6: {  	[sflag:s0] =	ssyncadd.tile.s32 @!p0 $0x1;
	_ =	shalt  }
.Lfunc_end2:
_tile_overlayer_lowered:
.L_overlay_start_2:
0xc7: {  	(tag) =	ssettag $0x2  }
0xc8: {  	s0 =	rddreg [dreg:$0x0];
	s2 =	stileid.u32  }
0xc9: {  	s1 =	rddreg [dreg:$0x1];
	p0 =	sne.s32 s2, $0x0  }
0xca: {  	s3 =	rddreg [dreg:$0x2];
	[bflag:$0x3] =	sbarrier.arrive $0xFFFF;
	s2 =	simm.s32 @!p0 $0x1C04  }
0xcb: {  	[timem:s3], [sflag:s2] =	dma.local @!p0 [hbm:s0], s1  }
0xcc: {  	s0 =	simm.s32 @!p0 $0x4  }
0xcd: {  	_ =	swait.ge @!p0 [sflag:s0], s1  }
0xce: {  	s1 =	ssub.s32 @!p0 $0x0, s1;
	[sflag:s0] =	ssyncset.done @!p0 $0x0  }
0xcf: {  	[sflag:s0] =	ssyncadd.s32 @!p0 s1  }
0xd0: {  	[bflag:$0x3] =	sbarrier.arrive $0xFFFF  }
0xd1: {  	_ =	shalt  }

// kernel: kernel.8.cloned.1.call-start
scs
__scs_entry_jumppad:
0x0: {  	(pc) =	sbr.rel $0x88, $3  }
0x1: {  	(tag) =	ssettag $0x0;
	lr =	simm.s32 $0x1  }
0x2: {  	[smem:$0x3F9B] =	sst lr;
	_ =	strace $0xD0000000  }
0x3: {  	_ = 	snop  }
0x4: {  	_ = 	snop  }
0x5: {  	_ = 	snop  }
0x6: {  	_ = 	snop  }
0x7: {  	_ = 	snop  }
__scs_overlays_trampoline_lowered:
0x8: {  	[smem:$0x3FAA] =	sst s0  }
0x9: {  	[smem:$0x3FAB] =	sst s1  }
0xa: {  	[smem:$0x3FAC] =	sst s2  }
0xb: {  	[smem:$0x3FAD] =	sst s3  }
0xc: {  	[smem:$0x3FAE] =	sst s4  }
0xd: {  	[smem:$0x3FAF] =	sst s5  }
0xe: {  	[smem:$0x3FB0] =	sst s6  }
0xf: {  	[smem:$0x3FB1] =	sst s7  }
0x10: {  	[smem:$0x3FB2] =	sst s8  }
0x11: {  	[smem:$0x3FB3] =	sst s9;
	s0 =	simm.s32 @!p0 $0x0  }
0x12: {  	s1 =	sld [smem:$0x3F99];
	s0 =	simm.s32 @p0 $0x1  }
0x13: {  	[smem:$0x3FB4] =	sst s0;
	s0 =	simm.s32 @!p1 $0x0  }
0x14: {  	s2 =	sld [smem:$0x3F98];
	s0 =	simm.s32 @p1 $0x1  }
0x15: {  	[smem:$0x3FB5] =	sst s0;
	s0 =	simm.s32 @!p2 $0x0  }
0x16: {  	s3 =	sld [smem:$0x3FDB];
	s0 =	simm.s32 @p2 $0x1  }
0x17: {  	s4 =	simm.s32 $0x1BF5;
	[smem:$0x3FB7] =	sst s0  }
0x18: {  	s0 =	sld [smem:$0x3F9A];
	_ =	swait.ge [sflag:s4], $0x0  }
0x19: {  	s7 =	sld [smem:$0x3F9B]  }
0x1a: {  	s8 =	sadd.s32 $0xFFFFE003, lr  }
0x1b: {  	s9 =	sadd.s32 $0xFFFFFEF7, lr;
	s5 =	simm.s32 $0xFFFFFFFF;
	p2 =	slt.u32 s8, $0xFFFFF086  }
0x1c: {  	p1 =	slt.u32 s9, $0xF7A;
	s5 =	simm.s32 @!p2 $0x0  }
0x1d: {  	s5 =	simm.s32 @p1 $0x1;
	p0 =	seq.s32 s7, s2  }
0x1e: {  	s7 =	smul.u32 @!p0 $0xF7A, s2;
	p2 =	seq.s32 @!p0 s5, $0x0  }
0x1f: {  	s9 =	smul.u32 $0xF7A, s1;
	s8 =	simm.s32 @!p0 $0x1BF5;
	p2 =	por !p2, p0  }
0x20: {  	[sflag:s8] =	ssyncset.s32 @!p0 $0xFFFFF086;
	s6 =	sadd.s32 @!p0 s3, s7;
	s7 =	simm.s32 @!p0 $0x108  }
0x21: {  	s3 =	sadd.s32 s3, s9;
	s6 =	sadd.s32 @!p0 $0x88, s6;
	s7 =	simm.s32 @p2 $0x1082  }
0x22: {  	[simem:s7], [sflag:s8] =	dma.local @!p0 [hbm:s6], $0xF7A  }
0x23: {  	s9 =	sor.u32 $0xD0000000, s2;
	s6 =	simm.s32 $0x108;
	_ =	swait.ge @!p0 [sflag:s8], $0x0  }
0x24: {  	s3 =	sadd.s32 $0x88, s3;
	s6 =	simm.s32 @!p1 $0x1082;
	[sflag:s4] =	ssyncset.s32 $0xFFFFF086  }
0x25: {  	[simem:s6], [sflag:s4] =	dma.local [hbm:s3], $0xF7A  }
0x26: {  	[smem:$0x3F9B] =	sst s1;
	(tag) =	ssettag s2;
	_ =	strace s9  }
0x27: {  	s1 =	sld [smem:$0x3FAB]  }
0x28: {  	s2 =	sld [smem:$0x3FAC]  }
0x29: {  	s4 =	sld [smem:$0x3FAE]  }
0x2a: {  	p0 =	seq.s32 s5, $0x0;
	s5 =	sld [smem:$0x3FAF]  }
0x2b: {  	s6 =	sld [smem:$0x3FB0]  }
0x2c: {  	s7 =	sld [smem:$0x3FB1]  }
0x2d: {  	s3 =	simm.s32 $0x108;
	s8 =	sld [smem:$0x3FB2]  }
0x2e: {  	s3 =	simm.s32 @!p0 $0x1082;
	s9 =	sld [smem:$0x3FB3]  }
0x2f: {  	lr =	sadd.s32 s0, s3;
	s0 =	sld [smem:$0x3FAA]  }
0x30: {  	s3 =	sld [smem:$0x3FAD]  }
0x31: {  	[smem:$0x3FB6] =	sst s10  }
0x32: {  	s10 =	sld [smem:$0x3FB4];
	_ =	sdelay $0x3  }
0x33: {  	p0 =	seq.s32 s10, $0x1;
	s10 =	sld [smem:$0x3FB6];
	_ =	sdelay $0x3  }
0x34: {  	[smem:$0x3FB6] =	sst s10  }
0x35: {  	s10 =	sld [smem:$0x3FB5];
	_ =	sdelay $0x3  }
0x36: {  	p1 =	seq.s32 s10, $0x1;
	s10 =	sld [smem:$0x3FB6];
	_ =	sdelay $0x3  }
0x37: {  	[smem:$0x3FB6] =	sst s10  }
0x38: {  	s10 =	sld [smem:$0x3FB7]  }
0x39: {  	_ = 	snop;
	(pc) =	sbr.ind lr, $3  }
0x3a: {  	_ = 	snop  }
0x3b: {  	_ = 	snop  }
0x3c: {  	p2 =	seq.s32 s10, $0x1;
	s10 =	sld [smem:$0x3FB6]  }
0x3d: {  	_ =	shalt  }
0x3e: {  	_ =	shalt  }
0x3f: {  	_ =	shalt  }
0x40: {  	_ =	shalt  }
0x41: {  	_ =	shalt  }
0x42: {  	_ =	shalt  }
0x43: {  	_ =	shalt  }
0x44: {  	_ =	shalt  }
0x45: {  	_ =	shalt  }
0x46: {  	_ =	shalt  }
0x47: {  	_ =	shalt  }
0x48: {  	_ =	shalt  }
0x49: {  	_ =	shalt  }
0x4a: {  	_ =	shalt  }
0x4b: {  	_ =	shalt  }
0x4c: {  	_ =	shalt  }
0x4d: {  	_ =	shalt  }
0x4e: {  	_ =	shalt  }
0x4f: {  	_ =	shalt  }
0x50: {  	_ =	shalt  }
0x51: {  	_ =	shalt  }
0x52: {  	_ =	shalt  }
0x53: {  	_ =	shalt  }
0x54: {  	_ =	shalt  }
0x55: {  	_ =	shalt  }
0x56: {  	_ =	shalt  }
0x57: {  	_ =	shalt  }
0x58: {  	_ =	shalt  }
0x59: {  	_ =	shalt  }
0x5a: {  	_ =	shalt  }
0x5b: {  	_ =	shalt  }
0x5c: {  	_ =	shalt  }
0x5d: {  	_ =	shalt  }
0x5e: {  	_ =	shalt  }
0x5f: {  	_ =	shalt  }
0x60: {  	_ =	shalt  }
0x61: {  	_ =	shalt  }
0x62: {  	_ =	shalt  }
0x63: {  	_ =	shalt  }
0x64: {  	_ =	shalt  }
0x65: {  	_ =	shalt  }
0x66: {  	_ =	shalt  }
0x67: {  	_ =	shalt  }
0x68: {  	_ =	shalt  }
0x69: {  	_ =	shalt  }
0x6a: {  	_ =	shalt  }
0x6b: {  	_ =	shalt  }
0x6c: {  	_ =	shalt  }
0x6d: {  	_ =	shalt  }
0x6e: {  	_ =	shalt  }
0x6f: {  	_ =	shalt  }
0x70: {  	_ =	shalt  }
0x71: {  	_ =	shalt  }
0x72: {  	_ =	shalt  }
0x73: {  	_ =	shalt  }
0x74: {  	_ =	shalt  }
0x75: {  	_ =	shalt  }
0x76: {  	_ =	shalt  }
0x77: {  	_ =	shalt  }
0x78: {  	_ =	shalt  }
0x79: {  	_ =	shalt  }
0x7a: {  	_ =	shalt  }
0x7b: {  	_ =	shalt  }
0x7c: {  	_ =	shalt  }
0x7d: {  	_ =	shalt  }
0x7e: {  	_ =	shalt  }
0x7f: {  	_ =	shalt  }
0x80: {  	_ =	shalt  }
0x81: {  	_ =	shalt  }
0x82: {  	_ =	shalt  }
0x83: {  	_ =	shalt  }
0x84: {  	_ =	shalt  }
0x85: {  	_ =	shalt  }
0x86: {  	_ =	shalt  }
0x87: {  	_ =	shalt  }
.Lfunc_end0:
.L_simem_size_0:
called_computation_lowered:
.L_overlay_start_0:
0x88: {  	s2 =	sld [smem:$0x3FD9]  }
0x89: {  	s3 =	sld [smem:$0x3FFE];
	_ =	sdelay $0x1  }
0x8a: {  	s1 =	srdreg.scid  }
0x8b: {  	s0 =	sand.u32 $0x1, s1  }
0x8c: {  	s17 =	sshll.u32 s0, $0xA;
	s2 =	sadd.s32 s3, s2  }
0x8d: {  	s2 =	sadd.s32 s2, s17  }
0x8e: {  	[smem:$0x3FC2] =	sst s2  }
0x8f: {  	_ = 	snop  }
0x90: {  	s2 =	sld [smem:$0x3FD0];
	(tm) =	ssettm $0x1  }
0x91: {  	s18 =	sld [smem:$0x3FFB];
	_ =	sdelay $0x3  }
0x92: {  	_ =	strace s18  }
0x93: {  	s3 =	sld [smem:$0x3FFC];
	_ =	sdelay $0x3  }
0x94: {  	_ =	strace s3  }
0x95: {  	s3 =	sld [smem:$0x3FFD];
	_ =	sdelay $0x3  }
0x96: {  	_ =	strace s3  }
0x97: {  	_ =	strace $0x8FFFFFFF  }
0x98: {  	s19 =	sld [smem:$0x3FDB];
	_ =	sdelay $0x1  }
0x99: {  	s4 =	simm.s32 $_scs_section_size  }
0x9a: {  	s5 =	simm.s32 $_size__tile_overlayer_lowered;
	s6 =	simm.s32 $_tile_overlayer_lowered  }
0x9b: {  	s22 =	simm.s32 $0x1BFF;
	s21 =	sshll.u32 s6, $0x1;
	s3 =	sadd.s32 s4, s19  }
0x9c: {  	s7 =	simm.s32 $0x0;
	s20 =	sshll.u32 s5, $0x1;
	s5 =	sadd.s32 s21, s3  }
0x9d: {  	[timem:s7], [sflag:s22] =	dma.local [hbm:s5], s20  }
0x9e: {  	_ =	swait.ge [sflag:s22], s20  }
0x9f: {  	s4 =	ssub.s32 $0x0, s20;
	[sflag:s22] =	ssyncset.done $0x0  }
0xa0: {  	[sflag:s22] =	ssyncadd.s32 s4;
	_ =	sdelay $0x1  }
0xa1: {  	s23 =	simm.s32 $0x1B8B  }
0xa2: {  	_ =	swait.ge [sflag:s23], $0x1  }
0xa3: {  	[sflag:s23] =	ssyncset.done $0x0  }
0xa4: {  	s25 =	simm.s32 $0x1B8E;
	s24 =	sld [smem:$0x3FFE];
	[sflag:s23] =	ssyncadd.s32 $0xFFFFFFFF  }
0xa5: {  	s26 =	simm.s32 $execute0_lowered;
	[smem:$0x3FD2] =	sst s25  }
0xa6: {  	s5 =	sshll.u32 s26, $0x1;
	_ =	strace $0x80000046;
	[dreg:$0x1] =	wrdreg $0xFFFFFFFF  }
0xa7: {  	s28 =	simm.s32 $_size_execute0_lowered;
	s3 =	sadd.s32 s3, s5;
	[dreg:$0x0] =	wrdreg $0x0  }
0xa8: {  	s5 =	sshll.u32 s28, $0x1;
	[dreg:$0x2] =	wrdreg s3  }
0xa9: {  	[dreg:$0x3] =	wrdreg s5  }
0xaa: {  	[dreg:$0x4] =	wrdreg $0xC0  }
0xab: {  	_ =	task [dreg:s7], $0x5FFFF  }
0xac: {  	[dreg:$0x1] =	wrdreg $0xFFFFFFFF  }
0xad: {  	[dreg:$0x0] =	wrdreg $0x60  }
0xae: {  	[dreg:$0x2] =	wrdreg s2  }
0xaf: {  	[dreg:$0x3] =	wrdreg s24  }
0xb0: {  	[dreg:$0x4] =	wrdreg $0x53000  }
0xb1: {  	[dreg:$0x5] =	wrdreg $0x9  }
0xb2: {  	_ =	task.clear_ibuf [dreg:s7], $0x6FFFF;
	_ =	strace $0x90000046  }
0xb3: {  	s29 =	simm.s32 $0x9;
	_ =	strace $0x80000048  }
0xb4: {  	_ =	swait.ge [sflag:s29], $0x1  }
0xb5: {  	[sflag:s29] =	ssyncadd.s32 $0xFFFFFFFF  }
0xb6: {  	_ =	strace $0x90000048  }
0xb7: {  	_ =	sfence  }
0xb8: {  	s30 =	sld [smem:$0x0];
	_ =	sdelay $0x2  }
0xb9: {  	s31 =	sshll.u32 s1, $0xD;
	s1 =	sshrl.u32 s1, $0x2  }
0xba: {  	s3 =	sand.u32 $0x4000, s31;
	s1 =	sadd.s32 s1, s30  }
0xbb: {  	s0 =	sor.u32 s3, s0;
	s1 =	sshll.u32 s1, $0x11  }
0xbc: {  	s0 =	sor.u32 s1, s0  }
0xbd: {  	s0 =	sadd.s32 $0x8F2B, s0  }
0xbe: {  	[sflag:s0] =	ssyncadd.remote.s32 $0x1  }
0xbf: {  	_ =	sfence.sel $0xFFFF  }
0xc0: {  	[dreg:$0x0] =	wrdreg $0xFFFFFFFF;
	(pc) =	sbr.abs _section_cstart, $3  }
0xc1: {  	[dreg:$0x1] =	wrdreg $0xFFFFFFFF  }
0xc2: {  	_ =	task.clear_ibuf [dreg:s7], $0x2FFFF;
	_ =	strace $0x9FFFFFFF  }
0xc3: {  	(tm) =	ssettm $0x7FFFFFFF  }
tec
execute0_lowered:
.L_overlay_start_1:
0x0: {  	(tag) =	ssettag $0x1  }
0x1: {  	s4 =	rddreg [dreg:$0x0]  }
0x2: {  	s5 =	rddreg [dreg:$0x1]  }
0x3: {  	s2 =	rddreg [dreg:$0x2]  }
0x4: {  	s0 =	rddreg [dreg:$0x3];
	s6 =	srdreg.scid  }
0x5: {  	s1 =	stileid.u32;
	s3 =	simm.s32 $0x0;
	s11 =	simm.s32 $0x5000  }
0x6: {  	s12 =	simm.s32 $0x1;
	s15 =	simm.s32 $0x20;
	s16 =	simm.s32 $0x10  }
0x7: {  	s17 =	simm.s32 $0x0;
	s6 =	sand.u32 $0x1, s6;
	s7 =	smul.u32 $0x500, s1  }
0x8: {  	[smem:$0x7FF] =	sst s3;
	s9 =	smul.u32 $0xA00, s1;
	s13 =	sshll.u32 s1, $0x6  }
0x9: {  	s8 =	sshll.u32 s6, $0x7;
	_ =	strace $0x80000047;
	s30 =	sshll.u32 s6, $0x4  }
0xa: {  	s6 =	ssub.s32 $0x2, s6;
	s13 =	sor.u32 $0x1C02, s13;
	s7 =	sor.u32 s8, s7  }
0xb: {  	s8 =	sor.u32 s1, s30;
	s10 =	sshrl.u32 s6, $0x1;
	s31 =	sshrl.u32 s9, $0x2  }
0xc: {  	s9 =	simm.s32 $0x5080;
	s7 =	sshrl.u32 s7, $0x3;
	s8 =	smul.u32 $0xA00, s8  }
0xd: {  	s10 =	ssub.s32 s6, s10;
	s7 =	sadd.s32 s7, s5;
	s5 =	sadd.s32 s31, s2  }
0xe: {  	s4 =	sadd.s32 s4, s8;
	s6 =	sadd.s32 $0x2600, s7;
	s7 =	smax.u32 s10, $0x1  }
0xf: {  	v0 =	vimm.f32 $1.000000000e+00;
	v1 =	vimm.f32 $0.0e+00;
	s8 =	simm.s32 $0x2;
	s10 =	simm.s32 $0x40;
	s14 =	sshrl.u32 s5, $0x3  }
.LBB2_1:
0x10: {  	[tilespmem:s3], [sflag:$0x2] =	stream.linear.gather [hbm4b:s4+s3], $0x5000, $0x38;
	[tilespmem:$0x5580] =	vst v63  }
0x11: {  	_ =	swait.ge [sflag:s8], $0x5000  }
0x12: {  	[sflag:s8] =	ssyncset.done $0x0  }
0x13: {  	[sflag:s8] =	ssyncadd.s32 $0xFFFFB000  }
0x14: {  	[tilespmem:$0x5000] =	vst v0  }
0x15: {  	[tilespmem:$0x5010] =	vst v0  }
0x16: {  	[tilespmem:$0x5020] =	vst v0  }
0x17: {  	[tilespmem:$0x5030] =	vst v0  }
0x18: {  	[tilespmem:$0x5080] =	vst v1  }
0x19: {  	[tilespmem:$0x5090] =	vst v1  }
0x1a: {  	[tilespmem:$0x50A0] =	vst v1  }
0x1b: {  	[tilespmem:$0x50B0] =	vst v1  }
0x1c: {  	[tilespmem:$0x50C0] =	vst v1  }
0x1d: {  	[tilespmem:$0x50D0] =	vst v1  }
0x1e: {  	[tilespmem:$0x50E0] =	vst v1  }
0x1f: {  	[tilespmem:$0x50F0] =	vst v1  }
0x20: {  	[tilespmem:$0x5100] =	vst v1  }
0x21: {  	[tilespmem:$0x5110] =	vst v1  }
0x22: {  	[tilespmem:$0x5120] =	vst v1  }
0x23: {  	[tilespmem:$0x5130] =	vst v1  }
0x24: {  	[tilespmem:$0x5140] =	vst v1  }
0x25: {  	[tilespmem:$0x5150] =	vst v1  }
0x26: {  	[tilespmem:$0x5160] =	vst v1  }
0x27: {  	[tilespmem:$0x5170] =	vst v1  }
0x28: {  	[tilespmem:$0x5180] =	vst v1  }
0x29: {  	[tilespmem:$0x5190] =	vst v1  }
0x2a: {  	[tilespmem:$0x51A0] =	vst v1  }
0x2b: {  	[tilespmem:$0x51B0] =	vst v1  }
0x2c: {  	[tilespmem:$0x51C0] =	vst v1  }
0x2d: {  	[tilespmem:$0x51D0] =	vst v1  }
0x2e: {  	[tilespmem:$0x51E0] =	vst v1  }
0x2f: {  	[tilespmem:$0x51F0] =	vst v1  }
0x30: {  	[tilespmem:$0x5200] =	vst v1  }
0x31: {  	[tilespmem:$0x5210] =	vst v1  }
0x32: {  	[tilespmem:$0x5220] =	vst v1  }
0x33: {  	[tilespmem:$0x5230] =	vst v1  }
0x34: {  	[tilespmem:$0x5240] =	vst v1  }
0x35: {  	[tilespmem:$0x5250] =	vst v1  }
0x36: {  	[tilespmem:$0x5260] =	vst v1  }
0x37: {  	[tilespmem:$0x5270] =	vst v1  }
0x38: {  	[tilespmem:$0x5280] =	vst v1  }
0x39: {  	[tilespmem:$0x5290] =	vst v1  }
0x3a: {  	[tilespmem:$0x52A0] =	vst v1  }
0x3b: {  	[tilespmem:$0x52B0] =	vst v1  }
0x3c: {  	[tilespmem:$0x52C0] =	vst v1  }
0x3d: {  	[tilespmem:$0x52D0] =	vst v1  }
0x3e: {  	[tilespmem:$0x52E0] =	vst v1  }
0x3f: {  	[tilespmem:$0x52F0] =	vst v1  }
0x40: {  	[spmem:s5] =	stream.linear.scatter [tilespmem:s9], [sflag:$0x2], $0x280, $0x38;
	[tilespmem:$0x5580] =	vst v63  }
0x41: {  	_ =	swait.ge [sflag:s8], $0x280  }
0x42: {  	[sflag:s8] =	ssyncset.done $0x0  }
0x43: {  	[sflag:s8] =	ssyncadd.s32 $0xFFFFFD80  }
0x44: {  	s18 =	simm.s32 $0x0;
	[bflag:$0x0] =	sbarrier.arrive $0xFFFF  }
0x45: {  	[spmem:s2] =	stream.indirect.scatter.add.f32 [tilespmem:s11], [sflag:$0x1], $0x1, s18, s10, $0xb8;
	[tilespmem:$0x5580] =	vst v63  }
0x46: {  	s24 =	simm.s32 $0x80  }
0x47: {  	[spmem:s2] =	stream.indirect.scatter.add.f32 [tilespmem:s11], [sflag:$0x1], $0x1, s24, s10, $0xb8;
	[tilespmem:$0x5580] =	vst v63  }
0x48: {  	s25 =	simm.s32 $0x100  }
0x49: {  	[spmem:s2] =	stream.indirect.scatter.add.f32 [tilespmem:s11], [sflag:$0x1], $0x1, s25, s10, $0xb8;
	[tilespmem:$0x5580] =	vst v63  }
0x4a: {  	s26 =	simm.s32 $0x180  }
0x4b: {  	[spmem:s2] =	stream.indirect.scatter.add.f32 [tilespmem:s11], [sflag:$0x1], $0x1, s26, s10, $0xb8;
	[tilespmem:$0x5580] =	vst v63  }
0x4c: {  	s28 =	simm.s32 $0x200  }
0x4d: {  	[spmem:s2] =	stream.indirect.scatter.add.f32 [tilespmem:s11], [sflag:$0x1], $0x1, s28, s10, $0xb8;
	[tilespmem:$0x5580] =	vst v63  }
0x4e: {  	s29 =	simm.s32 $0x280  }
0x4f: {  	[spmem:s2] =	stream.indirect.scatter.add.f32 [tilespmem:s11], [sflag:$0x1], $0x1, s29, s10, $0xb8;
	[tilespmem:$0x5580] =	vst v63  }
0x50: {  	s30 =	simm.s32 $0x300  }
0x51: {  	[spmem:s2] =	stream.indirect.scatter.add.f32 [tilespmem:s11], [sflag:$0x1], $0x1, s30, s10, $0xb8;
	[tilespmem:$0x5580] =	vst v63  }
0x52: {  	s31 =	simm.s32 $0x380  }
0x53: {  	[spmem:s2] =	stream.indirect.scatter.add.f32 [tilespmem:s11], [sflag:$0x1], $0x1, s31, s10, $0xb8;
	[tilespmem:$0x5580] =	vst v63  }
0x54: {  	_ =	swait.ge [sflag:s12], $0x40  }
0x55: {  	[sflag:s12] =	ssyncset.done $0x0  }
0x56: {  	[sflag:s12] =	ssyncadd.s32 $0xFFFFFFC0  }
0x57: {  	_ =	swait.ge [sflag:s12], $0x40  }
0x58: {  	[sflag:s12] =	ssyncset.done $0x0  }
0x59: {  	[sflag:s12] =	ssyncadd.s32 $0xFFFFFFC0  }
0x5a: {  	_ =	swait.ge [sflag:s12], $0x40  }
0x5b: {  	[sflag:s12] =	ssyncset.done $0x0  }
0x5c: {  	[sflag:s12] =	ssyncadd.s32 $0xFFFFFFC0  }
0x5d: {  	_ =	swait.ge [sflag:s12], $0x40  }
0x5e: {  	[sflag:s12] =	ssyncset.done $0x0  }
0x5f: {  	[sflag:s12] =	ssyncadd.s32 $0xFFFFFFC0  }
0x60: {  	_ =	swait.ge [sflag:s12], $0x40  }
0x61: {  	[sflag:s12] =	ssyncset.done $0x0  }
0x62: {  	[sflag:s12] =	ssyncadd.s32 $0xFFFFFFC0  }
0x63: {  	_ =	swait.ge [sflag:s12], $0x40  }
0x64: {  	[sflag:s12] =	ssyncset.done $0x0  }
0x65: {  	[sflag:s12] =	ssyncadd.s32 $0xFFFFFFC0  }
0x66: {  	_ =	swait.ge [sflag:s12], $0x40  }
0x67: {  	[sflag:s12] =	ssyncset.done $0x0  }
0x68: {  	[sflag:s12] =	ssyncadd.s32 $0xFFFFFFC0  }
0x69: {  	_ =	swait.ge [sflag:s12], $0x40  }
0x6a: {  	s20 =	simm.s32 $0x2000;
	s18 =	simm.s32 $0x1000;
	[sflag:s12] =	ssyncset.done $0x0  }
.LBB2_2:
0x6b: {  	s21 =	sshra.s32 s18, $0x2  }
0x6c: {  	[sflag:s12] =	ssyncadd.s32 $0xFFFFFFC0;
	s18 =	smov.u32 s20;
	s19 =	sadd.s32 $0x1000, s20  }
0x6d: {  	[spmem:s2] =	stream.indirect.scatter.add.f32 [tilespmem:s11], [sflag:$0x1], $0x1, s21, s10, $0xb8;
	[tilespmem:$0x5580] =	vst v63  }
0x6e: {  	p0 =	sne.s32 s20, $0x13000;
	s20 =	sadd.s32 $0x80, s21  }
0x6f: {  	[spmem:s2] =	stream.indirect.scatter.add.f32 [tilespmem:s11], [sflag:$0x1], $0x1, s20, s10, $0xb8;
	[tilespmem:$0x5580] =	vst v63  }
0x70: {  	s20 =	sadd.s32 $0x100, s21  }
0x71: {  	[spmem:s2] =	stream.indirect.scatter.add.f32 [tilespmem:s11], [sflag:$0x1], $0x1, s20, s10, $0xb8;
	[tilespmem:$0x5580] =	vst v63  }
0x72: {  	s20 =	sadd.s32 $0x180, s21  }
0x73: {  	[spmem:s2] =	stream.indirect.scatter.add.f32 [tilespmem:s11], [sflag:$0x1], $0x1, s20, s10, $0xb8;
	[tilespmem:$0x5580] =	vst v63  }
0x74: {  	s20 =	sadd.s32 $0x200, s21  }
0x75: {  	[spmem:s2] =	stream.indirect.scatter.add.f32 [tilespmem:s11], [sflag:$0x1], $0x1, s20, s10, $0xb8;
	[tilespmem:$0x5580] =	vst v63  }
0x76: {  	s20 =	sadd.s32 $0x280, s21  }
0x77: {  	[spmem:s2] =	stream.indirect.scatter.add.f32 [tilespmem:s11], [sflag:$0x1], $0x1, s20, s10, $0xb8;
	[tilespmem:$0x5580] =	vst v63  }
0x78: {  	s20 =	sadd.s32 $0x300, s21  }
0x79: {  	[spmem:s2] =	stream.indirect.scatter.add.f32 [tilespmem:s11], [sflag:$0x1], $0x1, s20, s10, $0xb8;
	[tilespmem:$0x5580] =	vst v63  }
0x7a: {  	s20 =	sadd.s32 $0x380, s21  }
0x7b: {  	[spmem:s2] =	stream.indirect.scatter.add.f32 [tilespmem:s11], [sflag:$0x1], $0x1, s20, s10, $0xb8;
	[tilespmem:$0x5580] =	vst v63  }
0x7c: {  	_ =	swait.ge [sflag:s12], $0x40  }
0x7d: {  	[sflag:s12] =	ssyncset.done $0x0  }
0x7e: {  	[sflag:s12] =	ssyncadd.s32 $0xFFFFFFC0  }
0x7f: {  	_ =	swait.ge [sflag:s12], $0x40  }
0x80: {  	[sflag:s12] =	ssyncset.done $0x0  }
0x81: {  	[sflag:s12] =	ssyncadd.s32 $0xFFFFFFC0  }
0x82: {  	_ =	swait.ge [sflag:s12], $0x40  }
0x83: {  	[sflag:s12] =	ssyncset.done $0x0  }
0x84: {  	[sflag:s12] =	ssyncadd.s32 $0xFFFFFFC0  }
0x85: {  	_ =	swait.ge [sflag:s12], $0x40  }
0x86: {  	[sflag:s12] =	ssyncset.done $0x0  }
0x87: {  	[sflag:s12] =	ssyncadd.s32 $0xFFFFFFC0  }
0x88: {  	_ =	swait.ge [sflag:s12], $0x40  }
0x89: {  	[sflag:s12] =	ssyncset.done $0x0  }
0x8a: {  	[sflag:s12] =	ssyncadd.s32 $0xFFFFFFC0  }
0x8b: {  	_ =	swait.ge [sflag:s12], $0x40  }
0x8c: {  	[sflag:s12] =	ssyncset.done $0x0  }
0x8d: {  	[sflag:s12] =	ssyncadd.s32 $0xFFFFFFC0  }
.Ltmp0:
0x8e: {  	_ =	swait.ge [sflag:s12], $0x40;
	(pc) =	sbr.rel @p0 .LBB2_2-.Ltmp0, $4  }
0x8f: {  	[sflag:s12] =	ssyncset.done $0x0  }
0x90: {  	[sflag:s12] =	ssyncadd.s32 $0xFFFFFFC0  }
0x91: {  	_ =	swait.ge [sflag:s12], $0x40  }
0x92: {  	s20 =	smov.u32 s19;
	[sflag:s12] =	ssyncset.done $0x0  }
0x93: {  	s18 =	sshra.s32 s18, $0x2;
	[sflag:s12] =	ssyncadd.s32 $0xFFFFFFC0  }
0x94: {  	[spmem:s2] =	stream.indirect.scatter.add.f32 [tilespmem:s11], [sflag:$0x1], $0x1, s18, s10, $0xb8;
	[tilespmem:$0x5580] =	vst v63  }
0x95: {  	s19 =	sadd.s32 $0x80, s18  }
0x96: {  	[spmem:s2] =	stream.indirect.scatter.add.f32 [tilespmem:s11], [sflag:$0x1], $0x1, s19, s10, $0xb8;
	[tilespmem:$0x5580] =	vst v63  }
0x97: {  	s26 =	sadd.s32 $0x100, s18  }
0x98: {  	[spmem:s2] =	stream.indirect.scatter.add.f32 [tilespmem:s11], [sflag:$0x1], $0x1, s26, s10, $0xb8;
	[tilespmem:$0x5580] =	vst v63  }
0x99: {  	s28 =	sadd.s32 $0x180, s18  }
0x9a: {  	[spmem:s2] =	stream.indirect.scatter.add.f32 [tilespmem:s11], [sflag:$0x1], $0x1, s28, s10, $0xb8;
	[tilespmem:$0x5580] =	vst v63  }
0x9b: {  	s29 =	sadd.s32 $0x200, s18  }
0x9c: {  	[spmem:s2] =	stream.indirect.scatter.add.f32 [tilespmem:s11], [sflag:$0x1], $0x1, s29, s10, $0xb8;
	[tilespmem:$0x5580] =	vst v63  }
0x9d: {  	s30 =	sadd.s32 $0x280, s18  }
0x9e: {  	[spmem:s2] =	stream.indirect.scatter.add.f32 [tilespmem:s11], [sflag:$0x1], $0x1, s30, s10, $0xb8;
	[tilespmem:$0x5580] =	vst v63  }
0x9f: {  	s31 =	sadd.s32 $0x300, s18  }
0xa0: {  	[spmem:s2] =	stream.indirect.scatter.add.f32 [tilespmem:s11], [sflag:$0x1], $0x1, s31, s10, $0xb8;
	[tilespmem:$0x5580] =	vst v63  }
0xa1: {  	s18 =	sadd.s32 $0x380, s18  }
0xa2: {  	[spmem:s2] =	stream.indirect.scatter.add.f32 [tilespmem:s11], [sflag:$0x1], $0x1, s18, s10, $0xb8;
	[tilespmem:$0x5580] =	vst v63  }
0xa3: {  	_ =	swait.ge [sflag:s12], $0x40  }
0xa4: {  	[sflag:s12] =	ssyncset.done $0x0  }
0xa5: {  	[sflag:s12] =	ssyncadd.s32 $0xFFFFFFC0  }
0xa6: {  	_ =	swait.ge [sflag:s12], $0x40  }
0xa7: {  	[sflag:s12] =	ssyncset.done $0x0  }
0xa8: {  	[sflag:s12] =	ssyncadd.s32 $0xFFFFFFC0  }
0xa9: {  	_ =	swait.ge [sflag:s12], $0x40  }
0xaa: {  	[sflag:s12] =	ssyncset.done $0x0  }
0xab: {  	[sflag:s12] =	ssyncadd.s32 $0xFFFFFFC0  }
0xac: {  	_ =	swait.ge [sflag:s12], $0x40  }
0xad: {  	[sflag:s12] =	ssyncset.done $0x0  }
0xae: {  	[sflag:s12] =	ssyncadd.s32 $0xFFFFFFC0  }
0xaf: {  	_ =	swait.ge [sflag:s12], $0x40  }
0xb0: {  	[sflag:s12] =	ssyncset.done $0x0  }
0xb1: {  	[sflag:s12] =	ssyncadd.s32 $0xFFFFFFC0  }
0xb2: {  	_ =	swait.ge [sflag:s12], $0x40  }
0xb3: {  	[sflag:s12] =	ssyncset.done $0x0  }
0xb4: {  	[sflag:s12] =	ssyncadd.s32 $0xFFFFFFC0  }
0xb5: {  	_ =	swait.ge [sflag:s12], $0x40  }
0xb6: {  	[sflag:s12] =	ssyncset.done $0x0  }
0xb7: {  	[sflag:s12] =	ssyncadd.s32 $0xFFFFFFC0  }
0xb8: {  	_ =	swait.ge [sflag:s12], $0x40  }
0xb9: {  	s17 =	sadd.s32 $0x1, s17;
	[sflag:s12] =	ssyncset.done $0x0  }
0xba: {  	p0 =	sne.s32 s17, s7;
	[sflag:s12] =	ssyncadd.s32 $0xFFFFFFC0  }
.Ltmp1:
0xbb: {  	[bflag:$0x0] =	sbarrier.arrive $0xFFFF;
	(pc) =	sbr.rel @p0 .LBB2_1-.Ltmp1, $4  }
0xbc: {  	[hbm:s6@s15], [sflag:s13] =	dma.strided [spmem:s14@s16], $0x50, s12, $0x10   }
0xbd: {  	_ =	swait.ge [sflag:s8], $0x50  }
0xbe: {  	[sflag:s8] =	ssyncset.done $0x0  }
0xbf: {  	[sflag:s8] =	ssyncadd.s32 $0xFFFFFFB0  }
0xc0: {  	_ =	sfence.sel $0x180000  }
0xc1: {  	[bflag:$0x0] =	sbarrier.arrive $0xFFFF  }
0xc2: {  	p0 =	sne.s32 s1, $0x0;
	_ =	strace $0x90000047  }
0xc3: {  	s0 =	sadd.s32 @!p0 $0x100000, s0;
	[bflag:$0x2] =	sbarrier.arrive $0xFFFF  }
0xc4: {  	[sflag:s0] =	ssyncadd.tile.s32 @!p0 $0x1;
	_ =	shalt  }
.Lfunc_end2:
_tile_overlayer_lowered:
.L_overlay_start_2:
0xc5: {  	(tag) =	ssettag $0x2  }
0xc6: {  	s0 =	rddreg [dreg:$0x0];
	s2 =	stileid.u32  }
0xc7: {  	s1 =	rddreg [dreg:$0x1];
	p0 =	sne.s32 s2, $0x0  }
0xc8: {  	s3 =	rddreg [dreg:$0x2];
	[bflag:$0x3] =	sbarrier.arrive $0xFFFF;
	s2 =	simm.s32 @!p0 $0x1C02  }
0xc9: {  	[timem:s3], [sflag:s2] =	dma.local @!p0 [hbm:s0], s1  }
0xca: {  	s0 =	simm.s32 @!p0 $0x2  }
0xcb: {  	_ =	swait.ge @!p0 [sflag:s0], s1  }
0xcc: {  	s1 =	ssub.s32 @!p0 $0x0, s1;
	[sflag:s0] =	ssyncset.done @!p0 $0x0  }
0xcd: {  	[sflag:s0] =	ssyncadd.s32 @!p0 s1  }
0xce: {  	[bflag:$0x3] =	sbarrier.arrive $0xFFFF  }
0xcf: {  	_ =	shalt  }

</sc_bundles>
